<compile_context>
chip_gen: v7x
topology: tpu7x:2x2x1
jax: 0.10.2.dev20260603
libtpu: 0.0.44.dev20260713+nightly
codegen_flags: <defaults>
</compile_context>

<pallas_src>
import functools

import jax
import jax.numpy as jnp
from jax import lax
from jax.experimental import pallas as pl
from jax.experimental.pallas import tpu as pltpu
from jax.experimental.pallas import tpu_sc as plsc

N = 10000
E = 320000
D = 128
B = 64

NW = 32
CHUNK = 128
NCHUNK = E // CHUNK
SUPC = 2
SUPE = SUPC * CHUNK
EH = E // 2
NCH_H = NCHUNK // 2
NGRP = NCH_H // SUPC
BASE_G = NGRP // NW
EXTRA_G = NGRP - BASE_G * NW
ZROWS = 624
ZTAIL = N - 16 * ZROWS

def _wid_groups(c, s):
    wid = s * 2 + c
    ng = jnp.where(wid < EXTRA_G, BASE_G + 1, BASE_G)
    bg = wid * BASE_G + jnp.minimum(wid, EXTRA_G)
    return bg, ng


def _sc_gather_body(xt, dst2, src2, xi_out, xj_out, idx_d, idx_s, rows_d,
                    rows_s, sem_i, sem_g, sem_w):
    c = lax.axis_index("c")
    s = lax.axis_index("s")
    bg, ng = _wid_groups(c, s)

    def body(g, carry):
        off = (bg + g) * SUPE
        ch = (bg + g) * SUPC

        @pl.when(g > 0)
        def _():
            prev = (bg + g - 1) * SUPE
            pltpu.make_async_copy(rows_d, xi_out.at[pl.ds(prev, SUPE)],
                                  sem_w).wait()
            pltpu.make_async_copy(rows_s, xj_out.at[pl.ds(prev, SUPE)],
                                  sem_w).wait()

        ci = pltpu.async_copy(dst2.at[pl.ds(ch, SUPC)], idx_d, sem_i)
        cj = pltpu.async_copy(src2.at[pl.ds(ch, SUPC)], idx_s, sem_i)
        ci.wait()
        cj.wait()
        cps = []
        for j in range(SUPC):
            cps.append(pltpu.async_copy(
                xt.at[idx_d.at[j]], rows_d.at[pl.ds(j * CHUNK, CHUNK)],
                sem_g))
            cps.append(pltpu.async_copy(
                xt.at[idx_s.at[j]], rows_s.at[pl.ds(j * CHUNK, CHUNK)],
                sem_g))
        for cp in cps:
            cp.wait()
        pltpu.async_copy(rows_d, xi_out.at[pl.ds(off, SUPE)], sem_w)
        pltpu.async_copy(rows_s, xj_out.at[pl.ds(off, SUPE)], sem_w)
        return carry

    lax.fori_loop(0, ng, body, 0)
    last = (bg + ng - 1) * SUPE
    pltpu.make_async_copy(rows_d, xi_out.at[pl.ds(last, SUPE)], sem_w).wait()
    pltpu.make_async_copy(rows_s, xj_out.at[pl.ds(last, SUPE)], sem_w).wait()


def _sc_scatter_body(m, dst2, zeros, out, idx_v, rows_v, acc_sh, sem_i,
                     sem_a):
    c = lax.axis_index("c")
    s = lax.axis_index("s")
    bg, ng = _wid_groups(c, s)
    rb = s * ZROWS
    pltpu.sync_copy(zeros.at[pl.ds(rb, ZROWS)], acc_sh.at[pl.ds(rb, ZROWS)])

    @pl.when(s == 15)
    def _():
        pltpu.sync_copy(zeros.at[pl.ds(16 * ZROWS, ZTAIL)],
                        acc_sh.at[pl.ds(16 * ZROWS, ZTAIL)])

    plsc.subcore_barrier()

    def body(g, carry):
        off = (bg + g) * SUPE
        ch = (bg + g) * SUPC
        ci = pltpu.async_copy(dst2.at[pl.ds(ch, SUPC)], idx_v, sem_i)
        cr = pltpu.async_copy(m.at[pl.ds(off, SUPE)], rows_v, sem_i)
        ci.wait()
        cr.wait()
        adds = [pltpu.async_copy(rows_v.at[pl.ds(j * CHUNK, CHUNK)],
                                 acc_sh.at[idx_v.at[j]], sem_a, add=True)
                for j in range(SUPC)]
        for a in adds:
            a.wait()
        return carry

    lax.fori_loop(0, ng, body, 0)
    plsc.subcore_barrier()
    pltpu.sync_copy(acc_sh.at[pl.ds(rb, ZROWS)],
                    out.at[pl.ds(c * N + rb, ZROWS)])

    @pl.when(s == 15)
    def _():
        pltpu.sync_copy(acc_sh.at[pl.ds(16 * ZROWS, ZTAIL)],
                        out.at[pl.ds(c * N + 16 * ZROWS, ZTAIL)])


@functools.cache
def _sc_kernels():
    mesh = plsc.VectorSubcoreMesh(core_axis_name="c", subcore_axis_name="s")
    gather = pl.kernel(
        _sc_gather_body, mesh=mesh,
        out_type=[jax.ShapeDtypeStruct((EH, D), jnp.float32),
                  jax.ShapeDtypeStruct((EH, D), jnp.float32)],
        scratch_types=[pltpu.VMEM((SUPC, CHUNK), jnp.int32),
                       pltpu.VMEM((SUPC, CHUNK), jnp.int32),
                       pltpu.VMEM((SUPE, D), jnp.float32),
                       pltpu.VMEM((SUPE, D), jnp.float32),
                       pltpu.SemaphoreType.DMA,
                       pltpu.SemaphoreType.DMA,
                       pltpu.SemaphoreType.DMA])
    scatter = pl.kernel(
        _sc_scatter_body, mesh=mesh,
        out_type=jax.ShapeDtypeStruct((2 * N, D), jnp.float32),
        scratch_types=[pltpu.VMEM((SUPC, CHUNK), jnp.int32),
                       pltpu.VMEM((SUPE, D), jnp.float32),
                       pltpu.VMEM_SHARED((N, D), jnp.float32),
                       pltpu.SemaphoreType.DMA,
                       pltpu.SemaphoreType.DMA])
    return gather, scatter


NBLK = 5
NB = N // NBLK
EBLK = 1280
NEB = EH // EBLK


def _embed_body(at_ref, emb_ref, nw_ref, nb_ref, x_ref, xt_ref):
    at = at_ref[...]
    col = lax.broadcasted_iota(jnp.int32, (NB, D), 1)
    oh = jnp.where(at == col, 1.0, 0.0).astype(jnp.float32)
    x = jnp.dot(oh, emb_ref[...], preferred_element_type=jnp.float32)
    x_ref[...] = x
    xt_ref[...] = (jnp.dot(x, nw_ref[...], preferred_element_type=jnp.float32)
                   + nb_ref[...])


def _embed(at2d, emb_pad, nw, nb):
    return pl.pallas_call(
        _embed_body,
        grid=(NBLK,),
        in_specs=[pl.BlockSpec((NB, 1), lambda i: (i, 0)),
                  pl.BlockSpec((D, D), lambda i: (0, 0)),
                  pl.BlockSpec((D, D), lambda i: (0, 0)),
                  pl.BlockSpec((1, D), lambda i: (0, 0))],
        out_specs=[pl.BlockSpec((NB, D), lambda i: (i, 0)),
                   pl.BlockSpec((NB, D), lambda i: (i, 0))],
        out_shape=[jax.ShapeDtypeStruct((N, D), jnp.float32),
                   jax.ShapeDtypeStruct((N, D), jnp.float32)],
    )(at2d, emb_pad, nw, nb)


def _msg_body(xi_ref, xj_ref, dist_ref, w1a_ref, w1b_ref, b1_ref, w2_ref,
              b2_ref, erow_ref, eb_ref, m_ref):
    bf = jnp.bfloat16
    h = (jnp.dot(xi_ref[...].astype(bf), w1a_ref[...].astype(bf),
                 preferred_element_type=jnp.float32)
         + jnp.dot(xj_ref[...].astype(bf), w1b_ref[...].astype(bf),
                   preferred_element_type=jnp.float32)
         + b1_ref[...])
    h = jnp.maximum(h, 0.0)
    m = (jnp.dot(h.astype(bf), w2_ref[...].astype(bf),
                 preferred_element_type=jnp.float32)
         + b2_ref[...])
    et = dist_ref[...] * erow_ref[...] + eb_ref[...]
    m_ref[...] = m * et


def _msg(xi, xj, dist2d, w1a, w1b, b1, w2, b2, erow, eb):
    full = lambda i: (0, 0)
    blk = lambda i: (i, 0)
    return pl.pallas_call(
        _msg_body,
        grid=(NEB,),
        in_specs=[pl.BlockSpec((EBLK, D), blk),
                  pl.BlockSpec((EBLK, D), blk),
                  pl.BlockSpec((EBLK, 1), blk),
                  pl.BlockSpec((D, D), full),
                  pl.BlockSpec((D, D), full),
                  pl.BlockSpec((1, D), full),
                  pl.BlockSpec((D, D), full),
                  pl.BlockSpec((1, D), full),
                  pl.BlockSpec((1, D), full),
                  pl.BlockSpec((1, D), full)],
        out_specs=pl.BlockSpec((EBLK, D), blk),
        out_shape=jax.ShapeDtypeStruct((EH, D), jnp.float32),
    )(xi, xj, dist2d, w1a, w1b, b1, w2, b2, erow, eb)


def _softplus(u):
    return jnp.maximum(u, 0.0) + jnp.log(1.0 + jnp.exp(-jnp.abs(u)))


def _update_body(a0_ref, a1_ref, b0_ref, b1_ref, x_ref, w1a_ref, w1b_ref,
                 b1w_ref, w2_ref, b2_ref, g_ref, bln_ref, nw_ref, nb_ref,
                 xn_ref, xt_ref, residual):
    aggr = (a0_ref[...] + a1_ref[...]) + (b0_ref[...] + b1_ref[...])
    x = x_ref[...]
    u = (jnp.dot(aggr, w1a_ref[...], preferred_element_type=jnp.float32)
         + jnp.dot(x, w1b_ref[...], preferred_element_type=jnp.float32)
         + b1w_ref[...])
    u = jnp.maximum(u, 0.0)
    u = (jnp.dot(u, w2_ref[...], preferred_element_type=jnp.float32)
         + b2_ref[...])
    u = _softplus(u)
    mu = jnp.mean(u, axis=-1, keepdims=True)
    d = u - mu
    var = jnp.mean(d * d, axis=-1, keepdims=True)
    xnew = d * lax.rsqrt(var + 1e-5) * g_ref[...] + bln_ref[...]
    if residual:
        xnew = x + xnew
    xn_ref[...] = xnew
    xt_ref[...] = (jnp.dot(xnew, nw_ref[...],
                           preferred_element_type=jnp.float32) + nb_ref[...])


def _update(aggrA, aggrB, x, w1a, w1b, b1, w2, b2, g, bln, nw, nb, residual):
    full = lambda i: (0, 0)
    blk = lambda i: (i, 0)
    blk2 = lambda i: (i + NBLK, 0)
    return pl.pallas_call(
        functools.partial(_update_body, residual=residual),
        grid=(NBLK,),
        in_specs=[pl.BlockSpec((NB, D), blk),
                  pl.BlockSpec((NB, D), blk2),
                  pl.BlockSpec((NB, D), blk),
                  pl.BlockSpec((NB, D), blk2),
                  pl.BlockSpec((NB, D), blk),
                  pl.BlockSpec((D, D), full),
                  pl.BlockSpec((D, D), full),
                  pl.BlockSpec((1, D), full),
                  pl.BlockSpec((D, D), full),
                  pl.BlockSpec((1, D), full),
                  pl.BlockSpec((1, D), full),
                  pl.BlockSpec((1, D), full),
                  pl.BlockSpec((D, D), full),
                  pl.BlockSpec((1, D), full)],
        out_specs=[pl.BlockSpec((NB, D), blk),
                   pl.BlockSpec((NB, D), blk)],
        out_shape=[jax.ShapeDtypeStruct((N, D), jnp.float32),
                   jax.ShapeDtypeStruct((N, D), jnp.float32)],
    )(aggrA, aggrA, aggrB, aggrB, x, w1a, w1b, b1, w2, b2, g, bln, nw, nb)


def _pool_body(x_ref, batch_ref, w1_ref, b1_ref, w2_ref, b2_ref, w3_ref,
               b3_ref, out_ref):
    bt = batch_ref[...]
    col = lax.broadcasted_iota(jnp.int32, (N, B), 1)
    oh = jnp.where(bt == col, 1.0, 0.0).astype(jnp.float32)
    dn = (((0,), (0,)), ((), ()))
    sums = lax.dot_general(oh, x_ref[...], dn,
                           preferred_element_type=jnp.float32)
    ones = jnp.ones((N, 1), jnp.float32)
    counts = lax.dot_general(oh, ones, dn,
                             preferred_element_type=jnp.float32)
    pooled = sums / jnp.maximum(counts, 1.0)
    h = jnp.maximum(jnp.dot(pooled, w1_ref[...],
                            preferred_element_type=jnp.float32)
                    + b1_ref[...], 0.0)
    h = jnp.maximum(jnp.dot(h, w2_ref[...],
                            preferred_element_type=jnp.float32)
                    + b2_ref[...], 0.0)
    out_ref[...] = _softplus(jnp.dot(h, w3_ref[...],
                                     preferred_element_type=jnp.float32)
                             + b3_ref[...])


def _pool(x, batch2d, w1, b1, w2, b2, w3, b3):
    return pl.pallas_call(
        _pool_body,
        out_shape=jax.ShapeDtypeStruct((B, 1), jnp.float32),
    )(x, batch2d, w1, b1, w2, b2, w3, b3)


def kernel(atom_types, edge_index, distances, batch, emb, node_W, node_b,
           edge_W, edge_b, msg_W1, msg_b1, msg_W2, msg_b2, upd_W1, upd_b1,
           upd_W2, upd_b2, ln_g, ln_b, p_W1, p_b1, p_W2, p_b2, p_W3, p_b3):
    at2d = atom_types.astype(jnp.int32).reshape(N, 1)
    batch2d = batch.astype(jnp.int32).reshape(N, 1)
    src2 = edge_index[0].astype(jnp.int32).reshape(NCHUNK, CHUNK)
    dst2 = edge_index[1].astype(jnp.int32).reshape(NCHUNK, CHUNK)
    dist2d = distances.reshape(E, 1)
    halves = [(dst2[:NCH_H], src2[:NCH_H], dist2d[:EH]),
              (dst2[NCH_H:], src2[NCH_H:], dist2d[EH:])]
    emb_pad = jnp.zeros((D, D), jnp.float32).at[:emb.shape[0]].set(emb)
    zeros_nd = jnp.zeros((N, D), jnp.float32)

    sc_gather, sc_scatter = _sc_kernels()
    x, xt = _embed(at2d, emb_pad, node_W[0], node_b[0].reshape(1, D))
    for l in range(2):
        aggs = []
        for dsth, srch, disth in halves:
            xi, xj = sc_gather(xt, dsth, srch)
            m = _msg(xi, xj, disth,
                     msg_W1[l][:D], msg_W1[l][D:], msg_b1[l].reshape(1, D),
                     msg_W2[l], msg_b2[l].reshape(1, D),
                     edge_W[l], edge_b[l].reshape(1, D))
            aggs.append(sc_scatter(m, dsth, zeros_nd))
        nl = min(l + 1, 1)
        x, xt = _update(aggs[0], aggs[1], x,
                        upd_W1[l][:D], upd_W1[l][D:], upd_b1[l].reshape(1, D),
                        upd_W2[l], upd_b2[l].reshape(1, D),
                        ln_g[l].reshape(1, D), ln_b[l].reshape(1, D),
                        node_W[nl], node_b[nl].reshape(1, D),
                        residual=(l > 0))
    return _pool(x, batch2d, p_W1, p_b1.reshape(1, D // 2),
                 p_W2, p_b2.reshape(1, D // 4), p_W3, p_b3.reshape(1, 1))

# --- scband reference (transcript-rebuilt; emitter-appended) ---
"""Pipeline reference for scband-simple-cgcnn-23192823398612 (READ-ONLY COPY).

The authoritative reference and input builder live on the scoring server;
editing this copy changes nothing except your own understanding.
"""

import jax, jax.numpy as jnp
import numpy as np

N = 10000
E = 320000
D = 128
L = 2
B = 64
NUM_ATOM_TYPES = 119


def setup_inputs(seed: int = 0) -> dict:
    key = jax.random.key(seed)
    ks = jax.random.split(key, 16)
    s = 0.05
    atom_types = jax.random.randint(ks[0], (N,), 0, NUM_ATOM_TYPES)
    edge_index = jax.random.randint(ks[1], (2, E), 0, N)
    distances = jax.random.uniform(ks[2], (E,), dtype=jnp.float32)
    batch = jnp.sort(jax.random.randint(ks[3], (N,), 0, B))
    emb = jax.random.normal(ks[4], (NUM_ATOM_TYPES, D), dtype=jnp.float32) * s
    node_W = jax.random.normal(ks[5], (L, D, D), dtype=jnp.float32) * s
    node_b = jnp.zeros((L, D), dtype=jnp.float32)
    edge_W = jax.random.normal(ks[6], (L, 1, D), dtype=jnp.float32) * s
    edge_b = jnp.zeros((L, D), dtype=jnp.float32)
    msg_W1 = jax.random.normal(ks[7], (L, 2 * D, D), dtype=jnp.float32) * s
    msg_b1 = jnp.zeros((L, D), dtype=jnp.float32)
    msg_W2 = jax.random.normal(ks[8], (L, D, D), dtype=jnp.float32) * s
    msg_b2 = jnp.zeros((L, D), dtype=jnp.float32)
    upd_W1 = jax.random.normal(ks[9], (L, 2 * D, D), dtype=jnp.float32) * s
    upd_b1 = jnp.zeros((L, D), dtype=jnp.float32)
    upd_W2 = jax.random.normal(ks[10], (L, D, D), dtype=jnp.float32) * s
    upd_b2 = jnp.zeros((L, D), dtype=jnp.float32)
    ln_g = jnp.ones((L, D), dtype=jnp.float32)
    ln_b = jnp.zeros((L, D), dtype=jnp.float32)
    p_W1 = jax.random.normal(ks[11], (D, D // 2), dtype=jnp.float32) * s
    p_b1 = jnp.zeros((D // 2,), dtype=jnp.float32)
    p_W2 = jax.random.normal(ks[12], (D // 2, D // 4), dtype=jnp.float32) * s
    p_b2 = jnp.zeros((D // 4,), dtype=jnp.float32)
    p_W3 = jax.random.normal(ks[13], (D // 4, 1), dtype=jnp.float32) * s
    p_b3 = jnp.zeros((1,), dtype=jnp.float32)
    return {
        'atom_types': atom_types, 'edge_index': edge_index, 'distances': distances, 'batch': batch,
        'emb': emb, 'node_W': node_W, 'node_b': node_b, 'edge_W': edge_W, 'edge_b': edge_b,
        'msg_W1': msg_W1, 'msg_b1': msg_b1, 'msg_W2': msg_W2, 'msg_b2': msg_b2,
        'upd_W1': upd_W1, 'upd_b1': upd_b1, 'upd_W2': upd_W2, 'upd_b2': upd_b2,
        'ln_g': ln_g, 'ln_b': ln_b,
        'p_W1': p_W1, 'p_b1': p_b1, 'p_W2': p_W2, 'p_b2': p_b2, 'p_W3': p_W3, 'p_b3': p_b3,
    }


def _layer_norm(x, g, b):
    mu = jnp.mean(x, axis=-1, keepdims=True)
    var = jnp.var(x, axis=-1, keepdims=True)
    return (x - mu) / jnp.sqrt(var + 1e-5) * g + b


def reference(atom_types, edge_index, distances, batch, emb, node_W, node_b, edge_W, edge_b,
              msg_W1, msg_b1, msg_W2, msg_b2, upd_W1, upd_b1, upd_W2, upd_b2,
              ln_g, ln_b, p_W1, p_b1, p_W2, p_b2, p_W3, p_b3):
    x = jnp.take(emb, atom_types, axis=0)
    edge_attr = distances[:, None]
    src = edge_index[0]
    dst = edge_index[1]
    for l in range(L):
        x_t = x @ node_W[l] + node_b[l]
        e_t = edge_attr @ edge_W[l] + edge_b[l]
        x_i = jnp.take(x_t, dst, axis=0)
        x_j = jnp.take(x_t, src, axis=0)
        m = jnp.concatenate([x_i, x_j], axis=-1)
        m = jax.nn.relu(m @ msg_W1[l] + msg_b1[l])
        m = m @ msg_W2[l] + msg_b2[l]
        m = m * e_t
        aggr = jax.ops.segment_sum(m, dst, num_segments=N)
        u = jnp.concatenate([aggr, x], axis=-1)
        u = jax.nn.relu(u @ upd_W1[l] + upd_b1[l])
        u = jax.nn.softplus(u @ upd_W2[l] + upd_b2[l])
        x_new = _layer_norm(u, ln_g[l], ln_b[l])
        if l > 0:
            x = x + x_new
        else:
            x = x_new
    counts = jax.ops.segment_sum(jnp.ones((N,), dtype=jnp.float32), batch, num_segments=B)
    sums = jax.ops.segment_sum(x, batch, num_segments=B)
    pooled = sums / jnp.clip(counts, 1.0)[:, None]
    h = jax.nn.relu(pooled @ p_W1 + p_b1)
    h = jax.nn.relu(h @ p_W2 + p_b2)
    out = jax.nn.softplus(h @ p_W3 + p_b3)
    return out

if __name__ == "__main__":
    import jax
    _d = setup_inputs()
    print(jax.jit(kernel)(*tuple(_d.values())))

</pallas_src>

<mosaic_0001>
#map = affine_map<(d0, d1) -> (0, 0)>
module attributes {stable_mosaic.version = 14 : i64} {
  func.func @_sc_scatter_body(%arg0: i32, %arg1: i32, %arg2: memref<160000x128xf32, #tpu.memory_space<hbm>>, %arg3: memref<1250x128xi32, #tpu.memory_space<hbm>>, %arg4: memref<10000x128xf32, #tpu.memory_space<hbm>>, %arg5: memref<20000x128xf32, #tpu.memory_space<hbm>>, %arg6: memref<2x128xi32, #tpu.memory_space<vmem>>, %arg7: memref<256x128xf32, #tpu.memory_space<vmem>>, %arg8: memref<10000x128xf32, #tpu.memory_space<vmem_shared>>, %arg9: memref<!tpu.dma_semaphore, #tpu.memory_space<semaphore_mem>>, %arg10: memref<!tpu.dma_semaphore, #tpu.memory_space<semaphore_mem>>) attributes {dimension_semantics = [#tpu.dimension_semantics<core_parallel>, #tpu.dimension_semantics<subcore_parallel>], iteration_bounds = array<i64: 2, 16>, scalar_prefetch = 0 : i64, scratch_operands = 5 : i64, tpu.core_type = #tpu.core_type<sc_vector_subcore>, window_params = [{transform_indices = #map}, {transform_indices = #map}, {transform_indices = #map}, {transform_indices = #map}]} {
    %mul3A = arith.constant 2 : i32
    %mul3A_0 = arith.muli %arg1, %mul3A : i32
    %add3A = arith.addi %mul3A_0, %arg0 : i32
    %lt3A = arith.constant 17 : i32
    %lt3A_1 = arith.cmpi slt, %add3A, %lt3A : i32
    %jit3A = arith.constant 20 : i32
    %jit3A_2 = arith.constant 19 : i32
    %select_n3A = arith.select %lt3A_1, %jit3A, %jit3A_2 : i32
    %mul3A_3 = arith.constant 19 : i32
    %mul3A_4 = arith.muli %add3A, %mul3A_3 : i32
    %min3A = arith.constant 17 : i32
    %min3A_5 = arith.minsi %add3A, %min3A : i32
    %add3A_6 = arith.addi %mul3A_4, %min3A_5 : i32
    %mul3A_7 = arith.constant 624 : i32
    %mul3A_8 = arith.muli %arg1, %mul3A_7 : i32
    "tpu.region"() ({
      %run_scoped3A = tpu.sem_alloc : memref<!tpu.dma_semaphore, #tpu.memory_space<semaphore_mem>>
      %dma_start3A = arith.constant 0 : i32
      %dma_start3A_29 = tpu.memref_slice %arg8[%mul3A_8, %dma_start3A] : memref<10000x128xf32, #tpu.memory_space<vmem_shared>> -> memref<624x128xf32, #tpu.memory_space<vmem_shared>>
      %dma_start3A_30 = arith.constant 0 : i32
      %dma_start3A_31 = tpu.memref_slice %arg4[%mul3A_8, %dma_start3A_30] : memref<10000x128xf32, #tpu.memory_space<hbm>> -> memref<624x128xf32, #tpu.memory_space<hbm>>
      tpu.enqueue_dma source(%dma_start3A_31 : memref<624x128xf32, #tpu.memory_space<hbm>>) target(%dma_start3A_29 : memref<624x128xf32, #tpu.memory_space<vmem_shared>>) target_semaphore(%run_scoped3A : memref<!tpu.dma_semaphore, #tpu.memory_space<semaphore_mem>>)
      %dma_wait3A = arith.constant 0 : i32
      %dma_wait3A_32 = tpu.memref_slice %arg8[%mul3A_8, %dma_wait3A] : memref<10000x128xf32, #tpu.memory_space<vmem_shared>> -> memref<624x128xf32, #tpu.memory_space<vmem_shared>>
      %dma_wait3A_33 = arith.constant 0 : i32
      %dma_wait3A_34 = tpu.memref_slice %arg4[%mul3A_8, %dma_wait3A_33] : memref<10000x128xf32, #tpu.memory_space<hbm>> -> memref<624x128xf32, #tpu.memory_space<hbm>>
      tpu.wait_dma2 semaphore(%run_scoped3A : memref<!tpu.dma_semaphore, #tpu.memory_space<semaphore_mem>>) src(%dma_wait3A_34 : memref<624x128xf32, #tpu.memory_space<hbm>>) dst(%dma_wait3A_32 : memref<624x128xf32, #tpu.memory_space<vmem_shared>>)
      tpu.yield
    }) : () -> ()
    %eq3A = arith.constant 15 : i32
    %eq3A_9 = arith.cmpi eq, %arg1, %eq3A : i32
    %convert_element_type3A = arith.extui %eq3A_9 : i1 to i32
    %cond3A = arith.constant 0 : i32
    %cond3A_10 = arith.cmpi ne, %convert_element_type3A, %cond3A : i32
    scf.if %cond3A_10 {
      "tpu.region"() ({
        %run_scoped3A = tpu.sem_alloc : memref<!tpu.dma_semaphore, #tpu.memory_space<semaphore_mem>>
        %dma_start3A = arith.constant 9984 : i32
        %dma_start3A_29 = arith.constant 0 : i32
        %dma_start3A_30 = tpu.memref_slice %arg8[%dma_start3A, %dma_start3A_29] : memref<10000x128xf32, #tpu.memory_space<vmem_shared>> -> memref<16x128xf32, #tpu.memory_space<vmem_shared>>
        %dma_start3A_31 = arith.constant 9984 : i32
        %dma_start3A_32 = arith.constant 0 : i32
        %dma_start3A_33 = tpu.memref_slice %arg4[%dma_start3A_31, %dma_start3A_32] : memref<10000x128xf32, #tpu.memory_space<hbm>> -> memref<16x128xf32, #tpu.memory_space<hbm>>
        tpu.enqueue_dma source(%dma_start3A_33 : memref<16x128xf32, #tpu.memory_space<hbm>>) target(%dma_start3A_30 : memref<16x128xf32, #tpu.memory_space<vmem_shared>>) target_semaphore(%run_scoped3A : memref<!tpu.dma_semaphore, #tpu.memory_space<semaphore_mem>>)
        %dma_wait3A = arith.constant 9984 : i32
        %dma_wait3A_34 = arith.constant 0 : i32
        %dma_wait3A_35 = tpu.memref_slice %arg8[%dma_wait3A, %dma_wait3A_34] : memref<10000x128xf32, #tpu.memory_space<vmem_shared>> -> memref<16x128xf32, #tpu.memory_space<vmem_shared>>
        %dma_wait3A_36 = arith.constant 9984 : i32
        %dma_wait3A_37 = arith.constant 0 : i32
        %dma_wait3A_38 = tpu.memref_slice %arg4[%dma_wait3A_36, %dma_wait3A_37] : memref<10000x128xf32, #tpu.memory_space<hbm>> -> memref<16x128xf32, #tpu.memory_space<hbm>>
        tpu.wait_dma2 semaphore(%run_scoped3A : memref<!tpu.dma_semaphore, #tpu.memory_space<semaphore_mem>>) src(%dma_wait3A_38 : memref<16x128xf32, #tpu.memory_space<hbm>>) dst(%dma_wait3A_35 : memref<16x128xf32, #tpu.memory_space<vmem_shared>>)
        tpu.yield
      }) : () -> ()
    } else {
    }
    %barrier3A = arith.constant 0 : index
    tpu.barrier barrier_id(%barrier3A)
    %while3A = arith.constant 0 : i32
    %while3A_11 = arith.constant 0 : i32
    %while3A_12 = arith.subi %select_n3A, %while3A_11 : i32
    %while3A_13 = arith.addi %while3A_11, %while3A_12 : i32
    %while3A_14 = arith.constant 1 : i32
    %while3A_15 = arith.divsi %while3A_12, %while3A_14 : i32
    %while3A_16 = arith.muli %while3A_15, %while3A_14 : i32
    %while3A_17 = arith.addi %while3A_11, %while3A_16 : i32
    %while3A_18 = arith.constant 1 : i32
    scf.for %while3A_29 = %while3A_11 to %while3A_17 step %while3A_18  : i32 {
      %add3A_30 = arith.addi %add3A_6, %while3A_29 : i32
      %mul3A_31 = arith.constant 256 : i32
      %mul3A_32 = arith.muli %add3A_30, %mul3A_31 : i32
      %add3A_33 = arith.addi %add3A_6, %while3A_29 : i32
      %mul3A_34 = arith.constant 2 : i32
      %mul3A_35 = arith.muli %add3A_33, %mul3A_34 : i32
      %dma_start3A = arith.constant 0 : i32
      %dma_start3A_36 = tpu.memref_slice %arg3[%mul3A_35, %dma_start3A] : memref<1250x128xi32, #tpu.memory_space<hbm>> -> memref<2x128xi32, #tpu.memory_space<hbm>>
      %dma_start3A_37 = arith.constant 0 : i32
      %dma_start3A_38 = tpu.memref_slice %arg3[%mul3A_35, %dma_start3A_37] : memref<1250x128xi32, #tpu.memory_space<hbm>> -> memref<2x128xi32, #tpu.memory_space<hbm>>
      tpu.enqueue_dma source(%dma_start3A_38 : memref<2x128xi32, #tpu.memory_space<hbm>>) target(%arg6 : memref<2x128xi32, #tpu.memory_space<vmem>>) target_semaphore(%arg9 : memref<!tpu.dma_semaphore, #tpu.memory_space<semaphore_mem>>)
      %dma_start3A_39 = arith.constant 0 : i32
      %dma_start3A_40 = tpu.memref_slice %arg2[%mul3A_32, %dma_start3A_39] : memref<160000x128xf32, #tpu.memory_space<hbm>> -> memref<256x128xf32, #tpu.memory_space<hbm>>
      %dma_start3A_41 = arith.constant 0 : i32
      %dma_start3A_42 = tpu.memref_slice %arg2[%mul3A_32, %dma_start3A_41] : memref<160000x128xf32, #tpu.memory_space<hbm>> -> memref<256x128xf32, #tpu.memory_space<hbm>>
      tpu.enqueue_dma source(%dma_start3A_42 : memref<256x128xf32, #tpu.memory_space<hbm>>) target(%arg7 : memref<256x128xf32, #tpu.memory_space<vmem>>) target_semaphore(%arg9 : memref<!tpu.dma_semaphore, #tpu.memory_space<semaphore_mem>>)
      %dma_wait3A = arith.constant 0 : i32
      %dma_wait3A_43 = tpu.memref_slice %arg3[%mul3A_35, %dma_wait3A] : memref<1250x128xi32, #tpu.memory_space<hbm>> -> memref<2x128xi32, #tpu.memory_space<hbm>>
      %dma_wait3A_44 = arith.constant 0 : i32
      %dma_wait3A_45 = tpu.memref_slice %arg3[%mul3A_35, %dma_wait3A_44] : memref<1250x128xi32, #tpu.memory_space<hbm>> -> memref<2x128xi32, #tpu.memory_space<hbm>>
      tpu.wait_dma2 semaphore(%arg9 : memref<!tpu.dma_semaphore, #tpu.memory_space<semaphore_mem>>) src(%dma_wait3A_45 : memref<2x128xi32, #tpu.memory_space<hbm>>) dst(%arg6 : memref<2x128xi32, #tpu.memory_space<vmem>>)
      %dma_wait3A_46 = arith.constant 0 : i32
      %dma_wait3A_47 = tpu.memref_slice %arg2[%mul3A_32, %dma_wait3A_46] : memref<160000x128xf32, #tpu.memory_space<hbm>> -> memref<256x128xf32, #tpu.memory_space<hbm>>
      %dma_wait3A_48 = arith.constant 0 : i32
      %dma_wait3A_49 = tpu.memref_slice %arg2[%mul3A_32, %dma_wait3A_48] : memref<160000x128xf32, #tpu.memory_space<hbm>> -> memref<256x128xf32, #tpu.memory_space<hbm>>
      tpu.wait_dma2 semaphore(%arg9 : memref<!tpu.dma_semaphore, #tpu.memory_space<semaphore_mem>>) src(%dma_wait3A_49 : memref<256x128xf32, #tpu.memory_space<hbm>>) dst(%arg7 : memref<256x128xf32, #tpu.memory_space<vmem>>)
      %dma_start3A_50 = arith.constant 0 : i32
      %dma_start3A_51 = arith.constant 0 : i32
      %dma_start3A_52 = arith.constant 0 : i32
      %dma_start3A_53 = tpu.memref_slice %arg7[%dma_start3A_51, %dma_start3A_52] : memref<256x128xf32, #tpu.memory_space<vmem>> -> memref<128x128xf32, #tpu.memory_space<vmem>>
      %dma_start3A_54 = arith.constant 0 : i32
      %dma_start3A_55 = tpu.memref_slice %arg6[%dma_start3A_50, %dma_start3A_54] : memref<2x128xi32, #tpu.memory_space<vmem>> -> memref<1x128xi32, #tpu.memory_space<vmem>>
      %dma_start3A_56 = tpu.memref_squeeze %dma_start3A_55 : memref<1x128xi32, #tpu.memory_space<vmem>> -> memref<128xi32, #tpu.memory_space<vmem>>
      %dma_start3A_57 = arith.constant 0 : i32
      %dma_start3A_58 = arith.constant 0 : i32
      %dma_start3A_59 = tpu.memref_slice %arg8[%dma_start3A_57, %dma_start3A_58] : memref<10000x128xf32, #tpu.memory_space<vmem_shared>> -> memref<10000x128xf32, #tpu.memory_space<vmem_shared>>
      tpu.enqueue_indirect_dma source(%dma_start3A_53 : memref<128x128xf32, #tpu.memory_space<vmem>>) target(%dma_start3A_59 : memref<10000x128xf32, #tpu.memory_space<vmem_shared>>) offsets(%dma_start3A_56 : memref<128xi32, #tpu.memory_space<vmem>>) semaphore(%arg10 : memref<!tpu.dma_semaphore, #tpu.memory_space<semaphore_mem>>) {add = true}
      %dma_start3A_60 = arith.constant 1 : i32
      %dma_start3A_61 = arith.constant 128 : i32
      %dma_start3A_62 = arith.constant 0 : i32
      %dma_start3A_63 = tpu.memref_slice %arg7[%dma_start3A_61, %dma_start3A_62] : memref<256x128xf32, #tpu.memory_space<vmem>> -> memref<128x128xf32, #tpu.memory_space<vmem>>
      %dma_start3A_64 = arith.constant 0 : i32
      %dma_start3A_65 = tpu.memref_slice %arg6[%dma_start3A_60, %dma_start3A_64] : memref<2x128xi32, #tpu.memory_space<vmem>> -> memref<1x128xi32, #tpu.memory_space<vmem>>
      %dma_start3A_66 = tpu.memref_squeeze %dma_start3A_65 : memref<1x128xi32, #tpu.memory_space<vmem>> -> memref<128xi32, #tpu.memory_space<vmem>>
      %dma_start3A_67 = arith.constant 0 : i32
      %dma_start3A_68 = arith.constant 0 : i32
      %dma_start3A_69 = tpu.memref_slice %arg8[%dma_start3A_67, %dma_start3A_68] : memref<10000x128xf32, #tpu.memory_space<vmem_shared>> -> memref<10000x128xf32, #tpu.memory_space<vmem_shared>>
      tpu.enqueue_indirect_dma source(%dma_start3A_63 : memref<128x128xf32, #tpu.memory_space<vmem>>) target(%dma_start3A_69 : memref<10000x128xf32, #tpu.memory_space<vmem_shared>>) offsets(%dma_start3A_66 : memref<128xi32, #tpu.memory_space<vmem>>) semaphore(%arg10 : memref<!tpu.dma_semaphore, #tpu.memory_space<semaphore_mem>>) {add = true}
      %dma_wait3A_70 = arith.constant 0 : i32
      %dma_wait3A_71 = arith.constant 0 : i32
      %dma_wait3A_72 = arith.constant 0 : i32
      %dma_wait3A_73 = tpu.memref_slice %arg7[%dma_wait3A_71, %dma_wait3A_72] : memref<256x128xf32, #tpu.memory_space<vmem>> -> memref<128x128xf32, #tpu.memory_space<vmem>>
      %dma_wait3A_74 = arith.constant 0 : i32
      %dma_wait3A_75 = tpu.memref_slice %arg6[%dma_wait3A_70, %dma_wait3A_74] : memref<2x128xi32, #tpu.memory_space<vmem>> -> memref<1x128xi32, #tpu.memory_space<vmem>>
      %dma_wait3A_76 = tpu.memref_squeeze %dma_wait3A_75 : memref<1x128xi32, #tpu.memory_space<vmem>> -> memref<128xi32, #tpu.memory_space<vmem>>
      %dma_wait3A_77 = arith.constant 0 : i32
      %dma_wait3A_78 = arith.constant 0 : i32
      %dma_wait3A_79 = tpu.memref_slice %arg8[%dma_wait3A_77, %dma_wait3A_78] : memref<10000x128xf32, #tpu.memory_space<vmem_shared>> -> memref<10000x128xf32, #tpu.memory_space<vmem_shared>>
      tpu.wait_indirect_dma semaphore(%arg10 : memref<!tpu.dma_semaphore, #tpu.memory_space<semaphore_mem>>) src(%dma_wait3A_73 : memref<128x128xf32, #tpu.memory_space<vmem>>) dst(%dma_wait3A_79 : memref<10000x128xf32, #tpu.memory_space<vmem_shared>>)
      %dma_wait3A_80 = arith.constant 1 : i32
      %dma_wait3A_81 = arith.constant 128 : i32
      %dma_wait3A_82 = arith.constant 0 : i32
      %dma_wait3A_83 = tpu.memref_slice %arg7[%dma_wait3A_81, %dma_wait3A_82] : memref<256x128xf32, #tpu.memory_space<vmem>> -> memref<128x128xf32, #tpu.memory_space<vmem>>
      %dma_wait3A_84 = arith.constant 0 : i32
      %dma_wait3A_85 = tpu.memref_slice %arg6[%dma_wait3A_80, %dma_wait3A_84] : memref<2x128xi32, #tpu.memory_space<vmem>> -> memref<1x128xi32, #tpu.memory_space<vmem>>
      %dma_wait3A_86 = tpu.memref_squeeze %dma_wait3A_85 : memref<1x128xi32, #tpu.memory_space<vmem>> -> memref<128xi32, #tpu.memory_space<vmem>>
      %dma_wait3A_87 = arith.constant 0 : i32
      %dma_wait3A_88 = arith.constant 0 : i32
      %dma_wait3A_89 = tpu.memref_slice %arg8[%dma_wait3A_87, %dma_wait3A_88] : memref<10000x128xf32, #tpu.memory_space<vmem_shared>> -> memref<10000x128xf32, #tpu.memory_space<vmem_shared>>
      tpu.wait_indirect_dma semaphore(%arg10 : memref<!tpu.dma_semaphore, #tpu.memory_space<semaphore_mem>>) src(%dma_wait3A_83 : memref<128x128xf32, #tpu.memory_space<vmem>>) dst(%dma_wait3A_89 : memref<10000x128xf32, #tpu.memory_space<vmem_shared>>)
    }
    %while3A_19 = arith.constant 1 : i32
    scf.for %while3A_29 = %while3A_17 to %while3A_13 step %while3A_19  : i32 {
      %add3A_30 = arith.addi %add3A_6, %while3A_29 : i32
      %mul3A_31 = arith.constant 256 : i32
      %mul3A_32 = arith.muli %add3A_30, %mul3A_31 : i32
      %add3A_33 = arith.addi %add3A_6, %while3A_29 : i32
      %mul3A_34 = arith.constant 2 : i32
      %mul3A_35 = arith.muli %add3A_33, %mul3A_34 : i32
      %dma_start3A = arith.constant 0 : i32
      %dma_start3A_36 = tpu.memref_slice %arg3[%mul3A_35, %dma_start3A] : memref<1250x128xi32, #tpu.memory_space<hbm>> -> memref<2x128xi32, #tpu.memory_space<hbm>>
      %dma_start3A_37 = arith.constant 0 : i32
      %dma_start3A_38 = tpu.memref_slice %arg3[%mul3A_35, %dma_start3A_37] : memref<1250x128xi32, #tpu.memory_space<hbm>> -> memref<2x128xi32, #tpu.memory_space<hbm>>
      tpu.enqueue_dma source(%dma_start3A_38 : memref<2x128xi32, #tpu.memory_space<hbm>>) target(%arg6 : memref<2x128xi32, #tpu.memory_space<vmem>>) target_semaphore(%arg9 : memref<!tpu.dma_semaphore, #tpu.memory_space<semaphore_mem>>)
      %dma_start3A_39 = arith.constant 0 : i32
      %dma_start3A_40 = tpu.memref_slice %arg2[%mul3A_32, %dma_start3A_39] : memref<160000x128xf32, #tpu.memory_space<hbm>> -> memref<256x128xf32, #tpu.memory_space<hbm>>
      %dma_start3A_41 = arith.constant 0 : i32
      %dma_start3A_42 = tpu.memref_slice %arg2[%mul3A_32, %dma_start3A_41] : memref<160000x128xf32, #tpu.memory_space<hbm>> -> memref<256x128xf32, #tpu.memory_space<hbm>>
      tpu.enqueue_dma source(%dma_start3A_42 : memref<256x128xf32, #tpu.memory_space<hbm>>) target(%arg7 : memref<256x128xf32, #tpu.memory_space<vmem>>) target_semaphore(%arg9 : memref<!tpu.dma_semaphore, #tpu.memory_space<semaphore_mem>>)
      %dma_wait3A = arith.constant 0 : i32
      %dma_wait3A_43 = tpu.memref_slice %arg3[%mul3A_35, %dma_wait3A] : memref<1250x128xi32, #tpu.memory_space<hbm>> -> memref<2x128xi32, #tpu.memory_space<hbm>>
      %dma_wait3A_44 = arith.constant 0 : i32
      %dma_wait3A_45 = tpu.memref_slice %arg3[%mul3A_35, %dma_wait3A_44] : memref<1250x128xi32, #tpu.memory_space<hbm>> -> memref<2x128xi32, #tpu.memory_space<hbm>>
      tpu.wait_dma2 semaphore(%arg9 : memref<!tpu.dma_semaphore, #tpu.memory_space<semaphore_mem>>) src(%dma_wait3A_45 : memref<2x128xi32, #tpu.memory_space<hbm>>) dst(%arg6 : memref<2x128xi32, #tpu.memory_space<vmem>>)
      %dma_wait3A_46 = arith.constant 0 : i32
      %dma_wait3A_47 = tpu.memref_slice %arg2[%mul3A_32, %dma_wait3A_46] : memref<160000x128xf32, #tpu.memory_space<hbm>> -> memref<256x128xf32, #tpu.memory_space<hbm>>
      %dma_wait3A_48 = arith.constant 0 : i32
      %dma_wait3A_49 = tpu.memref_slice %arg2[%mul3A_32, %dma_wait3A_48] : memref<160000x128xf32, #tpu.memory_space<hbm>> -> memref<256x128xf32, #tpu.memory_space<hbm>>
      tpu.wait_dma2 semaphore(%arg9 : memref<!tpu.dma_semaphore, #tpu.memory_space<semaphore_mem>>) src(%dma_wait3A_49 : memref<256x128xf32, #tpu.memory_space<hbm>>) dst(%arg7 : memref<256x128xf32, #tpu.memory_space<vmem>>)
      %dma_start3A_50 = arith.constant 0 : i32
      %dma_start3A_51 = arith.constant 0 : i32
      %dma_start3A_52 = arith.constant 0 : i32
      %dma_start3A_53 = tpu.memref_slice %arg7[%dma_start3A_51, %dma_start3A_52] : memref<256x128xf32, #tpu.memory_space<vmem>> -> memref<128x128xf32, #tpu.memory_space<vmem>>
      %dma_start3A_54 = arith.constant 0 : i32
      %dma_start3A_55 = tpu.memref_slice %arg6[%dma_start3A_50, %dma_start3A_54] : memref<2x128xi32, #tpu.memory_space<vmem>> -> memref<1x128xi32, #tpu.memory_space<vmem>>
      %dma_start3A_56 = tpu.memref_squeeze %dma_start3A_55 : memref<1x128xi32, #tpu.memory_space<vmem>> -> memref<128xi32, #tpu.memory_space<vmem>>
      %dma_start3A_57 = arith.constant 0 : i32
      %dma_start3A_58 = arith.constant 0 : i32
      %dma_start3A_59 = tpu.memref_slice %arg8[%dma_start3A_57, %dma_start3A_58] : memref<10000x128xf32, #tpu.memory_space<vmem_shared>> -> memref<10000x128xf32, #tpu.memory_space<vmem_shared>>
      tpu.enqueue_indirect_dma source(%dma_start3A_53 : memref<128x128xf32, #tpu.memory_space<vmem>>) target(%dma_start3A_59 : memref<10000x128xf32, #tpu.memory_space<vmem_shared>>) offsets(%dma_start3A_56 : memref<128xi32, #tpu.memory_space<vmem>>) semaphore(%arg10 : memref<!tpu.dma_semaphore, #tpu.memory_space<semaphore_mem>>) {add = true}
      %dma_start3A_60 = arith.constant 1 : i32
      %dma_start3A_61 = arith.constant 128 : i32
      %dma_start3A_62 = arith.constant 0 : i32
      %dma_start3A_63 = tpu.memref_slice %arg7[%dma_start3A_61, %dma_start3A_62] : memref<256x128xf32, #tpu.memory_space<vmem>> -> memref<128x128xf32, #tpu.memory_space<vmem>>
      %dma_start3A_64 = arith.constant 0 : i32
      %dma_start3A_65 = tpu.memref_slice %arg6[%dma_start3A_60, %dma_start3A_64] : memref<2x128xi32, #tpu.memory_space<vmem>> -> memref<1x128xi32, #tpu.memory_space<vmem>>
      %dma_start3A_66 = tpu.memref_squeeze %dma_start3A_65 : memref<1x128xi32, #tpu.memory_space<vmem>> -> memref<128xi32, #tpu.memory_space<vmem>>
      %dma_start3A_67 = arith.constant 0 : i32
      %dma_start3A_68 = arith.constant 0 : i32
      %dma_start3A_69 = tpu.memref_slice %arg8[%dma_start3A_67, %dma_start3A_68] : memref<10000x128xf32, #tpu.memory_space<vmem_shared>> -> memref<10000x128xf32, #tpu.memory_space<vmem_shared>>
      tpu.enqueue_indirect_dma source(%dma_start3A_63 : memref<128x128xf32, #tpu.memory_space<vmem>>) target(%dma_start3A_69 : memref<10000x128xf32, #tpu.memory_space<vmem_shared>>) offsets(%dma_start3A_66 : memref<128xi32, #tpu.memory_space<vmem>>) semaphore(%arg10 : memref<!tpu.dma_semaphore, #tpu.memory_space<semaphore_mem>>) {add = true}
      %dma_wait3A_70 = arith.constant 0 : i32
      %dma_wait3A_71 = arith.constant 0 : i32
      %dma_wait3A_72 = arith.constant 0 : i32
      %dma_wait3A_73 = tpu.memref_slice %arg7[%dma_wait3A_71, %dma_wait3A_72] : memref<256x128xf32, #tpu.memory_space<vmem>> -> memref<128x128xf32, #tpu.memory_space<vmem>>
      %dma_wait3A_74 = arith.constant 0 : i32
      %dma_wait3A_75 = tpu.memref_slice %arg6[%dma_wait3A_70, %dma_wait3A_74] : memref<2x128xi32, #tpu.memory_space<vmem>> -> memref<1x128xi32, #tpu.memory_space<vmem>>
      %dma_wait3A_76 = tpu.memref_squeeze %dma_wait3A_75 : memref<1x128xi32, #tpu.memory_space<vmem>> -> memref<128xi32, #tpu.memory_space<vmem>>
      %dma_wait3A_77 = arith.constant 0 : i32
      %dma_wait3A_78 = arith.constant 0 : i32
      %dma_wait3A_79 = tpu.memref_slice %arg8[%dma_wait3A_77, %dma_wait3A_78] : memref<10000x128xf32, #tpu.memory_space<vmem_shared>> -> memref<10000x128xf32, #tpu.memory_space<vmem_shared>>
      tpu.wait_indirect_dma semaphore(%arg10 : memref<!tpu.dma_semaphore, #tpu.memory_space<semaphore_mem>>) src(%dma_wait3A_73 : memref<128x128xf32, #tpu.memory_space<vmem>>) dst(%dma_wait3A_79 : memref<10000x128xf32, #tpu.memory_space<vmem_shared>>)
      %dma_wait3A_80 = arith.constant 1 : i32
      %dma_wait3A_81 = arith.constant 128 : i32
      %dma_wait3A_82 = arith.constant 0 : i32
      %dma_wait3A_83 = tpu.memref_slice %arg7[%dma_wait3A_81, %dma_wait3A_82] : memref<256x128xf32, #tpu.memory_space<vmem>> -> memref<128x128xf32, #tpu.memory_space<vmem>>
      %dma_wait3A_84 = arith.constant 0 : i32
      %dma_wait3A_85 = tpu.memref_slice %arg6[%dma_wait3A_80, %dma_wait3A_84] : memref<2x128xi32, #tpu.memory_space<vmem>> -> memref<1x128xi32, #tpu.memory_space<vmem>>
      %dma_wait3A_86 = tpu.memref_squeeze %dma_wait3A_85 : memref<1x128xi32, #tpu.memory_space<vmem>> -> memref<128xi32, #tpu.memory_space<vmem>>
      %dma_wait3A_87 = arith.constant 0 : i32
      %dma_wait3A_88 = arith.constant 0 : i32
      %dma_wait3A_89 = tpu.memref_slice %arg8[%dma_wait3A_87, %dma_wait3A_88] : memref<10000x128xf32, #tpu.memory_space<vmem_shared>> -> memref<10000x128xf32, #tpu.memory_space<vmem_shared>>
      tpu.wait_indirect_dma semaphore(%arg10 : memref<!tpu.dma_semaphore, #tpu.memory_space<semaphore_mem>>) src(%dma_wait3A_83 : memref<128x128xf32, #tpu.memory_space<vmem>>) dst(%dma_wait3A_89 : memref<10000x128xf32, #tpu.memory_space<vmem_shared>>)
    }
    %barrier3A_20 = arith.constant 0 : index
    tpu.barrier barrier_id(%barrier3A_20)
    %mul3A_21 = arith.constant 10000 : i32
    %mul3A_22 = arith.muli %arg0, %mul3A_21 : i32
    %add3A_23 = arith.addi %mul3A_22, %mul3A_8 : i32
    "tpu.region"() ({
      %run_scoped3A = tpu.sem_alloc : memref<!tpu.dma_semaphore, #tpu.memory_space<semaphore_mem>>
      %dma_start3A = arith.constant 0 : i32
      %dma_start3A_29 = tpu.memref_slice %arg5[%add3A_23, %dma_start3A] : memref<20000x128xf32, #tpu.memory_space<hbm>> -> memref<624x128xf32, #tpu.memory_space<hbm>>
      %dma_start3A_30 = arith.constant 0 : i32
      %dma_start3A_31 = tpu.memref_slice %arg8[%mul3A_8, %dma_start3A_30] : memref<10000x128xf32, #tpu.memory_space<vmem_shared>> -> memref<624x128xf32, #tpu.memory_space<vmem_shared>>
      tpu.enqueue_dma source(%dma_start3A_31 : memref<624x128xf32, #tpu.memory_space<vmem_shared>>) target(%dma_start3A_29 : memref<624x128xf32, #tpu.memory_space<hbm>>) target_semaphore(%run_scoped3A : memref<!tpu.dma_semaphore, #tpu.memory_space<semaphore_mem>>)
      %dma_wait3A = arith.constant 0 : i32
      %dma_wait3A_32 = tpu.memref_slice %arg5[%add3A_23, %dma_wait3A] : memref<20000x128xf32, #tpu.memory_space<hbm>> -> memref<624x128xf32, #tpu.memory_space<hbm>>
      %dma_wait3A_33 = arith.constant 0 : i32
      %dma_wait3A_34 = tpu.memref_slice %arg8[%mul3A_8, %dma_wait3A_33] : memref<10000x128xf32, #tpu.memory_space<vmem_shared>> -> memref<624x128xf32, #tpu.memory_space<vmem_shared>>
      tpu.wait_dma2 semaphore(%run_scoped3A : memref<!tpu.dma_semaphore, #tpu.memory_space<semaphore_mem>>) src(%dma_wait3A_34 : memref<624x128xf32, #tpu.memory_space<vmem_shared>>) dst(%dma_wait3A_32 : memref<624x128xf32, #tpu.memory_space<hbm>>)
      tpu.yield
    }) : () -> ()
    %eq3A_24 = arith.constant 15 : i32
    %eq3A_25 = arith.cmpi eq, %arg1, %eq3A_24 : i32
    %convert_element_type3A_26 = arith.extui %eq3A_25 : i1 to i32
    %cond3A_27 = arith.constant 0 : i32
    %cond3A_28 = arith.cmpi ne, %convert_element_type3A_26, %cond3A_27 : i32
    scf.if %cond3A_28 {
      %mul3A_29 = arith.constant 10000 : i32
      %mul3A_30 = arith.muli %arg0, %mul3A_29 : i32
      %add3A_31 = arith.constant 9984 : i32
      %add3A_32 = arith.addi %mul3A_30, %add3A_31 : i32
      "tpu.region"() ({
        %run_scoped3A = tpu.sem_alloc : memref<!tpu.dma_semaphore, #tpu.memory_space<semaphore_mem>>
        %dma_start3A = arith.constant 0 : i32
        %dma_start3A_33 = tpu.memref_slice %arg5[%add3A_32, %dma_start3A] : memref<20000x128xf32, #tpu.memory_space<hbm>> -> memref<16x128xf32, #tpu.memory_space<hbm>>
        %dma_start3A_34 = arith.constant 9984 : i32
        %dma_start3A_35 = arith.constant 0 : i32
        %dma_start3A_36 = tpu.memref_slice %arg8[%dma_start3A_34, %dma_start3A_35] : memref<10000x128xf32, #tpu.memory_space<vmem_shared>> -> memref<16x128xf32, #tpu.memory_space<vmem_shared>>
        tpu.enqueue_dma source(%dma_start3A_36 : memref<16x128xf32, #tpu.memory_space<vmem_shared>>) target(%dma_start3A_33 : memref<16x128xf32, #tpu.memory_space<hbm>>) target_semaphore(%run_scoped3A : memref<!tpu.dma_semaphore, #tpu.memory_space<semaphore_mem>>)
        %dma_wait3A = arith.constant 0 : i32
        %dma_wait3A_37 = tpu.memref_slice %arg5[%add3A_32, %dma_wait3A] : memref<20000x128xf32, #tpu.memory_space<hbm>> -> memref<16x128xf32, #tpu.memory_space<hbm>>
        %dma_wait3A_38 = arith.constant 9984 : i32
        %dma_wait3A_39 = arith.constant 0 : i32
        %dma_wait3A_40 = tpu.memref_slice %arg8[%dma_wait3A_38, %dma_wait3A_39] : memref<10000x128xf32, #tpu.memory_space<vmem_shared>> -> memref<16x128xf32, #tpu.memory_space<vmem_shared>>
        tpu.wait_dma2 semaphore(%run_scoped3A : memref<!tpu.dma_semaphore, #tpu.memory_space<semaphore_mem>>) src(%dma_wait3A_40 : memref<16x128xf32, #tpu.memory_space<vmem_shared>>) dst(%dma_wait3A_37 : memref<16x128xf32, #tpu.memory_space<hbm>>)
        tpu.yield
      }) : () -> ()
    } else {
    }
    return
  }
}

#map = affine_map<(d0, d1) -> (0, 0)>
module attributes {stable_mosaic.version = 14 : i64} {
  func.func @_sc_gather_body(%arg0: i32, %arg1: i32, %arg2: memref<10000x128xf32, #tpu.memory_space<hbm>>, %arg3: memref<1250x128xi32, #tpu.memory_space<hbm>>, %arg4: memref<1250x128xi32, #tpu.memory_space<hbm>>, %arg5: memref<160000x128xf32, #tpu.memory_space<hbm>>, %arg6: memref<160000x128xf32, #tpu.memory_space<hbm>>, %arg7: memref<2x128xi32, #tpu.memory_space<vmem>>, %arg8: memref<2x128xi32, #tpu.memory_space<vmem>>, %arg9: memref<256x128xf32, #tpu.memory_space<vmem>>, %arg10: memref<256x128xf32, #tpu.memory_space<vmem>>, %arg11: memref<!tpu.dma_semaphore, #tpu.memory_space<semaphore_mem>>, %arg12: memref<!tpu.dma_semaphore, #tpu.memory_space<semaphore_mem>>, %arg13: memref<!tpu.dma_semaphore, #tpu.memory_space<semaphore_mem>>) attributes {dimension_semantics = [#tpu.dimension_semantics<core_parallel>, #tpu.dimension_semantics<subcore_parallel>], iteration_bounds = array<i64: 2, 16>, scalar_prefetch = 0 : i64, scratch_operands = 7 : i64, tpu.core_type = #tpu.core_type<sc_vector_subcore>, window_params = [{transform_indices = #map}, {transform_indices = #map}, {transform_indices = #map}, {transform_indices = #map}, {transform_indices = #map}]} {
    %mul3A = arith.constant 2 : i32
    %mul3A_0 = arith.muli %arg1, %mul3A : i32
    %add3A = arith.addi %mul3A_0, %arg0 : i32
    %lt3A = arith.constant 17 : i32
    %lt3A_1 = arith.cmpi slt, %add3A, %lt3A : i32
    %jit3A = arith.constant 20 : i32
    %jit3A_2 = arith.constant 19 : i32
    %select_n3A = arith.select %lt3A_1, %jit3A, %jit3A_2 : i32
    %mul3A_3 = arith.constant 19 : i32
    %mul3A_4 = arith.muli %add3A, %mul3A_3 : i32
    %min3A = arith.constant 17 : i32
    %min3A_5 = arith.minsi %add3A, %min3A : i32
    %add3A_6 = arith.addi %mul3A_4, %min3A_5 : i32
    %while3A = arith.constant 0 : i32
    %while3A_7 = arith.constant 0 : i32
    %while3A_8 = arith.subi %select_n3A, %while3A_7 : i32
    %while3A_9 = arith.addi %while3A_7, %while3A_8 : i32
    %while3A_10 = arith.constant 1 : i32
    %while3A_11 = arith.divsi %while3A_8, %while3A_10 : i32
    %while3A_12 = arith.muli %while3A_11, %while3A_10 : i32
    %while3A_13 = arith.addi %while3A_7, %while3A_12 : i32
    %while3A_14 = arith.constant 1 : i32
    scf.for %while3A_27 = %while3A_7 to %while3A_13 step %while3A_14  : i32 {
      %add3A_28 = arith.addi %add3A_6, %while3A_27 : i32
      %mul3A_29 = arith.constant 256 : i32
      %mul3A_30 = arith.muli %add3A_28, %mul3A_29 : i32
      %add3A_31 = arith.addi %add3A_6, %while3A_27 : i32
      %mul3A_32 = arith.constant 2 : i32
      %mul3A_33 = arith.muli %add3A_31, %mul3A_32 : i32
      %gt3A = arith.constant 0 : i32
      %gt3A_34 = arith.cmpi sgt, %while3A_27, %gt3A : i32
      %convert_element_type3A = arith.extui %gt3A_34 : i1 to i32
      %cond3A = arith.constant 0 : i32
      %cond3A_35 = arith.cmpi ne, %convert_element_type3A, %cond3A : i32
      scf.if %cond3A_35 {
        %add3A_139 = arith.addi %add3A_6, %while3A_27 : i32
        %sub3A_140 = arith.constant 1 : i32
        %sub3A_141 = arith.subi %add3A_139, %sub3A_140 : i32
        %mul3A_142 = arith.constant 256 : i32
        %mul3A_143 = arith.muli %sub3A_141, %mul3A_142 : i32
        %dma_wait3A_144 = arith.constant 0 : i32
        %dma_wait3A_145 = tpu.memref_slice %arg5[%mul3A_143, %dma_wait3A_144] : memref<160000x128xf32, #tpu.memory_space<hbm>> -> memref<256x128xf32, #tpu.memory_space<hbm>>
        %dma_wait3A_146 = arith.constant 0 : i32
        %dma_wait3A_147 = tpu.memref_slice %arg5[%mul3A_143, %dma_wait3A_146] : memref<160000x128xf32, #tpu.memory_space<hbm>> -> memref<256x128xf32, #tpu.memory_space<hbm>>
        tpu.wait_dma2 semaphore(%arg13 : memref<!tpu.dma_semaphore, #tpu.memory_space<semaphore_mem>>) src(%arg9 : memref<256x128xf32, #tpu.memory_space<vmem>>) dst(%dma_wait3A_147 : memref<256x128xf32, #tpu.memory_space<hbm>>)
        %dma_wait3A_148 = arith.constant 0 : i32
        %dma_wait3A_149 = tpu.memref_slice %arg6[%mul3A_143, %dma_wait3A_148] : memref<160000x128xf32, #tpu.memory_space<hbm>> -> memref<256x128xf32, #tpu.memory_space<hbm>>
        %dma_wait3A_150 = arith.constant 0 : i32
        %dma_wait3A_151 = tpu.memref_slice %arg6[%mul3A_143, %dma_wait3A_150] : memref<160000x128xf32, #tpu.memory_space<hbm>> -> memref<256x128xf32, #tpu.memory_space<hbm>>
        tpu.wait_dma2 semaphore(%arg13 : memref<!tpu.dma_semaphore, #tpu.memory_space<semaphore_mem>>) src(%arg10 : memref<256x128xf32, #tpu.memory_space<vmem>>) dst(%dma_wait3A_151 : memref<256x128xf32, #tpu.memory_space<hbm>>)
      } else {
      }
      %dma_start3A = arith.constant 0 : i32
      %dma_start3A_36 = tpu.memref_slice %arg3[%mul3A_33, %dma_start3A] : memref<1250x128xi32, #tpu.memory_space<hbm>> -> memref<2x128xi32, #tpu.memory_space<hbm>>
      %dma_start3A_37 = arith.constant 0 : i32
      %dma_start3A_38 = tpu.memref_slice %arg3[%mul3A_33, %dma_start3A_37] : memref<1250x128xi32, #tpu.memory_space<hbm>> -> memref<2x128xi32, #tpu.memory_space<hbm>>
      tpu.enqueue_dma source(%dma_start3A_38 : memref<2x128xi32, #tpu.memory_space<hbm>>) target(%arg7 : memref<2x128xi32, #tpu.memory_space<vmem>>) target_semaphore(%arg11 : memref<!tpu.dma_semaphore, #tpu.memory_space<semaphore_mem>>)
      %dma_start3A_39 = arith.constant 0 : i32
      %dma_start3A_40 = tpu.memref_slice %arg4[%mul3A_33, %dma_start3A_39] : memref<1250x128xi32, #tpu.memory_space<hbm>> -> memref<2x128xi32, #tpu.memory_space<hbm>>
      %dma_start3A_41 = arith.constant 0 : i32
      %dma_start3A_42 = tpu.memref_slice %arg4[%mul3A_33, %dma_start3A_41] : memref<1250x128xi32, #tpu.memory_space<hbm>> -> memref<2x128xi32, #tpu.memory_space<hbm>>
      tpu.enqueue_dma source(%dma_start3A_42 : memref<2x128xi32, #tpu.memory_space<hbm>>) target(%arg8 : memref<2x128xi32, #tpu.memory_space<vmem>>) target_semaphore(%arg11 : memref<!tpu.dma_semaphore, #tpu.memory_space<semaphore_mem>>)
      %dma_wait3A_43 = arith.constant 0 : i32
      %dma_wait3A_44 = tpu.memref_slice %arg3[%mul3A_33, %dma_wait3A_43] : memref<1250x128xi32, #tpu.memory_space<hbm>> -> memref<2x128xi32, #tpu.memory_space<hbm>>
      %dma_wait3A_45 = arith.constant 0 : i32
      %dma_wait3A_46 = tpu.memref_slice %arg3[%mul3A_33, %dma_wait3A_45] : memref<1250x128xi32, #tpu.memory_space<hbm>> -> memref<2x128xi32, #tpu.memory_space<hbm>>
      tpu.wait_dma2 semaphore(%arg11 : memref<!tpu.dma_semaphore, #tpu.memory_space<semaphore_mem>>) src(%dma_wait3A_46 : memref<2x128xi32, #tpu.memory_space<hbm>>) dst(%arg7 : memref<2x128xi32, #tpu.memory_space<vmem>>)
      %dma_wait3A_47 = arith.constant 0 : i32
      %dma_wait3A_48 = tpu.memref_slice %arg4[%mul3A_33, %dma_wait3A_47] : memref<1250x128xi32, #tpu.memory_space<hbm>> -> memref<2x128xi32, #tpu.memory_space<hbm>>
      %dma_wait3A_49 = arith.constant 0 : i32
      %dma_wait3A_50 = tpu.memref_slice %arg4[%mul3A_33, %dma_wait3A_49] : memref<1250x128xi32, #tpu.memory_space<hbm>> -> memref<2x128xi32, #tpu.memory_space<hbm>>
      tpu.wait_dma2 semaphore(%arg11 : memref<!tpu.dma_semaphore, #tpu.memory_space<semaphore_mem>>) src(%dma_wait3A_50 : memref<2x128xi32, #tpu.memory_space<hbm>>) dst(%arg8 : memref<2x128xi32, #tpu.memory_space<vmem>>)
      %dma_start3A_51 = arith.constant 0 : i32
      %dma_start3A_52 = arith.constant 0 : i32
      %dma_start3A_53 = arith.constant 0 : i32
      %dma_start3A_54 = tpu.memref_slice %arg9[%dma_start3A_52, %dma_start3A_53] : memref<256x128xf32, #tpu.memory_space<vmem>> -> memref<128x128xf32, #tpu.memory_space<vmem>>
      %dma_start3A_55 = arith.constant 0 : i32
      %dma_start3A_56 = tpu.memref_slice %arg7[%dma_start3A_51, %dma_start3A_55] : memref<2x128xi32, #tpu.memory_space<vmem>> -> memref<1x128xi32, #tpu.memory_space<vmem>>
      %dma_start3A_57 = tpu.memref_squeeze %dma_start3A_56 : memref<1x128xi32, #tpu.memory_space<vmem>> -> memref<128xi32, #tpu.memory_space<vmem>>
      %dma_start3A_58 = arith.constant 0 : i32
      %dma_start3A_59 = arith.constant 0 : i32
      %dma_start3A_60 = tpu.memref_slice %arg2[%dma_start3A_58, %dma_start3A_59] : memref<10000x128xf32, #tpu.memory_space<hbm>> -> memref<10000x128xf32, #tpu.memory_space<hbm>>
      tpu.enqueue_indirect_dma source(%dma_start3A_60 : memref<10000x128xf32, #tpu.memory_space<hbm>>) target(%dma_start3A_54 : memref<128x128xf32, #tpu.memory_space<vmem>>) offsets(%dma_start3A_57 : memref<128xi32, #tpu.memory_space<vmem>>) semaphore(%arg12 : memref<!tpu.dma_semaphore, #tpu.memory_space<semaphore_mem>>)
      %dma_start3A_61 = arith.constant 0 : i32
      %dma_start3A_62 = arith.constant 0 : i32
      %dma_start3A_63 = arith.constant 0 : i32
      %dma_start3A_64 = tpu.memref_slice %arg10[%dma_start3A_62, %dma_start3A_63] : memref<256x128xf32, #tpu.memory_space<vmem>> -> memref<128x128xf32, #tpu.memory_space<vmem>>
      %dma_start3A_65 = arith.constant 0 : i32
      %dma_start3A_66 = tpu.memref_slice %arg8[%dma_start3A_61, %dma_start3A_65] : memref<2x128xi32, #tpu.memory_space<vmem>> -> memref<1x128xi32, #tpu.memory_space<vmem>>
      %dma_start3A_67 = tpu.memref_squeeze %dma_start3A_66 : memref<1x128xi32, #tpu.memory_space<vmem>> -> memref<128xi32, #tpu.memory_space<vmem>>
      %dma_start3A_68 = arith.constant 0 : i32
      %dma_start3A_69 = arith.constant 0 : i32
      %dma_start3A_70 = tpu.memref_slice %arg2[%dma_start3A_68, %dma_start3A_69] : memref<10000x128xf32, #tpu.memory_space<hbm>> -> memref<10000x128xf32, #tpu.memory_space<hbm>>
      tpu.enqueue_indirect_dma source(%dma_start3A_70 : memref<10000x128xf32, #tpu.memory_space<hbm>>) target(%dma_start3A_64 : memref<128x128xf32, #tpu.memory_space<vmem>>) offsets(%dma_start3A_67 : memref<128xi32, #tpu.memory_space<vmem>>) semaphore(%arg12 : memref<!tpu.dma_semaphore, #tpu.memory_space<semaphore_mem>>)
      %dma_start3A_71 = arith.constant 1 : i32
      %dma_start3A_72 = arith.constant 128 : i32
      %dma_start3A_73 = arith.constant 0 : i32
      %dma_start3A_74 = tpu.memref_slice %arg9[%dma_start3A_72, %dma_start3A_73] : memref<256x128xf32, #tpu.memory_space<vmem>> -> memref<128x128xf32, #tpu.memory_space<vmem>>
      %dma_start3A_75 = arith.constant 0 : i32
      %dma_start3A_76 = tpu.memref_slice %arg7[%dma_start3A_71, %dma_start3A_75] : memref<2x128xi32, #tpu.memory_space<vmem>> -> memref<1x128xi32, #tpu.memory_space<vmem>>
      %dma_start3A_77 = tpu.memref_squeeze %dma_start3A_76 : memref<1x128xi32, #tpu.memory_space<vmem>> -> memref<128xi32, #tpu.memory_space<vmem>>
      %dma_start3A_78 = arith.constant 0 : i32
      %dma_start3A_79 = arith.constant 0 : i32
      %dma_start3A_80 = tpu.memref_slice %arg2[%dma_start3A_78, %dma_start3A_79] : memref<10000x128xf32, #tpu.memory_space<hbm>> -> memref<10000x128xf32, #tpu.memory_space<hbm>>
      tpu.enqueue_indirect_dma source(%dma_start3A_80 : memref<10000x128xf32, #tpu.memory_space<hbm>>) target(%dma_start3A_74 : memref<128x128xf32, #tpu.memory_space<vmem>>) offsets(%dma_start3A_77 : memref<128xi32, #tpu.memory_space<vmem>>) semaphore(%arg12 : memref<!tpu.dma_semaphore, #tpu.memory_space<semaphore_mem>>)
      %dma_start3A_81 = arith.constant 1 : i32
      %dma_start3A_82 = arith.constant 128 : i32
      %dma_start3A_83 = arith.constant 0 : i32
      %dma_start3A_84 = tpu.memref_slice %arg10[%dma_start3A_82, %dma_start3A_83] : memref<256x128xf32, #tpu.memory_space<vmem>> -> memref<128x128xf32, #tpu.memory_space<vmem>>
      %dma_start3A_85 = arith.constant 0 : i32
      %dma_start3A_86 = tpu.memref_slice %arg8[%dma_start3A_81, %dma_start3A_85] : memref<2x128xi32, #tpu.memory_space<vmem>> -> memref<1x128xi32, #tpu.memory_space<vmem>>
      %dma_start3A_87 = tpu.memref_squeeze %dma_start3A_86 : memref<1x128xi32, #tpu.memory_space<vmem>> -> memref<128xi32, #tpu.memory_space<vmem>>
      %dma_start3A_88 = arith.constant 0 : i32
      %dma_start3A_89 = arith.constant 0 : i32
      %dma_start3A_90 = tpu.memref_slice %arg2[%dma_start3A_88, %dma_start3A_89] : memref<10000x128xf32, #tpu.memory_space<hbm>> -> memref<10000x128xf32, #tpu.memory_space<hbm>>
      tpu.enqueue_indirect_dma source(%dma_start3A_90 : memref<10000x128xf32, #tpu.memory_space<hbm>>) target(%dma_start3A_84 : memref<128x128xf32, #tpu.memory_space<vmem>>) offsets(%dma_start3A_87 : memref<128xi32, #tpu.memory_space<vmem>>) semaphore(%arg12 : memref<!tpu.dma_semaphore, #tpu.memory_space<semaphore_mem>>)
      %dma_wait3A_91 = arith.constant 0 : i32
      %dma_wait3A_92 = arith.constant 0 : i32
      %dma_wait3A_93 = arith.constant 0 : i32
      %dma_wait3A_94 = tpu.memref_slice %arg9[%dma_wait3A_92, %dma_wait3A_93] : memref<256x128xf32, #tpu.memory_space<vmem>> -> memref<128x128xf32, #tpu.memory_space<vmem>>
      %dma_wait3A_95 = arith.constant 0 : i32
      %dma_wait3A_96 = tpu.memref_slice %arg7[%dma_wait3A_91, %dma_wait3A_95] : memref<2x128xi32, #tpu.memory_space<vmem>> -> memref<1x128xi32, #tpu.memory_space<vmem>>
      %dma_wait3A_97 = tpu.memref_squeeze %dma_wait3A_96 : memref<1x128xi32, #tpu.memory_space<vmem>> -> memref<128xi32, #tpu.memory_space<vmem>>
      %dma_wait3A_98 = arith.constant 0 : i32
      %dma_wait3A_99 = arith.constant 0 : i32
      %dma_wait3A_100 = tpu.memref_slice %arg2[%dma_wait3A_98, %dma_wait3A_99] : memref<10000x128xf32, #tpu.memory_space<hbm>> -> memref<10000x128xf32, #tpu.memory_space<hbm>>
      tpu.wait_indirect_dma semaphore(%arg12 : memref<!tpu.dma_semaphore, #tpu.memory_space<semaphore_mem>>) src(%dma_wait3A_100 : memref<10000x128xf32, #tpu.memory_space<hbm>>) dst(%dma_wait3A_94 : memref<128x128xf32, #tpu.memory_space<vmem>>)
      %dma_wait3A_101 = arith.constant 0 : i32
      %dma_wait3A_102 = arith.constant 0 : i32
      %dma_wait3A_103 = arith.constant 0 : i32
      %dma_wait3A_104 = tpu.memref_slice %arg10[%dma_wait3A_102, %dma_wait3A_103] : memref<256x128xf32, #tpu.memory_space<vmem>> -> memref<128x128xf32, #tpu.memory_space<vmem>>
      %dma_wait3A_105 = arith.constant 0 : i32
      %dma_wait3A_106 = tpu.memref_slice %arg8[%dma_wait3A_101, %dma_wait3A_105] : memref<2x128xi32, #tpu.memory_space<vmem>> -> memref<1x128xi32, #tpu.memory_space<vmem>>
      %dma_wait3A_107 = tpu.memref_squeeze %dma_wait3A_106 : memref<1x128xi32, #tpu.memory_space<vmem>> -> memref<128xi32, #tpu.memory_space<vmem>>
      %dma_wait3A_108 = arith.constant 0 : i32
      %dma_wait3A_109 = arith.constant 0 : i32
      %dma_wait3A_110 = tpu.memref_slice %arg2[%dma_wait3A_108, %dma_wait3A_109] : memref<10000x128xf32, #tpu.memory_space<hbm>> -> memref<10000x128xf32, #tpu.memory_space<hbm>>
      tpu.wait_indirect_dma semaphore(%arg12 : memref<!tpu.dma_semaphore, #tpu.memory_space<semaphore_mem>>) src(%dma_wait3A_110 : memref<10000x128xf32, #tpu.memory_space<hbm>>) dst(%dma_wait3A_104 : memref<128x128xf32, #tpu.memory_space<vmem>>)
      %dma_wait3A_111 = arith.constant 1 : i32
      %dma_wait3A_112 = arith.constant 128 : i32
      %dma_wait3A_113 = arith.constant 0 : i32
      %dma_wait3A_114 = tpu.memref_slice %arg9[%dma_wait3A_112, %dma_wait3A_113] : memref<256x128xf32, #tpu.memory_space<vmem>> -> memref<128x128xf32, #tpu.memory_space<vmem>>
      %dma_wait3A_115 = arith.constant 0 : i32
      %dma_wait3A_116 = tpu.memref_slice %arg7[%dma_wait3A_111, %dma_wait3A_115] : memref<2x128xi32, #tpu.memory_space<vmem>> -> memref<1x128xi32, #tpu.memory_space<vmem>>
      %dma_wait3A_117 = tpu.memref_squeeze %dma_wait3A_116 : memref<1x128xi32, #tpu.memory_space<vmem>> -> memref<128xi32, #tpu.memory_space<vmem>>
      %dma_wait3A_118 = arith.constant 0 : i32
      %dma_wait3A_119 = arith.constant 0 : i32
      %dma_wait3A_120 = tpu.memref_slice %arg2[%dma_wait3A_118, %dma_wait3A_119] : memref<10000x128xf32, #tpu.memory_space<hbm>> -> memref<10000x128xf32, #tpu.memory_space<hbm>>
      tpu.wait_indirect_dma semaphore(%arg12 : memref<!tpu.dma_semaphore, #tpu.memory_space<semaphore_mem>>) src(%dma_wait3A_120 : memref<10000x128xf32, #tpu.memory_space<hbm>>) dst(%dma_wait3A_114 : memref<128x128xf32, #tpu.memory_space<vmem>>)
      %dma_wait3A_121 = arith.constant 1 : i32
      %dma_wait3A_122 = arith.constant 128 : i32
      %dma_wait3A_123 = arith.constant 0 : i32
      %dma_wait3A_124 = tpu.memref_slice %arg10[%dma_wait3A_122, %dma_wait3A_123] : memref<256x128xf32, #tpu.memory_space<vmem>> -> memref<128x128xf32, #tpu.memory_space<vmem>>
      %dma_wait3A_125 = arith.constant 0 : i32
      %dma_wait3A_126 = tpu.memref_slice %arg8[%dma_wait3A_121, %dma_wait3A_125] : memref<2x128xi32, #tpu.memory_space<vmem>> -> memref<1x128xi32, #tpu.memory_space<vmem>>
      %dma_wait3A_127 = tpu.memref_squeeze %dma_wait3A_126 : memref<1x128xi32, #tpu.memory_space<vmem>> -> memref<128xi32, #tpu.memory_space<vmem>>
      %dma_wait3A_128 = arith.constant 0 : i32
      %dma_wait3A_129 = arith.constant 0 : i32
      %dma_wait3A_130 = tpu.memref_slice %arg2[%dma_wait3A_128, %dma_wait3A_129] : memref<10000x128xf32, #tpu.memory_space<hbm>> -> memref<10000x128xf32, #tpu.memory_space<hbm>>
      tpu.wait_indirect_dma semaphore(%arg12 : memref<!tpu.dma_semaphore, #tpu.memory_space<semaphore_mem>>) src(%dma_wait3A_130 : memref<10000x128xf32, #tpu.memory_space<hbm>>) dst(%dma_wait3A_124 : memref<128x128xf32, #tpu.memory_space<vmem>>)
      %dma_start3A_131 = arith.constant 0 : i32
      %dma_start3A_132 = tpu.memref_slice %arg5[%mul3A_30, %dma_start3A_131] : memref<160000x128xf32, #tpu.memory_space<hbm>> -> memref<256x128xf32, #tpu.memory_space<hbm>>
      %dma_start3A_133 = arith.constant 0 : i32
      %dma_start3A_134 = tpu.memref_slice %arg5[%mul3A_30, %dma_start3A_133] : memref<160000x128xf32, #tpu.memory_space<hbm>> -> memref<256x128xf32, #tpu.memory_space<hbm>>
      tpu.enqueue_dma source(%arg9 : memref<256x128xf32, #tpu.memory_space<vmem>>) target(%dma_start3A_134 : memref<256x128xf32, #tpu.memory_space<hbm>>) target_semaphore(%arg13 : memref<!tpu.dma_semaphore, #tpu.memory_space<semaphore_mem>>)
      %dma_start3A_135 = arith.constant 0 : i32
      %dma_start3A_136 = tpu.memref_slice %arg6[%mul3A_30, %dma_start3A_135] : memref<160000x128xf32, #tpu.memory_space<hbm>> -> memref<256x128xf32, #tpu.memory_space<hbm>>
      %dma_start3A_137 = arith.constant 0 : i32
      %dma_start3A_138 = tpu.memref_slice %arg6[%mul3A_30, %dma_start3A_137] : memref<160000x128xf32, #tpu.memory_space<hbm>> -> memref<256x128xf32, #tpu.memory_space<hbm>>
      tpu.enqueue_dma source(%arg10 : memref<256x128xf32, #tpu.memory_space<vmem>>) target(%dma_start3A_138 : memref<256x128xf32, #tpu.memory_space<hbm>>) target_semaphore(%arg13 : memref<!tpu.dma_semaphore, #tpu.memory_space<semaphore_mem>>)
    }
    %while3A_15 = arith.constant 1 : i32
    scf.for %while3A_27 = %while3A_13 to %while3A_9 step %while3A_15  : i32 {
      %add3A_28 = arith.addi %add3A_6, %while3A_27 : i32
      %mul3A_29 = arith.constant 256 : i32
      %mul3A_30 = arith.muli %add3A_28, %mul3A_29 : i32
      %add3A_31 = arith.addi %add3A_6, %while3A_27 : i32
      %mul3A_32 = arith.constant 2 : i32
      %mul3A_33 = arith.muli %add3A_31, %mul3A_32 : i32
      %gt3A = arith.constant 0 : i32
      %gt3A_34 = arith.cmpi sgt, %while3A_27, %gt3A : i32
      %convert_element_type3A = arith.extui %gt3A_34 : i1 to i32
      %cond3A = arith.constant 0 : i32
      %cond3A_35 = arith.cmpi ne, %convert_element_type3A, %cond3A : i32
      scf.if %cond3A_35 {
        %add3A_139 = arith.addi %add3A_6, %while3A_27 : i32
        %sub3A_140 = arith.constant 1 : i32
        %sub3A_141 = arith.subi %add3A_139, %sub3A_140 : i32
        %mul3A_142 = arith.constant 256 : i32
        %mul3A_143 = arith.muli %sub3A_141, %mul3A_142 : i32
        %dma_wait3A_144 = arith.constant 0 : i32
        %dma_wait3A_145 = tpu.memref_slice %arg5[%mul3A_143, %dma_wait3A_144] : memref<160000x128xf32, #tpu.memory_space<hbm>> -> memref<256x128xf32, #tpu.memory_space<hbm>>
        %dma_wait3A_146 = arith.constant 0 : i32
        %dma_wait3A_147 = tpu.memref_slice %arg5[%mul3A_143, %dma_wait3A_146] : memref<160000x128xf32, #tpu.memory_space<hbm>> -> memref<256x128xf32, #tpu.memory_space<hbm>>
        tpu.wait_dma2 semaphore(%arg13 : memref<!tpu.dma_semaphore, #tpu.memory_space<semaphore_mem>>) src(%arg9 : memref<256x128xf32, #tpu.memory_space<vmem>>) dst(%dma_wait3A_147 : memref<256x128xf32, #tpu.memory_space<hbm>>)
        %dma_wait3A_148 = arith.constant 0 : i32
        %dma_wait3A_149 = tpu.memref_slice %arg6[%mul3A_143, %dma_wait3A_148] : memref<160000x128xf32, #tpu.memory_space<hbm>> -> memref<256x128xf32, #tpu.memory_space<hbm>>
        %dma_wait3A_150 = arith.constant 0 : i32
        %dma_wait3A_151 = tpu.memref_slice %arg6[%mul3A_143, %dma_wait3A_150] : memref<160000x128xf32, #tpu.memory_space<hbm>> -> memref<256x128xf32, #tpu.memory_space<hbm>>
        tpu.wait_dma2 semaphore(%arg13 : memref<!tpu.dma_semaphore, #tpu.memory_space<semaphore_mem>>) src(%arg10 : memref<256x128xf32, #tpu.memory_space<vmem>>) dst(%dma_wait3A_151 : memref<256x128xf32, #tpu.memory_space<hbm>>)
      } else {
      }
      %dma_start3A = arith.constant 0 : i32
      %dma_start3A_36 = tpu.memref_slice %arg3[%mul3A_33, %dma_start3A] : memref<1250x128xi32, #tpu.memory_space<hbm>> -> memref<2x128xi32, #tpu.memory_space<hbm>>
      %dma_start3A_37 = arith.constant 0 : i32
      %dma_start3A_38 = tpu.memref_slice %arg3[%mul3A_33, %dma_start3A_37] : memref<1250x128xi32, #tpu.memory_space<hbm>> -> memref<2x128xi32, #tpu.memory_space<hbm>>
      tpu.enqueue_dma source(%dma_start3A_38 : memref<2x128xi32, #tpu.memory_space<hbm>>) target(%arg7 : memref<2x128xi32, #tpu.memory_space<vmem>>) target_semaphore(%arg11 : memref<!tpu.dma_semaphore, #tpu.memory_space<semaphore_mem>>)
      %dma_start3A_39 = arith.constant 0 : i32
      %dma_start3A_40 = tpu.memref_slice %arg4[%mul3A_33, %dma_start3A_39] : memref<1250x128xi32, #tpu.memory_space<hbm>> -> memref<2x128xi32, #tpu.memory_space<hbm>>
      %dma_start3A_41 = arith.constant 0 : i32
      %dma_start3A_42 = tpu.memref_slice %arg4[%mul3A_33, %dma_start3A_41] : memref<1250x128xi32, #tpu.memory_space<hbm>> -> memref<2x128xi32, #tpu.memory_space<hbm>>
      tpu.enqueue_dma source(%dma_start3A_42 : memref<2x128xi32, #tpu.memory_space<hbm>>) target(%arg8 : memref<2x128xi32, #tpu.memory_space<vmem>>) target_semaphore(%arg11 : memref<!tpu.dma_semaphore, #tpu.memory_space<semaphore_mem>>)
      %dma_wait3A_43 = arith.constant 0 : i32
      %dma_wait3A_44 = tpu.memref_slice %arg3[%mul3A_33, %dma_wait3A_43] : memref<1250x128xi32, #tpu.memory_space<hbm>> -> memref<2x128xi32, #tpu.memory_space<hbm>>
      %dma_wait3A_45 = arith.constant 0 : i32
      %dma_wait3A_46 = tpu.memref_slice %arg3[%mul3A_33, %dma_wait3A_45] : memref<1250x128xi32, #tpu.memory_space<hbm>> -> memref<2x128xi32, #tpu.memory_space<hbm>>
      tpu.wait_dma2 semaphore(%arg11 : memref<!tpu.dma_semaphore, #tpu.memory_space<semaphore_mem>>) src(%dma_wait3A_46 : memref<2x128xi32, #tpu.memory_space<hbm>>) dst(%arg7 : memref<2x128xi32, #tpu.memory_space<vmem>>)
      %dma_wait3A_47 = arith.constant 0 : i32
      %dma_wait3A_48 = tpu.memref_slice %arg4[%mul3A_33, %dma_wait3A_47] : memref<1250x128xi32, #tpu.memory_space<hbm>> -> memref<2x128xi32, #tpu.memory_space<hbm>>
      %dma_wait3A_49 = arith.constant 0 : i32
      %dma_wait3A_50 = tpu.memref_slice %arg4[%mul3A_33, %dma_wait3A_49] : memref<1250x128xi32, #tpu.memory_space<hbm>> -> memref<2x128xi32, #tpu.memory_space<hbm>>
      tpu.wait_dma2 semaphore(%arg11 : memref<!tpu.dma_semaphore, #tpu.memory_space<semaphore_mem>>) src(%dma_wait3A_50 : memref<2x128xi32, #tpu.memory_space<hbm>>) dst(%arg8 : memref<2x128xi32, #tpu.memory_space<vmem>>)
      %dma_start3A_51 = arith.constant 0 : i32
      %dma_start3A_52 = arith.constant 0 : i32
      %dma_start3A_53 = arith.constant 0 : i32
      %dma_start3A_54 = tpu.memref_slice %arg9[%dma_start3A_52, %dma_start3A_53] : memref<256x128xf32, #tpu.memory_space<vmem>> -> memref<128x128xf32, #tpu.memory_space<vmem>>
      %dma_start3A_55 = arith.constant 0 : i32
      %dma_start3A_56 = tpu.memref_slice %arg7[%dma_start3A_51, %dma_start3A_55] : memref<2x128xi32, #tpu.memory_space<vmem>> -> memref<1x128xi32, #tpu.memory_space<vmem>>
      %dma_start3A_57 = tpu.memref_squeeze %dma_start3A_56 : memref<1x128xi32, #tpu.memory_space<vmem>> -> memref<128xi32, #tpu.memory_space<vmem>>
      %dma_start3A_58 = arith.constant 0 : i32
      %dma_start3A_59 = arith.constant 0 : i32
      %dma_start3A_60 = tpu.memref_slice %arg2[%dma_start3A_58, %dma_start3A_59] : memref<10000x128xf32, #tpu.memory_space<hbm>> -> memref<10000x128xf32, #tpu.memory_space<hbm>>
      tpu.enqueue_indirect_dma source(%dma_start3A_60 : memref<10000x128xf32, #tpu.memory_space<hbm>>) target(%dma_start3A_54 : memref<128x128xf32, #tpu.memory_space<vmem>>) offsets(%dma_start3A_57 : memref<128xi32, #tpu.memory_space<vmem>>) semaphore(%arg12 : memref<!tpu.dma_semaphore, #tpu.memory_space<semaphore_mem>>)
      %dma_start3A_61 = arith.constant 0 : i32
      %dma_start3A_62 = arith.constant 0 : i32
      %dma_start3A_63 = arith.constant 0 : i32
      %dma_start3A_64 = tpu.memref_slice %arg10[%dma_start3A_62, %dma_start3A_63] : memref<256x128xf32, #tpu.memory_space<vmem>> -> memref<128x128xf32, #tpu.memory_space<vmem>>
      %dma_start3A_65 = arith.constant 0 : i32
      %dma_start3A_66 = tpu.memref_slice %arg8[%dma_start3A_61, %dma_start3A_65] : memref<2x128xi32, #tpu.memory_space<vmem>> -> memref<1x128xi32, #tpu.memory_space<vmem>>
      %dma_start3A_67 = tpu.memref_squeeze %dma_start3A_66 : memref<1x128xi32, #tpu.memory_space<vmem>> -> memref<128xi32, #tpu.memory_space<vmem>>
      %dma_start3A_68 = arith.constant 0 : i32
      %dma_start3A_69 = arith.constant 0 : i32
      %dma_start3A_70 = tpu.memref_slice %arg2[%dma_start3A_68, %dma_start3A_69] : memref<10000x128xf32, #tpu.memory_space<hbm>> -> memref<10000x128xf32, #tpu.memory_space<hbm>>
      tpu.enqueue_indirect_dma source(%dma_start3A_70 : memref<10000x128xf32, #tpu.memory_space<hbm>>) target(%dma_start3A_64 : memref<128x128xf32, #tpu.memory_space<vmem>>) offsets(%dma_start3A_67 : memref<128xi32, #tpu.memory_space<vmem>>) semaphore(%arg12 : memref<!tpu.dma_semaphore, #tpu.memory_space<semaphore_mem>>)
      %dma_start3A_71 = arith.constant 1 : i32
      %dma_start3A_72 = arith.constant 128 : i32
      %dma_start3A_73 = arith.constant 0 : i32
      %dma_start3A_74 = tpu.memref_slice %arg9[%dma_start3A_72, %dma_start3A_73] : memref<256x128xf32, #tpu.memory_space<vmem>> -> memref<128x128xf32, #tpu.memory_space<vmem>>
      %dma_start3A_75 = arith.constant 0 : i32
      %dma_start3A_76 = tpu.memref_slice %arg7[%dma_start3A_71, %dma_start3A_75] : memref<2x128xi32, #tpu.memory_space<vmem>> -> memref<1x128xi32, #tpu.memory_space<vmem>>
      %dma_start3A_77 = tpu.memref_squeeze %dma_start3A_76 : memref<1x128xi32, #tpu.memory_space<vmem>> -> memref<128xi32, #tpu.memory_space<vmem>>
      %dma_start3A_78 = arith.constant 0 : i32
      %dma_start3A_79 = arith.constant 0 : i32
      %dma_start3A_80 = tpu.memref_slice %arg2[%dma_start3A_78, %dma_start3A_79] : memref<10000x128xf32, #tpu.memory_space<hbm>> -> memref<10000x128xf32, #tpu.memory_space<hbm>>
      tpu.enqueue_indirect_dma source(%dma_start3A_80 : memref<10000x128xf32, #tpu.memory_space<hbm>>) target(%dma_start3A_74 : memref<128x128xf32, #tpu.memory_space<vmem>>) offsets(%dma_start3A_77 : memref<128xi32, #tpu.memory_space<vmem>>) semaphore(%arg12 : memref<!tpu.dma_semaphore, #tpu.memory_space<semaphore_mem>>)
      %dma_start3A_81 = arith.constant 1 : i32
      %dma_start3A_82 = arith.constant 128 : i32
      %dma_start3A_83 = arith.constant 0 : i32
      %dma_start3A_84 = tpu.memref_slice %arg10[%dma_start3A_82, %dma_start3A_83] : memref<256x128xf32, #tpu.memory_space<vmem>> -> memref<128x128xf32, #tpu.memory_space<vmem>>
      %dma_start3A_85 = arith.constant 0 : i32
      %dma_start3A_86 = tpu.memref_slice %arg8[%dma_start3A_81, %dma_start3A_85] : memref<2x128xi32, #tpu.memory_space<vmem>> -> memref<1x128xi32, #tpu.memory_space<vmem>>
      %dma_start3A_87 = tpu.memref_squeeze %dma_start3A_86 : memref<1x128xi32, #tpu.memory_space<vmem>> -> memref<128xi32, #tpu.memory_space<vmem>>
      %dma_start3A_88 = arith.constant 0 : i32
      %dma_start3A_89 = arith.constant 0 : i32
      %dma_start3A_90 = tpu.memref_slice %arg2[%dma_start3A_88, %dma_start3A_89] : memref<10000x128xf32, #tpu.memory_space<hbm>> -> memref<10000x128xf32, #tpu.memory_space<hbm>>
      tpu.enqueue_indirect_dma source(%dma_start3A_90 : memref<10000x128xf32, #tpu.memory_space<hbm>>) target(%dma_start3A_84 : memref<128x128xf32, #tpu.memory_space<vmem>>) offsets(%dma_start3A_87 : memref<128xi32, #tpu.memory_space<vmem>>) semaphore(%arg12 : memref<!tpu.dma_semaphore, #tpu.memory_space<semaphore_mem>>)
      %dma_wait3A_91 = arith.constant 0 : i32
      %dma_wait3A_92 = arith.constant 0 : i32
      %dma_wait3A_93 = arith.constant 0 : i32
      %dma_wait3A_94 = tpu.memref_slice %arg9[%dma_wait3A_92, %dma_wait3A_93] : memref<256x128xf32, #tpu.memory_space<vmem>> -> memref<128x128xf32, #tpu.memory_space<vmem>>
      %dma_wait3A_95 = arith.constant 0 : i32
      %dma_wait3A_96 = tpu.memref_slice %arg7[%dma_wait3A_91, %dma_wait3A_95] : memref<2x128xi32, #tpu.memory_space<vmem>> -> memref<1x128xi32, #tpu.memory_space<vmem>>
      %dma_wait3A_97 = tpu.memref_squeeze %dma_wait3A_96 : memref<1x128xi32, #tpu.memory_space<vmem>> -> memref<128xi32, #tpu.memory_space<vmem>>
      %dma_wait3A_98 = arith.constant 0 : i32
      %dma_wait3A_99 = arith.constant 0 : i32
      %dma_wait3A_100 = tpu.memref_slice %arg2[%dma_wait3A_98, %dma_wait3A_99] : memref<10000x128xf32, #tpu.memory_space<hbm>> -> memref<10000x128xf32, #tpu.memory_space<hbm>>
      tpu.wait_indirect_dma semaphore(%arg12 : memref<!tpu.dma_semaphore, #tpu.memory_space<semaphore_mem>>) src(%dma_wait3A_100 : memref<10000x128xf32, #tpu.memory_space<hbm>>) dst(%dma_wait3A_94 : memref<128x128xf32, #tpu.memory_space<vmem>>)
      %dma_wait3A_101 = arith.constant 0 : i32
      %dma_wait3A_102 = arith.constant 0 : i32
      %dma_wait3A_103 = arith.constant 0 : i32
      %dma_wait3A_104 = tpu.memref_slice %arg10[%dma_wait3A_102, %dma_wait3A_103] : memref<256x128xf32, #tpu.memory_space<vmem>> -> memref<128x128xf32, #tpu.memory_space<vmem>>
      %dma_wait3A_105 = arith.constant 0 : i32
      %dma_wait3A_106 = tpu.memref_slice %arg8[%dma_wait3A_101, %dma_wait3A_105] : memref<2x128xi32, #tpu.memory_space<vmem>> -> memref<1x128xi32, #tpu.memory_space<vmem>>
      %dma_wait3A_107 = tpu.memref_squeeze %dma_wait3A_106 : memref<1x128xi32, #tpu.memory_space<vmem>> -> memref<128xi32, #tpu.memory_space<vmem>>
      %dma_wait3A_108 = arith.constant 0 : i32
      %dma_wait3A_109 = arith.constant 0 : i32
      %dma_wait3A_110 = tpu.memref_slice %arg2[%dma_wait3A_108, %dma_wait3A_109] : memref<10000x128xf32, #tpu.memory_space<hbm>> -> memref<10000x128xf32, #tpu.memory_space<hbm>>
      tpu.wait_indirect_dma semaphore(%arg12 : memref<!tpu.dma_semaphore, #tpu.memory_space<semaphore_mem>>) src(%dma_wait3A_110 : memref<10000x128xf32, #tpu.memory_space<hbm>>) dst(%dma_wait3A_104 : memref<128x128xf32, #tpu.memory_space<vmem>>)
      %dma_wait3A_111 = arith.constant 1 : i32
      %dma_wait3A_112 = arith.constant 128 : i32
      %dma_wait3A_113 = arith.constant 0 : i32
      %dma_wait3A_114 = tpu.memref_slice %arg9[%dma_wait3A_112, %dma_wait3A_113] : memref<256x128xf32, #tpu.memory_space<vmem>> -> memref<128x128xf32, #tpu.memory_space<vmem>>
      %dma_wait3A_115 = arith.constant 0 : i32
      %dma_wait3A_116 = tpu.memref_slice %arg7[%dma_wait3A_111, %dma_wait3A_115] : memref<2x128xi32, #tpu.memory_space<vmem>> -> memref<1x128xi32, #tpu.memory_space<vmem>>
      %dma_wait3A_117 = tpu.memref_squeeze %dma_wait3A_116 : memref<1x128xi32, #tpu.memory_space<vmem>> -> memref<128xi32, #tpu.memory_space<vmem>>
      %dma_wait3A_118 = arith.constant 0 : i32
      %dma_wait3A_119 = arith.constant 0 : i32
      %dma_wait3A_120 = tpu.memref_slice %arg2[%dma_wait3A_118, %dma_wait3A_119] : memref<10000x128xf32, #tpu.memory_space<hbm>> -> memref<10000x128xf32, #tpu.memory_space<hbm>>
      tpu.wait_indirect_dma semaphore(%arg12 : memref<!tpu.dma_semaphore, #tpu.memory_space<semaphore_mem>>) src(%dma_wait3A_120 : memref<10000x128xf32, #tpu.memory_space<hbm>>) dst(%dma_wait3A_114 : memref<128x128xf32, #tpu.memory_space<vmem>>)
      %dma_wait3A_121 = arith.constant 1 : i32
      %dma_wait3A_122 = arith.constant 128 : i32
      %dma_wait3A_123 = arith.constant 0 : i32
      %dma_wait3A_124 = tpu.memref_slice %arg10[%dma_wait3A_122, %dma_wait3A_123] : memref<256x128xf32, #tpu.memory_space<vmem>> -> memref<128x128xf32, #tpu.memory_space<vmem>>
      %dma_wait3A_125 = arith.constant 0 : i32
      %dma_wait3A_126 = tpu.memref_slice %arg8[%dma_wait3A_121, %dma_wait3A_125] : memref<2x128xi32, #tpu.memory_space<vmem>> -> memref<1x128xi32, #tpu.memory_space<vmem>>
      %dma_wait3A_127 = tpu.memref_squeeze %dma_wait3A_126 : memref<1x128xi32, #tpu.memory_space<vmem>> -> memref<128xi32, #tpu.memory_space<vmem>>
      %dma_wait3A_128 = arith.constant 0 : i32
      %dma_wait3A_129 = arith.constant 0 : i32
      %dma_wait3A_130 = tpu.memref_slice %arg2[%dma_wait3A_128, %dma_wait3A_129] : memref<10000x128xf32, #tpu.memory_space<hbm>> -> memref<10000x128xf32, #tpu.memory_space<hbm>>
      tpu.wait_indirect_dma semaphore(%arg12 : memref<!tpu.dma_semaphore, #tpu.memory_space<semaphore_mem>>) src(%dma_wait3A_130 : memref<10000x128xf32, #tpu.memory_space<hbm>>) dst(%dma_wait3A_124 : memref<128x128xf32, #tpu.memory_space<vmem>>)
      %dma_start3A_131 = arith.constant 0 : i32
      %dma_start3A_132 = tpu.memref_slice %arg5[%mul3A_30, %dma_start3A_131] : memref<160000x128xf32, #tpu.memory_space<hbm>> -> memref<256x128xf32, #tpu.memory_space<hbm>>
      %dma_start3A_133 = arith.constant 0 : i32
      %dma_start3A_134 = tpu.memref_slice %arg5[%mul3A_30, %dma_start3A_133] : memref<160000x128xf32, #tpu.memory_space<hbm>> -> memref<256x128xf32, #tpu.memory_space<hbm>>
      tpu.enqueue_dma source(%arg9 : memref<256x128xf32, #tpu.memory_space<vmem>>) target(%dma_start3A_134 : memref<256x128xf32, #tpu.memory_space<hbm>>) target_semaphore(%arg13 : memref<!tpu.dma_semaphore, #tpu.memory_space<semaphore_mem>>)
      %dma_start3A_135 = arith.constant 0 : i32
      %dma_start3A_136 = tpu.memref_slice %arg6[%mul3A_30, %dma_start3A_135] : memref<160000x128xf32, #tpu.memory_space<hbm>> -> memref<256x128xf32, #tpu.memory_space<hbm>>
      %dma_start3A_137 = arith.constant 0 : i32
      %dma_start3A_138 = tpu.memref_slice %arg6[%mul3A_30, %dma_start3A_137] : memref<160000x128xf32, #tpu.memory_space<hbm>> -> memref<256x128xf32, #tpu.memory_space<hbm>>
      tpu.enqueue_dma source(%arg10 : memref<256x128xf32, #tpu.memory_space<vmem>>) target(%dma_start3A_138 : memref<256x128xf32, #tpu.memory_space<hbm>>) target_semaphore(%arg13 : memref<!tpu.dma_semaphore, #tpu.memory_space<semaphore_mem>>)
    }
    %add3A_16 = arith.addi %add3A_6, %select_n3A : i32
    %sub3A = arith.constant 1 : i32
    %sub3A_17 = arith.subi %add3A_16, %sub3A : i32
    %mul3A_18 = arith.constant 256 : i32
    %mul3A_19 = arith.muli %sub3A_17, %mul3A_18 : i32
    %dma_wait3A = arith.constant 0 : i32
    %dma_wait3A_20 = tpu.memref_slice %arg5[%mul3A_19, %dma_wait3A] : memref<160000x128xf32, #tpu.memory_space<hbm>> -> memref<256x128xf32, #tpu.memory_space<hbm>>
    %dma_wait3A_21 = arith.constant 0 : i32
    %dma_wait3A_22 = tpu.memref_slice %arg5[%mul3A_19, %dma_wait3A_21] : memref<160000x128xf32, #tpu.memory_space<hbm>> -> memref<256x128xf32, #tpu.memory_space<hbm>>
    tpu.wait_dma2 semaphore(%arg13 : memref<!tpu.dma_semaphore, #tpu.memory_space<semaphore_mem>>) src(%arg9 : memref<256x128xf32, #tpu.memory_space<vmem>>) dst(%dma_wait3A_22 : memref<256x128xf32, #tpu.memory_space<hbm>>)
    %dma_wait3A_23 = arith.constant 0 : i32
    %dma_wait3A_24 = tpu.memref_slice %arg6[%mul3A_19, %dma_wait3A_23] : memref<160000x128xf32, #tpu.memory_space<hbm>> -> memref<256x128xf32, #tpu.memory_space<hbm>>
    %dma_wait3A_25 = arith.constant 0 : i32
    %dma_wait3A_26 = tpu.memref_slice %arg6[%mul3A_19, %dma_wait3A_25] : memref<160000x128xf32, #tpu.memory_space<hbm>> -> memref<256x128xf32, #tpu.memory_space<hbm>>
    tpu.wait_dma2 semaphore(%arg13 : memref<!tpu.dma_semaphore, #tpu.memory_space<semaphore_mem>>) src(%arg10 : memref<256x128xf32, #tpu.memory_space<vmem>>) dst(%dma_wait3A_26 : memref<256x128xf32, #tpu.memory_space<hbm>>)
    return
  }
}

#map = affine_map<(d0, d1) -> (0, 0)>
module attributes {stable_mosaic.version = 14 : i64} {
  func.func @_sc_gather_body(%arg0: i32, %arg1: i32, %arg2: memref<10000x128xf32, #tpu.memory_space<hbm>>, %arg3: memref<1250x128xi32, #tpu.memory_space<hbm>>, %arg4: memref<1250x128xi32, #tpu.memory_space<hbm>>, %arg5: memref<160000x128xf32, #tpu.memory_space<hbm>>, %arg6: memref<160000x128xf32, #tpu.memory_space<hbm>>, %arg7: memref<2x128xi32, #tpu.memory_space<vmem>>, %arg8: memref<2x128xi32, #tpu.memory_space<vmem>>, %arg9: memref<256x128xf32, #tpu.memory_space<vmem>>, %arg10: memref<256x128xf32, #tpu.memory_space<vmem>>, %arg11: memref<!tpu.dma_semaphore, #tpu.memory_space<semaphore_mem>>, %arg12: memref<!tpu.dma_semaphore, #tpu.memory_space<semaphore_mem>>, %arg13: memref<!tpu.dma_semaphore, #tpu.memory_space<semaphore_mem>>) attributes {dimension_semantics = [#tpu.dimension_semantics<core_parallel>, #tpu.dimension_semantics<subcore_parallel>], iteration_bounds = array<i64: 2, 16>, scalar_prefetch = 0 : i64, scratch_operands = 7 : i64, tpu.core_type = #tpu.core_type<sc_vector_subcore>, window_params = [{transform_indices = #map}, {transform_indices = #map}, {transform_indices = #map}, {transform_indices = #map}, {transform_indices = #map}]} {
    %mul3A = arith.constant 2 : i32
    %mul3A_0 = arith.muli %arg1, %mul3A : i32
    %add3A = arith.addi %mul3A_0, %arg0 : i32
    %lt3A = arith.constant 17 : i32
    %lt3A_1 = arith.cmpi slt, %add3A, %lt3A : i32
    %jit3A = arith.constant 20 : i32
    %jit3A_2 = arith.constant 19 : i32
    %select_n3A = arith.select %lt3A_1, %jit3A, %jit3A_2 : i32
    %mul3A_3 = arith.constant 19 : i32
    %mul3A_4 = arith.muli %add3A, %mul3A_3 : i32
    %min3A = arith.constant 17 : i32
    %min3A_5 = arith.minsi %add3A, %min3A : i32
    %add3A_6 = arith.addi %mul3A_4, %min3A_5 : i32
    %while3A = arith.constant 0 : i32
    %while3A_7 = arith.constant 0 : i32
    %while3A_8 = arith.subi %select_n3A, %while3A_7 : i32
    %while3A_9 = arith.addi %while3A_7, %while3A_8 : i32
    %while3A_10 = arith.constant 1 : i32
    %while3A_11 = arith.divsi %while3A_8, %while3A_10 : i32
    %while3A_12 = arith.muli %while3A_11, %while3A_10 : i32
    %while3A_13 = arith.addi %while3A_7, %while3A_12 : i32
    %while3A_14 = arith.constant 1 : i32
    scf.for %while3A_27 = %while3A_7 to %while3A_13 step %while3A_14  : i32 {
      %add3A_28 = arith.addi %add3A_6, %while3A_27 : i32
      %mul3A_29 = arith.constant 256 : i32
      %mul3A_30 = arith.muli %add3A_28, %mul3A_29 : i32
      %add3A_31 = arith.addi %add3A_6, %while3A_27 : i32
      %mul3A_32 = arith.constant 2 : i32
      %mul3A_33 = arith.muli %add3A_31, %mul3A_32 : i32
      %gt3A = arith.constant 0 : i32
      %gt3A_34 = arith.cmpi sgt, %while3A_27, %gt3A : i32
      %convert_element_type3A = arith.extui %gt3A_34 : i1 to i32
      %cond3A = arith.constant 0 : i32
      %cond3A_35 = arith.cmpi ne, %convert_element_type3A, %cond3A : i32
      scf.if %cond3A_35 {
        %add3A_139 = arith.addi %add3A_6, %while3A_27 : i32
        %sub3A_140 = arith.constant 1 : i32
        %sub3A_141 = arith.subi %add3A_139, %sub3A_140 : i32
        %mul3A_142 = arith.constant 256 : i32
        %mul3A_143 = arith.muli %sub3A_141, %mul3A_142 : i32
        %dma_wait3A_144 = arith.constant 0 : i32
        %dma_wait3A_145 = tpu.memref_slice %arg5[%mul3A_143, %dma_wait3A_144] : memref<160000x128xf32, #tpu.memory_space<hbm>> -> memref<256x128xf32, #tpu.memory_space<hbm>>
        %dma_wait3A_146 = arith.constant 0 : i32
        %dma_wait3A_147 = tpu.memref_slice %arg5[%mul3A_143, %dma_wait3A_146] : memref<160000x128xf32, #tpu.memory_space<hbm>> -> memref<256x128xf32, #tpu.memory_space<hbm>>
        tpu.wait_dma2 semaphore(%arg13 : memref<!tpu.dma_semaphore, #tpu.memory_space<semaphore_mem>>) src(%arg9 : memref<256x128xf32, #tpu.memory_space<vmem>>) dst(%dma_wait3A_147 : memref<256x128xf32, #tpu.memory_space<hbm>>)
        %dma_wait3A_148 = arith.constant 0 : i32
        %dma_wait3A_149 = tpu.memref_slice %arg6[%mul3A_143, %dma_wait3A_148] : memref<160000x128xf32, #tpu.memory_space<hbm>> -> memref<256x128xf32, #tpu.memory_space<hbm>>
        %dma_wait3A_150 = arith.constant 0 : i32
        %dma_wait3A_151 = tpu.memref_slice %arg6[%mul3A_143, %dma_wait3A_150] : memref<160000x128xf32, #tpu.memory_space<hbm>> -> memref<256x128xf32, #tpu.memory_space<hbm>>
        tpu.wait_dma2 semaphore(%arg13 : memref<!tpu.dma_semaphore, #tpu.memory_space<semaphore_mem>>) src(%arg10 : memref<256x128xf32, #tpu.memory_space<vmem>>) dst(%dma_wait3A_151 : memref<256x128xf32, #tpu.memory_space<hbm>>)
      } else {
      }
      %dma_start3A = arith.constant 0 : i32
      %dma_start3A_36 = tpu.memref_slice %arg3[%mul3A_33, %dma_start3A] : memref<1250x128xi32, #tpu.memory_space<hbm>> -> memref<2x128xi32, #tpu.memory_space<hbm>>
      %dma_start3A_37 = arith.constant 0 : i32
      %dma_start3A_38 = tpu.memref_slice %arg3[%mul3A_33, %dma_start3A_37] : memref<1250x128xi32, #tpu.memory_space<hbm>> -> memref<2x128xi32, #tpu.memory_space<hbm>>
      tpu.enqueue_dma source(%dma_start3A_38 : memref<2x128xi32, #tpu.memory_space<hbm>>) target(%arg7 : memref<2x128xi32, #tpu.memory_space<vmem>>) target_semaphore(%arg11 : memref<!tpu.dma_semaphore, #tpu.memory_space<semaphore_mem>>)
      %dma_start3A_39 = arith.constant 0 : i32
      %dma_start3A_40 = tpu.memref_slice %arg4[%mul3A_33, %dma_start3A_39] : memref<1250x128xi32, #tpu.memory_space<hbm>> -> memref<2x128xi32, #tpu.memory_space<hbm>>
      %dma_start3A_41 = arith.constant 0 : i32
      %dma_start3A_42 = tpu.memref_slice %arg4[%mul3A_33, %dma_start3A_41] : memref<1250x128xi32, #tpu.memory_space<hbm>> -> memref<2x128xi32, #tpu.memory_space<hbm>>
      tpu.enqueue_dma source(%dma_start3A_42 : memref<2x128xi32, #tpu.memory_space<hbm>>) target(%arg8 : memref<2x128xi32, #tpu.memory_space<vmem>>) target_semaphore(%arg11 : memref<!tpu.dma_semaphore, #tpu.memory_space<semaphore_mem>>)
      %dma_wait3A_43 = arith.constant 0 : i32
      %dma_wait3A_44 = tpu.memref_slice %arg3[%mul3A_33, %dma_wait3A_43] : memref<1250x128xi32, #tpu.memory_space<hbm>> -> memref<2x128xi32, #tpu.memory_space<hbm>>
      %dma_wait3A_45 = arith.constant 0 : i32
      %dma_wait3A_46 = tpu.memref_slice %arg3[%mul3A_33, %dma_wait3A_45] : memref<1250x128xi32, #tpu.memory_space<hbm>> -> memref<2x128xi32, #tpu.memory_space<hbm>>
      tpu.wait_dma2 semaphore(%arg11 : memref<!tpu.dma_semaphore, #tpu.memory_space<semaphore_mem>>) src(%dma_wait3A_46 : memref<2x128xi32, #tpu.memory_space<hbm>>) dst(%arg7 : memref<2x128xi32, #tpu.memory_space<vmem>>)
      %dma_wait3A_47 = arith.constant 0 : i32
      %dma_wait3A_48 = tpu.memref_slice %arg4[%mul3A_33, %dma_wait3A_47] : memref<1250x128xi32, #tpu.memory_space<hbm>> -> memref<2x128xi32, #tpu.memory_space<hbm>>
      %dma_wait3A_49 = arith.constant 0 : i32
      %dma_wait3A_50 = tpu.memref_slice %arg4[%mul3A_33, %dma_wait3A_49] : memref<1250x128xi32, #tpu.memory_space<hbm>> -> memref<2x128xi32, #tpu.memory_space<hbm>>
      tpu.wait_dma2 semaphore(%arg11 : memref<!tpu.dma_semaphore, #tpu.memory_space<semaphore_mem>>) src(%dma_wait3A_50 : memref<2x128xi32, #tpu.memory_space<hbm>>) dst(%arg8 : memref<2x128xi32, #tpu.memory_space<vmem>>)
      %dma_start3A_51 = arith.constant 0 : i32
      %dma_start3A_52 = arith.constant 0 : i32
      %dma_start3A_53 = arith.constant 0 : i32
      %dma_start3A_54 = tpu.memref_slice %arg9[%dma_start3A_52, %dma_start3A_53] : memref<256x128xf32, #tpu.memory_space<vmem>> -> memref<128x128xf32, #tpu.memory_space<vmem>>
      %dma_start3A_55 = arith.constant 0 : i32
      %dma_start3A_56 = tpu.memref_slice %arg7[%dma_start3A_51, %dma_start3A_55] : memref<2x128xi32, #tpu.memory_space<vmem>> -> memref<1x128xi32, #tpu.memory_space<vmem>>
      %dma_start3A_57 = tpu.memref_squeeze %dma_start3A_56 : memref<1x128xi32, #tpu.memory_space<vmem>> -> memref<128xi32, #tpu.memory_space<vmem>>
      %dma_start3A_58 = arith.constant 0 : i32
      %dma_start3A_59 = arith.constant 0 : i32
      %dma_start3A_60 = tpu.memref_slice %arg2[%dma_start3A_58, %dma_start3A_59] : memref<10000x128xf32, #tpu.memory_space<hbm>> -> memref<10000x128xf32, #tpu.memory_space<hbm>>
      tpu.enqueue_indirect_dma source(%dma_start3A_60 : memref<10000x128xf32, #tpu.memory_space<hbm>>) target(%dma_start3A_54 : memref<128x128xf32, #tpu.memory_space<vmem>>) offsets(%dma_start3A_57 : memref<128xi32, #tpu.memory_space<vmem>>) semaphore(%arg12 : memref<!tpu.dma_semaphore, #tpu.memory_space<semaphore_mem>>)
      %dma_start3A_61 = arith.constant 0 : i32
      %dma_start3A_62 = arith.constant 0 : i32
      %dma_start3A_63 = arith.constant 0 : i32
      %dma_start3A_64 = tpu.memref_slice %arg10[%dma_start3A_62, %dma_start3A_63] : memref<256x128xf32, #tpu.memory_space<vmem>> -> memref<128x128xf32, #tpu.memory_space<vmem>>
      %dma_start3A_65 = arith.constant 0 : i32
      %dma_start3A_66 = tpu.memref_slice %arg8[%dma_start3A_61, %dma_start3A_65] : memref<2x128xi32, #tpu.memory_space<vmem>> -> memref<1x128xi32, #tpu.memory_space<vmem>>
      %dma_start3A_67 = tpu.memref_squeeze %dma_start3A_66 : memref<1x128xi32, #tpu.memory_space<vmem>> -> memref<128xi32, #tpu.memory_space<vmem>>
      %dma_start3A_68 = arith.constant 0 : i32
      %dma_start3A_69 = arith.constant 0 : i32
      %dma_start3A_70 = tpu.memref_slice %arg2[%dma_start3A_68, %dma_start3A_69] : memref<10000x128xf32, #tpu.memory_space<hbm>> -> memref<10000x128xf32, #tpu.memory_space<hbm>>
      tpu.enqueue_indirect_dma source(%dma_start3A_70 : memref<10000x128xf32, #tpu.memory_space<hbm>>) target(%dma_start3A_64 : memref<128x128xf32, #tpu.memory_space<vmem>>) offsets(%dma_start3A_67 : memref<128xi32, #tpu.memory_space<vmem>>) semaphore(%arg12 : memref<!tpu.dma_semaphore, #tpu.memory_space<semaphore_mem>>)
      %dma_start3A_71 = arith.constant 1 : i32
      %dma_start3A_72 = arith.constant 128 : i32
      %dma_start3A_73 = arith.constant 0 : i32
      %dma_start3A_74 = tpu.memref_slice %arg9[%dma_start3A_72, %dma_start3A_73] : memref<256x128xf32, #tpu.memory_space<vmem>> -> memref<128x128xf32, #tpu.memory_space<vmem>>
      %dma_start3A_75 = arith.constant 0 : i32
      %dma_start3A_76 = tpu.memref_slice %arg7[%dma_start3A_71, %dma_start3A_75] : memref<2x128xi32, #tpu.memory_space<vmem>> -> memref<1x128xi32, #tpu.memory_space<vmem>>
      %dma_start3A_77 = tpu.memref_squeeze %dma_start3A_76 : memref<1x128xi32, #tpu.memory_space<vmem>> -> memref<128xi32, #tpu.memory_space<vmem>>
      %dma_start3A_78 = arith.constant 0 : i32
      %dma_start3A_79 = arith.constant 0 : i32
      %dma_start3A_80 = tpu.memref_slice %arg2[%dma_start3A_78, %dma_start3A_79] : memref<10000x128xf32, #tpu.memory_space<hbm>> -> memref<10000x128xf32, #tpu.memory_space<hbm>>
      tpu.enqueue_indirect_dma source(%dma_start3A_80 : memref<10000x128xf32, #tpu.memory_space<hbm>>) target(%dma_start3A_74 : memref<128x128xf32, #tpu.memory_space<vmem>>) offsets(%dma_start3A_77 : memref<128xi32, #tpu.memory_space<vmem>>) semaphore(%arg12 : memref<!tpu.dma_semaphore, #tpu.memory_space<semaphore_mem>>)
      %dma_start3A_81 = arith.constant 1 : i32
      %dma_start3A_82 = arith.constant 128 : i32
      %dma_start3A_83 = arith.constant 0 : i32
      %dma_start3A_84 = tpu.memref_slice %arg10[%dma_start3A_82, %dma_start3A_83] : memref<256x128xf32, #tpu.memory_space<vmem>> -> memref<128x128xf32, #tpu.memory_space<vmem>>
      %dma_start3A_85 = arith.constant 0 : i32
      %dma_start3A_86 = tpu.memref_slice %arg8[%dma_start3A_81, %dma_start3A_85] : memref<2x128xi32, #tpu.memory_space<vmem>> -> memref<1x128xi32, #tpu.memory_space<vmem>>
      %dma_start3A_87 = tpu.memref_squeeze %dma_start3A_86 : memref<1x128xi32, #tpu.memory_space<vmem>> -> memref<128xi32, #tpu.memory_space<vmem>>
      %dma_start3A_88 = arith.constant 0 : i32
      %dma_start3A_89 = arith.constant 0 : i32
      %dma_start3A_90 = tpu.memref_slice %arg2[%dma_start3A_88, %dma_start3A_89] : memref<10000x128xf32, #tpu.memory_space<hbm>> -> memref<10000x128xf32, #tpu.memory_space<hbm>>
      tpu.enqueue_indirect_dma source(%dma_start3A_90 : memref<10000x128xf32, #tpu.memory_space<hbm>>) target(%dma_start3A_84 : memref<128x128xf32, #tpu.memory_space<vmem>>) offsets(%dma_start3A_87 : memref<128xi32, #tpu.memory_space<vmem>>) semaphore(%arg12 : memref<!tpu.dma_semaphore, #tpu.memory_space<semaphore_mem>>)
      %dma_wait3A_91 = arith.constant 0 : i32
      %dma_wait3A_92 = arith.constant 0 : i32
      %dma_wait3A_93 = arith.constant 0 : i32
      %dma_wait3A_94 = tpu.memref_slice %arg9[%dma_wait3A_92, %dma_wait3A_93] : memref<256x128xf32, #tpu.memory_space<vmem>> -> memref<128x128xf32, #tpu.memory_space<vmem>>
      %dma_wait3A_95 = arith.constant 0 : i32
      %dma_wait3A_96 = tpu.memref_slice %arg7[%dma_wait3A_91, %dma_wait3A_95] : memref<2x128xi32, #tpu.memory_space<vmem>> -> memref<1x128xi32, #tpu.memory_space<vmem>>
      %dma_wait3A_97 = tpu.memref_squeeze %dma_wait3A_96 : memref<1x128xi32, #tpu.memory_space<vmem>> -> memref<128xi32, #tpu.memory_space<vmem>>
      %dma_wait3A_98 = arith.constant 0 : i32
      %dma_wait3A_99 = arith.constant 0 : i32
      %dma_wait3A_100 = tpu.memref_slice %arg2[%dma_wait3A_98, %dma_wait3A_99] : memref<10000x128xf32, #tpu.memory_space<hbm>> -> memref<10000x128xf32, #tpu.memory_space<hbm>>
      tpu.wait_indirect_dma semaphore(%arg12 : memref<!tpu.dma_semaphore, #tpu.memory_space<semaphore_mem>>) src(%dma_wait3A_100 : memref<10000x128xf32, #tpu.memory_space<hbm>>) dst(%dma_wait3A_94 : memref<128x128xf32, #tpu.memory_space<vmem>>)
      %dma_wait3A_101 = arith.constant 0 : i32
      %dma_wait3A_102 = arith.constant 0 : i32
      %dma_wait3A_103 = arith.constant 0 : i32
      %dma_wait3A_104 = tpu.memref_slice %arg10[%dma_wait3A_102, %dma_wait3A_103] : memref<256x128xf32, #tpu.memory_space<vmem>> -> memref<128x128xf32, #tpu.memory_space<vmem>>
      %dma_wait3A_105 = arith.constant 0 : i32
      %dma_wait3A_106 = tpu.memref_slice %arg8[%dma_wait3A_101, %dma_wait3A_105] : memref<2x128xi32, #tpu.memory_space<vmem>> -> memref<1x128xi32, #tpu.memory_space<vmem>>
      %dma_wait3A_107 = tpu.memref_squeeze %dma_wait3A_106 : memref<1x128xi32, #tpu.memory_space<vmem>> -> memref<128xi32, #tpu.memory_space<vmem>>
      %dma_wait3A_108 = arith.constant 0 : i32
      %dma_wait3A_109 = arith.constant 0 : i32
      %dma_wait3A_110 = tpu.memref_slice %arg2[%dma_wait3A_108, %dma_wait3A_109] : memref<10000x128xf32, #tpu.memory_space<hbm>> -> memref<10000x128xf32, #tpu.memory_space<hbm>>
      tpu.wait_indirect_dma semaphore(%arg12 : memref<!tpu.dma_semaphore, #tpu.memory_space<semaphore_mem>>) src(%dma_wait3A_110 : memref<10000x128xf32, #tpu.memory_space<hbm>>) dst(%dma_wait3A_104 : memref<128x128xf32, #tpu.memory_space<vmem>>)
      %dma_wait3A_111 = arith.constant 1 : i32
      %dma_wait3A_112 = arith.constant 128 : i32
      %dma_wait3A_113 = arith.constant 0 : i32
      %dma_wait3A_114 = tpu.memref_slice %arg9[%dma_wait3A_112, %dma_wait3A_113] : memref<256x128xf32, #tpu.memory_space<vmem>> -> memref<128x128xf32, #tpu.memory_space<vmem>>
      %dma_wait3A_115 = arith.constant 0 : i32
      %dma_wait3A_116 = tpu.memref_slice %arg7[%dma_wait3A_111, %dma_wait3A_115] : memref<2x128xi32, #tpu.memory_space<vmem>> -> memref<1x128xi32, #tpu.memory_space<vmem>>
      %dma_wait3A_117 = tpu.memref_squeeze %dma_wait3A_116 : memref<1x128xi32, #tpu.memory_space<vmem>> -> memref<128xi32, #tpu.memory_space<vmem>>
      %dma_wait3A_118 = arith.constant 0 : i32
      %dma_wait3A_119 = arith.constant 0 : i32
      %dma_wait3A_120 = tpu.memref_slice %arg2[%dma_wait3A_118, %dma_wait3A_119] : memref<10000x128xf32, #tpu.memory_space<hbm>> -> memref<10000x128xf32, #tpu.memory_space<hbm>>
      tpu.wait_indirect_dma semaphore(%arg12 : memref<!tpu.dma_semaphore, #tpu.memory_space<semaphore_mem>>) src(%dma_wait3A_120 : memref<10000x128xf32, #tpu.memory_space<hbm>>) dst(%dma_wait3A_114 : memref<128x128xf32, #tpu.memory_space<vmem>>)
      %dma_wait3A_121 = arith.constant 1 : i32
      %dma_wait3A_122 = arith.constant 128 : i32
      %dma_wait3A_123 = arith.constant 0 : i32
      %dma_wait3A_124 = tpu.memref_slice %arg10[%dma_wait3A_122, %dma_wait3A_123] : memref<256x128xf32, #tpu.memory_space<vmem>> -> memref<128x128xf32, #tpu.memory_space<vmem>>
      %dma_wait3A_125 = arith.constant 0 : i32
      %dma_wait3A_126 = tpu.memref_slice %arg8[%dma_wait3A_121, %dma_wait3A_125] : memref<2x128xi32, #tpu.memory_space<vmem>> -> memref<1x128xi32, #tpu.memory_space<vmem>>
      %dma_wait3A_127 = tpu.memref_squeeze %dma_wait3A_126 : memref<1x128xi32, #tpu.memory_space<vmem>> -> memref<128xi32, #tpu.memory_space<vmem>>
      %dma_wait3A_128 = arith.constant 0 : i32
      %dma_wait3A_129 = arith.constant 0 : i32
      %dma_wait3A_130 = tpu.memref_slice %arg2[%dma_wait3A_128, %dma_wait3A_129] : memref<10000x128xf32, #tpu.memory_space<hbm>> -> memref<10000x128xf32, #tpu.memory_space<hbm>>
      tpu.wait_indirect_dma semaphore(%arg12 : memref<!tpu.dma_semaphore, #tpu.memory_space<semaphore_mem>>) src(%dma_wait3A_130 : memref<10000x128xf32, #tpu.memory_space<hbm>>) dst(%dma_wait3A_124 : memref<128x128xf32, #tpu.memory_space<vmem>>)
      %dma_start3A_131 = arith.constant 0 : i32
      %dma_start3A_132 = tpu.memref_slice %arg5[%mul3A_30, %dma_start3A_131] : memref<160000x128xf32, #tpu.memory_space<hbm>> -> memref<256x128xf32, #tpu.memory_space<hbm>>
      %dma_start3A_133 = arith.constant 0 : i32
      %dma_start3A_134 = tpu.memref_slice %arg5[%mul3A_30, %dma_start3A_133] : memref<160000x128xf32, #tpu.memory_space<hbm>> -> memref<256x128xf32, #tpu.memory_space<hbm>>
      tpu.enqueue_dma source(%arg9 : memref<256x128xf32, #tpu.memory_space<vmem>>) target(%dma_start3A_134 : memref<256x128xf32, #tpu.memory_space<hbm>>) target_semaphore(%arg13 : memref<!tpu.dma_semaphore, #tpu.memory_space<semaphore_mem>>)
      %dma_start3A_135 = arith.constant 0 : i32
      %dma_start3A_136 = tpu.memref_slice %arg6[%mul3A_30, %dma_start3A_135] : memref<160000x128xf32, #tpu.memory_space<hbm>> -> memref<256x128xf32, #tpu.memory_space<hbm>>
      %dma_start3A_137 = arith.constant 0 : i32
      %dma_start3A_138 = tpu.memref_slice %arg6[%mul3A_30, %dma_start3A_137] : memref<160000x128xf32, #tpu.memory_space<hbm>> -> memref<256x128xf32, #tpu.memory_space<hbm>>
      tpu.enqueue_dma source(%arg10 : memref<256x128xf32, #tpu.memory_space<vmem>>) target(%dma_start3A_138 : memref<256x128xf32, #tpu.memory_space<hbm>>) target_semaphore(%arg13 : memref<!tpu.dma_semaphore, #tpu.memory_space<semaphore_mem>>)
    }
    %while3A_15 = arith.constant 1 : i32
    scf.for %while3A_27 = %while3A_13 to %while3A_9 step %while3A_15  : i32 {
      %add3A_28 = arith.addi %add3A_6, %while3A_27 : i32
      %mul3A_29 = arith.constant 256 : i32
      %mul3A_30 = arith.muli %add3A_28, %mul3A_29 : i32
      %add3A_31 = arith.addi %add3A_6, %while3A_27 : i32
      %mul3A_32 = arith.constant 2 : i32
      %mul3A_33 = arith.muli %add3A_31, %mul3A_32 : i32
      %gt3A = arith.constant 0 : i32
      %gt3A_34 = arith.cmpi sgt, %while3A_27, %gt3A : i32
      %convert_element_type3A = arith.extui %gt3A_34 : i1 to i32
      %cond3A = arith.constant 0 : i32
      %cond3A_35 = arith.cmpi ne, %convert_element_type3A, %cond3A : i32
      scf.if %cond3A_35 {
        %add3A_139 = arith.addi %add3A_6, %while3A_27 : i32
        %sub3A_140 = arith.constant 1 : i32
        %sub3A_141 = arith.subi %add3A_139, %sub3A_140 : i32
        %mul3A_142 = arith.constant 256 : i32
        %mul3A_143 = arith.muli %sub3A_141, %mul3A_142 : i32
        %dma_wait3A_144 = arith.constant 0 : i32
        %dma_wait3A_145 = tpu.memref_slice %arg5[%mul3A_143, %dma_wait3A_144] : memref<160000x128xf32, #tpu.memory_space<hbm>> -> memref<256x128xf32, #tpu.memory_space<hbm>>
        %dma_wait3A_146 = arith.constant 0 : i32
        %dma_wait3A_147 = tpu.memref_slice %arg5[%mul3A_143, %dma_wait3A_146] : memref<160000x128xf32, #tpu.memory_space<hbm>> -> memref<256x128xf32, #tpu.memory_space<hbm>>
        tpu.wait_dma2 semaphore(%arg13 : memref<!tpu.dma_semaphore, #tpu.memory_space<semaphore_mem>>) src(%arg9 : memref<256x128xf32, #tpu.memory_space<vmem>>) dst(%dma_wait3A_147 : memref<256x128xf32, #tpu.memory_space<hbm>>)
        %dma_wait3A_148 = arith.constant 0 : i32
        %dma_wait3A_149 = tpu.memref_slice %arg6[%mul3A_143, %dma_wait3A_148] : memref<160000x128xf32, #tpu.memory_space<hbm>> -> memref<256x128xf32, #tpu.memory_space<hbm>>
        %dma_wait3A_150 = arith.constant 0 : i32
        %dma_wait3A_151 = tpu.memref_slice %arg6[%mul3A_143, %dma_wait3A_150] : memref<160000x128xf32, #tpu.memory_space<hbm>> -> memref<256x128xf32, #tpu.memory_space<hbm>>
        tpu.wait_dma2 semaphore(%arg13 : memref<!tpu.dma_semaphore, #tpu.memory_space<semaphore_mem>>) src(%arg10 : memref<256x128xf32, #tpu.memory_space<vmem>>) dst(%dma_wait3A_151 : memref<256x128xf32, #tpu.memory_space<hbm>>)
      } else {
      }
      %dma_start3A = arith.constant 0 : i32
      %dma_start3A_36 = tpu.memref_slice %arg3[%mul3A_33, %dma_start3A] : memref<1250x128xi32, #tpu.memory_space<hbm>> -> memref<2x128xi32, #tpu.memory_space<hbm>>
      %dma_start3A_37 = arith.constant 0 : i32
      %dma_start3A_38 = tpu.memref_slice %arg3[%mul3A_33, %dma_start3A_37] : memref<1250x128xi32, #tpu.memory_space<hbm>> -> memref<2x128xi32, #tpu.memory_space<hbm>>
      tpu.enqueue_dma source(%dma_start3A_38 : memref<2x128xi32, #tpu.memory_space<hbm>>) target(%arg7 : memref<2x128xi32, #tpu.memory_space<vmem>>) target_semaphore(%arg11 : memref<!tpu.dma_semaphore, #tpu.memory_space<semaphore_mem>>)
      %dma_start3A_39 = arith.constant 0 : i32
      %dma_start3A_40 = tpu.memref_slice %arg4[%mul3A_33, %dma_start3A_39] : memref<1250x128xi32, #tpu.memory_space<hbm>> -> memref<2x128xi32, #tpu.memory_space<hbm>>
      %dma_start3A_41 = arith.constant 0 : i32
      %dma_start3A_42 = tpu.memref_slice %arg4[%mul3A_33, %dma_start3A_41] : memref<1250x128xi32, #tpu.memory_space<hbm>> -> memref<2x128xi32, #tpu.memory_space<hbm>>
      tpu.enqueue_dma source(%dma_start3A_42 : memref<2x128xi32, #tpu.memory_space<hbm>>) target(%arg8 : memref<2x128xi32, #tpu.memory_space<vmem>>) target_semaphore(%arg11 : memref<!tpu.dma_semaphore, #tpu.memory_space<semaphore_mem>>)
      %dma_wait3A_43 = arith.constant 0 : i32
      %dma_wait3A_44 = tpu.memref_slice %arg3[%mul3A_33, %dma_wait3A_43] : memref<1250x128xi32, #tpu.memory_space<hbm>> -> memref<2x128xi32, #tpu.memory_space<hbm>>
      %dma_wait3A_45 = arith.constant 0 : i32
      %dma_wait3A_46 = tpu.memref_slice %arg3[%mul3A_33, %dma_wait3A_45] : memref<1250x128xi32, #tpu.memory_space<hbm>> -> memref<2x128xi32, #tpu.memory_space<hbm>>
      tpu.wait_dma2 semaphore(%arg11 : memref<!tpu.dma_semaphore, #tpu.memory_space<semaphore_mem>>) src(%dma_wait3A_46 : memref<2x128xi32, #tpu.memory_space<hbm>>) dst(%arg7 : memref<2x128xi32, #tpu.memory_space<vmem>>)
      %dma_wait3A_47 = arith.constant 0 : i32
      %dma_wait3A_48 = tpu.memref_slice %arg4[%mul3A_33, %dma_wait3A_47] : memref<1250x128xi32, #tpu.memory_space<hbm>> -> memref<2x128xi32, #tpu.memory_space<hbm>>
      %dma_wait3A_49 = arith.constant 0 : i32
      %dma_wait3A_50 = tpu.memref_slice %arg4[%mul3A_33, %dma_wait3A_49] : memref<1250x128xi32, #tpu.memory_space<hbm>> -> memref<2x128xi32, #tpu.memory_space<hbm>>
      tpu.wait_dma2 semaphore(%arg11 : memref<!tpu.dma_semaphore, #tpu.memory_space<semaphore_mem>>) src(%dma_wait3A_50 : memref<2x128xi32, #tpu.memory_space<hbm>>) dst(%arg8 : memref<2x128xi32, #tpu.memory_space<vmem>>)
      %dma_start3A_51 = arith.constant 0 : i32
      %dma_start3A_52 = arith.constant 0 : i32
      %dma_start3A_53 = arith.constant 0 : i32
      %dma_start3A_54 = tpu.memref_slice %arg9[%dma_start3A_52, %dma_start3A_53] : memref<256x128xf32, #tpu.memory_space<vmem>> -> memref<128x128xf32, #tpu.memory_space<vmem>>
      %dma_start3A_55 = arith.constant 0 : i32
      %dma_start3A_56 = tpu.memref_slice %arg7[%dma_start3A_51, %dma_start3A_55] : memref<2x128xi32, #tpu.memory_space<vmem>> -> memref<1x128xi32, #tpu.memory_space<vmem>>
      %dma_start3A_57 = tpu.memref_squeeze %dma_start3A_56 : memref<1x128xi32, #tpu.memory_space<vmem>> -> memref<128xi32, #tpu.memory_space<vmem>>
      %dma_start3A_58 = arith.constant 0 : i32
      %dma_start3A_59 = arith.constant 0 : i32
      %dma_start3A_60 = tpu.memref_slice %arg2[%dma_start3A_58, %dma_start3A_59] : memref<10000x128xf32, #tpu.memory_space<hbm>> -> memref<10000x128xf32, #tpu.memory_space<hbm>>
      tpu.enqueue_indirect_dma source(%dma_start3A_60 : memref<10000x128xf32, #tpu.memory_space<hbm>>) target(%dma_start3A_54 : memref<128x128xf32, #tpu.memory_space<vmem>>) offsets(%dma_start3A_57 : memref<128xi32, #tpu.memory_space<vmem>>) semaphore(%arg12 : memref<!tpu.dma_semaphore, #tpu.memory_space<semaphore_mem>>)
      %dma_start3A_61 = arith.constant 0 : i32
      %dma_start3A_62 = arith.constant 0 : i32
      %dma_start3A_63 = arith.constant 0 : i32
      %dma_start3A_64 = tpu.memref_slice %arg10[%dma_start3A_62, %dma_start3A_63] : memref<256x128xf32, #tpu.memory_space<vmem>> -> memref<128x128xf32, #tpu.memory_space<vmem>>
      %dma_start3A_65 = arith.constant 0 : i32
      %dma_start3A_66 = tpu.memref_slice %arg8[%dma_start3A_61, %dma_start3A_65] : memref<2x128xi32, #tpu.memory_space<vmem>> -> memref<1x128xi32, #tpu.memory_space<vmem>>
      %dma_start3A_67 = tpu.memref_squeeze %dma_start3A_66 : memref<1x128xi32, #tpu.memory_space<vmem>> -> memref<128xi32, #tpu.memory_space<vmem>>
      %dma_start3A_68 = arith.constant 0 : i32
      %dma_start3A_69 = arith.constant 0 : i32
      %dma_start3A_70 = tpu.memref_slice %arg2[%dma_start3A_68, %dma_start3A_69] : memref<10000x128xf32, #tpu.memory_space<hbm>> -> memref<10000x128xf32, #tpu.memory_space<hbm>>
      tpu.enqueue_indirect_dma source(%dma_start3A_70 : memref<10000x128xf32, #tpu.memory_space<hbm>>) target(%dma_start3A_64 : memref<128x128xf32, #tpu.memory_space<vmem>>) offsets(%dma_start3A_67 : memref<128xi32, #tpu.memory_space<vmem>>) semaphore(%arg12 : memref<!tpu.dma_semaphore, #tpu.memory_space<semaphore_mem>>)
      %dma_start3A_71 = arith.constant 1 : i32
      %dma_start3A_72 = arith.constant 128 : i32
      %dma_start3A_73 = arith.constant 0 : i32
      %dma_start3A_74 = tpu.memref_slice %arg9[%dma_start3A_72, %dma_start3A_73] : memref<256x128xf32, #tpu.memory_space<vmem>> -> memref<128x128xf32, #tpu.memory_space<vmem>>
      %dma_start3A_75 = arith.constant 0 : i32
      %dma_start3A_76 = tpu.memref_slice %arg7[%dma_start3A_71, %dma_start3A_75] : memref<2x128xi32, #tpu.memory_space<vmem>> -> memref<1x128xi32, #tpu.memory_space<vmem>>
      %dma_start3A_77 = tpu.memref_squeeze %dma_start3A_76 : memref<1x128xi32, #tpu.memory_space<vmem>> -> memref<128xi32, #tpu.memory_space<vmem>>
      %dma_start3A_78 = arith.constant 0 : i32
      %dma_start3A_79 = arith.constant 0 : i32
      %dma_start3A_80 = tpu.memref_slice %arg2[%dma_start3A_78, %dma_start3A_79] : memref<10000x128xf32, #tpu.memory_space<hbm>> -> memref<10000x128xf32, #tpu.memory_space<hbm>>
      tpu.enqueue_indirect_dma source(%dma_start3A_80 : memref<10000x128xf32, #tpu.memory_space<hbm>>) target(%dma_start3A_74 : memref<128x128xf32, #tpu.memory_space<vmem>>) offsets(%dma_start3A_77 : memref<128xi32, #tpu.memory_space<vmem>>) semaphore(%arg12 : memref<!tpu.dma_semaphore, #tpu.memory_space<semaphore_mem>>)
      %dma_start3A_81 = arith.constant 1 : i32
      %dma_start3A_82 = arith.constant 128 : i32
      %dma_start3A_83 = arith.constant 0 : i32
      %dma_start3A_84 = tpu.memref_slice %arg10[%dma_start3A_82, %dma_start3A_83] : memref<256x128xf32, #tpu.memory_space<vmem>> -> memref<128x128xf32, #tpu.memory_space<vmem>>
      %dma_start3A_85 = arith.constant 0 : i32
      %dma_start3A_86 = tpu.memref_slice %arg8[%dma_start3A_81, %dma_start3A_85] : memref<2x128xi32, #tpu.memory_space<vmem>> -> memref<1x128xi32, #tpu.memory_space<vmem>>
      %dma_start3A_87 = tpu.memref_squeeze %dma_start3A_86 : memref<1x128xi32, #tpu.memory_space<vmem>> -> memref<128xi32, #tpu.memory_space<vmem>>
      %dma_start3A_88 = arith.constant 0 : i32
      %dma_start3A_89 = arith.constant 0 : i32
      %dma_start3A_90 = tpu.memref_slice %arg2[%dma_start3A_88, %dma_start3A_89] : memref<10000x128xf32, #tpu.memory_space<hbm>> -> memref<10000x128xf32, #tpu.memory_space<hbm>>
      tpu.enqueue_indirect_dma source(%dma_start3A_90 : memref<10000x128xf32, #tpu.memory_space<hbm>>) target(%dma_start3A_84 : memref<128x128xf32, #tpu.memory_space<vmem>>) offsets(%dma_start3A_87 : memref<128xi32, #tpu.memory_space<vmem>>) semaphore(%arg12 : memref<!tpu.dma_semaphore, #tpu.memory_space<semaphore_mem>>)
      %dma_wait3A_91 = arith.constant 0 : i32
      %dma_wait3A_92 = arith.constant 0 : i32
      %dma_wait3A_93 = arith.constant 0 : i32
      %dma_wait3A_94 = tpu.memref_slice %arg9[%dma_wait3A_92, %dma_wait3A_93] : memref<256x128xf32, #tpu.memory_space<vmem>> -> memref<128x128xf32, #tpu.memory_space<vmem>>
      %dma_wait3A_95 = arith.constant 0 : i32
      %dma_wait3A_96 = tpu.memref_slice %arg7[%dma_wait3A_91, %dma_wait3A_95] : memref<2x128xi32, #tpu.memory_space<vmem>> -> memref<1x128xi32, #tpu.memory_space<vmem>>
      %dma_wait3A_97 = tpu.memref_squeeze %dma_wait3A_96 : memref<1x128xi32, #tpu.memory_space<vmem>> -> memref<128xi32, #tpu.memory_space<vmem>>
      %dma_wait3A_98 = arith.constant 0 : i32
      %dma_wait3A_99 = arith.constant 0 : i32
      %dma_wait3A_100 = tpu.memref_slice %arg2[%dma_wait3A_98, %dma_wait3A_99] : memref<10000x128xf32, #tpu.memory_space<hbm>> -> memref<10000x128xf32, #tpu.memory_space<hbm>>
      tpu.wait_indirect_dma semaphore(%arg12 : memref<!tpu.dma_semaphore, #tpu.memory_space<semaphore_mem>>) src(%dma_wait3A_100 : memref<10000x128xf32, #tpu.memory_space<hbm>>) dst(%dma_wait3A_94 : memref<128x128xf32, #tpu.memory_space<vmem>>)
      %dma_wait3A_101 = arith.constant 0 : i32
      %dma_wait3A_102 = arith.constant 0 : i32
      %dma_wait3A_103 = arith.constant 0 : i32
      %dma_wait3A_104 = tpu.memref_slice %arg10[%dma_wait3A_102, %dma_wait3A_103] : memref<256x128xf32, #tpu.memory_space<vmem>> -> memref<128x128xf32, #tpu.memory_space<vmem>>
      %dma_wait3A_105 = arith.constant 0 : i32
      %dma_wait3A_106 = tpu.memref_slice %arg8[%dma_wait3A_101, %dma_wait3A_105] : memref<2x128xi32, #tpu.memory_space<vmem>> -> memref<1x128xi32, #tpu.memory_space<vmem>>
      %dma_wait3A_107 = tpu.memref_squeeze %dma_wait3A_106 : memref<1x128xi32, #tpu.memory_space<vmem>> -> memref<128xi32, #tpu.memory_space<vmem>>
      %dma_wait3A_108 = arith.constant 0 : i32
      %dma_wait3A_109 = arith.constant 0 : i32
      %dma_wait3A_110 = tpu.memref_slice %arg2[%dma_wait3A_108, %dma_wait3A_109] : memref<10000x128xf32, #tpu.memory_space<hbm>> -> memref<10000x128xf32, #tpu.memory_space<hbm>>
      tpu.wait_indirect_dma semaphore(%arg12 : memref<!tpu.dma_semaphore, #tpu.memory_space<semaphore_mem>>) src(%dma_wait3A_110 : memref<10000x128xf32, #tpu.memory_space<hbm>>) dst(%dma_wait3A_104 : memref<128x128xf32, #tpu.memory_space<vmem>>)
      %dma_wait3A_111 = arith.constant 1 : i32
      %dma_wait3A_112 = arith.constant 128 : i32
      %dma_wait3A_113 = arith.constant 0 : i32
      %dma_wait3A_114 = tpu.memref_slice %arg9[%dma_wait3A_112, %dma_wait3A_113] : memref<256x128xf32, #tpu.memory_space<vmem>> -> memref<128x128xf32, #tpu.memory_space<vmem>>
      %dma_wait3A_115 = arith.constant 0 : i32
      %dma_wait3A_116 = tpu.memref_slice %arg7[%dma_wait3A_111, %dma_wait3A_115] : memref<2x128xi32, #tpu.memory_space<vmem>> -> memref<1x128xi32, #tpu.memory_space<vmem>>
      %dma_wait3A_117 = tpu.memref_squeeze %dma_wait3A_116 : memref<1x128xi32, #tpu.memory_space<vmem>> -> memref<128xi32, #tpu.memory_space<vmem>>
      %dma_wait3A_118 = arith.constant 0 : i32
      %dma_wait3A_119 = arith.constant 0 : i32
      %dma_wait3A_120 = tpu.memref_slice %arg2[%dma_wait3A_118, %dma_wait3A_119] : memref<10000x128xf32, #tpu.memory_space<hbm>> -> memref<10000x128xf32, #tpu.memory_space<hbm>>
      tpu.wait_indirect_dma semaphore(%arg12 : memref<!tpu.dma_semaphore, #tpu.memory_space<semaphore_mem>>) src(%dma_wait3A_120 : memref<10000x128xf32, #tpu.memory_space<hbm>>) dst(%dma_wait3A_114 : memref<128x128xf32, #tpu.memory_space<vmem>>)
      %dma_wait3A_121 = arith.constant 1 : i32
      %dma_wait3A_122 = arith.constant 128 : i32
      %dma_wait3A_123 = arith.constant 0 : i32
      %dma_wait3A_124 = tpu.memref_slice %arg10[%dma_wait3A_122, %dma_wait3A_123] : memref<256x128xf32, #tpu.memory_space<vmem>> -> memref<128x128xf32, #tpu.memory_space<vmem>>
      %dma_wait3A_125 = arith.constant 0 : i32
      %dma_wait3A_126 = tpu.memref_slice %arg8[%dma_wait3A_121, %dma_wait3A_125] : memref<2x128xi32, #tpu.memory_space<vmem>> -> memref<1x128xi32, #tpu.memory_space<vmem>>
      %dma_wait3A_127 = tpu.memref_squeeze %dma_wait3A_126 : memref<1x128xi32, #tpu.memory_space<vmem>> -> memref<128xi32, #tpu.memory_space<vmem>>
      %dma_wait3A_128 = arith.constant 0 : i32
      %dma_wait3A_129 = arith.constant 0 : i32
      %dma_wait3A_130 = tpu.memref_slice %arg2[%dma_wait3A_128, %dma_wait3A_129] : memref<10000x128xf32, #tpu.memory_space<hbm>> -> memref<10000x128xf32, #tpu.memory_space<hbm>>
      tpu.wait_indirect_dma semaphore(%arg12 : memref<!tpu.dma_semaphore, #tpu.memory_space<semaphore_mem>>) src(%dma_wait3A_130 : memref<10000x128xf32, #tpu.memory_space<hbm>>) dst(%dma_wait3A_124 : memref<128x128xf32, #tpu.memory_space<vmem>>)
      %dma_start3A_131 = arith.constant 0 : i32
      %dma_start3A_132 = tpu.memref_slice %arg5[%mul3A_30, %dma_start3A_131] : memref<160000x128xf32, #tpu.memory_space<hbm>> -> memref<256x128xf32, #tpu.memory_space<hbm>>
      %dma_start3A_133 = arith.constant 0 : i32
      %dma_start3A_134 = tpu.memref_slice %arg5[%mul3A_30, %dma_start3A_133] : memref<160000x128xf32, #tpu.memory_space<hbm>> -> memref<256x128xf32, #tpu.memory_space<hbm>>
      tpu.enqueue_dma source(%arg9 : memref<256x128xf32, #tpu.memory_space<vmem>>) target(%dma_start3A_134 : memref<256x128xf32, #tpu.memory_space<hbm>>) target_semaphore(%arg13 : memref<!tpu.dma_semaphore, #tpu.memory_space<semaphore_mem>>)
      %dma_start3A_135 = arith.constant 0 : i32
      %dma_start3A_136 = tpu.memref_slice %arg6[%mul3A_30, %dma_start3A_135] : memref<160000x128xf32, #tpu.memory_space<hbm>> -> memref<256x128xf32, #tpu.memory_space<hbm>>
      %dma_start3A_137 = arith.constant 0 : i32
      %dma_start3A_138 = tpu.memref_slice %arg6[%mul3A_30, %dma_start3A_137] : memref<160000x128xf32, #tpu.memory_space<hbm>> -> memref<256x128xf32, #tpu.memory_space<hbm>>
      tpu.enqueue_dma source(%arg10 : memref<256x128xf32, #tpu.memory_space<vmem>>) target(%dma_start3A_138 : memref<256x128xf32, #tpu.memory_space<hbm>>) target_semaphore(%arg13 : memref<!tpu.dma_semaphore, #tpu.memory_space<semaphore_mem>>)
    }
    %add3A_16 = arith.addi %add3A_6, %select_n3A : i32
    %sub3A = arith.constant 1 : i32
    %sub3A_17 = arith.subi %add3A_16, %sub3A : i32
    %mul3A_18 = arith.constant 256 : i32
    %mul3A_19 = arith.muli %sub3A_17, %mul3A_18 : i32
    %dma_wait3A = arith.constant 0 : i32
    %dma_wait3A_20 = tpu.memref_slice %arg5[%mul3A_19, %dma_wait3A] : memref<160000x128xf32, #tpu.memory_space<hbm>> -> memref<256x128xf32, #tpu.memory_space<hbm>>
    %dma_wait3A_21 = arith.constant 0 : i32
    %dma_wait3A_22 = tpu.memref_slice %arg5[%mul3A_19, %dma_wait3A_21] : memref<160000x128xf32, #tpu.memory_space<hbm>> -> memref<256x128xf32, #tpu.memory_space<hbm>>
    tpu.wait_dma2 semaphore(%arg13 : memref<!tpu.dma_semaphore, #tpu.memory_space<semaphore_mem>>) src(%arg9 : memref<256x128xf32, #tpu.memory_space<vmem>>) dst(%dma_wait3A_22 : memref<256x128xf32, #tpu.memory_space<hbm>>)
    %dma_wait3A_23 = arith.constant 0 : i32
    %dma_wait3A_24 = tpu.memref_slice %arg6[%mul3A_19, %dma_wait3A_23] : memref<160000x128xf32, #tpu.memory_space<hbm>> -> memref<256x128xf32, #tpu.memory_space<hbm>>
    %dma_wait3A_25 = arith.constant 0 : i32
    %dma_wait3A_26 = tpu.memref_slice %arg6[%mul3A_19, %dma_wait3A_25] : memref<160000x128xf32, #tpu.memory_space<hbm>> -> memref<256x128xf32, #tpu.memory_space<hbm>>
    tpu.wait_dma2 semaphore(%arg13 : memref<!tpu.dma_semaphore, #tpu.memory_space<semaphore_mem>>) src(%arg10 : memref<256x128xf32, #tpu.memory_space<vmem>>) dst(%dma_wait3A_26 : memref<256x128xf32, #tpu.memory_space<hbm>>)
    return
  }
}

#map = affine_map<(d0, d1) -> (0, 0)>
module attributes {stable_mosaic.version = 14 : i64} {
  func.func @_sc_scatter_body(%arg0: i32, %arg1: i32, %arg2: memref<160000x128xf32, #tpu.memory_space<hbm>>, %arg3: memref<1250x128xi32, #tpu.memory_space<hbm>>, %arg4: memref<10000x128xf32, #tpu.memory_space<hbm>>, %arg5: memref<20000x128xf32, #tpu.memory_space<hbm>>, %arg6: memref<2x128xi32, #tpu.memory_space<vmem>>, %arg7: memref<256x128xf32, #tpu.memory_space<vmem>>, %arg8: memref<10000x128xf32, #tpu.memory_space<vmem_shared>>, %arg9: memref<!tpu.dma_semaphore, #tpu.memory_space<semaphore_mem>>, %arg10: memref<!tpu.dma_semaphore, #tpu.memory_space<semaphore_mem>>) attributes {dimension_semantics = [#tpu.dimension_semantics<core_parallel>, #tpu.dimension_semantics<subcore_parallel>], iteration_bounds = array<i64: 2, 16>, scalar_prefetch = 0 : i64, scratch_operands = 5 : i64, tpu.core_type = #tpu.core_type<sc_vector_subcore>, window_params = [{transform_indices = #map}, {transform_indices = #map}, {transform_indices = #map}, {transform_indices = #map}]} {
    %mul3A = arith.constant 2 : i32
    %mul3A_0 = arith.muli %arg1, %mul3A : i32
    %add3A = arith.addi %mul3A_0, %arg0 : i32
    %lt3A = arith.constant 17 : i32
    %lt3A_1 = arith.cmpi slt, %add3A, %lt3A : i32
    %jit3A = arith.constant 20 : i32
    %jit3A_2 = arith.constant 19 : i32
    %select_n3A = arith.select %lt3A_1, %jit3A, %jit3A_2 : i32
    %mul3A_3 = arith.constant 19 : i32
    %mul3A_4 = arith.muli %add3A, %mul3A_3 : i32
    %min3A = arith.constant 17 : i32
    %min3A_5 = arith.minsi %add3A, %min3A : i32
    %add3A_6 = arith.addi %mul3A_4, %min3A_5 : i32
    %mul3A_7 = arith.constant 624 : i32
    %mul3A_8 = arith.muli %arg1, %mul3A_7 : i32
    "tpu.region"() ({
      %run_scoped3A = tpu.sem_alloc : memref<!tpu.dma_semaphore, #tpu.memory_space<semaphore_mem>>
      %dma_start3A = arith.constant 0 : i32
      %dma_start3A_29 = tpu.memref_slice %arg8[%mul3A_8, %dma_start3A] : memref<10000x128xf32, #tpu.memory_space<vmem_shared>> -> memref<624x128xf32, #tpu.memory_space<vmem_shared>>
      %dma_start3A_30 = arith.constant 0 : i32
      %dma_start3A_31 = tpu.memref_slice %arg4[%mul3A_8, %dma_start3A_30] : memref<10000x128xf32, #tpu.memory_space<hbm>> -> memref<624x128xf32, #tpu.memory_space<hbm>>
      tpu.enqueue_dma source(%dma_start3A_31 : memref<624x128xf32, #tpu.memory_space<hbm>>) target(%dma_start3A_29 : memref<624x128xf32, #tpu.memory_space<vmem_shared>>) target_semaphore(%run_scoped3A : memref<!tpu.dma_semaphore, #tpu.memory_space<semaphore_mem>>)
      %dma_wait3A = arith.constant 0 : i32
      %dma_wait3A_32 = tpu.memref_slice %arg8[%mul3A_8, %dma_wait3A] : memref<10000x128xf32, #tpu.memory_space<vmem_shared>> -> memref<624x128xf32, #tpu.memory_space<vmem_shared>>
      %dma_wait3A_33 = arith.constant 0 : i32
      %dma_wait3A_34 = tpu.memref_slice %arg4[%mul3A_8, %dma_wait3A_33] : memref<10000x128xf32, #tpu.memory_space<hbm>> -> memref<624x128xf32, #tpu.memory_space<hbm>>
      tpu.wait_dma2 semaphore(%run_scoped3A : memref<!tpu.dma_semaphore, #tpu.memory_space<semaphore_mem>>) src(%dma_wait3A_34 : memref<624x128xf32, #tpu.memory_space<hbm>>) dst(%dma_wait3A_32 : memref<624x128xf32, #tpu.memory_space<vmem_shared>>)
      tpu.yield
    }) : () -> ()
    %eq3A = arith.constant 15 : i32
    %eq3A_9 = arith.cmpi eq, %arg1, %eq3A : i32
    %convert_element_type3A = arith.extui %eq3A_9 : i1 to i32
    %cond3A = arith.constant 0 : i32
    %cond3A_10 = arith.cmpi ne, %convert_element_type3A, %cond3A : i32
    scf.if %cond3A_10 {
      "tpu.region"() ({
        %run_scoped3A = tpu.sem_alloc : memref<!tpu.dma_semaphore, #tpu.memory_space<semaphore_mem>>
        %dma_start3A = arith.constant 9984 : i32
        %dma_start3A_29 = arith.constant 0 : i32
        %dma_start3A_30 = tpu.memref_slice %arg8[%dma_start3A, %dma_start3A_29] : memref<10000x128xf32, #tpu.memory_space<vmem_shared>> -> memref<16x128xf32, #tpu.memory_space<vmem_shared>>
        %dma_start3A_31 = arith.constant 9984 : i32
        %dma_start3A_32 = arith.constant 0 : i32
        %dma_start3A_33 = tpu.memref_slice %arg4[%dma_start3A_31, %dma_start3A_32] : memref<10000x128xf32, #tpu.memory_space<hbm>> -> memref<16x128xf32, #tpu.memory_space<hbm>>
        tpu.enqueue_dma source(%dma_start3A_33 : memref<16x128xf32, #tpu.memory_space<hbm>>) target(%dma_start3A_30 : memref<16x128xf32, #tpu.memory_space<vmem_shared>>) target_semaphore(%run_scoped3A : memref<!tpu.dma_semaphore, #tpu.memory_space<semaphore_mem>>)
        %dma_wait3A = arith.constant 9984 : i32
        %dma_wait3A_34 = arith.constant 0 : i32
        %dma_wait3A_35 = tpu.memref_slice %arg8[%dma_wait3A, %dma_wait3A_34] : memref<10000x128xf32, #tpu.memory_space<vmem_shared>> -> memref<16x128xf32, #tpu.memory_space<vmem_shared>>
        %dma_wait3A_36 = arith.constant 9984 : i32
        %dma_wait3A_37 = arith.constant 0 : i32
        %dma_wait3A_38 = tpu.memref_slice %arg4[%dma_wait3A_36, %dma_wait3A_37] : memref<10000x128xf32, #tpu.memory_space<hbm>> -> memref<16x128xf32, #tpu.memory_space<hbm>>
        tpu.wait_dma2 semaphore(%run_scoped3A : memref<!tpu.dma_semaphore, #tpu.memory_space<semaphore_mem>>) src(%dma_wait3A_38 : memref<16x128xf32, #tpu.memory_space<hbm>>) dst(%dma_wait3A_35 : memref<16x128xf32, #tpu.memory_space<vmem_shared>>)
        tpu.yield
      }) : () -> ()
    } else {
    }
    %barrier3A = arith.constant 0 : index
    tpu.barrier barrier_id(%barrier3A)
    %while3A = arith.constant 0 : i32
    %while3A_11 = arith.constant 0 : i32
    %while3A_12 = arith.subi %select_n3A, %while3A_11 : i32
    %while3A_13 = arith.addi %while3A_11, %while3A_12 : i32
    %while3A_14 = arith.constant 1 : i32
    %while3A_15 = arith.divsi %while3A_12, %while3A_14 : i32
    %while3A_16 = arith.muli %while3A_15, %while3A_14 : i32
    %while3A_17 = arith.addi %while3A_11, %while3A_16 : i32
    %while3A_18 = arith.constant 1 : i32
    scf.for %while3A_29 = %while3A_11 to %while3A_17 step %while3A_18  : i32 {
      %add3A_30 = arith.addi %add3A_6, %while3A_29 : i32
      %mul3A_31 = arith.constant 256 : i32
      %mul3A_32 = arith.muli %add3A_30, %mul3A_31 : i32
      %add3A_33 = arith.addi %add3A_6, %while3A_29 : i32
      %mul3A_34 = arith.constant 2 : i32
      %mul3A_35 = arith.muli %add3A_33, %mul3A_34 : i32
      %dma_start3A = arith.constant 0 : i32
      %dma_start3A_36 = tpu.memref_slice %arg3[%mul3A_35, %dma_start3A] : memref<1250x128xi32, #tpu.memory_space<hbm>> -> memref<2x128xi32, #tpu.memory_space<hbm>>
      %dma_start3A_37 = arith.constant 0 : i32
      %dma_start3A_38 = tpu.memref_slice %arg3[%mul3A_35, %dma_start3A_37] : memref<1250x128xi32, #tpu.memory_space<hbm>> -> memref<2x128xi32, #tpu.memory_space<hbm>>
      tpu.enqueue_dma source(%dma_start3A_38 : memref<2x128xi32, #tpu.memory_space<hbm>>) target(%arg6 : memref<2x128xi32, #tpu.memory_space<vmem>>) target_semaphore(%arg9 : memref<!tpu.dma_semaphore, #tpu.memory_space<semaphore_mem>>)
      %dma_start3A_39 = arith.constant 0 : i32
      %dma_start3A_40 = tpu.memref_slice %arg2[%mul3A_32, %dma_start3A_39] : memref<160000x128xf32, #tpu.memory_space<hbm>> -> memref<256x128xf32, #tpu.memory_space<hbm>>
      %dma_start3A_41 = arith.constant 0 : i32
      %dma_start3A_42 = tpu.memref_slice %arg2[%mul3A_32, %dma_start3A_41] : memref<160000x128xf32, #tpu.memory_space<hbm>> -> memref<256x128xf32, #tpu.memory_space<hbm>>
      tpu.enqueue_dma source(%dma_start3A_42 : memref<256x128xf32, #tpu.memory_space<hbm>>) target(%arg7 : memref<256x128xf32, #tpu.memory_space<vmem>>) target_semaphore(%arg9 : memref<!tpu.dma_semaphore, #tpu.memory_space<semaphore_mem>>)
      %dma_wait3A = arith.constant 0 : i32
      %dma_wait3A_43 = tpu.memref_slice %arg3[%mul3A_35, %dma_wait3A] : memref<1250x128xi32, #tpu.memory_space<hbm>> -> memref<2x128xi32, #tpu.memory_space<hbm>>
      %dma_wait3A_44 = arith.constant 0 : i32
      %dma_wait3A_45 = tpu.memref_slice %arg3[%mul3A_35, %dma_wait3A_44] : memref<1250x128xi32, #tpu.memory_space<hbm>> -> memref<2x128xi32, #tpu.memory_space<hbm>>
      tpu.wait_dma2 semaphore(%arg9 : memref<!tpu.dma_semaphore, #tpu.memory_space<semaphore_mem>>) src(%dma_wait3A_45 : memref<2x128xi32, #tpu.memory_space<hbm>>) dst(%arg6 : memref<2x128xi32, #tpu.memory_space<vmem>>)
      %dma_wait3A_46 = arith.constant 0 : i32
      %dma_wait3A_47 = tpu.memref_slice %arg2[%mul3A_32, %dma_wait3A_46] : memref<160000x128xf32, #tpu.memory_space<hbm>> -> memref<256x128xf32, #tpu.memory_space<hbm>>
      %dma_wait3A_48 = arith.constant 0 : i32
      %dma_wait3A_49 = tpu.memref_slice %arg2[%mul3A_32, %dma_wait3A_48] : memref<160000x128xf32, #tpu.memory_space<hbm>> -> memref<256x128xf32, #tpu.memory_space<hbm>>
      tpu.wait_dma2 semaphore(%arg9 : memref<!tpu.dma_semaphore, #tpu.memory_space<semaphore_mem>>) src(%dma_wait3A_49 : memref<256x128xf32, #tpu.memory_space<hbm>>) dst(%arg7 : memref<256x128xf32, #tpu.memory_space<vmem>>)
      %dma_start3A_50 = arith.constant 0 : i32
      %dma_start3A_51 = arith.constant 0 : i32
      %dma_start3A_52 = arith.constant 0 : i32
      %dma_start3A_53 = tpu.memref_slice %arg7[%dma_start3A_51, %dma_start3A_52] : memref<256x128xf32, #tpu.memory_space<vmem>> -> memref<128x128xf32, #tpu.memory_space<vmem>>
      %dma_start3A_54 = arith.constant 0 : i32
      %dma_start3A_55 = tpu.memref_slice %arg6[%dma_start3A_50, %dma_start3A_54] : memref<2x128xi32, #tpu.memory_space<vmem>> -> memref<1x128xi32, #tpu.memory_space<vmem>>
      %dma_start3A_56 = tpu.memref_squeeze %dma_start3A_55 : memref<1x128xi32, #tpu.memory_space<vmem>> -> memref<128xi32, #tpu.memory_space<vmem>>
      %dma_start3A_57 = arith.constant 0 : i32
      %dma_start3A_58 = arith.constant 0 : i32
      %dma_start3A_59 = tpu.memref_slice %arg8[%dma_start3A_57, %dma_start3A_58] : memref<10000x128xf32, #tpu.memory_space<vmem_shared>> -> memref<10000x128xf32, #tpu.memory_space<vmem_shared>>
      tpu.enqueue_indirect_dma source(%dma_start3A_53 : memref<128x128xf32, #tpu.memory_space<vmem>>) target(%dma_start3A_59 : memref<10000x128xf32, #tpu.memory_space<vmem_shared>>) offsets(%dma_start3A_56 : memref<128xi32, #tpu.memory_space<vmem>>) semaphore(%arg10 : memref<!tpu.dma_semaphore, #tpu.memory_space<semaphore_mem>>) {add = true}
      %dma_start3A_60 = arith.constant 1 : i32
      %dma_start3A_61 = arith.constant 128 : i32
      %dma_start3A_62 = arith.constant 0 : i32
      %dma_start3A_63 = tpu.memref_slice %arg7[%dma_start3A_61, %dma_start3A_62] : memref<256x128xf32, #tpu.memory_space<vmem>> -> memref<128x128xf32, #tpu.memory_space<vmem>>
      %dma_start3A_64 = arith.constant 0 : i32
      %dma_start3A_65 = tpu.memref_slice %arg6[%dma_start3A_60, %dma_start3A_64] : memref<2x128xi32, #tpu.memory_space<vmem>> -> memref<1x128xi32, #tpu.memory_space<vmem>>
      %dma_start3A_66 = tpu.memref_squeeze %dma_start3A_65 : memref<1x128xi32, #tpu.memory_space<vmem>> -> memref<128xi32, #tpu.memory_space<vmem>>
      %dma_start3A_67 = arith.constant 0 : i32
      %dma_start3A_68 = arith.constant 0 : i32
      %dma_start3A_69 = tpu.memref_slice %arg8[%dma_start3A_67, %dma_start3A_68] : memref<10000x128xf32, #tpu.memory_space<vmem_shared>> -> memref<10000x128xf32, #tpu.memory_space<vmem_shared>>
      tpu.enqueue_indirect_dma source(%dma_start3A_63 : memref<128x128xf32, #tpu.memory_space<vmem>>) target(%dma_start3A_69 : memref<10000x128xf32, #tpu.memory_space<vmem_shared>>) offsets(%dma_start3A_66 : memref<128xi32, #tpu.memory_space<vmem>>) semaphore(%arg10 : memref<!tpu.dma_semaphore, #tpu.memory_space<semaphore_mem>>) {add = true}
      %dma_wait3A_70 = arith.constant 0 : i32
      %dma_wait3A_71 = arith.constant 0 : i32
      %dma_wait3A_72 = arith.constant 0 : i32
      %dma_wait3A_73 = tpu.memref_slice %arg7[%dma_wait3A_71, %dma_wait3A_72] : memref<256x128xf32, #tpu.memory_space<vmem>> -> memref<128x128xf32, #tpu.memory_space<vmem>>
      %dma_wait3A_74 = arith.constant 0 : i32
      %dma_wait3A_75 = tpu.memref_slice %arg6[%dma_wait3A_70, %dma_wait3A_74] : memref<2x128xi32, #tpu.memory_space<vmem>> -> memref<1x128xi32, #tpu.memory_space<vmem>>
      %dma_wait3A_76 = tpu.memref_squeeze %dma_wait3A_75 : memref<1x128xi32, #tpu.memory_space<vmem>> -> memref<128xi32, #tpu.memory_space<vmem>>
      %dma_wait3A_77 = arith.constant 0 : i32
      %dma_wait3A_78 = arith.constant 0 : i32
      %dma_wait3A_79 = tpu.memref_slice %arg8[%dma_wait3A_77, %dma_wait3A_78] : memref<10000x128xf32, #tpu.memory_space<vmem_shared>> -> memref<10000x128xf32, #tpu.memory_space<vmem_shared>>
      tpu.wait_indirect_dma semaphore(%arg10 : memref<!tpu.dma_semaphore, #tpu.memory_space<semaphore_mem>>) src(%dma_wait3A_73 : memref<128x128xf32, #tpu.memory_space<vmem>>) dst(%dma_wait3A_79 : memref<10000x128xf32, #tpu.memory_space<vmem_shared>>)
      %dma_wait3A_80 = arith.constant 1 : i32
      %dma_wait3A_81 = arith.constant 128 : i32
      %dma_wait3A_82 = arith.constant 0 : i32
      %dma_wait3A_83 = tpu.memref_slice %arg7[%dma_wait3A_81, %dma_wait3A_82] : memref<256x128xf32, #tpu.memory_space<vmem>> -> memref<128x128xf32, #tpu.memory_space<vmem>>
      %dma_wait3A_84 = arith.constant 0 : i32
      %dma_wait3A_85 = tpu.memref_slice %arg6[%dma_wait3A_80, %dma_wait3A_84] : memref<2x128xi32, #tpu.memory_space<vmem>> -> memref<1x128xi32, #tpu.memory_space<vmem>>
      %dma_wait3A_86 = tpu.memref_squeeze %dma_wait3A_85 : memref<1x128xi32, #tpu.memory_space<vmem>> -> memref<128xi32, #tpu.memory_space<vmem>>
      %dma_wait3A_87 = arith.constant 0 : i32
      %dma_wait3A_88 = arith.constant 0 : i32
      %dma_wait3A_89 = tpu.memref_slice %arg8[%dma_wait3A_87, %dma_wait3A_88] : memref<10000x128xf32, #tpu.memory_space<vmem_shared>> -> memref<10000x128xf32, #tpu.memory_space<vmem_shared>>
      tpu.wait_indirect_dma semaphore(%arg10 : memref<!tpu.dma_semaphore, #tpu.memory_space<semaphore_mem>>) src(%dma_wait3A_83 : memref<128x128xf32, #tpu.memory_space<vmem>>) dst(%dma_wait3A_89 : memref<10000x128xf32, #tpu.memory_space<vmem_shared>>)
    }
    %while3A_19 = arith.constant 1 : i32
    scf.for %while3A_29 = %while3A_17 to %while3A_13 step %while3A_19  : i32 {
      %add3A_30 = arith.addi %add3A_6, %while3A_29 : i32
      %mul3A_31 = arith.constant 256 : i32
      %mul3A_32 = arith.muli %add3A_30, %mul3A_31 : i32
      %add3A_33 = arith.addi %add3A_6, %while3A_29 : i32
      %mul3A_34 = arith.constant 2 : i32
      %mul3A_35 = arith.muli %add3A_33, %mul3A_34 : i32
      %dma_start3A = arith.constant 0 : i32
      %dma_start3A_36 = tpu.memref_slice %arg3[%mul3A_35, %dma_start3A] : memref<1250x128xi32, #tpu.memory_space<hbm>> -> memref<2x128xi32, #tpu.memory_space<hbm>>
      %dma_start3A_37 = arith.constant 0 : i32
      %dma_start3A_38 = tpu.memref_slice %arg3[%mul3A_35, %dma_start3A_37] : memref<1250x128xi32, #tpu.memory_space<hbm>> -> memref<2x128xi32, #tpu.memory_space<hbm>>
      tpu.enqueue_dma source(%dma_start3A_38 : memref<2x128xi32, #tpu.memory_space<hbm>>) target(%arg6 : memref<2x128xi32, #tpu.memory_space<vmem>>) target_semaphore(%arg9 : memref<!tpu.dma_semaphore, #tpu.memory_space<semaphore_mem>>)
      %dma_start3A_39 = arith.constant 0 : i32
      %dma_start3A_40 = tpu.memref_slice %arg2[%mul3A_32, %dma_start3A_39] : memref<160000x128xf32, #tpu.memory_space<hbm>> -> memref<256x128xf32, #tpu.memory_space<hbm>>
      %dma_start3A_41 = arith.constant 0 : i32
      %dma_start3A_42 = tpu.memref_slice %arg2[%mul3A_32, %dma_start3A_41] : memref<160000x128xf32, #tpu.memory_space<hbm>> -> memref<256x128xf32, #tpu.memory_space<hbm>>
      tpu.enqueue_dma source(%dma_start3A_42 : memref<256x128xf32, #tpu.memory_space<hbm>>) target(%arg7 : memref<256x128xf32, #tpu.memory_space<vmem>>) target_semaphore(%arg9 : memref<!tpu.dma_semaphore, #tpu.memory_space<semaphore_mem>>)
      %dma_wait3A = arith.constant 0 : i32
      %dma_wait3A_43 = tpu.memref_slice %arg3[%mul3A_35, %dma_wait3A] : memref<1250x128xi32, #tpu.memory_space<hbm>> -> memref<2x128xi32, #tpu.memory_space<hbm>>
      %dma_wait3A_44 = arith.constant 0 : i32
      %dma_wait3A_45 = tpu.memref_slice %arg3[%mul3A_35, %dma_wait3A_44] : memref<1250x128xi32, #tpu.memory_space<hbm>> -> memref<2x128xi32, #tpu.memory_space<hbm>>
      tpu.wait_dma2 semaphore(%arg9 : memref<!tpu.dma_semaphore, #tpu.memory_space<semaphore_mem>>) src(%dma_wait3A_45 : memref<2x128xi32, #tpu.memory_space<hbm>>) dst(%arg6 : memref<2x128xi32, #tpu.memory_space<vmem>>)
      %dma_wait3A_46 = arith.constant 0 : i32
      %dma_wait3A_47 = tpu.memref_slice %arg2[%mul3A_32, %dma_wait3A_46] : memref<160000x128xf32, #tpu.memory_space<hbm>> -> memref<256x128xf32, #tpu.memory_space<hbm>>
      %dma_wait3A_48 = arith.constant 0 : i32
      %dma_wait3A_49 = tpu.memref_slice %arg2[%mul3A_32, %dma_wait3A_48] : memref<160000x128xf32, #tpu.memory_space<hbm>> -> memref<256x128xf32, #tpu.memory_space<hbm>>
      tpu.wait_dma2 semaphore(%arg9 : memref<!tpu.dma_semaphore, #tpu.memory_space<semaphore_mem>>) src(%dma_wait3A_49 : memref<256x128xf32, #tpu.memory_space<hbm>>) dst(%arg7 : memref<256x128xf32, #tpu.memory_space<vmem>>)
      %dma_start3A_50 = arith.constant 0 : i32
      %dma_start3A_51 = arith.constant 0 : i32
      %dma_start3A_52 = arith.constant 0 : i32
      %dma_start3A_53 = tpu.memref_slice %arg7[%dma_start3A_51, %dma_start3A_52] : memref<256x128xf32, #tpu.memory_space<vmem>> -> memref<128x128xf32, #tpu.memory_space<vmem>>
      %dma_start3A_54 = arith.constant 0 : i32
      %dma_start3A_55 = tpu.memref_slice %arg6[%dma_start3A_50, %dma_start3A_54] : memref<2x128xi32, #tpu.memory_space<vmem>> -> memref<1x128xi32, #tpu.memory_space<vmem>>
      %dma_start3A_56 = tpu.memref_squeeze %dma_start3A_55 : memref<1x128xi32, #tpu.memory_space<vmem>> -> memref<128xi32, #tpu.memory_space<vmem>>
      %dma_start3A_57 = arith.constant 0 : i32
      %dma_start3A_58 = arith.constant 0 : i32
      %dma_start3A_59 = tpu.memref_slice %arg8[%dma_start3A_57, %dma_start3A_58] : memref<10000x128xf32, #tpu.memory_space<vmem_shared>> -> memref<10000x128xf32, #tpu.memory_space<vmem_shared>>
      tpu.enqueue_indirect_dma source(%dma_start3A_53 : memref<128x128xf32, #tpu.memory_space<vmem>>) target(%dma_start3A_59 : memref<10000x128xf32, #tpu.memory_space<vmem_shared>>) offsets(%dma_start3A_56 : memref<128xi32, #tpu.memory_space<vmem>>) semaphore(%arg10 : memref<!tpu.dma_semaphore, #tpu.memory_space<semaphore_mem>>) {add = true}
      %dma_start3A_60 = arith.constant 1 : i32
      %dma_start3A_61 = arith.constant 128 : i32
      %dma_start3A_62 = arith.constant 0 : i32
      %dma_start3A_63 = tpu.memref_slice %arg7[%dma_start3A_61, %dma_start3A_62] : memref<256x128xf32, #tpu.memory_space<vmem>> -> memref<128x128xf32, #tpu.memory_space<vmem>>
      %dma_start3A_64 = arith.constant 0 : i32
      %dma_start3A_65 = tpu.memref_slice %arg6[%dma_start3A_60, %dma_start3A_64] : memref<2x128xi32, #tpu.memory_space<vmem>> -> memref<1x128xi32, #tpu.memory_space<vmem>>
      %dma_start3A_66 = tpu.memref_squeeze %dma_start3A_65 : memref<1x128xi32, #tpu.memory_space<vmem>> -> memref<128xi32, #tpu.memory_space<vmem>>
      %dma_start3A_67 = arith.constant 0 : i32
      %dma_start3A_68 = arith.constant 0 : i32
      %dma_start3A_69 = tpu.memref_slice %arg8[%dma_start3A_67, %dma_start3A_68] : memref<10000x128xf32, #tpu.memory_space<vmem_shared>> -> memref<10000x128xf32, #tpu.memory_space<vmem_shared>>
      tpu.enqueue_indirect_dma source(%dma_start3A_63 : memref<128x128xf32, #tpu.memory_space<vmem>>) target(%dma_start3A_69 : memref<10000x128xf32, #tpu.memory_space<vmem_shared>>) offsets(%dma_start3A_66 : memref<128xi32, #tpu.memory_space<vmem>>) semaphore(%arg10 : memref<!tpu.dma_semaphore, #tpu.memory_space<semaphore_mem>>) {add = true}
      %dma_wait3A_70 = arith.constant 0 : i32
      %dma_wait3A_71 = arith.constant 0 : i32
      %dma_wait3A_72 = arith.constant 0 : i32
      %dma_wait3A_73 = tpu.memref_slice %arg7[%dma_wait3A_71, %dma_wait3A_72] : memref<256x128xf32, #tpu.memory_space<vmem>> -> memref<128x128xf32, #tpu.memory_space<vmem>>
      %dma_wait3A_74 = arith.constant 0 : i32
      %dma_wait3A_75 = tpu.memref_slice %arg6[%dma_wait3A_70, %dma_wait3A_74] : memref<2x128xi32, #tpu.memory_space<vmem>> -> memref<1x128xi32, #tpu.memory_space<vmem>>
      %dma_wait3A_76 = tpu.memref_squeeze %dma_wait3A_75 : memref<1x128xi32, #tpu.memory_space<vmem>> -> memref<128xi32, #tpu.memory_space<vmem>>
      %dma_wait3A_77 = arith.constant 0 : i32
      %dma_wait3A_78 = arith.constant 0 : i32
      %dma_wait3A_79 = tpu.memref_slice %arg8[%dma_wait3A_77, %dma_wait3A_78] : memref<10000x128xf32, #tpu.memory_space<vmem_shared>> -> memref<10000x128xf32, #tpu.memory_space<vmem_shared>>
      tpu.wait_indirect_dma semaphore(%arg10 : memref<!tpu.dma_semaphore, #tpu.memory_space<semaphore_mem>>) src(%dma_wait3A_73 : memref<128x128xf32, #tpu.memory_space<vmem>>) dst(%dma_wait3A_79 : memref<10000x128xf32, #tpu.memory_space<vmem_shared>>)
      %dma_wait3A_80 = arith.constant 1 : i32
      %dma_wait3A_81 = arith.constant 128 : i32
      %dma_wait3A_82 = arith.constant 0 : i32
      %dma_wait3A_83 = tpu.memref_slice %arg7[%dma_wait3A_81, %dma_wait3A_82] : memref<256x128xf32, #tpu.memory_space<vmem>> -> memref<128x128xf32, #tpu.memory_space<vmem>>
      %dma_wait3A_84 = arith.constant 0 : i32
      %dma_wait3A_85 = tpu.memref_slice %arg6[%dma_wait3A_80, %dma_wait3A_84] : memref<2x128xi32, #tpu.memory_space<vmem>> -> memref<1x128xi32, #tpu.memory_space<vmem>>
      %dma_wait3A_86 = tpu.memref_squeeze %dma_wait3A_85 : memref<1x128xi32, #tpu.memory_space<vmem>> -> memref<128xi32, #tpu.memory_space<vmem>>
      %dma_wait3A_87 = arith.constant 0 : i32
      %dma_wait3A_88 = arith.constant 0 : i32
      %dma_wait3A_89 = tpu.memref_slice %arg8[%dma_wait3A_87, %dma_wait3A_88] : memref<10000x128xf32, #tpu.memory_space<vmem_shared>> -> memref<10000x128xf32, #tpu.memory_space<vmem_shared>>
      tpu.wait_indirect_dma semaphore(%arg10 : memref<!tpu.dma_semaphore, #tpu.memory_space<semaphore_mem>>) src(%dma_wait3A_83 : memref<128x128xf32, #tpu.memory_space<vmem>>) dst(%dma_wait3A_89 : memref<10000x128xf32, #tpu.memory_space<vmem_shared>>)
    }
    %barrier3A_20 = arith.constant 0 : index
    tpu.barrier barrier_id(%barrier3A_20)
    %mul3A_21 = arith.constant 10000 : i32
    %mul3A_22 = arith.muli %arg0, %mul3A_21 : i32
    %add3A_23 = arith.addi %mul3A_22, %mul3A_8 : i32
    "tpu.region"() ({
      %run_scoped3A = tpu.sem_alloc : memref<!tpu.dma_semaphore, #tpu.memory_space<semaphore_mem>>
      %dma_start3A = arith.constant 0 : i32
      %dma_start3A_29 = tpu.memref_slice %arg5[%add3A_23, %dma_start3A] : memref<20000x128xf32, #tpu.memory_space<hbm>> -> memref<624x128xf32, #tpu.memory_space<hbm>>
      %dma_start3A_30 = arith.constant 0 : i32
      %dma_start3A_31 = tpu.memref_slice %arg8[%mul3A_8, %dma_start3A_30] : memref<10000x128xf32, #tpu.memory_space<vmem_shared>> -> memref<624x128xf32, #tpu.memory_space<vmem_shared>>
      tpu.enqueue_dma source(%dma_start3A_31 : memref<624x128xf32, #tpu.memory_space<vmem_shared>>) target(%dma_start3A_29 : memref<624x128xf32, #tpu.memory_space<hbm>>) target_semaphore(%run_scoped3A : memref<!tpu.dma_semaphore, #tpu.memory_space<semaphore_mem>>)
      %dma_wait3A = arith.constant 0 : i32
      %dma_wait3A_32 = tpu.memref_slice %arg5[%add3A_23, %dma_wait3A] : memref<20000x128xf32, #tpu.memory_space<hbm>> -> memref<624x128xf32, #tpu.memory_space<hbm>>
      %dma_wait3A_33 = arith.constant 0 : i32
      %dma_wait3A_34 = tpu.memref_slice %arg8[%mul3A_8, %dma_wait3A_33] : memref<10000x128xf32, #tpu.memory_space<vmem_shared>> -> memref<624x128xf32, #tpu.memory_space<vmem_shared>>
      tpu.wait_dma2 semaphore(%run_scoped3A : memref<!tpu.dma_semaphore, #tpu.memory_space<semaphore_mem>>) src(%dma_wait3A_34 : memref<624x128xf32, #tpu.memory_space<vmem_shared>>) dst(%dma_wait3A_32 : memref<624x128xf32, #tpu.memory_space<hbm>>)
      tpu.yield
    }) : () -> ()
    %eq3A_24 = arith.constant 15 : i32
    %eq3A_25 = arith.cmpi eq, %arg1, %eq3A_24 : i32
    %convert_element_type3A_26 = arith.extui %eq3A_25 : i1 to i32
    %cond3A_27 = arith.constant 0 : i32
    %cond3A_28 = arith.cmpi ne, %convert_element_type3A_26, %cond3A_27 : i32
    scf.if %cond3A_28 {
      %mul3A_29 = arith.constant 10000 : i32
      %mul3A_30 = arith.muli %arg0, %mul3A_29 : i32
      %add3A_31 = arith.constant 9984 : i32
      %add3A_32 = arith.addi %mul3A_30, %add3A_31 : i32
      "tpu.region"() ({
        %run_scoped3A = tpu.sem_alloc : memref<!tpu.dma_semaphore, #tpu.memory_space<semaphore_mem>>
        %dma_start3A = arith.constant 0 : i32
        %dma_start3A_33 = tpu.memref_slice %arg5[%add3A_32, %dma_start3A] : memref<20000x128xf32, #tpu.memory_space<hbm>> -> memref<16x128xf32, #tpu.memory_space<hbm>>
        %dma_start3A_34 = arith.constant 9984 : i32
        %dma_start3A_35 = arith.constant 0 : i32
        %dma_start3A_36 = tpu.memref_slice %arg8[%dma_start3A_34, %dma_start3A_35] : memref<10000x128xf32, #tpu.memory_space<vmem_shared>> -> memref<16x128xf32, #tpu.memory_space<vmem_shared>>
        tpu.enqueue_dma source(%dma_start3A_36 : memref<16x128xf32, #tpu.memory_space<vmem_shared>>) target(%dma_start3A_33 : memref<16x128xf32, #tpu.memory_space<hbm>>) target_semaphore(%run_scoped3A : memref<!tpu.dma_semaphore, #tpu.memory_space<semaphore_mem>>)
        %dma_wait3A = arith.constant 0 : i32
        %dma_wait3A_37 = tpu.memref_slice %arg5[%add3A_32, %dma_wait3A] : memref<20000x128xf32, #tpu.memory_space<hbm>> -> memref<16x128xf32, #tpu.memory_space<hbm>>
        %dma_wait3A_38 = arith.constant 9984 : i32
        %dma_wait3A_39 = arith.constant 0 : i32
        %dma_wait3A_40 = tpu.memref_slice %arg8[%dma_wait3A_38, %dma_wait3A_39] : memref<10000x128xf32, #tpu.memory_space<vmem_shared>> -> memref<16x128xf32, #tpu.memory_space<vmem_shared>>
        tpu.wait_dma2 semaphore(%run_scoped3A : memref<!tpu.dma_semaphore, #tpu.memory_space<semaphore_mem>>) src(%dma_wait3A_40 : memref<16x128xf32, #tpu.memory_space<vmem_shared>>) dst(%dma_wait3A_37 : memref<16x128xf32, #tpu.memory_space<hbm>>)
        tpu.yield
      }) : () -> ()
    } else {
    }
    return
  }
}

#map = affine_map<(d0, d1) -> (0, 0)>
module attributes {stable_mosaic.version = 14 : i64} {
  func.func @_sc_gather_body(%arg0: i32, %arg1: i32, %arg2: memref<10000x128xf32, #tpu.memory_space<hbm>>, %arg3: memref<1250x128xi32, #tpu.memory_space<hbm>>, %arg4: memref<1250x128xi32, #tpu.memory_space<hbm>>, %arg5: memref<160000x128xf32, #tpu.memory_space<hbm>>, %arg6: memref<160000x128xf32, #tpu.memory_space<hbm>>, %arg7: memref<2x128xi32, #tpu.memory_space<vmem>>, %arg8: memref<2x128xi32, #tpu.memory_space<vmem>>, %arg9: memref<256x128xf32, #tpu.memory_space<vmem>>, %arg10: memref<256x128xf32, #tpu.memory_space<vmem>>, %arg11: memref<!tpu.dma_semaphore, #tpu.memory_space<semaphore_mem>>, %arg12: memref<!tpu.dma_semaphore, #tpu.memory_space<semaphore_mem>>, %arg13: memref<!tpu.dma_semaphore, #tpu.memory_space<semaphore_mem>>) attributes {dimension_semantics = [#tpu.dimension_semantics<core_parallel>, #tpu.dimension_semantics<subcore_parallel>], iteration_bounds = array<i64: 2, 16>, scalar_prefetch = 0 : i64, scratch_operands = 7 : i64, tpu.core_type = #tpu.core_type<sc_vector_subcore>, window_params = [{transform_indices = #map}, {transform_indices = #map}, {transform_indices = #map}, {transform_indices = #map}, {transform_indices = #map}]} {
    %mul3A = arith.constant 2 : i32
    %mul3A_0 = arith.muli %arg1, %mul3A : i32
    %add3A = arith.addi %mul3A_0, %arg0 : i32
    %lt3A = arith.constant 17 : i32
    %lt3A_1 = arith.cmpi slt, %add3A, %lt3A : i32
    %jit3A = arith.constant 20 : i32
    %jit3A_2 = arith.constant 19 : i32
    %select_n3A = arith.select %lt3A_1, %jit3A, %jit3A_2 : i32
    %mul3A_3 = arith.constant 19 : i32
    %mul3A_4 = arith.muli %add3A, %mul3A_3 : i32
    %min3A = arith.constant 17 : i32
    %min3A_5 = arith.minsi %add3A, %min3A : i32
    %add3A_6 = arith.addi %mul3A_4, %min3A_5 : i32
    %while3A = arith.constant 0 : i32
    %while3A_7 = arith.constant 0 : i32
    %while3A_8 = arith.subi %select_n3A, %while3A_7 : i32
    %while3A_9 = arith.addi %while3A_7, %while3A_8 : i32
    %while3A_10 = arith.constant 1 : i32
    %while3A_11 = arith.divsi %while3A_8, %while3A_10 : i32
    %while3A_12 = arith.muli %while3A_11, %while3A_10 : i32
    %while3A_13 = arith.addi %while3A_7, %while3A_12 : i32
    %while3A_14 = arith.constant 1 : i32
    scf.for %while3A_27 = %while3A_7 to %while3A_13 step %while3A_14  : i32 {
      %add3A_28 = arith.addi %add3A_6, %while3A_27 : i32
      %mul3A_29 = arith.constant 256 : i32
      %mul3A_30 = arith.muli %add3A_28, %mul3A_29 : i32
      %add3A_31 = arith.addi %add3A_6, %while3A_27 : i32
      %mul3A_32 = arith.constant 2 : i32
      %mul3A_33 = arith.muli %add3A_31, %mul3A_32 : i32
      %gt3A = arith.constant 0 : i32
      %gt3A_34 = arith.cmpi sgt, %while3A_27, %gt3A : i32
      %convert_element_type3A = arith.extui %gt3A_34 : i1 to i32
      %cond3A = arith.constant 0 : i32
      %cond3A_35 = arith.cmpi ne, %convert_element_type3A, %cond3A : i32
      scf.if %cond3A_35 {
        %add3A_139 = arith.addi %add3A_6, %while3A_27 : i32
        %sub3A_140 = arith.constant 1 : i32
        %sub3A_141 = arith.subi %add3A_139, %sub3A_140 : i32
        %mul3A_142 = arith.constant 256 : i32
        %mul3A_143 = arith.muli %sub3A_141, %mul3A_142 : i32
        %dma_wait3A_144 = arith.constant 0 : i32
        %dma_wait3A_145 = tpu.memref_slice %arg5[%mul3A_143, %dma_wait3A_144] : memref<160000x128xf32, #tpu.memory_space<hbm>> -> memref<256x128xf32, #tpu.memory_space<hbm>>
        %dma_wait3A_146 = arith.constant 0 : i32
        %dma_wait3A_147 = tpu.memref_slice %arg5[%mul3A_143, %dma_wait3A_146] : memref<160000x128xf32, #tpu.memory_space<hbm>> -> memref<256x128xf32, #tpu.memory_space<hbm>>
        tpu.wait_dma2 semaphore(%arg13 : memref<!tpu.dma_semaphore, #tpu.memory_space<semaphore_mem>>) src(%arg9 : memref<256x128xf32, #tpu.memory_space<vmem>>) dst(%dma_wait3A_147 : memref<256x128xf32, #tpu.memory_space<hbm>>)
        %dma_wait3A_148 = arith.constant 0 : i32
        %dma_wait3A_149 = tpu.memref_slice %arg6[%mul3A_143, %dma_wait3A_148] : memref<160000x128xf32, #tpu.memory_space<hbm>> -> memref<256x128xf32, #tpu.memory_space<hbm>>
        %dma_wait3A_150 = arith.constant 0 : i32
        %dma_wait3A_151 = tpu.memref_slice %arg6[%mul3A_143, %dma_wait3A_150] : memref<160000x128xf32, #tpu.memory_space<hbm>> -> memref<256x128xf32, #tpu.memory_space<hbm>>
        tpu.wait_dma2 semaphore(%arg13 : memref<!tpu.dma_semaphore, #tpu.memory_space<semaphore_mem>>) src(%arg10 : memref<256x128xf32, #tpu.memory_space<vmem>>) dst(%dma_wait3A_151 : memref<256x128xf32, #tpu.memory_space<hbm>>)
      } else {
      }
      %dma_start3A = arith.constant 0 : i32
      %dma_start3A_36 = tpu.memref_slice %arg3[%mul3A_33, %dma_start3A] : memref<1250x128xi32, #tpu.memory_space<hbm>> -> memref<2x128xi32, #tpu.memory_space<hbm>>
      %dma_start3A_37 = arith.constant 0 : i32
      %dma_start3A_38 = tpu.memref_slice %arg3[%mul3A_33, %dma_start3A_37] : memref<1250x128xi32, #tpu.memory_space<hbm>> -> memref<2x128xi32, #tpu.memory_space<hbm>>
      tpu.enqueue_dma source(%dma_start3A_38 : memref<2x128xi32, #tpu.memory_space<hbm>>) target(%arg7 : memref<2x128xi32, #tpu.memory_space<vmem>>) target_semaphore(%arg11 : memref<!tpu.dma_semaphore, #tpu.memory_space<semaphore_mem>>)
      %dma_start3A_39 = arith.constant 0 : i32
      %dma_start3A_40 = tpu.memref_slice %arg4[%mul3A_33, %dma_start3A_39] : memref<1250x128xi32, #tpu.memory_space<hbm>> -> memref<2x128xi32, #tpu.memory_space<hbm>>
      %dma_start3A_41 = arith.constant 0 : i32
      %dma_start3A_42 = tpu.memref_slice %arg4[%mul3A_33, %dma_start3A_41] : memref<1250x128xi32, #tpu.memory_space<hbm>> -> memref<2x128xi32, #tpu.memory_space<hbm>>
      tpu.enqueue_dma source(%dma_start3A_42 : memref<2x128xi32, #tpu.memory_space<hbm>>) target(%arg8 : memref<2x128xi32, #tpu.memory_space<vmem>>) target_semaphore(%arg11 : memref<!tpu.dma_semaphore, #tpu.memory_space<semaphore_mem>>)
      %dma_wait3A_43 = arith.constant 0 : i32
      %dma_wait3A_44 = tpu.memref_slice %arg3[%mul3A_33, %dma_wait3A_43] : memref<1250x128xi32, #tpu.memory_space<hbm>> -> memref<2x128xi32, #tpu.memory_space<hbm>>
      %dma_wait3A_45 = arith.constant 0 : i32
      %dma_wait3A_46 = tpu.memref_slice %arg3[%mul3A_33, %dma_wait3A_45] : memref<1250x128xi32, #tpu.memory_space<hbm>> -> memref<2x128xi32, #tpu.memory_space<hbm>>
      tpu.wait_dma2 semaphore(%arg11 : memref<!tpu.dma_semaphore, #tpu.memory_space<semaphore_mem>>) src(%dma_wait3A_46 : memref<2x128xi32, #tpu.memory_space<hbm>>) dst(%arg7 : memref<2x128xi32, #tpu.memory_space<vmem>>)
      %dma_wait3A_47 = arith.constant 0 : i32
      %dma_wait3A_48 = tpu.memref_slice %arg4[%mul3A_33, %dma_wait3A_47] : memref<1250x128xi32, #tpu.memory_space<hbm>> -> memref<2x128xi32, #tpu.memory_space<hbm>>
      %dma_wait3A_49 = arith.constant 0 : i32
      %dma_wait3A_50 = tpu.memref_slice %arg4[%mul3A_33, %dma_wait3A_49] : memref<1250x128xi32, #tpu.memory_space<hbm>> -> memref<2x128xi32, #tpu.memory_space<hbm>>
      tpu.wait_dma2 semaphore(%arg11 : memref<!tpu.dma_semaphore, #tpu.memory_space<semaphore_mem>>) src(%dma_wait3A_50 : memref<2x128xi32, #tpu.memory_space<hbm>>) dst(%arg8 : memref<2x128xi32, #tpu.memory_space<vmem>>)
      %dma_start3A_51 = arith.constant 0 : i32
      %dma_start3A_52 = arith.constant 0 : i32
      %dma_start3A_53 = arith.constant 0 : i32
      %dma_start3A_54 = tpu.memref_slice %arg9[%dma_start3A_52, %dma_start3A_53] : memref<256x128xf32, #tpu.memory_space<vmem>> -> memref<128x128xf32, #tpu.memory_space<vmem>>
      %dma_start3A_55 = arith.constant 0 : i32
      %dma_start3A_56 = tpu.memref_slice %arg7[%dma_start3A_51, %dma_start3A_55] : memref<2x128xi32, #tpu.memory_space<vmem>> -> memref<1x128xi32, #tpu.memory_space<vmem>>
      %dma_start3A_57 = tpu.memref_squeeze %dma_start3A_56 : memref<1x128xi32, #tpu.memory_space<vmem>> -> memref<128xi32, #tpu.memory_space<vmem>>
      %dma_start3A_58 = arith.constant 0 : i32
      %dma_start3A_59 = arith.constant 0 : i32
      %dma_start3A_60 = tpu.memref_slice %arg2[%dma_start3A_58, %dma_start3A_59] : memref<10000x128xf32, #tpu.memory_space<hbm>> -> memref<10000x128xf32, #tpu.memory_space<hbm>>
      tpu.enqueue_indirect_dma source(%dma_start3A_60 : memref<10000x128xf32, #tpu.memory_space<hbm>>) target(%dma_start3A_54 : memref<128x128xf32, #tpu.memory_space<vmem>>) offsets(%dma_start3A_57 : memref<128xi32, #tpu.memory_space<vmem>>) semaphore(%arg12 : memref<!tpu.dma_semaphore, #tpu.memory_space<semaphore_mem>>)
      %dma_start3A_61 = arith.constant 0 : i32
      %dma_start3A_62 = arith.constant 0 : i32
      %dma_start3A_63 = arith.constant 0 : i32
      %dma_start3A_64 = tpu.memref_slice %arg10[%dma_start3A_62, %dma_start3A_63] : memref<256x128xf32, #tpu.memory_space<vmem>> -> memref<128x128xf32, #tpu.memory_space<vmem>>
      %dma_start3A_65 = arith.constant 0 : i32
      %dma_start3A_66 = tpu.memref_slice %arg8[%dma_start3A_61, %dma_start3A_65] : memref<2x128xi32, #tpu.memory_space<vmem>> -> memref<1x128xi32, #tpu.memory_space<vmem>>
      %dma_start3A_67 = tpu.memref_squeeze %dma_start3A_66 : memref<1x128xi32, #tpu.memory_space<vmem>> -> memref<128xi32, #tpu.memory_space<vmem>>
      %dma_start3A_68 = arith.constant 0 : i32
      %dma_start3A_69 = arith.constant 0 : i32
      %dma_start3A_70 = tpu.memref_slice %arg2[%dma_start3A_68, %dma_start3A_69] : memref<10000x128xf32, #tpu.memory_space<hbm>> -> memref<10000x128xf32, #tpu.memory_space<hbm>>
      tpu.enqueue_indirect_dma source(%dma_start3A_70 : memref<10000x128xf32, #tpu.memory_space<hbm>>) target(%dma_start3A_64 : memref<128x128xf32, #tpu.memory_space<vmem>>) offsets(%dma_start3A_67 : memref<128xi32, #tpu.memory_space<vmem>>) semaphore(%arg12 : memref<!tpu.dma_semaphore, #tpu.memory_space<semaphore_mem>>)
      %dma_start3A_71 = arith.constant 1 : i32
      %dma_start3A_72 = arith.constant 128 : i32
      %dma_start3A_73 = arith.constant 0 : i32
      %dma_start3A_74 = tpu.memref_slice %arg9[%dma_start3A_72, %dma_start3A_73] : memref<256x128xf32, #tpu.memory_space<vmem>> -> memref<128x128xf32, #tpu.memory_space<vmem>>
      %dma_start3A_75 = arith.constant 0 : i32
      %dma_start3A_76 = tpu.memref_slice %arg7[%dma_start3A_71, %dma_start3A_75] : memref<2x128xi32, #tpu.memory_space<vmem>> -> memref<1x128xi32, #tpu.memory_space<vmem>>
      %dma_start3A_77 = tpu.memref_squeeze %dma_start3A_76 : memref<1x128xi32, #tpu.memory_space<vmem>> -> memref<128xi32, #tpu.memory_space<vmem>>
      %dma_start3A_78 = arith.constant 0 : i32
      %dma_start3A_79 = arith.constant 0 : i32
      %dma_start3A_80 = tpu.memref_slice %arg2[%dma_start3A_78, %dma_start3A_79] : memref<10000x128xf32, #tpu.memory_space<hbm>> -> memref<10000x128xf32, #tpu.memory_space<hbm>>
      tpu.enqueue_indirect_dma source(%dma_start3A_80 : memref<10000x128xf32, #tpu.memory_space<hbm>>) target(%dma_start3A_74 : memref<128x128xf32, #tpu.memory_space<vmem>>) offsets(%dma_start3A_77 : memref<128xi32, #tpu.memory_space<vmem>>) semaphore(%arg12 : memref<!tpu.dma_semaphore, #tpu.memory_space<semaphore_mem>>)
      %dma_start3A_81 = arith.constant 1 : i32
      %dma_start3A_82 = arith.constant 128 : i32
      %dma_start3A_83 = arith.constant 0 : i32
      %dma_start3A_84 = tpu.memref_slice %arg10[%dma_start3A_82, %dma_start3A_83] : memref<256x128xf32, #tpu.memory_space<vmem>> -> memref<128x128xf32, #tpu.memory_space<vmem>>
      %dma_start3A_85 = arith.constant 0 : i32
      %dma_start3A_86 = tpu.memref_slice %arg8[%dma_start3A_81, %dma_start3A_85] : memref<2x128xi32, #tpu.memory_space<vmem>> -> memref<1x128xi32, #tpu.memory_space<vmem>>
      %dma_start3A_87 = tpu.memref_squeeze %dma_start3A_86 : memref<1x128xi32, #tpu.memory_space<vmem>> -> memref<128xi32, #tpu.memory_space<vmem>>
      %dma_start3A_88 = arith.constant 0 : i32
      %dma_start3A_89 = arith.constant 0 : i32
      %dma_start3A_90 = tpu.memref_slice %arg2[%dma_start3A_88, %dma_start3A_89] : memref<10000x128xf32, #tpu.memory_space<hbm>> -> memref<10000x128xf32, #tpu.memory_space<hbm>>
      tpu.enqueue_indirect_dma source(%dma_start3A_90 : memref<10000x128xf32, #tpu.memory_space<hbm>>) target(%dma_start3A_84 : memref<128x128xf32, #tpu.memory_space<vmem>>) offsets(%dma_start3A_87 : memref<128xi32, #tpu.memory_space<vmem>>) semaphore(%arg12 : memref<!tpu.dma_semaphore, #tpu.memory_space<semaphore_mem>>)
      %dma_wait3A_91 = arith.constant 0 : i32
      %dma_wait3A_92 = arith.constant 0 : i32
      %dma_wait3A_93 = arith.constant 0 : i32
      %dma_wait3A_94 = tpu.memref_slice %arg9[%dma_wait3A_92, %dma_wait3A_93] : memref<256x128xf32, #tpu.memory_space<vmem>> -> memref<128x128xf32, #tpu.memory_space<vmem>>
      %dma_wait3A_95 = arith.constant 0 : i32
      %dma_wait3A_96 = tpu.memref_slice %arg7[%dma_wait3A_91, %dma_wait3A_95] : memref<2x128xi32, #tpu.memory_space<vmem>> -> memref<1x128xi32, #tpu.memory_space<vmem>>
      %dma_wait3A_97 = tpu.memref_squeeze %dma_wait3A_96 : memref<1x128xi32, #tpu.memory_space<vmem>> -> memref<128xi32, #tpu.memory_space<vmem>>
      %dma_wait3A_98 = arith.constant 0 : i32
      %dma_wait3A_99 = arith.constant 0 : i32
      %dma_wait3A_100 = tpu.memref_slice %arg2[%dma_wait3A_98, %dma_wait3A_99] : memref<10000x128xf32, #tpu.memory_space<hbm>> -> memref<10000x128xf32, #tpu.memory_space<hbm>>
      tpu.wait_indirect_dma semaphore(%arg12 : memref<!tpu.dma_semaphore, #tpu.memory_space<semaphore_mem>>) src(%dma_wait3A_100 : memref<10000x128xf32, #tpu.memory_space<hbm>>) dst(%dma_wait3A_94 : memref<128x128xf32, #tpu.memory_space<vmem>>)
      %dma_wait3A_101 = arith.constant 0 : i32
      %dma_wait3A_102 = arith.constant 0 : i32
      %dma_wait3A_103 = arith.constant 0 : i32
      %dma_wait3A_104 = tpu.memref_slice %arg10[%dma_wait3A_102, %dma_wait3A_103] : memref<256x128xf32, #tpu.memory_space<vmem>> -> memref<128x128xf32, #tpu.memory_space<vmem>>
      %dma_wait3A_105 = arith.constant 0 : i32
      %dma_wait3A_106 = tpu.memref_slice %arg8[%dma_wait3A_101, %dma_wait3A_105] : memref<2x128xi32, #tpu.memory_space<vmem>> -> memref<1x128xi32, #tpu.memory_space<vmem>>
      %dma_wait3A_107 = tpu.memref_squeeze %dma_wait3A_106 : memref<1x128xi32, #tpu.memory_space<vmem>> -> memref<128xi32, #tpu.memory_space<vmem>>
      %dma_wait3A_108 = arith.constant 0 : i32
      %dma_wait3A_109 = arith.constant 0 : i32
      %dma_wait3A_110 = tpu.memref_slice %arg2[%dma_wait3A_108, %dma_wait3A_109] : memref<10000x128xf32, #tpu.memory_space<hbm>> -> memref<10000x128xf32, #tpu.memory_space<hbm>>
      tpu.wait_indirect_dma semaphore(%arg12 : memref<!tpu.dma_semaphore, #tpu.memory_space<semaphore_mem>>) src(%dma_wait3A_110 : memref<10000x128xf32, #tpu.memory_space<hbm>>) dst(%dma_wait3A_104 : memref<128x128xf32, #tpu.memory_space<vmem>>)
      %dma_wait3A_111 = arith.constant 1 : i32
      %dma_wait3A_112 = arith.constant 128 : i32
      %dma_wait3A_113 = arith.constant 0 : i32
      %dma_wait3A_114 = tpu.memref_slice %arg9[%dma_wait3A_112, %dma_wait3A_113] : memref<256x128xf32, #tpu.memory_space<vmem>> -> memref<128x128xf32, #tpu.memory_space<vmem>>
      %dma_wait3A_115 = arith.constant 0 : i32
      %dma_wait3A_116 = tpu.memref_slice %arg7[%dma_wait3A_111, %dma_wait3A_115] : memref<2x128xi32, #tpu.memory_space<vmem>> -> memref<1x128xi32, #tpu.memory_space<vmem>>
      %dma_wait3A_117 = tpu.memref_squeeze %dma_wait3A_116 : memref<1x128xi32, #tpu.memory_space<vmem>> -> memref<128xi32, #tpu.memory_space<vmem>>
      %dma_wait3A_118 = arith.constant 0 : i32
      %dma_wait3A_119 = arith.constant 0 : i32
      %dma_wait3A_120 = tpu.memref_slice %arg2[%dma_wait3A_118, %dma_wait3A_119] : memref<10000x128xf32, #tpu.memory_space<hbm>> -> memref<10000x128xf32, #tpu.memory_space<hbm>>
      tpu.wait_indirect_dma semaphore(%arg12 : memref<!tpu.dma_semaphore, #tpu.memory_space<semaphore_mem>>) src(%dma_wait3A_120 : memref<10000x128xf32, #tpu.memory_space<hbm>>) dst(%dma_wait3A_114 : memref<128x128xf32, #tpu.memory_space<vmem>>)
      %dma_wait3A_121 = arith.constant 1 : i32
      %dma_wait3A_122 = arith.constant 128 : i32
      %dma_wait3A_123 = arith.constant 0 : i32
      %dma_wait3A_124 = tpu.memref_slice %arg10[%dma_wait3A_122, %dma_wait3A_123] : memref<256x128xf32, #tpu.memory_space<vmem>> -> memref<128x128xf32, #tpu.memory_space<vmem>>
      %dma_wait3A_125 = arith.constant 0 : i32
      %dma_wait3A_126 = tpu.memref_slice %arg8[%dma_wait3A_121, %dma_wait3A_125] : memref<2x128xi32, #tpu.memory_space<vmem>> -> memref<1x128xi32, #tpu.memory_space<vmem>>
      %dma_wait3A_127 = tpu.memref_squeeze %dma_wait3A_126 : memref<1x128xi32, #tpu.memory_space<vmem>> -> memref<128xi32, #tpu.memory_space<vmem>>
      %dma_wait3A_128 = arith.constant 0 : i32
      %dma_wait3A_129 = arith.constant 0 : i32
      %dma_wait3A_130 = tpu.memref_slice %arg2[%dma_wait3A_128, %dma_wait3A_129] : memref<10000x128xf32, #tpu.memory_space<hbm>> -> memref<10000x128xf32, #tpu.memory_space<hbm>>
      tpu.wait_indirect_dma semaphore(%arg12 : memref<!tpu.dma_semaphore, #tpu.memory_space<semaphore_mem>>) src(%dma_wait3A_130 : memref<10000x128xf32, #tpu.memory_space<hbm>>) dst(%dma_wait3A_124 : memref<128x128xf32, #tpu.memory_space<vmem>>)
      %dma_start3A_131 = arith.constant 0 : i32
      %dma_start3A_132 = tpu.memref_slice %arg5[%mul3A_30, %dma_start3A_131] : memref<160000x128xf32, #tpu.memory_space<hbm>> -> memref<256x128xf32, #tpu.memory_space<hbm>>
      %dma_start3A_133 = arith.constant 0 : i32
      %dma_start3A_134 = tpu.memref_slice %arg5[%mul3A_30, %dma_start3A_133] : memref<160000x128xf32, #tpu.memory_space<hbm>> -> memref<256x128xf32, #tpu.memory_space<hbm>>
      tpu.enqueue_dma source(%arg9 : memref<256x128xf32, #tpu.memory_space<vmem>>) target(%dma_start3A_134 : memref<256x128xf32, #tpu.memory_space<hbm>>) target_semaphore(%arg13 : memref<!tpu.dma_semaphore, #tpu.memory_space<semaphore_mem>>)
      %dma_start3A_135 = arith.constant 0 : i32
      %dma_start3A_136 = tpu.memref_slice %arg6[%mul3A_30, %dma_start3A_135] : memref<160000x128xf32, #tpu.memory_space<hbm>> -> memref<256x128xf32, #tpu.memory_space<hbm>>
      %dma_start3A_137 = arith.constant 0 : i32
      %dma_start3A_138 = tpu.memref_slice %arg6[%mul3A_30, %dma_start3A_137] : memref<160000x128xf32, #tpu.memory_space<hbm>> -> memref<256x128xf32, #tpu.memory_space<hbm>>
      tpu.enqueue_dma source(%arg10 : memref<256x128xf32, #tpu.memory_space<vmem>>) target(%dma_start3A_138 : memref<256x128xf32, #tpu.memory_space<hbm>>) target_semaphore(%arg13 : memref<!tpu.dma_semaphore, #tpu.memory_space<semaphore_mem>>)
    }
    %while3A_15 = arith.constant 1 : i32
    scf.for %while3A_27 = %while3A_13 to %while3A_9 step %while3A_15  : i32 {
      %add3A_28 = arith.addi %add3A_6, %while3A_27 : i32
      %mul3A_29 = arith.constant 256 : i32
      %mul3A_30 = arith.muli %add3A_28, %mul3A_29 : i32
      %add3A_31 = arith.addi %add3A_6, %while3A_27 : i32
      %mul3A_32 = arith.constant 2 : i32
      %mul3A_33 = arith.muli %add3A_31, %mul3A_32 : i32
      %gt3A = arith.constant 0 : i32
      %gt3A_34 = arith.cmpi sgt, %while3A_27, %gt3A : i32
      %convert_element_type3A = arith.extui %gt3A_34 : i1 to i32
      %cond3A = arith.constant 0 : i32
      %cond3A_35 = arith.cmpi ne, %convert_element_type3A, %cond3A : i32
      scf.if %cond3A_35 {
        %add3A_139 = arith.addi %add3A_6, %while3A_27 : i32
        %sub3A_140 = arith.constant 1 : i32
        %sub3A_141 = arith.subi %add3A_139, %sub3A_140 : i32
        %mul3A_142 = arith.constant 256 : i32
        %mul3A_143 = arith.muli %sub3A_141, %mul3A_142 : i32
        %dma_wait3A_144 = arith.constant 0 : i32
        %dma_wait3A_145 = tpu.memref_slice %arg5[%mul3A_143, %dma_wait3A_144] : memref<160000x128xf32, #tpu.memory_space<hbm>> -> memref<256x128xf32, #tpu.memory_space<hbm>>
        %dma_wait3A_146 = arith.constant 0 : i32
        %dma_wait3A_147 = tpu.memref_slice %arg5[%mul3A_143, %dma_wait3A_146] : memref<160000x128xf32, #tpu.memory_space<hbm>> -> memref<256x128xf32, #tpu.memory_space<hbm>>
        tpu.wait_dma2 semaphore(%arg13 : memref<!tpu.dma_semaphore, #tpu.memory_space<semaphore_mem>>) src(%arg9 : memref<256x128xf32, #tpu.memory_space<vmem>>) dst(%dma_wait3A_147 : memref<256x128xf32, #tpu.memory_space<hbm>>)
        %dma_wait3A_148 = arith.constant 0 : i32
        %dma_wait3A_149 = tpu.memref_slice %arg6[%mul3A_143, %dma_wait3A_148] : memref<160000x128xf32, #tpu.memory_space<hbm>> -> memref<256x128xf32, #tpu.memory_space<hbm>>
        %dma_wait3A_150 = arith.constant 0 : i32
        %dma_wait3A_151 = tpu.memref_slice %arg6[%mul3A_143, %dma_wait3A_150] : memref<160000x128xf32, #tpu.memory_space<hbm>> -> memref<256x128xf32, #tpu.memory_space<hbm>>
        tpu.wait_dma2 semaphore(%arg13 : memref<!tpu.dma_semaphore, #tpu.memory_space<semaphore_mem>>) src(%arg10 : memref<256x128xf32, #tpu.memory_space<vmem>>) dst(%dma_wait3A_151 : memref<256x128xf32, #tpu.memory_space<hbm>>)
      } else {
      }
      %dma_start3A = arith.constant 0 : i32
      %dma_start3A_36 = tpu.memref_slice %arg3[%mul3A_33, %dma_start3A] : memref<1250x128xi32, #tpu.memory_space<hbm>> -> memref<2x128xi32, #tpu.memory_space<hbm>>
      %dma_start3A_37 = arith.constant 0 : i32
      %dma_start3A_38 = tpu.memref_slice %arg3[%mul3A_33, %dma_start3A_37] : memref<1250x128xi32, #tpu.memory_space<hbm>> -> memref<2x128xi32, #tpu.memory_space<hbm>>
      tpu.enqueue_dma source(%dma_start3A_38 : memref<2x128xi32, #tpu.memory_space<hbm>>) target(%arg7 : memref<2x128xi32, #tpu.memory_space<vmem>>) target_semaphore(%arg11 : memref<!tpu.dma_semaphore, #tpu.memory_space<semaphore_mem>>)
      %dma_start3A_39 = arith.constant 0 : i32
      %dma_start3A_40 = tpu.memref_slice %arg4[%mul3A_33, %dma_start3A_39] : memref<1250x128xi32, #tpu.memory_space<hbm>> -> memref<2x128xi32, #tpu.memory_space<hbm>>
      %dma_start3A_41 = arith.constant 0 : i32
      %dma_start3A_42 = tpu.memref_slice %arg4[%mul3A_33, %dma_start3A_41] : memref<1250x128xi32, #tpu.memory_space<hbm>> -> memref<2x128xi32, #tpu.memory_space<hbm>>
      tpu.enqueue_dma source(%dma_start3A_42 : memref<2x128xi32, #tpu.memory_space<hbm>>) target(%arg8 : memref<2x128xi32, #tpu.memory_space<vmem>>) target_semaphore(%arg11 : memref<!tpu.dma_semaphore, #tpu.memory_space<semaphore_mem>>)
      %dma_wait3A_43 = arith.constant 0 : i32
      %dma_wait3A_44 = tpu.memref_slice %arg3[%mul3A_33, %dma_wait3A_43] : memref<1250x128xi32, #tpu.memory_space<hbm>> -> memref<2x128xi32, #tpu.memory_space<hbm>>
      %dma_wait3A_45 = arith.constant 0 : i32
      %dma_wait3A_46 = tpu.memref_slice %arg3[%mul3A_33, %dma_wait3A_45] : memref<1250x128xi32, #tpu.memory_space<hbm>> -> memref<2x128xi32, #tpu.memory_space<hbm>>
      tpu.wait_dma2 semaphore(%arg11 : memref<!tpu.dma_semaphore, #tpu.memory_space<semaphore_mem>>) src(%dma_wait3A_46 : memref<2x128xi32, #tpu.memory_space<hbm>>) dst(%arg7 : memref<2x128xi32, #tpu.memory_space<vmem>>)
      %dma_wait3A_47 = arith.constant 0 : i32
      %dma_wait3A_48 = tpu.memref_slice %arg4[%mul3A_33, %dma_wait3A_47] : memref<1250x128xi32, #tpu.memory_space<hbm>> -> memref<2x128xi32, #tpu.memory_space<hbm>>
      %dma_wait3A_49 = arith.constant 0 : i32
      %dma_wait3A_50 = tpu.memref_slice %arg4[%mul3A_33, %dma_wait3A_49] : memref<1250x128xi32, #tpu.memory_space<hbm>> -> memref<2x128xi32, #tpu.memory_space<hbm>>
      tpu.wait_dma2 semaphore(%arg11 : memref<!tpu.dma_semaphore, #tpu.memory_space<semaphore_mem>>) src(%dma_wait3A_50 : memref<2x128xi32, #tpu.memory_space<hbm>>) dst(%arg8 : memref<2x128xi32, #tpu.memory_space<vmem>>)
      %dma_start3A_51 = arith.constant 0 : i32
      %dma_start3A_52 = arith.constant 0 : i32
      %dma_start3A_53 = arith.constant 0 : i32
      %dma_start3A_54 = tpu.memref_slice %arg9[%dma_start3A_52, %dma_start3A_53] : memref<256x128xf32, #tpu.memory_space<vmem>> -> memref<128x128xf32, #tpu.memory_space<vmem>>
      %dma_start3A_55 = arith.constant 0 : i32
      %dma_start3A_56 = tpu.memref_slice %arg7[%dma_start3A_51, %dma_start3A_55] : memref<2x128xi32, #tpu.memory_space<vmem>> -> memref<1x128xi32, #tpu.memory_space<vmem>>
      %dma_start3A_57 = tpu.memref_squeeze %dma_start3A_56 : memref<1x128xi32, #tpu.memory_space<vmem>> -> memref<128xi32, #tpu.memory_space<vmem>>
      %dma_start3A_58 = arith.constant 0 : i32
      %dma_start3A_59 = arith.constant 0 : i32
      %dma_start3A_60 = tpu.memref_slice %arg2[%dma_start3A_58, %dma_start3A_59] : memref<10000x128xf32, #tpu.memory_space<hbm>> -> memref<10000x128xf32, #tpu.memory_space<hbm>>
      tpu.enqueue_indirect_dma source(%dma_start3A_60 : memref<10000x128xf32, #tpu.memory_space<hbm>>) target(%dma_start3A_54 : memref<128x128xf32, #tpu.memory_space<vmem>>) offsets(%dma_start3A_57 : memref<128xi32, #tpu.memory_space<vmem>>) semaphore(%arg12 : memref<!tpu.dma_semaphore, #tpu.memory_space<semaphore_mem>>)
      %dma_start3A_61 = arith.constant 0 : i32
      %dma_start3A_62 = arith.constant 0 : i32
      %dma_start3A_63 = arith.constant 0 : i32
      %dma_start3A_64 = tpu.memref_slice %arg10[%dma_start3A_62, %dma_start3A_63] : memref<256x128xf32, #tpu.memory_space<vmem>> -> memref<128x128xf32, #tpu.memory_space<vmem>>
      %dma_start3A_65 = arith.constant 0 : i32
      %dma_start3A_66 = tpu.memref_slice %arg8[%dma_start3A_61, %dma_start3A_65] : memref<2x128xi32, #tpu.memory_space<vmem>> -> memref<1x128xi32, #tpu.memory_space<vmem>>
      %dma_start3A_67 = tpu.memref_squeeze %dma_start3A_66 : memref<1x128xi32, #tpu.memory_space<vmem>> -> memref<128xi32, #tpu.memory_space<vmem>>
      %dma_start3A_68 = arith.constant 0 : i32
      %dma_start3A_69 = arith.constant 0 : i32
      %dma_start3A_70 = tpu.memref_slice %arg2[%dma_start3A_68, %dma_start3A_69] : memref<10000x128xf32, #tpu.memory_space<hbm>> -> memref<10000x128xf32, #tpu.memory_space<hbm>>
      tpu.enqueue_indirect_dma source(%dma_start3A_70 : memref<10000x128xf32, #tpu.memory_space<hbm>>) target(%dma_start3A_64 : memref<128x128xf32, #tpu.memory_space<vmem>>) offsets(%dma_start3A_67 : memref<128xi32, #tpu.memory_space<vmem>>) semaphore(%arg12 : memref<!tpu.dma_semaphore, #tpu.memory_space<semaphore_mem>>)
      %dma_start3A_71 = arith.constant 1 : i32
      %dma_start3A_72 = arith.constant 128 : i32
      %dma_start3A_73 = arith.constant 0 : i32
      %dma_start3A_74 = tpu.memref_slice %arg9[%dma_start3A_72, %dma_start3A_73] : memref<256x128xf32, #tpu.memory_space<vmem>> -> memref<128x128xf32, #tpu.memory_space<vmem>>
      %dma_start3A_75 = arith.constant 0 : i32
      %dma_start3A_76 = tpu.memref_slice %arg7[%dma_start3A_71, %dma_start3A_75] : memref<2x128xi32, #tpu.memory_space<vmem>> -> memref<1x128xi32, #tpu.memory_space<vmem>>
      %dma_start3A_77 = tpu.memref_squeeze %dma_start3A_76 : memref<1x128xi32, #tpu.memory_space<vmem>> -> memref<128xi32, #tpu.memory_space<vmem>>
      %dma_start3A_78 = arith.constant 0 : i32
      %dma_start3A_79 = arith.constant 0 : i32
      %dma_start3A_80 = tpu.memref_slice %arg2[%dma_start3A_78, %dma_start3A_79] : memref<10000x128xf32, #tpu.memory_space<hbm>> -> memref<10000x128xf32, #tpu.memory_space<hbm>>
      tpu.enqueue_indirect_dma source(%dma_start3A_80 : memref<10000x128xf32, #tpu.memory_space<hbm>>) target(%dma_start3A_74 : memref<128x128xf32, #tpu.memory_space<vmem>>) offsets(%dma_start3A_77 : memref<128xi32, #tpu.memory_space<vmem>>) semaphore(%arg12 : memref<!tpu.dma_semaphore, #tpu.memory_space<semaphore_mem>>)
      %dma_start3A_81 = arith.constant 1 : i32
      %dma_start3A_82 = arith.constant 128 : i32
      %dma_start3A_83 = arith.constant 0 : i32
      %dma_start3A_84 = tpu.memref_slice %arg10[%dma_start3A_82, %dma_start3A_83] : memref<256x128xf32, #tpu.memory_space<vmem>> -> memref<128x128xf32, #tpu.memory_space<vmem>>
      %dma_start3A_85 = arith.constant 0 : i32
      %dma_start3A_86 = tpu.memref_slice %arg8[%dma_start3A_81, %dma_start3A_85] : memref<2x128xi32, #tpu.memory_space<vmem>> -> memref<1x128xi32, #tpu.memory_space<vmem>>
      %dma_start3A_87 = tpu.memref_squeeze %dma_start3A_86 : memref<1x128xi32, #tpu.memory_space<vmem>> -> memref<128xi32, #tpu.memory_space<vmem>>
      %dma_start3A_88 = arith.constant 0 : i32
      %dma_start3A_89 = arith.constant 0 : i32
      %dma_start3A_90 = tpu.memref_slice %arg2[%dma_start3A_88, %dma_start3A_89] : memref<10000x128xf32, #tpu.memory_space<hbm>> -> memref<10000x128xf32, #tpu.memory_space<hbm>>
      tpu.enqueue_indirect_dma source(%dma_start3A_90 : memref<10000x128xf32, #tpu.memory_space<hbm>>) target(%dma_start3A_84 : memref<128x128xf32, #tpu.memory_space<vmem>>) offsets(%dma_start3A_87 : memref<128xi32, #tpu.memory_space<vmem>>) semaphore(%arg12 : memref<!tpu.dma_semaphore, #tpu.memory_space<semaphore_mem>>)
      %dma_wait3A_91 = arith.constant 0 : i32
      %dma_wait3A_92 = arith.constant 0 : i32
      %dma_wait3A_93 = arith.constant 0 : i32
      %dma_wait3A_94 = tpu.memref_slice %arg9[%dma_wait3A_92, %dma_wait3A_93] : memref<256x128xf32, #tpu.memory_space<vmem>> -> memref<128x128xf32, #tpu.memory_space<vmem>>
      %dma_wait3A_95 = arith.constant 0 : i32
      %dma_wait3A_96 = tpu.memref_slice %arg7[%dma_wait3A_91, %dma_wait3A_95] : memref<2x128xi32, #tpu.memory_space<vmem>> -> memref<1x128xi32, #tpu.memory_space<vmem>>
      %dma_wait3A_97 = tpu.memref_squeeze %dma_wait3A_96 : memref<1x128xi32, #tpu.memory_space<vmem>> -> memref<128xi32, #tpu.memory_space<vmem>>
      %dma_wait3A_98 = arith.constant 0 : i32
      %dma_wait3A_99 = arith.constant 0 : i32
      %dma_wait3A_100 = tpu.memref_slice %arg2[%dma_wait3A_98, %dma_wait3A_99] : memref<10000x128xf32, #tpu.memory_space<hbm>> -> memref<10000x128xf32, #tpu.memory_space<hbm>>
      tpu.wait_indirect_dma semaphore(%arg12 : memref<!tpu.dma_semaphore, #tpu.memory_space<semaphore_mem>>) src(%dma_wait3A_100 : memref<10000x128xf32, #tpu.memory_space<hbm>>) dst(%dma_wait3A_94 : memref<128x128xf32, #tpu.memory_space<vmem>>)
      %dma_wait3A_101 = arith.constant 0 : i32
      %dma_wait3A_102 = arith.constant 0 : i32
      %dma_wait3A_103 = arith.constant 0 : i32
      %dma_wait3A_104 = tpu.memref_slice %arg10[%dma_wait3A_102, %dma_wait3A_103] : memref<256x128xf32, #tpu.memory_space<vmem>> -> memref<128x128xf32, #tpu.memory_space<vmem>>
      %dma_wait3A_105 = arith.constant 0 : i32
      %dma_wait3A_106 = tpu.memref_slice %arg8[%dma_wait3A_101, %dma_wait3A_105] : memref<2x128xi32, #tpu.memory_space<vmem>> -> memref<1x128xi32, #tpu.memory_space<vmem>>
      %dma_wait3A_107 = tpu.memref_squeeze %dma_wait3A_106 : memref<1x128xi32, #tpu.memory_space<vmem>> -> memref<128xi32, #tpu.memory_space<vmem>>
      %dma_wait3A_108 = arith.constant 0 : i32
      %dma_wait3A_109 = arith.constant 0 : i32
      %dma_wait3A_110 = tpu.memref_slice %arg2[%dma_wait3A_108, %dma_wait3A_109] : memref<10000x128xf32, #tpu.memory_space<hbm>> -> memref<10000x128xf32, #tpu.memory_space<hbm>>
      tpu.wait_indirect_dma semaphore(%arg12 : memref<!tpu.dma_semaphore, #tpu.memory_space<semaphore_mem>>) src(%dma_wait3A_110 : memref<10000x128xf32, #tpu.memory_space<hbm>>) dst(%dma_wait3A_104 : memref<128x128xf32, #tpu.memory_space<vmem>>)
      %dma_wait3A_111 = arith.constant 1 : i32
      %dma_wait3A_112 = arith.constant 128 : i32
      %dma_wait3A_113 = arith.constant 0 : i32
      %dma_wait3A_114 = tpu.memref_slice %arg9[%dma_wait3A_112, %dma_wait3A_113] : memref<256x128xf32, #tpu.memory_space<vmem>> -> memref<128x128xf32, #tpu.memory_space<vmem>>
      %dma_wait3A_115 = arith.constant 0 : i32
      %dma_wait3A_116 = tpu.memref_slice %arg7[%dma_wait3A_111, %dma_wait3A_115] : memref<2x128xi32, #tpu.memory_space<vmem>> -> memref<1x128xi32, #tpu.memory_space<vmem>>
      %dma_wait3A_117 = tpu.memref_squeeze %dma_wait3A_116 : memref<1x128xi32, #tpu.memory_space<vmem>> -> memref<128xi32, #tpu.memory_space<vmem>>
      %dma_wait3A_118 = arith.constant 0 : i32
      %dma_wait3A_119 = arith.constant 0 : i32
      %dma_wait3A_120 = tpu.memref_slice %arg2[%dma_wait3A_118, %dma_wait3A_119] : memref<10000x128xf32, #tpu.memory_space<hbm>> -> memref<10000x128xf32, #tpu.memory_space<hbm>>
      tpu.wait_indirect_dma semaphore(%arg12 : memref<!tpu.dma_semaphore, #tpu.memory_space<semaphore_mem>>) src(%dma_wait3A_120 : memref<10000x128xf32, #tpu.memory_space<hbm>>) dst(%dma_wait3A_114 : memref<128x128xf32, #tpu.memory_space<vmem>>)
      %dma_wait3A_121 = arith.constant 1 : i32
      %dma_wait3A_122 = arith.constant 128 : i32
      %dma_wait3A_123 = arith.constant 0 : i32
      %dma_wait3A_124 = tpu.memref_slice %arg10[%dma_wait3A_122, %dma_wait3A_123] : memref<256x128xf32, #tpu.memory_space<vmem>> -> memref<128x128xf32, #tpu.memory_space<vmem>>
      %dma_wait3A_125 = arith.constant 0 : i32
      %dma_wait3A_126 = tpu.memref_slice %arg8[%dma_wait3A_121, %dma_wait3A_125] : memref<2x128xi32, #tpu.memory_space<vmem>> -> memref<1x128xi32, #tpu.memory_space<vmem>>
      %dma_wait3A_127 = tpu.memref_squeeze %dma_wait3A_126 : memref<1x128xi32, #tpu.memory_space<vmem>> -> memref<128xi32, #tpu.memory_space<vmem>>
      %dma_wait3A_128 = arith.constant 0 : i32
      %dma_wait3A_129 = arith.constant 0 : i32
      %dma_wait3A_130 = tpu.memref_slice %arg2[%dma_wait3A_128, %dma_wait3A_129] : memref<10000x128xf32, #tpu.memory_space<hbm>> -> memref<10000x128xf32, #tpu.memory_space<hbm>>
      tpu.wait_indirect_dma semaphore(%arg12 : memref<!tpu.dma_semaphore, #tpu.memory_space<semaphore_mem>>) src(%dma_wait3A_130 : memref<10000x128xf32, #tpu.memory_space<hbm>>) dst(%dma_wait3A_124 : memref<128x128xf32, #tpu.memory_space<vmem>>)
      %dma_start3A_131 = arith.constant 0 : i32
      %dma_start3A_132 = tpu.memref_slice %arg5[%mul3A_30, %dma_start3A_131] : memref<160000x128xf32, #tpu.memory_space<hbm>> -> memref<256x128xf32, #tpu.memory_space<hbm>>
      %dma_start3A_133 = arith.constant 0 : i32
      %dma_start3A_134 = tpu.memref_slice %arg5[%mul3A_30, %dma_start3A_133] : memref<160000x128xf32, #tpu.memory_space<hbm>> -> memref<256x128xf32, #tpu.memory_space<hbm>>
      tpu.enqueue_dma source(%arg9 : memref<256x128xf32, #tpu.memory_space<vmem>>) target(%dma_start3A_134 : memref<256x128xf32, #tpu.memory_space<hbm>>) target_semaphore(%arg13 : memref<!tpu.dma_semaphore, #tpu.memory_space<semaphore_mem>>)
      %dma_start3A_135 = arith.constant 0 : i32
      %dma_start3A_136 = tpu.memref_slice %arg6[%mul3A_30, %dma_start3A_135] : memref<160000x128xf32, #tpu.memory_space<hbm>> -> memref<256x128xf32, #tpu.memory_space<hbm>>
      %dma_start3A_137 = arith.constant 0 : i32
      %dma_start3A_138 = tpu.memref_slice %arg6[%mul3A_30, %dma_start3A_137] : memref<160000x128xf32, #tpu.memory_space<hbm>> -> memref<256x128xf32, #tpu.memory_space<hbm>>
      tpu.enqueue_dma source(%arg10 : memref<256x128xf32, #tpu.memory_space<vmem>>) target(%dma_start3A_138 : memref<256x128xf32, #tpu.memory_space<hbm>>) target_semaphore(%arg13 : memref<!tpu.dma_semaphore, #tpu.memory_space<semaphore_mem>>)
    }
    %add3A_16 = arith.addi %add3A_6, %select_n3A : i32
    %sub3A = arith.constant 1 : i32
    %sub3A_17 = arith.subi %add3A_16, %sub3A : i32
    %mul3A_18 = arith.constant 256 : i32
    %mul3A_19 = arith.muli %sub3A_17, %mul3A_18 : i32
    %dma_wait3A = arith.constant 0 : i32
    %dma_wait3A_20 = tpu.memref_slice %arg5[%mul3A_19, %dma_wait3A] : memref<160000x128xf32, #tpu.memory_space<hbm>> -> memref<256x128xf32, #tpu.memory_space<hbm>>
    %dma_wait3A_21 = arith.constant 0 : i32
    %dma_wait3A_22 = tpu.memref_slice %arg5[%mul3A_19, %dma_wait3A_21] : memref<160000x128xf32, #tpu.memory_space<hbm>> -> memref<256x128xf32, #tpu.memory_space<hbm>>
    tpu.wait_dma2 semaphore(%arg13 : memref<!tpu.dma_semaphore, #tpu.memory_space<semaphore_mem>>) src(%arg9 : memref<256x128xf32, #tpu.memory_space<vmem>>) dst(%dma_wait3A_22 : memref<256x128xf32, #tpu.memory_space<hbm>>)
    %dma_wait3A_23 = arith.constant 0 : i32
    %dma_wait3A_24 = tpu.memref_slice %arg6[%mul3A_19, %dma_wait3A_23] : memref<160000x128xf32, #tpu.memory_space<hbm>> -> memref<256x128xf32, #tpu.memory_space<hbm>>
    %dma_wait3A_25 = arith.constant 0 : i32
    %dma_wait3A_26 = tpu.memref_slice %arg6[%mul3A_19, %dma_wait3A_25] : memref<160000x128xf32, #tpu.memory_space<hbm>> -> memref<256x128xf32, #tpu.memory_space<hbm>>
    tpu.wait_dma2 semaphore(%arg13 : memref<!tpu.dma_semaphore, #tpu.memory_space<semaphore_mem>>) src(%arg10 : memref<256x128xf32, #tpu.memory_space<vmem>>) dst(%dma_wait3A_26 : memref<256x128xf32, #tpu.memory_space<hbm>>)
    return
  }
}

#map = affine_map<(d0, d1) -> (0, 0)>
module attributes {stable_mosaic.version = 14 : i64} {
  func.func @_sc_gather_body(%arg0: i32, %arg1: i32, %arg2: memref<10000x128xf32, #tpu.memory_space<hbm>>, %arg3: memref<1250x128xi32, #tpu.memory_space<hbm>>, %arg4: memref<1250x128xi32, #tpu.memory_space<hbm>>, %arg5: memref<160000x128xf32, #tpu.memory_space<hbm>>, %arg6: memref<160000x128xf32, #tpu.memory_space<hbm>>, %arg7: memref<2x128xi32, #tpu.memory_space<vmem>>, %arg8: memref<2x128xi32, #tpu.memory_space<vmem>>, %arg9: memref<256x128xf32, #tpu.memory_space<vmem>>, %arg10: memref<256x128xf32, #tpu.memory_space<vmem>>, %arg11: memref<!tpu.dma_semaphore, #tpu.memory_space<semaphore_mem>>, %arg12: memref<!tpu.dma_semaphore, #tpu.memory_space<semaphore_mem>>, %arg13: memref<!tpu.dma_semaphore, #tpu.memory_space<semaphore_mem>>) attributes {dimension_semantics = [#tpu.dimension_semantics<core_parallel>, #tpu.dimension_semantics<subcore_parallel>], iteration_bounds = array<i64: 2, 16>, scalar_prefetch = 0 : i64, scratch_operands = 7 : i64, tpu.core_type = #tpu.core_type<sc_vector_subcore>, window_params = [{transform_indices = #map}, {transform_indices = #map}, {transform_indices = #map}, {transform_indices = #map}, {transform_indices = #map}]} {
    %mul3A = arith.constant 2 : i32
    %mul3A_0 = arith.muli %arg1, %mul3A : i32
    %add3A = arith.addi %mul3A_0, %arg0 : i32
    %lt3A = arith.constant 17 : i32
    %lt3A_1 = arith.cmpi slt, %add3A, %lt3A : i32
    %jit3A = arith.constant 20 : i32
    %jit3A_2 = arith.constant 19 : i32
    %select_n3A = arith.select %lt3A_1, %jit3A, %jit3A_2 : i32
    %mul3A_3 = arith.constant 19 : i32
    %mul3A_4 = arith.muli %add3A, %mul3A_3 : i32
    %min3A = arith.constant 17 : i32
    %min3A_5 = arith.minsi %add3A, %min3A : i32
    %add3A_6 = arith.addi %mul3A_4, %min3A_5 : i32
    %while3A = arith.constant 0 : i32
    %while3A_7 = arith.constant 0 : i32
    %while3A_8 = arith.subi %select_n3A, %while3A_7 : i32
    %while3A_9 = arith.addi %while3A_7, %while3A_8 : i32
    %while3A_10 = arith.constant 1 : i32
    %while3A_11 = arith.divsi %while3A_8, %while3A_10 : i32
    %while3A_12 = arith.muli %while3A_11, %while3A_10 : i32
    %while3A_13 = arith.addi %while3A_7, %while3A_12 : i32
    %while3A_14 = arith.constant 1 : i32
    scf.for %while3A_27 = %while3A_7 to %while3A_13 step %while3A_14  : i32 {
      %add3A_28 = arith.addi %add3A_6, %while3A_27 : i32
      %mul3A_29 = arith.constant 256 : i32
      %mul3A_30 = arith.muli %add3A_28, %mul3A_29 : i32
      %add3A_31 = arith.addi %add3A_6, %while3A_27 : i32
      %mul3A_32 = arith.constant 2 : i32
      %mul3A_33 = arith.muli %add3A_31, %mul3A_32 : i32
      %gt3A = arith.constant 0 : i32
      %gt3A_34 = arith.cmpi sgt, %while3A_27, %gt3A : i32
      %convert_element_type3A = arith.extui %gt3A_34 : i1 to i32
      %cond3A = arith.constant 0 : i32
      %cond3A_35 = arith.cmpi ne, %convert_element_type3A, %cond3A : i32
      scf.if %cond3A_35 {
        %add3A_139 = arith.addi %add3A_6, %while3A_27 : i32
        %sub3A_140 = arith.constant 1 : i32
        %sub3A_141 = arith.subi %add3A_139, %sub3A_140 : i32
        %mul3A_142 = arith.constant 256 : i32
        %mul3A_143 = arith.muli %sub3A_141, %mul3A_142 : i32
        %dma_wait3A_144 = arith.constant 0 : i32
        %dma_wait3A_145 = tpu.memref_slice %arg5[%mul3A_143, %dma_wait3A_144] : memref<160000x128xf32, #tpu.memory_space<hbm>> -> memref<256x128xf32, #tpu.memory_space<hbm>>
        %dma_wait3A_146 = arith.constant 0 : i32
        %dma_wait3A_147 = tpu.memref_slice %arg5[%mul3A_143, %dma_wait3A_146] : memref<160000x128xf32, #tpu.memory_space<hbm>> -> memref<256x128xf32, #tpu.memory_space<hbm>>
        tpu.wait_dma2 semaphore(%arg13 : memref<!tpu.dma_semaphore, #tpu.memory_space<semaphore_mem>>) src(%arg9 : memref<256x128xf32, #tpu.memory_space<vmem>>) dst(%dma_wait3A_147 : memref<256x128xf32, #tpu.memory_space<hbm>>)
        %dma_wait3A_148 = arith.constant 0 : i32
        %dma_wait3A_149 = tpu.memref_slice %arg6[%mul3A_143, %dma_wait3A_148] : memref<160000x128xf32, #tpu.memory_space<hbm>> -> memref<256x128xf32, #tpu.memory_space<hbm>>
        %dma_wait3A_150 = arith.constant 0 : i32
        %dma_wait3A_151 = tpu.memref_slice %arg6[%mul3A_143, %dma_wait3A_150] : memref<160000x128xf32, #tpu.memory_space<hbm>> -> memref<256x128xf32, #tpu.memory_space<hbm>>
        tpu.wait_dma2 semaphore(%arg13 : memref<!tpu.dma_semaphore, #tpu.memory_space<semaphore_mem>>) src(%arg10 : memref<256x128xf32, #tpu.memory_space<vmem>>) dst(%dma_wait3A_151 : memref<256x128xf32, #tpu.memory_space<hbm>>)
      } else {
      }
      %dma_start3A = arith.constant 0 : i32
      %dma_start3A_36 = tpu.memref_slice %arg3[%mul3A_33, %dma_start3A] : memref<1250x128xi32, #tpu.memory_space<hbm>> -> memref<2x128xi32, #tpu.memory_space<hbm>>
      %dma_start3A_37 = arith.constant 0 : i32
      %dma_start3A_38 = tpu.memref_slice %arg3[%mul3A_33, %dma_start3A_37] : memref<1250x128xi32, #tpu.memory_space<hbm>> -> memref<2x128xi32, #tpu.memory_space<hbm>>
      tpu.enqueue_dma source(%dma_start3A_38 : memref<2x128xi32, #tpu.memory_space<hbm>>) target(%arg7 : memref<2x128xi32, #tpu.memory_space<vmem>>) target_semaphore(%arg11 : memref<!tpu.dma_semaphore, #tpu.memory_space<semaphore_mem>>)
      %dma_start3A_39 = arith.constant 0 : i32
      %dma_start3A_40 = tpu.memref_slice %arg4[%mul3A_33, %dma_start3A_39] : memref<1250x128xi32, #tpu.memory_space<hbm>> -> memref<2x128xi32, #tpu.memory_space<hbm>>
      %dma_start3A_41 = arith.constant 0 : i32
      %dma_start3A_42 = tpu.memref_slice %arg4[%mul3A_33, %dma_start3A_41] : memref<1250x128xi32, #tpu.memory_space<hbm>> -> memref<2x128xi32, #tpu.memory_space<hbm>>
      tpu.enqueue_dma source(%dma_start3A_42 : memref<2x128xi32, #tpu.memory_space<hbm>>) target(%arg8 : memref<2x128xi32, #tpu.memory_space<vmem>>) target_semaphore(%arg11 : memref<!tpu.dma_semaphore, #tpu.memory_space<semaphore_mem>>)
      %dma_wait3A_43 = arith.constant 0 : i32
      %dma_wait3A_44 = tpu.memref_slice %arg3[%mul3A_33, %dma_wait3A_43] : memref<1250x128xi32, #tpu.memory_space<hbm>> -> memref<2x128xi32, #tpu.memory_space<hbm>>
      %dma_wait3A_45 = arith.constant 0 : i32
      %dma_wait3A_46 = tpu.memref_slice %arg3[%mul3A_33, %dma_wait3A_45] : memref<1250x128xi32, #tpu.memory_space<hbm>> -> memref<2x128xi32, #tpu.memory_space<hbm>>
      tpu.wait_dma2 semaphore(%arg11 : memref<!tpu.dma_semaphore, #tpu.memory_space<semaphore_mem>>) src(%dma_wait3A_46 : memref<2x128xi32, #tpu.memory_space<hbm>>) dst(%arg7 : memref<2x128xi32, #tpu.memory_space<vmem>>)
      %dma_wait3A_47 = arith.constant 0 : i32
      %dma_wait3A_48 = tpu.memref_slice %arg4[%mul3A_33, %dma_wait3A_47] : memref<1250x128xi32, #tpu.memory_space<hbm>> -> memref<2x128xi32, #tpu.memory_space<hbm>>
      %dma_wait3A_49 = arith.constant 0 : i32
      %dma_wait3A_50 = tpu.memref_slice %arg4[%mul3A_33, %dma_wait3A_49] : memref<1250x128xi32, #tpu.memory_space<hbm>> -> memref<2x128xi32, #tpu.memory_space<hbm>>
      tpu.wait_dma2 semaphore(%arg11 : memref<!tpu.dma_semaphore, #tpu.memory_space<semaphore_mem>>) src(%dma_wait3A_50 : memref<2x128xi32, #tpu.memory_space<hbm>>) dst(%arg8 : memref<2x128xi32, #tpu.memory_space<vmem>>)
      %dma_start3A_51 = arith.constant 0 : i32
      %dma_start3A_52 = arith.constant 0 : i32
      %dma_start3A_53 = arith.constant 0 : i32
      %dma_start3A_54 = tpu.memref_slice %arg9[%dma_start3A_52, %dma_start3A_53] : memref<256x128xf32, #tpu.memory_space<vmem>> -> memref<128x128xf32, #tpu.memory_space<vmem>>
      %dma_start3A_55 = arith.constant 0 : i32
      %dma_start3A_56 = tpu.memref_slice %arg7[%dma_start3A_51, %dma_start3A_55] : memref<2x128xi32, #tpu.memory_space<vmem>> -> memref<1x128xi32, #tpu.memory_space<vmem>>
      %dma_start3A_57 = tpu.memref_squeeze %dma_start3A_56 : memref<1x128xi32, #tpu.memory_space<vmem>> -> memref<128xi32, #tpu.memory_space<vmem>>
      %dma_start3A_58 = arith.constant 0 : i32
      %dma_start3A_59 = arith.constant 0 : i32
      %dma_start3A_60 = tpu.memref_slice %arg2[%dma_start3A_58, %dma_start3A_59] : memref<10000x128xf32, #tpu.memory_space<hbm>> -> memref<10000x128xf32, #tpu.memory_space<hbm>>
      tpu.enqueue_indirect_dma source(%dma_start3A_60 : memref<10000x128xf32, #tpu.memory_space<hbm>>) target(%dma_start3A_54 : memref<128x128xf32, #tpu.memory_space<vmem>>) offsets(%dma_start3A_57 : memref<128xi32, #tpu.memory_space<vmem>>) semaphore(%arg12 : memref<!tpu.dma_semaphore, #tpu.memory_space<semaphore_mem>>)
      %dma_start3A_61 = arith.constant 0 : i32
      %dma_start3A_62 = arith.constant 0 : i32
      %dma_start3A_63 = arith.constant 0 : i32
      %dma_start3A_64 = tpu.memref_slice %arg10[%dma_start3A_62, %dma_start3A_63] : memref<256x128xf32, #tpu.memory_space<vmem>> -> memref<128x128xf32, #tpu.memory_space<vmem>>
      %dma_start3A_65 = arith.constant 0 : i32
      %dma_start3A_66 = tpu.memref_slice %arg8[%dma_start3A_61, %dma_start3A_65] : memref<2x128xi32, #tpu.memory_space<vmem>> -> memref<1x128xi32, #tpu.memory_space<vmem>>
      %dma_start3A_67 = tpu.memref_squeeze %dma_start3A_66 : memref<1x128xi32, #tpu.memory_space<vmem>> -> memref<128xi32, #tpu.memory_space<vmem>>
      %dma_start3A_68 = arith.constant 0 : i32
      %dma_start3A_69 = arith.constant 0 : i32
      %dma_start3A_70 = tpu.memref_slice %arg2[%dma_start3A_68, %dma_start3A_69] : memref<10000x128xf32, #tpu.memory_space<hbm>> -> memref<10000x128xf32, #tpu.memory_space<hbm>>
      tpu.enqueue_indirect_dma source(%dma_start3A_70 : memref<10000x128xf32, #tpu.memory_space<hbm>>) target(%dma_start3A_64 : memref<128x128xf32, #tpu.memory_space<vmem>>) offsets(%dma_start3A_67 : memref<128xi32, #tpu.memory_space<vmem>>) semaphore(%arg12 : memref<!tpu.dma_semaphore, #tpu.memory_space<semaphore_mem>>)
      %dma_start3A_71 = arith.constant 1 : i32
      %dma_start3A_72 = arith.constant 128 : i32
      %dma_start3A_73 = arith.constant 0 : i32
      %dma_start3A_74 = tpu.memref_slice %arg9[%dma_start3A_72, %dma_start3A_73] : memref<256x128xf32, #tpu.memory_space<vmem>> -> memref<128x128xf32, #tpu.memory_space<vmem>>
      %dma_start3A_75 = arith.constant 0 : i32
      %dma_start3A_76 = tpu.memref_slice %arg7[%dma_start3A_71, %dma_start3A_75] : memref<2x128xi32, #tpu.memory_space<vmem>> -> memref<1x128xi32, #tpu.memory_space<vmem>>
      %dma_start3A_77 = tpu.memref_squeeze %dma_start3A_76 : memref<1x128xi32, #tpu.memory_space<vmem>> -> memref<128xi32, #tpu.memory_space<vmem>>
      %dma_start3A_78 = arith.constant 0 : i32
      %dma_start3A_79 = arith.constant 0 : i32
      %dma_start3A_80 = tpu.memref_slice %arg2[%dma_start3A_78, %dma_start3A_79] : memref<10000x128xf32, #tpu.memory_space<hbm>> -> memref<10000x128xf32, #tpu.memory_space<hbm>>
      tpu.enqueue_indirect_dma source(%dma_start3A_80 : memref<10000x128xf32, #tpu.memory_space<hbm>>) target(%dma_start3A_74 : memref<128x128xf32, #tpu.memory_space<vmem>>) offsets(%dma_start3A_77 : memref<128xi32, #tpu.memory_space<vmem>>) semaphore(%arg12 : memref<!tpu.dma_semaphore, #tpu.memory_space<semaphore_mem>>)
      %dma_start3A_81 = arith.constant 1 : i32
      %dma_start3A_82 = arith.constant 128 : i32
      %dma_start3A_83 = arith.constant 0 : i32
      %dma_start3A_84 = tpu.memref_slice %arg10[%dma_start3A_82, %dma_start3A_83] : memref<256x128xf32, #tpu.memory_space<vmem>> -> memref<128x128xf32, #tpu.memory_space<vmem>>
      %dma_start3A_85 = arith.constant 0 : i32
      %dma_start3A_86 = tpu.memref_slice %arg8[%dma_start3A_81, %dma_start3A_85] : memref<2x128xi32, #tpu.memory_space<vmem>> -> memref<1x128xi32, #tpu.memory_space<vmem>>
      %dma_start3A_87 = tpu.memref_squeeze %dma_start3A_86 : memref<1x128xi32, #tpu.memory_space<vmem>> -> memref<128xi32, #tpu.memory_space<vmem>>
      %dma_start3A_88 = arith.constant 0 : i32
      %dma_start3A_89 = arith.constant 0 : i32
      %dma_start3A_90 = tpu.memref_slice %arg2[%dma_start3A_88, %dma_start3A_89] : memref<10000x128xf32, #tpu.memory_space<hbm>> -> memref<10000x128xf32, #tpu.memory_space<hbm>>
      tpu.enqueue_indirect_dma source(%dma_start3A_90 : memref<10000x128xf32, #tpu.memory_space<hbm>>) target(%dma_start3A_84 : memref<128x128xf32, #tpu.memory_space<vmem>>) offsets(%dma_start3A_87 : memref<128xi32, #tpu.memory_space<vmem>>) semaphore(%arg12 : memref<!tpu.dma_semaphore, #tpu.memory_space<semaphore_mem>>)
      %dma_wait3A_91 = arith.constant 0 : i32
      %dma_wait3A_92 = arith.constant 0 : i32
      %dma_wait3A_93 = arith.constant 0 : i32
      %dma_wait3A_94 = tpu.memref_slice %arg9[%dma_wait3A_92, %dma_wait3A_93] : memref<256x128xf32, #tpu.memory_space<vmem>> -> memref<128x128xf32, #tpu.memory_space<vmem>>
      %dma_wait3A_95 = arith.constant 0 : i32
      %dma_wait3A_96 = tpu.memref_slice %arg7[%dma_wait3A_91, %dma_wait3A_95] : memref<2x128xi32, #tpu.memory_space<vmem>> -> memref<1x128xi32, #tpu.memory_space<vmem>>
      %dma_wait3A_97 = tpu.memref_squeeze %dma_wait3A_96 : memref<1x128xi32, #tpu.memory_space<vmem>> -> memref<128xi32, #tpu.memory_space<vmem>>
      %dma_wait3A_98 = arith.constant 0 : i32
      %dma_wait3A_99 = arith.constant 0 : i32
      %dma_wait3A_100 = tpu.memref_slice %arg2[%dma_wait3A_98, %dma_wait3A_99] : memref<10000x128xf32, #tpu.memory_space<hbm>> -> memref<10000x128xf32, #tpu.memory_space<hbm>>
      tpu.wait_indirect_dma semaphore(%arg12 : memref<!tpu.dma_semaphore, #tpu.memory_space<semaphore_mem>>) src(%dma_wait3A_100 : memref<10000x128xf32, #tpu.memory_space<hbm>>) dst(%dma_wait3A_94 : memref<128x128xf32, #tpu.memory_space<vmem>>)
      %dma_wait3A_101 = arith.constant 0 : i32
      %dma_wait3A_102 = arith.constant 0 : i32
      %dma_wait3A_103 = arith.constant 0 : i32
      %dma_wait3A_104 = tpu.memref_slice %arg10[%dma_wait3A_102, %dma_wait3A_103] : memref<256x128xf32, #tpu.memory_space<vmem>> -> memref<128x128xf32, #tpu.memory_space<vmem>>
      %dma_wait3A_105 = arith.constant 0 : i32
      %dma_wait3A_106 = tpu.memref_slice %arg8[%dma_wait3A_101, %dma_wait3A_105] : memref<2x128xi32, #tpu.memory_space<vmem>> -> memref<1x128xi32, #tpu.memory_space<vmem>>
      %dma_wait3A_107 = tpu.memref_squeeze %dma_wait3A_106 : memref<1x128xi32, #tpu.memory_space<vmem>> -> memref<128xi32, #tpu.memory_space<vmem>>
      %dma_wait3A_108 = arith.constant 0 : i32
      %dma_wait3A_109 = arith.constant 0 : i32
      %dma_wait3A_110 = tpu.memref_slice %arg2[%dma_wait3A_108, %dma_wait3A_109] : memref<10000x128xf32, #tpu.memory_space<hbm>> -> memref<10000x128xf32, #tpu.memory_space<hbm>>
      tpu.wait_indirect_dma semaphore(%arg12 : memref<!tpu.dma_semaphore, #tpu.memory_space<semaphore_mem>>) src(%dma_wait3A_110 : memref<10000x128xf32, #tpu.memory_space<hbm>>) dst(%dma_wait3A_104 : memref<128x128xf32, #tpu.memory_space<vmem>>)
      %dma_wait3A_111 = arith.constant 1 : i32
      %dma_wait3A_112 = arith.constant 128 : i32
      %dma_wait3A_113 = arith.constant 0 : i32
      %dma_wait3A_114 = tpu.memref_slice %arg9[%dma_wait3A_112, %dma_wait3A_113] : memref<256x128xf32, #tpu.memory_space<vmem>> -> memref<128x128xf32, #tpu.memory_space<vmem>>
      %dma_wait3A_115 = arith.constant 0 : i32
      %dma_wait3A_116 = tpu.memref_slice %arg7[%dma_wait3A_111, %dma_wait3A_115] : memref<2x128xi32, #tpu.memory_space<vmem>> -> memref<1x128xi32, #tpu.memory_space<vmem>>
      %dma_wait3A_117 = tpu.memref_squeeze %dma_wait3A_116 : memref<1x128xi32, #tpu.memory_space<vmem>> -> memref<128xi32, #tpu.memory_space<vmem>>
      %dma_wait3A_118 = arith.constant 0 : i32
      %dma_wait3A_119 = arith.constant 0 : i32
      %dma_wait3A_120 = tpu.memref_slice %arg2[%dma_wait3A_118, %dma_wait3A_119] : memref<10000x128xf32, #tpu.memory_space<hbm>> -> memref<10000x128xf32, #tpu.memory_space<hbm>>
      tpu.wait_indirect_dma semaphore(%arg12 : memref<!tpu.dma_semaphore, #tpu.memory_space<semaphore_mem>>) src(%dma_wait3A_120 : memref<10000x128xf32, #tpu.memory_space<hbm>>) dst(%dma_wait3A_114 : memref<128x128xf32, #tpu.memory_space<vmem>>)
      %dma_wait3A_121 = arith.constant 1 : i32
      %dma_wait3A_122 = arith.constant 128 : i32
      %dma_wait3A_123 = arith.constant 0 : i32
      %dma_wait3A_124 = tpu.memref_slice %arg10[%dma_wait3A_122, %dma_wait3A_123] : memref<256x128xf32, #tpu.memory_space<vmem>> -> memref<128x128xf32, #tpu.memory_space<vmem>>
      %dma_wait3A_125 = arith.constant 0 : i32
      %dma_wait3A_126 = tpu.memref_slice %arg8[%dma_wait3A_121, %dma_wait3A_125] : memref<2x128xi32, #tpu.memory_space<vmem>> -> memref<1x128xi32, #tpu.memory_space<vmem>>
      %dma_wait3A_127 = tpu.memref_squeeze %dma_wait3A_126 : memref<1x128xi32, #tpu.memory_space<vmem>> -> memref<128xi32, #tpu.memory_space<vmem>>
      %dma_wait3A_128 = arith.constant 0 : i32
      %dma_wait3A_129 = arith.constant 0 : i32
      %dma_wait3A_130 = tpu.memref_slice %arg2[%dma_wait3A_128, %dma_wait3A_129] : memref<10000x128xf32, #tpu.memory_space<hbm>> -> memref<10000x128xf32, #tpu.memory_space<hbm>>
      tpu.wait_indirect_dma semaphore(%arg12 : memref<!tpu.dma_semaphore, #tpu.memory_space<semaphore_mem>>) src(%dma_wait3A_130 : memref<10000x128xf32, #tpu.memory_space<hbm>>) dst(%dma_wait3A_124 : memref<128x128xf32, #tpu.memory_space<vmem>>)
      %dma_start3A_131 = arith.constant 0 : i32
      %dma_start3A_132 = tpu.memref_slice %arg5[%mul3A_30, %dma_start3A_131] : memref<160000x128xf32, #tpu.memory_space<hbm>> -> memref<256x128xf32, #tpu.memory_space<hbm>>
      %dma_start3A_133 = arith.constant 0 : i32
      %dma_start3A_134 = tpu.memref_slice %arg5[%mul3A_30, %dma_start3A_133] : memref<160000x128xf32, #tpu.memory_space<hbm>> -> memref<256x128xf32, #tpu.memory_space<hbm>>
      tpu.enqueue_dma source(%arg9 : memref<256x128xf32, #tpu.memory_space<vmem>>) target(%dma_start3A_134 : memref<256x128xf32, #tpu.memory_space<hbm>>) target_semaphore(%arg13 : memref<!tpu.dma_semaphore, #tpu.memory_space<semaphore_mem>>)
      %dma_start3A_135 = arith.constant 0 : i32
      %dma_start3A_136 = tpu.memref_slice %arg6[%mul3A_30, %dma_start3A_135] : memref<160000x128xf32, #tpu.memory_space<hbm>> -> memref<256x128xf32, #tpu.memory_space<hbm>>
      %dma_start3A_137 = arith.constant 0 : i32
      %dma_start3A_138 = tpu.memref_slice %arg6[%mul3A_30, %dma_start3A_137] : memref<160000x128xf32, #tpu.memory_space<hbm>> -> memref<256x128xf32, #tpu.memory_space<hbm>>
      tpu.enqueue_dma source(%arg10 : memref<256x128xf32, #tpu.memory_space<vmem>>) target(%dma_start3A_138 : memref<256x128xf32, #tpu.memory_space<hbm>>) target_semaphore(%arg13 : memref<!tpu.dma_semaphore, #tpu.memory_space<semaphore_mem>>)
    }
    %while3A_15 = arith.constant 1 : i32
    scf.for %while3A_27 = %while3A_13 to %while3A_9 step %while3A_15  : i32 {
      %add3A_28 = arith.addi %add3A_6, %while3A_27 : i32
      %mul3A_29 = arith.constant 256 : i32
      %mul3A_30 = arith.muli %add3A_28, %mul3A_29 : i32
      %add3A_31 = arith.addi %add3A_6, %while3A_27 : i32
      %mul3A_32 = arith.constant 2 : i32
      %mul3A_33 = arith.muli %add3A_31, %mul3A_32 : i32
      %gt3A = arith.constant 0 : i32
      %gt3A_34 = arith.cmpi sgt, %while3A_27, %gt3A : i32
      %convert_element_type3A = arith.extui %gt3A_34 : i1 to i32
      %cond3A = arith.constant 0 : i32
      %cond3A_35 = arith.cmpi ne, %convert_element_type3A, %cond3A : i32
      scf.if %cond3A_35 {
        %add3A_139 = arith.addi %add3A_6, %while3A_27 : i32
        %sub3A_140 = arith.constant 1 : i32
        %sub3A_141 = arith.subi %add3A_139, %sub3A_140 : i32
        %mul3A_142 = arith.constant 256 : i32
        %mul3A_143 = arith.muli %sub3A_141, %mul3A_142 : i32
        %dma_wait3A_144 = arith.constant 0 : i32
        %dma_wait3A_145 = tpu.memref_slice %arg5[%mul3A_143, %dma_wait3A_144] : memref<160000x128xf32, #tpu.memory_space<hbm>> -> memref<256x128xf32, #tpu.memory_space<hbm>>
        %dma_wait3A_146 = arith.constant 0 : i32
        %dma_wait3A_147 = tpu.memref_slice %arg5[%mul3A_143, %dma_wait3A_146] : memref<160000x128xf32, #tpu.memory_space<hbm>> -> memref<256x128xf32, #tpu.memory_space<hbm>>
        tpu.wait_dma2 semaphore(%arg13 : memref<!tpu.dma_semaphore, #tpu.memory_space<semaphore_mem>>) src(%arg9 : memref<256x128xf32, #tpu.memory_space<vmem>>) dst(%dma_wait3A_147 : memref<256x128xf32, #tpu.memory_space<hbm>>)
        %dma_wait3A_148 = arith.constant 0 : i32
        %dma_wait3A_149 = tpu.memref_slice %arg6[%mul3A_143, %dma_wait3A_148] : memref<160000x128xf32, #tpu.memory_space<hbm>> -> memref<256x128xf32, #tpu.memory_space<hbm>>
        %dma_wait3A_150 = arith.constant 0 : i32
        %dma_wait3A_151 = tpu.memref_slice %arg6[%mul3A_143, %dma_wait3A_150] : memref<160000x128xf32, #tpu.memory_space<hbm>> -> memref<256x128xf32, #tpu.memory_space<hbm>>
        tpu.wait_dma2 semaphore(%arg13 : memref<!tpu.dma_semaphore, #tpu.memory_space<semaphore_mem>>) src(%arg10 : memref<256x128xf32, #tpu.memory_space<vmem>>) dst(%dma_wait3A_151 : memref<256x128xf32, #tpu.memory_space<hbm>>)
      } else {
      }
      %dma_start3A = arith.constant 0 : i32
      %dma_start3A_36 = tpu.memref_slice %arg3[%mul3A_33, %dma_start3A] : memref<1250x128xi32, #tpu.memory_space<hbm>> -> memref<2x128xi32, #tpu.memory_space<hbm>>
      %dma_start3A_37 = arith.constant 0 : i32
      %dma_start3A_38 = tpu.memref_slice %arg3[%mul3A_33, %dma_start3A_37] : memref<1250x128xi32, #tpu.memory_space<hbm>> -> memref<2x128xi32, #tpu.memory_space<hbm>>
      tpu.enqueue_dma source(%dma_start3A_38 : memref<2x128xi32, #tpu.memory_space<hbm>>) target(%arg7 : memref<2x128xi32, #tpu.memory_space<vmem>>) target_semaphore(%arg11 : memref<!tpu.dma_semaphore, #tpu.memory_space<semaphore_mem>>)
      %dma_start3A_39 = arith.constant 0 : i32
      %dma_start3A_40 = tpu.memref_slice %arg4[%mul3A_33, %dma_start3A_39] : memref<1250x128xi32, #tpu.memory_space<hbm>> -> memref<2x128xi32, #tpu.memory_space<hbm>>
      %dma_start3A_41 = arith.constant 0 : i32
      %dma_start3A_42 = tpu.memref_slice %arg4[%mul3A_33, %dma_start3A_41] : memref<1250x128xi32, #tpu.memory_space<hbm>> -> memref<2x128xi32, #tpu.memory_space<hbm>>
      tpu.enqueue_dma source(%dma_start3A_42 : memref<2x128xi32, #tpu.memory_space<hbm>>) target(%arg8 : memref<2x128xi32, #tpu.memory_space<vmem>>) target_semaphore(%arg11 : memref<!tpu.dma_semaphore, #tpu.memory_space<semaphore_mem>>)
      %dma_wait3A_43 = arith.constant 0 : i32
      %dma_wait3A_44 = tpu.memref_slice %arg3[%mul3A_33, %dma_wait3A_43] : memref<1250x128xi32, #tpu.memory_space<hbm>> -> memref<2x128xi32, #tpu.memory_space<hbm>>
      %dma_wait3A_45 = arith.constant 0 : i32
      %dma_wait3A_46 = tpu.memref_slice %arg3[%mul3A_33, %dma_wait3A_45] : memref<1250x128xi32, #tpu.memory_space<hbm>> -> memref<2x128xi32, #tpu.memory_space<hbm>>
      tpu.wait_dma2 semaphore(%arg11 : memref<!tpu.dma_semaphore, #tpu.memory_space<semaphore_mem>>) src(%dma_wait3A_46 : memref<2x128xi32, #tpu.memory_space<hbm>>) dst(%arg7 : memref<2x128xi32, #tpu.memory_space<vmem>>)
      %dma_wait3A_47 = arith.constant 0 : i32
      %dma_wait3A_48 = tpu.memref_slice %arg4[%mul3A_33, %dma_wait3A_47] : memref<1250x128xi32, #tpu.memory_space<hbm>> -> memref<2x128xi32, #tpu.memory_space<hbm>>
      %dma_wait3A_49 = arith.constant 0 : i32
      %dma_wait3A_50 = tpu.memref_slice %arg4[%mul3A_33, %dma_wait3A_49] : memref<1250x128xi32, #tpu.memory_space<hbm>> -> memref<2x128xi32, #tpu.memory_space<hbm>>
      tpu.wait_dma2 semaphore(%arg11 : memref<!tpu.dma_semaphore, #tpu.memory_space<semaphore_mem>>) src(%dma_wait3A_50 : memref<2x128xi32, #tpu.memory_space<hbm>>) dst(%arg8 : memref<2x128xi32, #tpu.memory_space<vmem>>)
      %dma_start3A_51 = arith.constant 0 : i32
      %dma_start3A_52 = arith.constant 0 : i32
      %dma_start3A_53 = arith.constant 0 : i32
      %dma_start3A_54 = tpu.memref_slice %arg9[%dma_start3A_52, %dma_start3A_53] : memref<256x128xf32, #tpu.memory_space<vmem>> -> memref<128x128xf32, #tpu.memory_space<vmem>>
      %dma_start3A_55 = arith.constant 0 : i32
      %dma_start3A_56 = tpu.memref_slice %arg7[%dma_start3A_51, %dma_start3A_55] : memref<2x128xi32, #tpu.memory_space<vmem>> -> memref<1x128xi32, #tpu.memory_space<vmem>>
      %dma_start3A_57 = tpu.memref_squeeze %dma_start3A_56 : memref<1x128xi32, #tpu.memory_space<vmem>> -> memref<128xi32, #tpu.memory_space<vmem>>
      %dma_start3A_58 = arith.constant 0 : i32
      %dma_start3A_59 = arith.constant 0 : i32
      %dma_start3A_60 = tpu.memref_slice %arg2[%dma_start3A_58, %dma_start3A_59] : memref<10000x128xf32, #tpu.memory_space<hbm>> -> memref<10000x128xf32, #tpu.memory_space<hbm>>
      tpu.enqueue_indirect_dma source(%dma_start3A_60 : memref<10000x128xf32, #tpu.memory_space<hbm>>) target(%dma_start3A_54 : memref<128x128xf32, #tpu.memory_space<vmem>>) offsets(%dma_start3A_57 : memref<128xi32, #tpu.memory_space<vmem>>) semaphore(%arg12 : memref<!tpu.dma_semaphore, #tpu.memory_space<semaphore_mem>>)
      %dma_start3A_61 = arith.constant 0 : i32
      %dma_start3A_62 = arith.constant 0 : i32
      %dma_start3A_63 = arith.constant 0 : i32
      %dma_start3A_64 = tpu.memref_slice %arg10[%dma_start3A_62, %dma_start3A_63] : memref<256x128xf32, #tpu.memory_space<vmem>> -> memref<128x128xf32, #tpu.memory_space<vmem>>
      %dma_start3A_65 = arith.constant 0 : i32
      %dma_start3A_66 = tpu.memref_slice %arg8[%dma_start3A_61, %dma_start3A_65] : memref<2x128xi32, #tpu.memory_space<vmem>> -> memref<1x128xi32, #tpu.memory_space<vmem>>
      %dma_start3A_67 = tpu.memref_squeeze %dma_start3A_66 : memref<1x128xi32, #tpu.memory_space<vmem>> -> memref<128xi32, #tpu.memory_space<vmem>>
      %dma_start3A_68 = arith.constant 0 : i32
      %dma_start3A_69 = arith.constant 0 : i32
      %dma_start3A_70 = tpu.memref_slice %arg2[%dma_start3A_68, %dma_start3A_69] : memref<10000x128xf32, #tpu.memory_space<hbm>> -> memref<10000x128xf32, #tpu.memory_space<hbm>>
      tpu.enqueue_indirect_dma source(%dma_start3A_70 : memref<10000x128xf32, #tpu.memory_space<hbm>>) target(%dma_start3A_64 : memref<128x128xf32, #tpu.memory_space<vmem>>) offsets(%dma_start3A_67 : memref<128xi32, #tpu.memory_space<vmem>>) semaphore(%arg12 : memref<!tpu.dma_semaphore, #tpu.memory_space<semaphore_mem>>)
      %dma_start3A_71 = arith.constant 1 : i32
      %dma_start3A_72 = arith.constant 128 : i32
      %dma_start3A_73 = arith.constant 0 : i32
      %dma_start3A_74 = tpu.memref_slice %arg9[%dma_start3A_72, %dma_start3A_73] : memref<256x128xf32, #tpu.memory_space<vmem>> -> memref<128x128xf32, #tpu.memory_space<vmem>>
      %dma_start3A_75 = arith.constant 0 : i32
      %dma_start3A_76 = tpu.memref_slice %arg7[%dma_start3A_71, %dma_start3A_75] : memref<2x128xi32, #tpu.memory_space<vmem>> -> memref<1x128xi32, #tpu.memory_space<vmem>>
      %dma_start3A_77 = tpu.memref_squeeze %dma_start3A_76 : memref<1x128xi32, #tpu.memory_space<vmem>> -> memref<128xi32, #tpu.memory_space<vmem>>
      %dma_start3A_78 = arith.constant 0 : i32
      %dma_start3A_79 = arith.constant 0 : i32
      %dma_start3A_80 = tpu.memref_slice %arg2[%dma_start3A_78, %dma_start3A_79] : memref<10000x128xf32, #tpu.memory_space<hbm>> -> memref<10000x128xf32, #tpu.memory_space<hbm>>
      tpu.enqueue_indirect_dma source(%dma_start3A_80 : memref<10000x128xf32, #tpu.memory_space<hbm>>) target(%dma_start3A_74 : memref<128x128xf32, #tpu.memory_space<vmem>>) offsets(%dma_start3A_77 : memref<128xi32, #tpu.memory_space<vmem>>) semaphore(%arg12 : memref<!tpu.dma_semaphore, #tpu.memory_space<semaphore_mem>>)
      %dma_start3A_81 = arith.constant 1 : i32
      %dma_start3A_82 = arith.constant 128 : i32
      %dma_start3A_83 = arith.constant 0 : i32
      %dma_start3A_84 = tpu.memref_slice %arg10[%dma_start3A_82, %dma_start3A_83] : memref<256x128xf32, #tpu.memory_space<vmem>> -> memref<128x128xf32, #tpu.memory_space<vmem>>
      %dma_start3A_85 = arith.constant 0 : i32
      %dma_start3A_86 = tpu.memref_slice %arg8[%dma_start3A_81, %dma_start3A_85] : memref<2x128xi32, #tpu.memory_space<vmem>> -> memref<1x128xi32, #tpu.memory_space<vmem>>
      %dma_start3A_87 = tpu.memref_squeeze %dma_start3A_86 : memref<1x128xi32, #tpu.memory_space<vmem>> -> memref<128xi32, #tpu.memory_space<vmem>>
      %dma_start3A_88 = arith.constant 0 : i32
      %dma_start3A_89 = arith.constant 0 : i32
      %dma_start3A_90 = tpu.memref_slice %arg2[%dma_start3A_88, %dma_start3A_89] : memref<10000x128xf32, #tpu.memory_space<hbm>> -> memref<10000x128xf32, #tpu.memory_space<hbm>>
      tpu.enqueue_indirect_dma source(%dma_start3A_90 : memref<10000x128xf32, #tpu.memory_space<hbm>>) target(%dma_start3A_84 : memref<128x128xf32, #tpu.memory_space<vmem>>) offsets(%dma_start3A_87 : memref<128xi32, #tpu.memory_space<vmem>>) semaphore(%arg12 : memref<!tpu.dma_semaphore, #tpu.memory_space<semaphore_mem>>)
      %dma_wait3A_91 = arith.constant 0 : i32
      %dma_wait3A_92 = arith.constant 0 : i32
      %dma_wait3A_93 = arith.constant 0 : i32
      %dma_wait3A_94 = tpu.memref_slice %arg9[%dma_wait3A_92, %dma_wait3A_93] : memref<256x128xf32, #tpu.memory_space<vmem>> -> memref<128x128xf32, #tpu.memory_space<vmem>>
      %dma_wait3A_95 = arith.constant 0 : i32
      %dma_wait3A_96 = tpu.memref_slice %arg7[%dma_wait3A_91, %dma_wait3A_95] : memref<2x128xi32, #tpu.memory_space<vmem>> -> memref<1x128xi32, #tpu.memory_space<vmem>>
      %dma_wait3A_97 = tpu.memref_squeeze %dma_wait3A_96 : memref<1x128xi32, #tpu.memory_space<vmem>> -> memref<128xi32, #tpu.memory_space<vmem>>
      %dma_wait3A_98 = arith.constant 0 : i32
      %dma_wait3A_99 = arith.constant 0 : i32
      %dma_wait3A_100 = tpu.memref_slice %arg2[%dma_wait3A_98, %dma_wait3A_99] : memref<10000x128xf32, #tpu.memory_space<hbm>> -> memref<10000x128xf32, #tpu.memory_space<hbm>>
      tpu.wait_indirect_dma semaphore(%arg12 : memref<!tpu.dma_semaphore, #tpu.memory_space<semaphore_mem>>) src(%dma_wait3A_100 : memref<10000x128xf32, #tpu.memory_space<hbm>>) dst(%dma_wait3A_94 : memref<128x128xf32, #tpu.memory_space<vmem>>)
      %dma_wait3A_101 = arith.constant 0 : i32
      %dma_wait3A_102 = arith.constant 0 : i32
      %dma_wait3A_103 = arith.constant 0 : i32
      %dma_wait3A_104 = tpu.memref_slice %arg10[%dma_wait3A_102, %dma_wait3A_103] : memref<256x128xf32, #tpu.memory_space<vmem>> -> memref<128x128xf32, #tpu.memory_space<vmem>>
      %dma_wait3A_105 = arith.constant 0 : i32
      %dma_wait3A_106 = tpu.memref_slice %arg8[%dma_wait3A_101, %dma_wait3A_105] : memref<2x128xi32, #tpu.memory_space<vmem>> -> memref<1x128xi32, #tpu.memory_space<vmem>>
      %dma_wait3A_107 = tpu.memref_squeeze %dma_wait3A_106 : memref<1x128xi32, #tpu.memory_space<vmem>> -> memref<128xi32, #tpu.memory_space<vmem>>
      %dma_wait3A_108 = arith.constant 0 : i32
      %dma_wait3A_109 = arith.constant 0 : i32
      %dma_wait3A_110 = tpu.memref_slice %arg2[%dma_wait3A_108, %dma_wait3A_109] : memref<10000x128xf32, #tpu.memory_space<hbm>> -> memref<10000x128xf32, #tpu.memory_space<hbm>>
      tpu.wait_indirect_dma semaphore(%arg12 : memref<!tpu.dma_semaphore, #tpu.memory_space<semaphore_mem>>) src(%dma_wait3A_110 : memref<10000x128xf32, #tpu.memory_space<hbm>>) dst(%dma_wait3A_104 : memref<128x128xf32, #tpu.memory_space<vmem>>)
      %dma_wait3A_111 = arith.constant 1 : i32
      %dma_wait3A_112 = arith.constant 128 : i32
      %dma_wait3A_113 = arith.constant 0 : i32
      %dma_wait3A_114 = tpu.memref_slice %arg9[%dma_wait3A_112, %dma_wait3A_113] : memref<256x128xf32, #tpu.memory_space<vmem>> -> memref<128x128xf32, #tpu.memory_space<vmem>>
      %dma_wait3A_115 = arith.constant 0 : i32
      %dma_wait3A_116 = tpu.memref_slice %arg7[%dma_wait3A_111, %dma_wait3A_115] : memref<2x128xi32, #tpu.memory_space<vmem>> -> memref<1x128xi32, #tpu.memory_space<vmem>>
      %dma_wait3A_117 = tpu.memref_squeeze %dma_wait3A_116 : memref<1x128xi32, #tpu.memory_space<vmem>> -> memref<128xi32, #tpu.memory_space<vmem>>
      %dma_wait3A_118 = arith.constant 0 : i32
      %dma_wait3A_119 = arith.constant 0 : i32
      %dma_wait3A_120 = tpu.memref_slice %arg2[%dma_wait3A_118, %dma_wait3A_119] : memref<10000x128xf32, #tpu.memory_space<hbm>> -> memref<10000x128xf32, #tpu.memory_space<hbm>>
      tpu.wait_indirect_dma semaphore(%arg12 : memref<!tpu.dma_semaphore, #tpu.memory_space<semaphore_mem>>) src(%dma_wait3A_120 : memref<10000x128xf32, #tpu.memory_space<hbm>>) dst(%dma_wait3A_114 : memref<128x128xf32, #tpu.memory_space<vmem>>)
      %dma_wait3A_121 = arith.constant 1 : i32
      %dma_wait3A_122 = arith.constant 128 : i32
      %dma_wait3A_123 = arith.constant 0 : i32
      %dma_wait3A_124 = tpu.memref_slice %arg10[%dma_wait3A_122, %dma_wait3A_123] : memref<256x128xf32, #tpu.memory_space<vmem>> -> memref<128x128xf32, #tpu.memory_space<vmem>>
      %dma_wait3A_125 = arith.constant 0 : i32
      %dma_wait3A_126 = tpu.memref_slice %arg8[%dma_wait3A_121, %dma_wait3A_125] : memref<2x128xi32, #tpu.memory_space<vmem>> -> memref<1x128xi32, #tpu.memory_space<vmem>>
      %dma_wait3A_127 = tpu.memref_squeeze %dma_wait3A_126 : memref<1x128xi32, #tpu.memory_space<vmem>> -> memref<128xi32, #tpu.memory_space<vmem>>
      %dma_wait3A_128 = arith.constant 0 : i32
      %dma_wait3A_129 = arith.constant 0 : i32
      %dma_wait3A_130 = tpu.memref_slice %arg2[%dma_wait3A_128, %dma_wait3A_129] : memref<10000x128xf32, #tpu.memory_space<hbm>> -> memref<10000x128xf32, #tpu.memory_space<hbm>>
      tpu.wait_indirect_dma semaphore(%arg12 : memref<!tpu.dma_semaphore, #tpu.memory_space<semaphore_mem>>) src(%dma_wait3A_130 : memref<10000x128xf32, #tpu.memory_space<hbm>>) dst(%dma_wait3A_124 : memref<128x128xf32, #tpu.memory_space<vmem>>)
      %dma_start3A_131 = arith.constant 0 : i32
      %dma_start3A_132 = tpu.memref_slice %arg5[%mul3A_30, %dma_start3A_131] : memref<160000x128xf32, #tpu.memory_space<hbm>> -> memref<256x128xf32, #tpu.memory_space<hbm>>
      %dma_start3A_133 = arith.constant 0 : i32
      %dma_start3A_134 = tpu.memref_slice %arg5[%mul3A_30, %dma_start3A_133] : memref<160000x128xf32, #tpu.memory_space<hbm>> -> memref<256x128xf32, #tpu.memory_space<hbm>>
      tpu.enqueue_dma source(%arg9 : memref<256x128xf32, #tpu.memory_space<vmem>>) target(%dma_start3A_134 : memref<256x128xf32, #tpu.memory_space<hbm>>) target_semaphore(%arg13 : memref<!tpu.dma_semaphore, #tpu.memory_space<semaphore_mem>>)
      %dma_start3A_135 = arith.constant 0 : i32
      %dma_start3A_136 = tpu.memref_slice %arg6[%mul3A_30, %dma_start3A_135] : memref<160000x128xf32, #tpu.memory_space<hbm>> -> memref<256x128xf32, #tpu.memory_space<hbm>>
      %dma_start3A_137 = arith.constant 0 : i32
      %dma_start3A_138 = tpu.memref_slice %arg6[%mul3A_30, %dma_start3A_137] : memref<160000x128xf32, #tpu.memory_space<hbm>> -> memref<256x128xf32, #tpu.memory_space<hbm>>
      tpu.enqueue_dma source(%arg10 : memref<256x128xf32, #tpu.memory_space<vmem>>) target(%dma_start3A_138 : memref<256x128xf32, #tpu.memory_space<hbm>>) target_semaphore(%arg13 : memref<!tpu.dma_semaphore, #tpu.memory_space<semaphore_mem>>)
    }
    %add3A_16 = arith.addi %add3A_6, %select_n3A : i32
    %sub3A = arith.constant 1 : i32
    %sub3A_17 = arith.subi %add3A_16, %sub3A : i32
    %mul3A_18 = arith.constant 256 : i32
    %mul3A_19 = arith.muli %sub3A_17, %mul3A_18 : i32
    %dma_wait3A = arith.constant 0 : i32
    %dma_wait3A_20 = tpu.memref_slice %arg5[%mul3A_19, %dma_wait3A] : memref<160000x128xf32, #tpu.memory_space<hbm>> -> memref<256x128xf32, #tpu.memory_space<hbm>>
    %dma_wait3A_21 = arith.constant 0 : i32
    %dma_wait3A_22 = tpu.memref_slice %arg5[%mul3A_19, %dma_wait3A_21] : memref<160000x128xf32, #tpu.memory_space<hbm>> -> memref<256x128xf32, #tpu.memory_space<hbm>>
    tpu.wait_dma2 semaphore(%arg13 : memref<!tpu.dma_semaphore, #tpu.memory_space<semaphore_mem>>) src(%arg9 : memref<256x128xf32, #tpu.memory_space<vmem>>) dst(%dma_wait3A_22 : memref<256x128xf32, #tpu.memory_space<hbm>>)
    %dma_wait3A_23 = arith.constant 0 : i32
    %dma_wait3A_24 = tpu.memref_slice %arg6[%mul3A_19, %dma_wait3A_23] : memref<160000x128xf32, #tpu.memory_space<hbm>> -> memref<256x128xf32, #tpu.memory_space<hbm>>
    %dma_wait3A_25 = arith.constant 0 : i32
    %dma_wait3A_26 = tpu.memref_slice %arg6[%mul3A_19, %dma_wait3A_25] : memref<160000x128xf32, #tpu.memory_space<hbm>> -> memref<256x128xf32, #tpu.memory_space<hbm>>
    tpu.wait_dma2 semaphore(%arg13 : memref<!tpu.dma_semaphore, #tpu.memory_space<semaphore_mem>>) src(%arg10 : memref<256x128xf32, #tpu.memory_space<vmem>>) dst(%dma_wait3A_26 : memref<256x128xf32, #tpu.memory_space<hbm>>)
    return
  }
}

#map = affine_map<(d0, d1) -> (0, 0)>
module attributes {stable_mosaic.version = 14 : i64} {
  func.func @_sc_scatter_body(%arg0: i32, %arg1: i32, %arg2: memref<160000x128xf32, #tpu.memory_space<hbm>>, %arg3: memref<1250x128xi32, #tpu.memory_space<hbm>>, %arg4: memref<10000x128xf32, #tpu.memory_space<hbm>>, %arg5: memref<20000x128xf32, #tpu.memory_space<hbm>>, %arg6: memref<2x128xi32, #tpu.memory_space<vmem>>, %arg7: memref<256x128xf32, #tpu.memory_space<vmem>>, %arg8: memref<10000x128xf32, #tpu.memory_space<vmem_shared>>, %arg9: memref<!tpu.dma_semaphore, #tpu.memory_space<semaphore_mem>>, %arg10: memref<!tpu.dma_semaphore, #tpu.memory_space<semaphore_mem>>) attributes {dimension_semantics = [#tpu.dimension_semantics<core_parallel>, #tpu.dimension_semantics<subcore_parallel>], iteration_bounds = array<i64: 2, 16>, scalar_prefetch = 0 : i64, scratch_operands = 5 : i64, tpu.core_type = #tpu.core_type<sc_vector_subcore>, window_params = [{transform_indices = #map}, {transform_indices = #map}, {transform_indices = #map}, {transform_indices = #map}]} {
    %mul3A = arith.constant 2 : i32
    %mul3A_0 = arith.muli %arg1, %mul3A : i32
    %add3A = arith.addi %mul3A_0, %arg0 : i32
    %lt3A = arith.constant 17 : i32
    %lt3A_1 = arith.cmpi slt, %add3A, %lt3A : i32
    %jit3A = arith.constant 20 : i32
    %jit3A_2 = arith.constant 19 : i32
    %select_n3A = arith.select %lt3A_1, %jit3A, %jit3A_2 : i32
    %mul3A_3 = arith.constant 19 : i32
    %mul3A_4 = arith.muli %add3A, %mul3A_3 : i32
    %min3A = arith.constant 17 : i32
    %min3A_5 = arith.minsi %add3A, %min3A : i32
    %add3A_6 = arith.addi %mul3A_4, %min3A_5 : i32
    %mul3A_7 = arith.constant 624 : i32
    %mul3A_8 = arith.muli %arg1, %mul3A_7 : i32
    "tpu.region"() ({
      %run_scoped3A = tpu.sem_alloc : memref<!tpu.dma_semaphore, #tpu.memory_space<semaphore_mem>>
      %dma_start3A = arith.constant 0 : i32
      %dma_start3A_29 = tpu.memref_slice %arg8[%mul3A_8, %dma_start3A] : memref<10000x128xf32, #tpu.memory_space<vmem_shared>> -> memref<624x128xf32, #tpu.memory_space<vmem_shared>>
      %dma_start3A_30 = arith.constant 0 : i32
      %dma_start3A_31 = tpu.memref_slice %arg4[%mul3A_8, %dma_start3A_30] : memref<10000x128xf32, #tpu.memory_space<hbm>> -> memref<624x128xf32, #tpu.memory_space<hbm>>
      tpu.enqueue_dma source(%dma_start3A_31 : memref<624x128xf32, #tpu.memory_space<hbm>>) target(%dma_start3A_29 : memref<624x128xf32, #tpu.memory_space<vmem_shared>>) target_semaphore(%run_scoped3A : memref<!tpu.dma_semaphore, #tpu.memory_space<semaphore_mem>>)
      %dma_wait3A = arith.constant 0 : i32
      %dma_wait3A_32 = tpu.memref_slice %arg8[%mul3A_8, %dma_wait3A] : memref<10000x128xf32, #tpu.memory_space<vmem_shared>> -> memref<624x128xf32, #tpu.memory_space<vmem_shared>>
      %dma_wait3A_33 = arith.constant 0 : i32
      %dma_wait3A_34 = tpu.memref_slice %arg4[%mul3A_8, %dma_wait3A_33] : memref<10000x128xf32, #tpu.memory_space<hbm>> -> memref<624x128xf32, #tpu.memory_space<hbm>>
      tpu.wait_dma2 semaphore(%run_scoped3A : memref<!tpu.dma_semaphore, #tpu.memory_space<semaphore_mem>>) src(%dma_wait3A_34 : memref<624x128xf32, #tpu.memory_space<hbm>>) dst(%dma_wait3A_32 : memref<624x128xf32, #tpu.memory_space<vmem_shared>>)
      tpu.yield
    }) : () -> ()
    %eq3A = arith.constant 15 : i32
    %eq3A_9 = arith.cmpi eq, %arg1, %eq3A : i32
    %convert_element_type3A = arith.extui %eq3A_9 : i1 to i32
    %cond3A = arith.constant 0 : i32
    %cond3A_10 = arith.cmpi ne, %convert_element_type3A, %cond3A : i32
    scf.if %cond3A_10 {
      "tpu.region"() ({
        %run_scoped3A = tpu.sem_alloc : memref<!tpu.dma_semaphore, #tpu.memory_space<semaphore_mem>>
        %dma_start3A = arith.constant 9984 : i32
        %dma_start3A_29 = arith.constant 0 : i32
        %dma_start3A_30 = tpu.memref_slice %arg8[%dma_start3A, %dma_start3A_29] : memref<10000x128xf32, #tpu.memory_space<vmem_shared>> -> memref<16x128xf32, #tpu.memory_space<vmem_shared>>
        %dma_start3A_31 = arith.constant 9984 : i32
        %dma_start3A_32 = arith.constant 0 : i32
        %dma_start3A_33 = tpu.memref_slice %arg4[%dma_start3A_31, %dma_start3A_32] : memref<10000x128xf32, #tpu.memory_space<hbm>> -> memref<16x128xf32, #tpu.memory_space<hbm>>
        tpu.enqueue_dma source(%dma_start3A_33 : memref<16x128xf32, #tpu.memory_space<hbm>>) target(%dma_start3A_30 : memref<16x128xf32, #tpu.memory_space<vmem_shared>>) target_semaphore(%run_scoped3A : memref<!tpu.dma_semaphore, #tpu.memory_space<semaphore_mem>>)
        %dma_wait3A = arith.constant 9984 : i32
        %dma_wait3A_34 = arith.constant 0 : i32
        %dma_wait3A_35 = tpu.memref_slice %arg8[%dma_wait3A, %dma_wait3A_34] : memref<10000x128xf32, #tpu.memory_space<vmem_shared>> -> memref<16x128xf32, #tpu.memory_space<vmem_shared>>
        %dma_wait3A_36 = arith.constant 9984 : i32
        %dma_wait3A_37 = arith.constant 0 : i32
        %dma_wait3A_38 = tpu.memref_slice %arg4[%dma_wait3A_36, %dma_wait3A_37] : memref<10000x128xf32, #tpu.memory_space<hbm>> -> memref<16x128xf32, #tpu.memory_space<hbm>>
        tpu.wait_dma2 semaphore(%run_scoped3A : memref<!tpu.dma_semaphore, #tpu.memory_space<semaphore_mem>>) src(%dma_wait3A_38 : memref<16x128xf32, #tpu.memory_space<hbm>>) dst(%dma_wait3A_35 : memref<16x128xf32, #tpu.memory_space<vmem_shared>>)
        tpu.yield
      }) : () -> ()
    } else {
    }
    %barrier3A = arith.constant 0 : index
    tpu.barrier barrier_id(%barrier3A)
    %while3A = arith.constant 0 : i32
    %while3A_11 = arith.constant 0 : i32
    %while3A_12 = arith.subi %select_n3A, %while3A_11 : i32
    %while3A_13 = arith.addi %while3A_11, %while3A_12 : i32
    %while3A_14 = arith.constant 1 : i32
    %while3A_15 = arith.divsi %while3A_12, %while3A_14 : i32
    %while3A_16 = arith.muli %while3A_15, %while3A_14 : i32
    %while3A_17 = arith.addi %while3A_11, %while3A_16 : i32
    %while3A_18 = arith.constant 1 : i32
    scf.for %while3A_29 = %while3A_11 to %while3A_17 step %while3A_18  : i32 {
      %add3A_30 = arith.addi %add3A_6, %while3A_29 : i32
      %mul3A_31 = arith.constant 256 : i32
      %mul3A_32 = arith.muli %add3A_30, %mul3A_31 : i32
      %add3A_33 = arith.addi %add3A_6, %while3A_29 : i32
      %mul3A_34 = arith.constant 2 : i32
      %mul3A_35 = arith.muli %add3A_33, %mul3A_34 : i32
      %dma_start3A = arith.constant 0 : i32
      %dma_start3A_36 = tpu.memref_slice %arg3[%mul3A_35, %dma_start3A] : memref<1250x128xi32, #tpu.memory_space<hbm>> -> memref<2x128xi32, #tpu.memory_space<hbm>>
      %dma_start3A_37 = arith.constant 0 : i32
      %dma_start3A_38 = tpu.memref_slice %arg3[%mul3A_35, %dma_start3A_37] : memref<1250x128xi32, #tpu.memory_space<hbm>> -> memref<2x128xi32, #tpu.memory_space<hbm>>
      tpu.enqueue_dma source(%dma_start3A_38 : memref<2x128xi32, #tpu.memory_space<hbm>>) target(%arg6 : memref<2x128xi32, #tpu.memory_space<vmem>>) target_semaphore(%arg9 : memref<!tpu.dma_semaphore, #tpu.memory_space<semaphore_mem>>)
      %dma_start3A_39 = arith.constant 0 : i32
      %dma_start3A_40 = tpu.memref_slice %arg2[%mul3A_32, %dma_start3A_39] : memref<160000x128xf32, #tpu.memory_space<hbm>> -> memref<256x128xf32, #tpu.memory_space<hbm>>
      %dma_start3A_41 = arith.constant 0 : i32
      %dma_start3A_42 = tpu.memref_slice %arg2[%mul3A_32, %dma_start3A_41] : memref<160000x128xf32, #tpu.memory_space<hbm>> -> memref<256x128xf32, #tpu.memory_space<hbm>>
      tpu.enqueue_dma source(%dma_start3A_42 : memref<256x128xf32, #tpu.memory_space<hbm>>) target(%arg7 : memref<256x128xf32, #tpu.memory_space<vmem>>) target_semaphore(%arg9 : memref<!tpu.dma_semaphore, #tpu.memory_space<semaphore_mem>>)
      %dma_wait3A = arith.constant 0 : i32
      %dma_wait3A_43 = tpu.memref_slice %arg3[%mul3A_35, %dma_wait3A] : memref<1250x128xi32, #tpu.memory_space<hbm>> -> memref<2x128xi32, #tpu.memory_space<hbm>>
      %dma_wait3A_44 = arith.constant 0 : i32
      %dma_wait3A_45 = tpu.memref_slice %arg3[%mul3A_35, %dma_wait3A_44] : memref<1250x128xi32, #tpu.memory_space<hbm>> -> memref<2x128xi32, #tpu.memory_space<hbm>>
      tpu.wait_dma2 semaphore(%arg9 : memref<!tpu.dma_semaphore, #tpu.memory_space<semaphore_mem>>) src(%dma_wait3A_45 : memref<2x128xi32, #tpu.memory_space<hbm>>) dst(%arg6 : memref<2x128xi32, #tpu.memory_space<vmem>>)
      %dma_wait3A_46 = arith.constant 0 : i32
      %dma_wait3A_47 = tpu.memref_slice %arg2[%mul3A_32, %dma_wait3A_46] : memref<160000x128xf32, #tpu.memory_space<hbm>> -> memref<256x128xf32, #tpu.memory_space<hbm>>
      %dma_wait3A_48 = arith.constant 0 : i32
      %dma_wait3A_49 = tpu.memref_slice %arg2[%mul3A_32, %dma_wait3A_48] : memref<160000x128xf32, #tpu.memory_space<hbm>> -> memref<256x128xf32, #tpu.memory_space<hbm>>
      tpu.wait_dma2 semaphore(%arg9 : memref<!tpu.dma_semaphore, #tpu.memory_space<semaphore_mem>>) src(%dma_wait3A_49 : memref<256x128xf32, #tpu.memory_space<hbm>>) dst(%arg7 : memref<256x128xf32, #tpu.memory_space<vmem>>)
      %dma_start3A_50 = arith.constant 0 : i32
      %dma_start3A_51 = arith.constant 0 : i32
      %dma_start3A_52 = arith.constant 0 : i32
      %dma_start3A_53 = tpu.memref_slice %arg7[%dma_start3A_51, %dma_start3A_52] : memref<256x128xf32, #tpu.memory_space<vmem>> -> memref<128x128xf32, #tpu.memory_space<vmem>>
      %dma_start3A_54 = arith.constant 0 : i32
      %dma_start3A_55 = tpu.memref_slice %arg6[%dma_start3A_50, %dma_start3A_54] : memref<2x128xi32, #tpu.memory_space<vmem>> -> memref<1x128xi32, #tpu.memory_space<vmem>>
      %dma_start3A_56 = tpu.memref_squeeze %dma_start3A_55 : memref<1x128xi32, #tpu.memory_space<vmem>> -> memref<128xi32, #tpu.memory_space<vmem>>
      %dma_start3A_57 = arith.constant 0 : i32
      %dma_start3A_58 = arith.constant 0 : i32
      %dma_start3A_59 = tpu.memref_slice %arg8[%dma_start3A_57, %dma_start3A_58] : memref<10000x128xf32, #tpu.memory_space<vmem_shared>> -> memref<10000x128xf32, #tpu.memory_space<vmem_shared>>
      tpu.enqueue_indirect_dma source(%dma_start3A_53 : memref<128x128xf32, #tpu.memory_space<vmem>>) target(%dma_start3A_59 : memref<10000x128xf32, #tpu.memory_space<vmem_shared>>) offsets(%dma_start3A_56 : memref<128xi32, #tpu.memory_space<vmem>>) semaphore(%arg10 : memref<!tpu.dma_semaphore, #tpu.memory_space<semaphore_mem>>) {add = true}
      %dma_start3A_60 = arith.constant 1 : i32
      %dma_start3A_61 = arith.constant 128 : i32
      %dma_start3A_62 = arith.constant 0 : i32
      %dma_start3A_63 = tpu.memref_slice %arg7[%dma_start3A_61, %dma_start3A_62] : memref<256x128xf32, #tpu.memory_space<vmem>> -> memref<128x128xf32, #tpu.memory_space<vmem>>
      %dma_start3A_64 = arith.constant 0 : i32
      %dma_start3A_65 = tpu.memref_slice %arg6[%dma_start3A_60, %dma_start3A_64] : memref<2x128xi32, #tpu.memory_space<vmem>> -> memref<1x128xi32, #tpu.memory_space<vmem>>
      %dma_start3A_66 = tpu.memref_squeeze %dma_start3A_65 : memref<1x128xi32, #tpu.memory_space<vmem>> -> memref<128xi32, #tpu.memory_space<vmem>>
      %dma_start3A_67 = arith.constant 0 : i32
      %dma_start3A_68 = arith.constant 0 : i32
      %dma_start3A_69 = tpu.memref_slice %arg8[%dma_start3A_67, %dma_start3A_68] : memref<10000x128xf32, #tpu.memory_space<vmem_shared>> -> memref<10000x128xf32, #tpu.memory_space<vmem_shared>>
      tpu.enqueue_indirect_dma source(%dma_start3A_63 : memref<128x128xf32, #tpu.memory_space<vmem>>) target(%dma_start3A_69 : memref<10000x128xf32, #tpu.memory_space<vmem_shared>>) offsets(%dma_start3A_66 : memref<128xi32, #tpu.memory_space<vmem>>) semaphore(%arg10 : memref<!tpu.dma_semaphore, #tpu.memory_space<semaphore_mem>>) {add = true}
      %dma_wait3A_70 = arith.constant 0 : i32
      %dma_wait3A_71 = arith.constant 0 : i32
      %dma_wait3A_72 = arith.constant 0 : i32
      %dma_wait3A_73 = tpu.memref_slice %arg7[%dma_wait3A_71, %dma_wait3A_72] : memref<256x128xf32, #tpu.memory_space<vmem>> -> memref<128x128xf32, #tpu.memory_space<vmem>>
      %dma_wait3A_74 = arith.constant 0 : i32
      %dma_wait3A_75 = tpu.memref_slice %arg6[%dma_wait3A_70, %dma_wait3A_74] : memref<2x128xi32, #tpu.memory_space<vmem>> -> memref<1x128xi32, #tpu.memory_space<vmem>>
      %dma_wait3A_76 = tpu.memref_squeeze %dma_wait3A_75 : memref<1x128xi32, #tpu.memory_space<vmem>> -> memref<128xi32, #tpu.memory_space<vmem>>
      %dma_wait3A_77 = arith.constant 0 : i32
      %dma_wait3A_78 = arith.constant 0 : i32
      %dma_wait3A_79 = tpu.memref_slice %arg8[%dma_wait3A_77, %dma_wait3A_78] : memref<10000x128xf32, #tpu.memory_space<vmem_shared>> -> memref<10000x128xf32, #tpu.memory_space<vmem_shared>>
      tpu.wait_indirect_dma semaphore(%arg10 : memref<!tpu.dma_semaphore, #tpu.memory_space<semaphore_mem>>) src(%dma_wait3A_73 : memref<128x128xf32, #tpu.memory_space<vmem>>) dst(%dma_wait3A_79 : memref<10000x128xf32, #tpu.memory_space<vmem_shared>>)
      %dma_wait3A_80 = arith.constant 1 : i32
      %dma_wait3A_81 = arith.constant 128 : i32
      %dma_wait3A_82 = arith.constant 0 : i32
      %dma_wait3A_83 = tpu.memref_slice %arg7[%dma_wait3A_81, %dma_wait3A_82] : memref<256x128xf32, #tpu.memory_space<vmem>> -> memref<128x128xf32, #tpu.memory_space<vmem>>
      %dma_wait3A_84 = arith.constant 0 : i32
      %dma_wait3A_85 = tpu.memref_slice %arg6[%dma_wait3A_80, %dma_wait3A_84] : memref<2x128xi32, #tpu.memory_space<vmem>> -> memref<1x128xi32, #tpu.memory_space<vmem>>
      %dma_wait3A_86 = tpu.memref_squeeze %dma_wait3A_85 : memref<1x128xi32, #tpu.memory_space<vmem>> -> memref<128xi32, #tpu.memory_space<vmem>>
      %dma_wait3A_87 = arith.constant 0 : i32
      %dma_wait3A_88 = arith.constant 0 : i32
      %dma_wait3A_89 = tpu.memref_slice %arg8[%dma_wait3A_87, %dma_wait3A_88] : memref<10000x128xf32, #tpu.memory_space<vmem_shared>> -> memref<10000x128xf32, #tpu.memory_space<vmem_shared>>
      tpu.wait_indirect_dma semaphore(%arg10 : memref<!tpu.dma_semaphore, #tpu.memory_space<semaphore_mem>>) src(%dma_wait3A_83 : memref<128x128xf32, #tpu.memory_space<vmem>>) dst(%dma_wait3A_89 : memref<10000x128xf32, #tpu.memory_space<vmem_shared>>)
    }
    %while3A_19 = arith.constant 1 : i32
    scf.for %while3A_29 = %while3A_17 to %while3A_13 step %while3A_19  : i32 {
      %add3A_30 = arith.addi %add3A_6, %while3A_29 : i32
      %mul3A_31 = arith.constant 256 : i32
      %mul3A_32 = arith.muli %add3A_30, %mul3A_31 : i32
      %add3A_33 = arith.addi %add3A_6, %while3A_29 : i32
      %mul3A_34 = arith.constant 2 : i32
      %mul3A_35 = arith.muli %add3A_33, %mul3A_34 : i32
      %dma_start3A = arith.constant 0 : i32
      %dma_start3A_36 = tpu.memref_slice %arg3[%mul3A_35, %dma_start3A] : memref<1250x128xi32, #tpu.memory_space<hbm>> -> memref<2x128xi32, #tpu.memory_space<hbm>>
      %dma_start3A_37 = arith.constant 0 : i32
      %dma_start3A_38 = tpu.memref_slice %arg3[%mul3A_35, %dma_start3A_37] : memref<1250x128xi32, #tpu.memory_space<hbm>> -> memref<2x128xi32, #tpu.memory_space<hbm>>
      tpu.enqueue_dma source(%dma_start3A_38 : memref<2x128xi32, #tpu.memory_space<hbm>>) target(%arg6 : memref<2x128xi32, #tpu.memory_space<vmem>>) target_semaphore(%arg9 : memref<!tpu.dma_semaphore, #tpu.memory_space<semaphore_mem>>)
      %dma_start3A_39 = arith.constant 0 : i32
      %dma_start3A_40 = tpu.memref_slice %arg2[%mul3A_32, %dma_start3A_39] : memref<160000x128xf32, #tpu.memory_space<hbm>> -> memref<256x128xf32, #tpu.memory_space<hbm>>
      %dma_start3A_41 = arith.constant 0 : i32
      %dma_start3A_42 = tpu.memref_slice %arg2[%mul3A_32, %dma_start3A_41] : memref<160000x128xf32, #tpu.memory_space<hbm>> -> memref<256x128xf32, #tpu.memory_space<hbm>>
      tpu.enqueue_dma source(%dma_start3A_42 : memref<256x128xf32, #tpu.memory_space<hbm>>) target(%arg7 : memref<256x128xf32, #tpu.memory_space<vmem>>) target_semaphore(%arg9 : memref<!tpu.dma_semaphore, #tpu.memory_space<semaphore_mem>>)
      %dma_wait3A = arith.constant 0 : i32
      %dma_wait3A_43 = tpu.memref_slice %arg3[%mul3A_35, %dma_wait3A] : memref<1250x128xi32, #tpu.memory_space<hbm>> -> memref<2x128xi32, #tpu.memory_space<hbm>>
      %dma_wait3A_44 = arith.constant 0 : i32
      %dma_wait3A_45 = tpu.memref_slice %arg3[%mul3A_35, %dma_wait3A_44] : memref<1250x128xi32, #tpu.memory_space<hbm>> -> memref<2x128xi32, #tpu.memory_space<hbm>>
      tpu.wait_dma2 semaphore(%arg9 : memref<!tpu.dma_semaphore, #tpu.memory_space<semaphore_mem>>) src(%dma_wait3A_45 : memref<2x128xi32, #tpu.memory_space<hbm>>) dst(%arg6 : memref<2x128xi32, #tpu.memory_space<vmem>>)
      %dma_wait3A_46 = arith.constant 0 : i32
      %dma_wait3A_47 = tpu.memref_slice %arg2[%mul3A_32, %dma_wait3A_46] : memref<160000x128xf32, #tpu.memory_space<hbm>> -> memref<256x128xf32, #tpu.memory_space<hbm>>
      %dma_wait3A_48 = arith.constant 0 : i32
      %dma_wait3A_49 = tpu.memref_slice %arg2[%mul3A_32, %dma_wait3A_48] : memref<160000x128xf32, #tpu.memory_space<hbm>> -> memref<256x128xf32, #tpu.memory_space<hbm>>
      tpu.wait_dma2 semaphore(%arg9 : memref<!tpu.dma_semaphore, #tpu.memory_space<semaphore_mem>>) src(%dma_wait3A_49 : memref<256x128xf32, #tpu.memory_space<hbm>>) dst(%arg7 : memref<256x128xf32, #tpu.memory_space<vmem>>)
      %dma_start3A_50 = arith.constant 0 : i32
      %dma_start3A_51 = arith.constant 0 : i32
      %dma_start3A_52 = arith.constant 0 : i32
      %dma_start3A_53 = tpu.memref_slice %arg7[%dma_start3A_51, %dma_start3A_52] : memref<256x128xf32, #tpu.memory_space<vmem>> -> memref<128x128xf32, #tpu.memory_space<vmem>>
      %dma_start3A_54 = arith.constant 0 : i32
      %dma_start3A_55 = tpu.memref_slice %arg6[%dma_start3A_50, %dma_start3A_54] : memref<2x128xi32, #tpu.memory_space<vmem>> -> memref<1x128xi32, #tpu.memory_space<vmem>>
      %dma_start3A_56 = tpu.memref_squeeze %dma_start3A_55 : memref<1x128xi32, #tpu.memory_space<vmem>> -> memref<128xi32, #tpu.memory_space<vmem>>
      %dma_start3A_57 = arith.constant 0 : i32
      %dma_start3A_58 = arith.constant 0 : i32
      %dma_start3A_59 = tpu.memref_slice %arg8[%dma_start3A_57, %dma_start3A_58] : memref<10000x128xf32, #tpu.memory_space<vmem_shared>> -> memref<10000x128xf32, #tpu.memory_space<vmem_shared>>
      tpu.enqueue_indirect_dma source(%dma_start3A_53 : memref<128x128xf32, #tpu.memory_space<vmem>>) target(%dma_start3A_59 : memref<10000x128xf32, #tpu.memory_space<vmem_shared>>) offsets(%dma_start3A_56 : memref<128xi32, #tpu.memory_space<vmem>>) semaphore(%arg10 : memref<!tpu.dma_semaphore, #tpu.memory_space<semaphore_mem>>) {add = true}
      %dma_start3A_60 = arith.constant 1 : i32
      %dma_start3A_61 = arith.constant 128 : i32
      %dma_start3A_62 = arith.constant 0 : i32
      %dma_start3A_63 = tpu.memref_slice %arg7[%dma_start3A_61, %dma_start3A_62] : memref<256x128xf32, #tpu.memory_space<vmem>> -> memref<128x128xf32, #tpu.memory_space<vmem>>
      %dma_start3A_64 = arith.constant 0 : i32
      %dma_start3A_65 = tpu.memref_slice %arg6[%dma_start3A_60, %dma_start3A_64] : memref<2x128xi32, #tpu.memory_space<vmem>> -> memref<1x128xi32, #tpu.memory_space<vmem>>
      %dma_start3A_66 = tpu.memref_squeeze %dma_start3A_65 : memref<1x128xi32, #tpu.memory_space<vmem>> -> memref<128xi32, #tpu.memory_space<vmem>>
      %dma_start3A_67 = arith.constant 0 : i32
      %dma_start3A_68 = arith.constant 0 : i32
      %dma_start3A_69 = tpu.memref_slice %arg8[%dma_start3A_67, %dma_start3A_68] : memref<10000x128xf32, #tpu.memory_space<vmem_shared>> -> memref<10000x128xf32, #tpu.memory_space<vmem_shared>>
      tpu.enqueue_indirect_dma source(%dma_start3A_63 : memref<128x128xf32, #tpu.memory_space<vmem>>) target(%dma_start3A_69 : memref<10000x128xf32, #tpu.memory_space<vmem_shared>>) offsets(%dma_start3A_66 : memref<128xi32, #tpu.memory_space<vmem>>) semaphore(%arg10 : memref<!tpu.dma_semaphore, #tpu.memory_space<semaphore_mem>>) {add = true}
      %dma_wait3A_70 = arith.constant 0 : i32
      %dma_wait3A_71 = arith.constant 0 : i32
      %dma_wait3A_72 = arith.constant 0 : i32
      %dma_wait3A_73 = tpu.memref_slice %arg7[%dma_wait3A_71, %dma_wait3A_72] : memref<256x128xf32, #tpu.memory_space<vmem>> -> memref<128x128xf32, #tpu.memory_space<vmem>>
      %dma_wait3A_74 = arith.constant 0 : i32
      %dma_wait3A_75 = tpu.memref_slice %arg6[%dma_wait3A_70, %dma_wait3A_74] : memref<2x128xi32, #tpu.memory_space<vmem>> -> memref<1x128xi32, #tpu.memory_space<vmem>>
      %dma_wait3A_76 = tpu.memref_squeeze %dma_wait3A_75 : memref<1x128xi32, #tpu.memory_space<vmem>> -> memref<128xi32, #tpu.memory_space<vmem>>
      %dma_wait3A_77 = arith.constant 0 : i32
      %dma_wait3A_78 = arith.constant 0 : i32
      %dma_wait3A_79 = tpu.memref_slice %arg8[%dma_wait3A_77, %dma_wait3A_78] : memref<10000x128xf32, #tpu.memory_space<vmem_shared>> -> memref<10000x128xf32, #tpu.memory_space<vmem_shared>>
      tpu.wait_indirect_dma semaphore(%arg10 : memref<!tpu.dma_semaphore, #tpu.memory_space<semaphore_mem>>) src(%dma_wait3A_73 : memref<128x128xf32, #tpu.memory_space<vmem>>) dst(%dma_wait3A_79 : memref<10000x128xf32, #tpu.memory_space<vmem_shared>>)
      %dma_wait3A_80 = arith.constant 1 : i32
      %dma_wait3A_81 = arith.constant 128 : i32
      %dma_wait3A_82 = arith.constant 0 : i32
      %dma_wait3A_83 = tpu.memref_slice %arg7[%dma_wait3A_81, %dma_wait3A_82] : memref<256x128xf32, #tpu.memory_space<vmem>> -> memref<128x128xf32, #tpu.memory_space<vmem>>
      %dma_wait3A_84 = arith.constant 0 : i32
      %dma_wait3A_85 = tpu.memref_slice %arg6[%dma_wait3A_80, %dma_wait3A_84] : memref<2x128xi32, #tpu.memory_space<vmem>> -> memref<1x128xi32, #tpu.memory_space<vmem>>
      %dma_wait3A_86 = tpu.memref_squeeze %dma_wait3A_85 : memref<1x128xi32, #tpu.memory_space<vmem>> -> memref<128xi32, #tpu.memory_space<vmem>>
      %dma_wait3A_87 = arith.constant 0 : i32
      %dma_wait3A_88 = arith.constant 0 : i32
      %dma_wait3A_89 = tpu.memref_slice %arg8[%dma_wait3A_87, %dma_wait3A_88] : memref<10000x128xf32, #tpu.memory_space<vmem_shared>> -> memref<10000x128xf32, #tpu.memory_space<vmem_shared>>
      tpu.wait_indirect_dma semaphore(%arg10 : memref<!tpu.dma_semaphore, #tpu.memory_space<semaphore_mem>>) src(%dma_wait3A_83 : memref<128x128xf32, #tpu.memory_space<vmem>>) dst(%dma_wait3A_89 : memref<10000x128xf32, #tpu.memory_space<vmem_shared>>)
    }
    %barrier3A_20 = arith.constant 0 : index
    tpu.barrier barrier_id(%barrier3A_20)
    %mul3A_21 = arith.constant 10000 : i32
    %mul3A_22 = arith.muli %arg0, %mul3A_21 : i32
    %add3A_23 = arith.addi %mul3A_22, %mul3A_8 : i32
    "tpu.region"() ({
      %run_scoped3A = tpu.sem_alloc : memref<!tpu.dma_semaphore, #tpu.memory_space<semaphore_mem>>
      %dma_start3A = arith.constant 0 : i32
      %dma_start3A_29 = tpu.memref_slice %arg5[%add3A_23, %dma_start3A] : memref<20000x128xf32, #tpu.memory_space<hbm>> -> memref<624x128xf32, #tpu.memory_space<hbm>>
      %dma_start3A_30 = arith.constant 0 : i32
      %dma_start3A_31 = tpu.memref_slice %arg8[%mul3A_8, %dma_start3A_30] : memref<10000x128xf32, #tpu.memory_space<vmem_shared>> -> memref<624x128xf32, #tpu.memory_space<vmem_shared>>
      tpu.enqueue_dma source(%dma_start3A_31 : memref<624x128xf32, #tpu.memory_space<vmem_shared>>) target(%dma_start3A_29 : memref<624x128xf32, #tpu.memory_space<hbm>>) target_semaphore(%run_scoped3A : memref<!tpu.dma_semaphore, #tpu.memory_space<semaphore_mem>>)
      %dma_wait3A = arith.constant 0 : i32
      %dma_wait3A_32 = tpu.memref_slice %arg5[%add3A_23, %dma_wait3A] : memref<20000x128xf32, #tpu.memory_space<hbm>> -> memref<624x128xf32, #tpu.memory_space<hbm>>
      %dma_wait3A_33 = arith.constant 0 : i32
      %dma_wait3A_34 = tpu.memref_slice %arg8[%mul3A_8, %dma_wait3A_33] : memref<10000x128xf32, #tpu.memory_space<vmem_shared>> -> memref<624x128xf32, #tpu.memory_space<vmem_shared>>
      tpu.wait_dma2 semaphore(%run_scoped3A : memref<!tpu.dma_semaphore, #tpu.memory_space<semaphore_mem>>) src(%dma_wait3A_34 : memref<624x128xf32, #tpu.memory_space<vmem_shared>>) dst(%dma_wait3A_32 : memref<624x128xf32, #tpu.memory_space<hbm>>)
      tpu.yield
    }) : () -> ()
    %eq3A_24 = arith.constant 15 : i32
    %eq3A_25 = arith.cmpi eq, %arg1, %eq3A_24 : i32
    %convert_element_type3A_26 = arith.extui %eq3A_25 : i1 to i32
    %cond3A_27 = arith.constant 0 : i32
    %cond3A_28 = arith.cmpi ne, %convert_element_type3A_26, %cond3A_27 : i32
    scf.if %cond3A_28 {
      %mul3A_29 = arith.constant 10000 : i32
      %mul3A_30 = arith.muli %arg0, %mul3A_29 : i32
      %add3A_31 = arith.constant 9984 : i32
      %add3A_32 = arith.addi %mul3A_30, %add3A_31 : i32
      "tpu.region"() ({
        %run_scoped3A = tpu.sem_alloc : memref<!tpu.dma_semaphore, #tpu.memory_space<semaphore_mem>>
        %dma_start3A = arith.constant 0 : i32
        %dma_start3A_33 = tpu.memref_slice %arg5[%add3A_32, %dma_start3A] : memref<20000x128xf32, #tpu.memory_space<hbm>> -> memref<16x128xf32, #tpu.memory_space<hbm>>
        %dma_start3A_34 = arith.constant 9984 : i32
        %dma_start3A_35 = arith.constant 0 : i32
        %dma_start3A_36 = tpu.memref_slice %arg8[%dma_start3A_34, %dma_start3A_35] : memref<10000x128xf32, #tpu.memory_space<vmem_shared>> -> memref<16x128xf32, #tpu.memory_space<vmem_shared>>
        tpu.enqueue_dma source(%dma_start3A_36 : memref<16x128xf32, #tpu.memory_space<vmem_shared>>) target(%dma_start3A_33 : memref<16x128xf32, #tpu.memory_space<hbm>>) target_semaphore(%run_scoped3A : memref<!tpu.dma_semaphore, #tpu.memory_space<semaphore_mem>>)
        %dma_wait3A = arith.constant 0 : i32
        %dma_wait3A_37 = tpu.memref_slice %arg5[%add3A_32, %dma_wait3A] : memref<20000x128xf32, #tpu.memory_space<hbm>> -> memref<16x128xf32, #tpu.memory_space<hbm>>
        %dma_wait3A_38 = arith.constant 9984 : i32
        %dma_wait3A_39 = arith.constant 0 : i32
        %dma_wait3A_40 = tpu.memref_slice %arg8[%dma_wait3A_38, %dma_wait3A_39] : memref<10000x128xf32, #tpu.memory_space<vmem_shared>> -> memref<16x128xf32, #tpu.memory_space<vmem_shared>>
        tpu.wait_dma2 semaphore(%run_scoped3A : memref<!tpu.dma_semaphore, #tpu.memory_space<semaphore_mem>>) src(%dma_wait3A_40 : memref<16x128xf32, #tpu.memory_space<vmem_shared>>) dst(%dma_wait3A_37 : memref<16x128xf32, #tpu.memory_space<hbm>>)
        tpu.yield
      }) : () -> ()
    } else {
    }
    return
  }
}

#map = affine_map<(d0, d1) -> (0, 0)>
module attributes {stable_mosaic.version = 14 : i64} {
  func.func @_sc_scatter_body(%arg0: i32, %arg1: i32, %arg2: memref<160000x128xf32, #tpu.memory_space<hbm>>, %arg3: memref<1250x128xi32, #tpu.memory_space<hbm>>, %arg4: memref<10000x128xf32, #tpu.memory_space<hbm>>, %arg5: memref<20000x128xf32, #tpu.memory_space<hbm>>, %arg6: memref<2x128xi32, #tpu.memory_space<vmem>>, %arg7: memref<256x128xf32, #tpu.memory_space<vmem>>, %arg8: memref<10000x128xf32, #tpu.memory_space<vmem_shared>>, %arg9: memref<!tpu.dma_semaphore, #tpu.memory_space<semaphore_mem>>, %arg10: memref<!tpu.dma_semaphore, #tpu.memory_space<semaphore_mem>>) attributes {dimension_semantics = [#tpu.dimension_semantics<core_parallel>, #tpu.dimension_semantics<subcore_parallel>], iteration_bounds = array<i64: 2, 16>, scalar_prefetch = 0 : i64, scratch_operands = 5 : i64, tpu.core_type = #tpu.core_type<sc_vector_subcore>, window_params = [{transform_indices = #map}, {transform_indices = #map}, {transform_indices = #map}, {transform_indices = #map}]} {
    %mul3A = arith.constant 2 : i32
    %mul3A_0 = arith.muli %arg1, %mul3A : i32
    %add3A = arith.addi %mul3A_0, %arg0 : i32
    %lt3A = arith.constant 17 : i32
    %lt3A_1 = arith.cmpi slt, %add3A, %lt3A : i32
    %jit3A = arith.constant 20 : i32
    %jit3A_2 = arith.constant 19 : i32
    %select_n3A = arith.select %lt3A_1, %jit3A, %jit3A_2 : i32
    %mul3A_3 = arith.constant 19 : i32
    %mul3A_4 = arith.muli %add3A, %mul3A_3 : i32
    %min3A = arith.constant 17 : i32
    %min3A_5 = arith.minsi %add3A, %min3A : i32
    %add3A_6 = arith.addi %mul3A_4, %min3A_5 : i32
    %mul3A_7 = arith.constant 624 : i32
    %mul3A_8 = arith.muli %arg1, %mul3A_7 : i32
    "tpu.region"() ({
      %run_scoped3A = tpu.sem_alloc : memref<!tpu.dma_semaphore, #tpu.memory_space<semaphore_mem>>
      %dma_start3A = arith.constant 0 : i32
      %dma_start3A_29 = tpu.memref_slice %arg8[%mul3A_8, %dma_start3A] : memref<10000x128xf32, #tpu.memory_space<vmem_shared>> -> memref<624x128xf32, #tpu.memory_space<vmem_shared>>
      %dma_start3A_30 = arith.constant 0 : i32
      %dma_start3A_31 = tpu.memref_slice %arg4[%mul3A_8, %dma_start3A_30] : memref<10000x128xf32, #tpu.memory_space<hbm>> -> memref<624x128xf32, #tpu.memory_space<hbm>>
      tpu.enqueue_dma source(%dma_start3A_31 : memref<624x128xf32, #tpu.memory_space<hbm>>) target(%dma_start3A_29 : memref<624x128xf32, #tpu.memory_space<vmem_shared>>) target_semaphore(%run_scoped3A : memref<!tpu.dma_semaphore, #tpu.memory_space<semaphore_mem>>)
      %dma_wait3A = arith.constant 0 : i32
      %dma_wait3A_32 = tpu.memref_slice %arg8[%mul3A_8, %dma_wait3A] : memref<10000x128xf32, #tpu.memory_space<vmem_shared>> -> memref<624x128xf32, #tpu.memory_space<vmem_shared>>
      %dma_wait3A_33 = arith.constant 0 : i32
      %dma_wait3A_34 = tpu.memref_slice %arg4[%mul3A_8, %dma_wait3A_33] : memref<10000x128xf32, #tpu.memory_space<hbm>> -> memref<624x128xf32, #tpu.memory_space<hbm>>
      tpu.wait_dma2 semaphore(%run_scoped3A : memref<!tpu.dma_semaphore, #tpu.memory_space<semaphore_mem>>) src(%dma_wait3A_34 : memref<624x128xf32, #tpu.memory_space<hbm>>) dst(%dma_wait3A_32 : memref<624x128xf32, #tpu.memory_space<vmem_shared>>)
      tpu.yield
    }) : () -> ()
    %eq3A = arith.constant 15 : i32
    %eq3A_9 = arith.cmpi eq, %arg1, %eq3A : i32
    %convert_element_type3A = arith.extui %eq3A_9 : i1 to i32
    %cond3A = arith.constant 0 : i32
    %cond3A_10 = arith.cmpi ne, %convert_element_type3A, %cond3A : i32
    scf.if %cond3A_10 {
      "tpu.region"() ({
        %run_scoped3A = tpu.sem_alloc : memref<!tpu.dma_semaphore, #tpu.memory_space<semaphore_mem>>
        %dma_start3A = arith.constant 9984 : i32
        %dma_start3A_29 = arith.constant 0 : i32
        %dma_start3A_30 = tpu.memref_slice %arg8[%dma_start3A, %dma_start3A_29] : memref<10000x128xf32, #tpu.memory_space<vmem_shared>> -> memref<16x128xf32, #tpu.memory_space<vmem_shared>>
        %dma_start3A_31 = arith.constant 9984 : i32
        %dma_start3A_32 = arith.constant 0 : i32
        %dma_start3A_33 = tpu.memref_slice %arg4[%dma_start3A_31, %dma_start3A_32] : memref<10000x128xf32, #tpu.memory_space<hbm>> -> memref<16x128xf32, #tpu.memory_space<hbm>>
        tpu.enqueue_dma source(%dma_start3A_33 : memref<16x128xf32, #tpu.memory_space<hbm>>) target(%dma_start3A_30 : memref<16x128xf32, #tpu.memory_space<vmem_shared>>) target_semaphore(%run_scoped3A : memref<!tpu.dma_semaphore, #tpu.memory_space<semaphore_mem>>)
        %dma_wait3A = arith.constant 9984 : i32
        %dma_wait3A_34 = arith.constant 0 : i32
        %dma_wait3A_35 = tpu.memref_slice %arg8[%dma_wait3A, %dma_wait3A_34] : memref<10000x128xf32, #tpu.memory_space<vmem_shared>> -> memref<16x128xf32, #tpu.memory_space<vmem_shared>>
        %dma_wait3A_36 = arith.constant 9984 : i32
        %dma_wait3A_37 = arith.constant 0 : i32
        %dma_wait3A_38 = tpu.memref_slice %arg4[%dma_wait3A_36, %dma_wait3A_37] : memref<10000x128xf32, #tpu.memory_space<hbm>> -> memref<16x128xf32, #tpu.memory_space<hbm>>
        tpu.wait_dma2 semaphore(%run_scoped3A : memref<!tpu.dma_semaphore, #tpu.memory_space<semaphore_mem>>) src(%dma_wait3A_38 : memref<16x128xf32, #tpu.memory_space<hbm>>) dst(%dma_wait3A_35 : memref<16x128xf32, #tpu.memory_space<vmem_shared>>)
        tpu.yield
      }) : () -> ()
    } else {
    }
    %barrier3A = arith.constant 0 : index
    tpu.barrier barrier_id(%barrier3A)
    %while3A = arith.constant 0 : i32
    %while3A_11 = arith.constant 0 : i32
    %while3A_12 = arith.subi %select_n3A, %while3A_11 : i32
    %while3A_13 = arith.addi %while3A_11, %while3A_12 : i32
    %while3A_14 = arith.constant 1 : i32
    %while3A_15 = arith.divsi %while3A_12, %while3A_14 : i32
    %while3A_16 = arith.muli %while3A_15, %while3A_14 : i32
    %while3A_17 = arith.addi %while3A_11, %while3A_16 : i32
    %while3A_18 = arith.constant 1 : i32
    scf.for %while3A_29 = %while3A_11 to %while3A_17 step %while3A_18  : i32 {
      %add3A_30 = arith.addi %add3A_6, %while3A_29 : i32
      %mul3A_31 = arith.constant 256 : i32
      %mul3A_32 = arith.muli %add3A_30, %mul3A_31 : i32
      %add3A_33 = arith.addi %add3A_6, %while3A_29 : i32
      %mul3A_34 = arith.constant 2 : i32
      %mul3A_35 = arith.muli %add3A_33, %mul3A_34 : i32
      %dma_start3A = arith.constant 0 : i32
      %dma_start3A_36 = tpu.memref_slice %arg3[%mul3A_35, %dma_start3A] : memref<1250x128xi32, #tpu.memory_space<hbm>> -> memref<2x128xi32, #tpu.memory_space<hbm>>
      %dma_start3A_37 = arith.constant 0 : i32
      %dma_start3A_38 = tpu.memref_slice %arg3[%mul3A_35, %dma_start3A_37] : memref<1250x128xi32, #tpu.memory_space<hbm>> -> memref<2x128xi32, #tpu.memory_space<hbm>>
      tpu.enqueue_dma source(%dma_start3A_38 : memref<2x128xi32, #tpu.memory_space<hbm>>) target(%arg6 : memref<2x128xi32, #tpu.memory_space<vmem>>) target_semaphore(%arg9 : memref<!tpu.dma_semaphore, #tpu.memory_space<semaphore_mem>>)
      %dma_start3A_39 = arith.constant 0 : i32
      %dma_start3A_40 = tpu.memref_slice %arg2[%mul3A_32, %dma_start3A_39] : memref<160000x128xf32, #tpu.memory_space<hbm>> -> memref<256x128xf32, #tpu.memory_space<hbm>>
      %dma_start3A_41 = arith.constant 0 : i32
      %dma_start3A_42 = tpu.memref_slice %arg2[%mul3A_32, %dma_start3A_41] : memref<160000x128xf32, #tpu.memory_space<hbm>> -> memref<256x128xf32, #tpu.memory_space<hbm>>
      tpu.enqueue_dma source(%dma_start3A_42 : memref<256x128xf32, #tpu.memory_space<hbm>>) target(%arg7 : memref<256x128xf32, #tpu.memory_space<vmem>>) target_semaphore(%arg9 : memref<!tpu.dma_semaphore, #tpu.memory_space<semaphore_mem>>)
      %dma_wait3A = arith.constant 0 : i32
      %dma_wait3A_43 = tpu.memref_slice %arg3[%mul3A_35, %dma_wait3A] : memref<1250x128xi32, #tpu.memory_space<hbm>> -> memref<2x128xi32, #tpu.memory_space<hbm>>
      %dma_wait3A_44 = arith.constant 0 : i32
      %dma_wait3A_45 = tpu.memref_slice %arg3[%mul3A_35, %dma_wait3A_44] : memref<1250x128xi32, #tpu.memory_space<hbm>> -> memref<2x128xi32, #tpu.memory_space<hbm>>
      tpu.wait_dma2 semaphore(%arg9 : memref<!tpu.dma_semaphore, #tpu.memory_space<semaphore_mem>>) src(%dma_wait3A_45 : memref<2x128xi32, #tpu.memory_space<hbm>>) dst(%arg6 : memref<2x128xi32, #tpu.memory_space<vmem>>)
      %dma_wait3A_46 = arith.constant 0 : i32
      %dma_wait3A_47 = tpu.memref_slice %arg2[%mul3A_32, %dma_wait3A_46] : memref<160000x128xf32, #tpu.memory_space<hbm>> -> memref<256x128xf32, #tpu.memory_space<hbm>>
      %dma_wait3A_48 = arith.constant 0 : i32
      %dma_wait3A_49 = tpu.memref_slice %arg2[%mul3A_32, %dma_wait3A_48] : memref<160000x128xf32, #tpu.memory_space<hbm>> -> memref<256x128xf32, #tpu.memory_space<hbm>>
      tpu.wait_dma2 semaphore(%arg9 : memref<!tpu.dma_semaphore, #tpu.memory_space<semaphore_mem>>) src(%dma_wait3A_49 : memref<256x128xf32, #tpu.memory_space<hbm>>) dst(%arg7 : memref<256x128xf32, #tpu.memory_space<vmem>>)
      %dma_start3A_50 = arith.constant 0 : i32
      %dma_start3A_51 = arith.constant 0 : i32
      %dma_start3A_52 = arith.constant 0 : i32
      %dma_start3A_53 = tpu.memref_slice %arg7[%dma_start3A_51, %dma_start3A_52] : memref<256x128xf32, #tpu.memory_space<vmem>> -> memref<128x128xf32, #tpu.memory_space<vmem>>
      %dma_start3A_54 = arith.constant 0 : i32
      %dma_start3A_55 = tpu.memref_slice %arg6[%dma_start3A_50, %dma_start3A_54] : memref<2x128xi32, #tpu.memory_space<vmem>> -> memref<1x128xi32, #tpu.memory_space<vmem>>
      %dma_start3A_56 = tpu.memref_squeeze %dma_start3A_55 : memref<1x128xi32, #tpu.memory_space<vmem>> -> memref<128xi32, #tpu.memory_space<vmem>>
      %dma_start3A_57 = arith.constant 0 : i32
      %dma_start3A_58 = arith.constant 0 : i32
      %dma_start3A_59 = tpu.memref_slice %arg8[%dma_start3A_57, %dma_start3A_58] : memref<10000x128xf32, #tpu.memory_space<vmem_shared>> -> memref<10000x128xf32, #tpu.memory_space<vmem_shared>>
      tpu.enqueue_indirect_dma source(%dma_start3A_53 : memref<128x128xf32, #tpu.memory_space<vmem>>) target(%dma_start3A_59 : memref<10000x128xf32, #tpu.memory_space<vmem_shared>>) offsets(%dma_start3A_56 : memref<128xi32, #tpu.memory_space<vmem>>) semaphore(%arg10 : memref<!tpu.dma_semaphore, #tpu.memory_space<semaphore_mem>>) {add = true}
      %dma_start3A_60 = arith.constant 1 : i32
      %dma_start3A_61 = arith.constant 128 : i32
      %dma_start3A_62 = arith.constant 0 : i32
      %dma_start3A_63 = tpu.memref_slice %arg7[%dma_start3A_61, %dma_start3A_62] : memref<256x128xf32, #tpu.memory_space<vmem>> -> memref<128x128xf32, #tpu.memory_space<vmem>>
      %dma_start3A_64 = arith.constant 0 : i32
      %dma_start3A_65 = tpu.memref_slice %arg6[%dma_start3A_60, %dma_start3A_64] : memref<2x128xi32, #tpu.memory_space<vmem>> -> memref<1x128xi32, #tpu.memory_space<vmem>>
      %dma_start3A_66 = tpu.memref_squeeze %dma_start3A_65 : memref<1x128xi32, #tpu.memory_space<vmem>> -> memref<128xi32, #tpu.memory_space<vmem>>
      %dma_start3A_67 = arith.constant 0 : i32
      %dma_start3A_68 = arith.constant 0 : i32
      %dma_start3A_69 = tpu.memref_slice %arg8[%dma_start3A_67, %dma_start3A_68] : memref<10000x128xf32, #tpu.memory_space<vmem_shared>> -> memref<10000x128xf32, #tpu.memory_space<vmem_shared>>
      tpu.enqueue_indirect_dma source(%dma_start3A_63 : memref<128x128xf32, #tpu.memory_space<vmem>>) target(%dma_start3A_69 : memref<10000x128xf32, #tpu.memory_space<vmem_shared>>) offsets(%dma_start3A_66 : memref<128xi32, #tpu.memory_space<vmem>>) semaphore(%arg10 : memref<!tpu.dma_semaphore, #tpu.memory_space<semaphore_mem>>) {add = true}
      %dma_wait3A_70 = arith.constant 0 : i32
      %dma_wait3A_71 = arith.constant 0 : i32
      %dma_wait3A_72 = arith.constant 0 : i32
      %dma_wait3A_73 = tpu.memref_slice %arg7[%dma_wait3A_71, %dma_wait3A_72] : memref<256x128xf32, #tpu.memory_space<vmem>> -> memref<128x128xf32, #tpu.memory_space<vmem>>
      %dma_wait3A_74 = arith.constant 0 : i32
      %dma_wait3A_75 = tpu.memref_slice %arg6[%dma_wait3A_70, %dma_wait3A_74] : memref<2x128xi32, #tpu.memory_space<vmem>> -> memref<1x128xi32, #tpu.memory_space<vmem>>
      %dma_wait3A_76 = tpu.memref_squeeze %dma_wait3A_75 : memref<1x128xi32, #tpu.memory_space<vmem>> -> memref<128xi32, #tpu.memory_space<vmem>>
      %dma_wait3A_77 = arith.constant 0 : i32
      %dma_wait3A_78 = arith.constant 0 : i32
      %dma_wait3A_79 = tpu.memref_slice %arg8[%dma_wait3A_77, %dma_wait3A_78] : memref<10000x128xf32, #tpu.memory_space<vmem_shared>> -> memref<10000x128xf32, #tpu.memory_space<vmem_shared>>
      tpu.wait_indirect_dma semaphore(%arg10 : memref<!tpu.dma_semaphore, #tpu.memory_space<semaphore_mem>>) src(%dma_wait3A_73 : memref<128x128xf32, #tpu.memory_space<vmem>>) dst(%dma_wait3A_79 : memref<10000x128xf32, #tpu.memory_space<vmem_shared>>)
      %dma_wait3A_80 = arith.constant 1 : i32
      %dma_wait3A_81 = arith.constant 128 : i32
      %dma_wait3A_82 = arith.constant 0 : i32
      %dma_wait3A_83 = tpu.memref_slice %arg7[%dma_wait3A_81, %dma_wait3A_82] : memref<256x128xf32, #tpu.memory_space<vmem>> -> memref<128x128xf32, #tpu.memory_space<vmem>>
      %dma_wait3A_84 = arith.constant 0 : i32
      %dma_wait3A_85 = tpu.memref_slice %arg6[%dma_wait3A_80, %dma_wait3A_84] : memref<2x128xi32, #tpu.memory_space<vmem>> -> memref<1x128xi32, #tpu.memory_space<vmem>>
      %dma_wait3A_86 = tpu.memref_squeeze %dma_wait3A_85 : memref<1x128xi32, #tpu.memory_space<vmem>> -> memref<128xi32, #tpu.memory_space<vmem>>
      %dma_wait3A_87 = arith.constant 0 : i32
      %dma_wait3A_88 = arith.constant 0 : i32
      %dma_wait3A_89 = tpu.memref_slice %arg8[%dma_wait3A_87, %dma_wait3A_88] : memref<10000x128xf32, #tpu.memory_space<vmem_shared>> -> memref<10000x128xf32, #tpu.memory_space<vmem_shared>>
      tpu.wait_indirect_dma semaphore(%arg10 : memref<!tpu.dma_semaphore, #tpu.memory_space<semaphore_mem>>) src(%dma_wait3A_83 : memref<128x128xf32, #tpu.memory_space<vmem>>) dst(%dma_wait3A_89 : memref<10000x128xf32, #tpu.memory_space<vmem_shared>>)
    }
    %while3A_19 = arith.constant 1 : i32
    scf.for %while3A_29 = %while3A_17 to %while3A_13 step %while3A_19  : i32 {
      %add3A_30 = arith.addi %add3A_6, %while3A_29 : i32
      %mul3A_31 = arith.constant 256 : i32
      %mul3A_32 = arith.muli %add3A_30, %mul3A_31 : i32
      %add3A_33 = arith.addi %add3A_6, %while3A_29 : i32
      %mul3A_34 = arith.constant 2 : i32
      %mul3A_35 = arith.muli %add3A_33, %mul3A_34 : i32
      %dma_start3A = arith.constant 0 : i32
      %dma_start3A_36 = tpu.memref_slice %arg3[%mul3A_35, %dma_start3A] : memref<1250x128xi32, #tpu.memory_space<hbm>> -> memref<2x128xi32, #tpu.memory_space<hbm>>
      %dma_start3A_37 = arith.constant 0 : i32
      %dma_start3A_38 = tpu.memref_slice %arg3[%mul3A_35, %dma_start3A_37] : memref<1250x128xi32, #tpu.memory_space<hbm>> -> memref<2x128xi32, #tpu.memory_space<hbm>>
      tpu.enqueue_dma source(%dma_start3A_38 : memref<2x128xi32, #tpu.memory_space<hbm>>) target(%arg6 : memref<2x128xi32, #tpu.memory_space<vmem>>) target_semaphore(%arg9 : memref<!tpu.dma_semaphore, #tpu.memory_space<semaphore_mem>>)
      %dma_start3A_39 = arith.constant 0 : i32
      %dma_start3A_40 = tpu.memref_slice %arg2[%mul3A_32, %dma_start3A_39] : memref<160000x128xf32, #tpu.memory_space<hbm>> -> memref<256x128xf32, #tpu.memory_space<hbm>>
      %dma_start3A_41 = arith.constant 0 : i32
      %dma_start3A_42 = tpu.memref_slice %arg2[%mul3A_32, %dma_start3A_41] : memref<160000x128xf32, #tpu.memory_space<hbm>> -> memref<256x128xf32, #tpu.memory_space<hbm>>
      tpu.enqueue_dma source(%dma_start3A_42 : memref<256x128xf32, #tpu.memory_space<hbm>>) target(%arg7 : memref<256x128xf32, #tpu.memory_space<vmem>>) target_semaphore(%arg9 : memref<!tpu.dma_semaphore, #tpu.memory_space<semaphore_mem>>)
      %dma_wait3A = arith.constant 0 : i32
      %dma_wait3A_43 = tpu.memref_slice %arg3[%mul3A_35, %dma_wait3A] : memref<1250x128xi32, #tpu.memory_space<hbm>> -> memref<2x128xi32, #tpu.memory_space<hbm>>
      %dma_wait3A_44 = arith.constant 0 : i32
      %dma_wait3A_45 = tpu.memref_slice %arg3[%mul3A_35, %dma_wait3A_44] : memref<1250x128xi32, #tpu.memory_space<hbm>> -> memref<2x128xi32, #tpu.memory_space<hbm>>
      tpu.wait_dma2 semaphore(%arg9 : memref<!tpu.dma_semaphore, #tpu.memory_space<semaphore_mem>>) src(%dma_wait3A_45 : memref<2x128xi32, #tpu.memory_space<hbm>>) dst(%arg6 : memref<2x128xi32, #tpu.memory_space<vmem>>)
      %dma_wait3A_46 = arith.constant 0 : i32
      %dma_wait3A_47 = tpu.memref_slice %arg2[%mul3A_32, %dma_wait3A_46] : memref<160000x128xf32, #tpu.memory_space<hbm>> -> memref<256x128xf32, #tpu.memory_space<hbm>>
      %dma_wait3A_48 = arith.constant 0 : i32
      %dma_wait3A_49 = tpu.memref_slice %arg2[%mul3A_32, %dma_wait3A_48] : memref<160000x128xf32, #tpu.memory_space<hbm>> -> memref<256x128xf32, #tpu.memory_space<hbm>>
      tpu.wait_dma2 semaphore(%arg9 : memref<!tpu.dma_semaphore, #tpu.memory_space<semaphore_mem>>) src(%dma_wait3A_49 : memref<256x128xf32, #tpu.memory_space<hbm>>) dst(%arg7 : memref<256x128xf32, #tpu.memory_space<vmem>>)
      %dma_start3A_50 = arith.constant 0 : i32
      %dma_start3A_51 = arith.constant 0 : i32
      %dma_start3A_52 = arith.constant 0 : i32
      %dma_start3A_53 = tpu.memref_slice %arg7[%dma_start3A_51, %dma_start3A_52] : memref<256x128xf32, #tpu.memory_space<vmem>> -> memref<128x128xf32, #tpu.memory_space<vmem>>
      %dma_start3A_54 = arith.constant 0 : i32
      %dma_start3A_55 = tpu.memref_slice %arg6[%dma_start3A_50, %dma_start3A_54] : memref<2x128xi32, #tpu.memory_space<vmem>> -> memref<1x128xi32, #tpu.memory_space<vmem>>
      %dma_start3A_56 = tpu.memref_squeeze %dma_start3A_55 : memref<1x128xi32, #tpu.memory_space<vmem>> -> memref<128xi32, #tpu.memory_space<vmem>>
      %dma_start3A_57 = arith.constant 0 : i32
      %dma_start3A_58 = arith.constant 0 : i32
      %dma_start3A_59 = tpu.memref_slice %arg8[%dma_start3A_57, %dma_start3A_58] : memref<10000x128xf32, #tpu.memory_space<vmem_shared>> -> memref<10000x128xf32, #tpu.memory_space<vmem_shared>>
      tpu.enqueue_indirect_dma source(%dma_start3A_53 : memref<128x128xf32, #tpu.memory_space<vmem>>) target(%dma_start3A_59 : memref<10000x128xf32, #tpu.memory_space<vmem_shared>>) offsets(%dma_start3A_56 : memref<128xi32, #tpu.memory_space<vmem>>) semaphore(%arg10 : memref<!tpu.dma_semaphore, #tpu.memory_space<semaphore_mem>>) {add = true}
      %dma_start3A_60 = arith.constant 1 : i32
      %dma_start3A_61 = arith.constant 128 : i32
      %dma_start3A_62 = arith.constant 0 : i32
      %dma_start3A_63 = tpu.memref_slice %arg7[%dma_start3A_61, %dma_start3A_62] : memref<256x128xf32, #tpu.memory_space<vmem>> -> memref<128x128xf32, #tpu.memory_space<vmem>>
      %dma_start3A_64 = arith.constant 0 : i32
      %dma_start3A_65 = tpu.memref_slice %arg6[%dma_start3A_60, %dma_start3A_64] : memref<2x128xi32, #tpu.memory_space<vmem>> -> memref<1x128xi32, #tpu.memory_space<vmem>>
      %dma_start3A_66 = tpu.memref_squeeze %dma_start3A_65 : memref<1x128xi32, #tpu.memory_space<vmem>> -> memref<128xi32, #tpu.memory_space<vmem>>
      %dma_start3A_67 = arith.constant 0 : i32
      %dma_start3A_68 = arith.constant 0 : i32
      %dma_start3A_69 = tpu.memref_slice %arg8[%dma_start3A_67, %dma_start3A_68] : memref<10000x128xf32, #tpu.memory_space<vmem_shared>> -> memref<10000x128xf32, #tpu.memory_space<vmem_shared>>
      tpu.enqueue_indirect_dma source(%dma_start3A_63 : memref<128x128xf32, #tpu.memory_space<vmem>>) target(%dma_start3A_69 : memref<10000x128xf32, #tpu.memory_space<vmem_shared>>) offsets(%dma_start3A_66 : memref<128xi32, #tpu.memory_space<vmem>>) semaphore(%arg10 : memref<!tpu.dma_semaphore, #tpu.memory_space<semaphore_mem>>) {add = true}
      %dma_wait3A_70 = arith.constant 0 : i32
      %dma_wait3A_71 = arith.constant 0 : i32
      %dma_wait3A_72 = arith.constant 0 : i32
      %dma_wait3A_73 = tpu.memref_slice %arg7[%dma_wait3A_71, %dma_wait3A_72] : memref<256x128xf32, #tpu.memory_space<vmem>> -> memref<128x128xf32, #tpu.memory_space<vmem>>
      %dma_wait3A_74 = arith.constant 0 : i32
      %dma_wait3A_75 = tpu.memref_slice %arg6[%dma_wait3A_70, %dma_wait3A_74] : memref<2x128xi32, #tpu.memory_space<vmem>> -> memref<1x128xi32, #tpu.memory_space<vmem>>
      %dma_wait3A_76 = tpu.memref_squeeze %dma_wait3A_75 : memref<1x128xi32, #tpu.memory_space<vmem>> -> memref<128xi32, #tpu.memory_space<vmem>>
      %dma_wait3A_77 = arith.constant 0 : i32
      %dma_wait3A_78 = arith.constant 0 : i32
      %dma_wait3A_79 = tpu.memref_slice %arg8[%dma_wait3A_77, %dma_wait3A_78] : memref<10000x128xf32, #tpu.memory_space<vmem_shared>> -> memref<10000x128xf32, #tpu.memory_space<vmem_shared>>
      tpu.wait_indirect_dma semaphore(%arg10 : memref<!tpu.dma_semaphore, #tpu.memory_space<semaphore_mem>>) src(%dma_wait3A_73 : memref<128x128xf32, #tpu.memory_space<vmem>>) dst(%dma_wait3A_79 : memref<10000x128xf32, #tpu.memory_space<vmem_shared>>)
      %dma_wait3A_80 = arith.constant 1 : i32
      %dma_wait3A_81 = arith.constant 128 : i32
      %dma_wait3A_82 = arith.constant 0 : i32
      %dma_wait3A_83 = tpu.memref_slice %arg7[%dma_wait3A_81, %dma_wait3A_82] : memref<256x128xf32, #tpu.memory_space<vmem>> -> memref<128x128xf32, #tpu.memory_space<vmem>>
      %dma_wait3A_84 = arith.constant 0 : i32
      %dma_wait3A_85 = tpu.memref_slice %arg6[%dma_wait3A_80, %dma_wait3A_84] : memref<2x128xi32, #tpu.memory_space<vmem>> -> memref<1x128xi32, #tpu.memory_space<vmem>>
      %dma_wait3A_86 = tpu.memref_squeeze %dma_wait3A_85 : memref<1x128xi32, #tpu.memory_space<vmem>> -> memref<128xi32, #tpu.memory_space<vmem>>
      %dma_wait3A_87 = arith.constant 0 : i32
      %dma_wait3A_88 = arith.constant 0 : i32
      %dma_wait3A_89 = tpu.memref_slice %arg8[%dma_wait3A_87, %dma_wait3A_88] : memref<10000x128xf32, #tpu.memory_space<vmem_shared>> -> memref<10000x128xf32, #tpu.memory_space<vmem_shared>>
      tpu.wait_indirect_dma semaphore(%arg10 : memref<!tpu.dma_semaphore, #tpu.memory_space<semaphore_mem>>) src(%dma_wait3A_83 : memref<128x128xf32, #tpu.memory_space<vmem>>) dst(%dma_wait3A_89 : memref<10000x128xf32, #tpu.memory_space<vmem_shared>>)
    }
    %barrier3A_20 = arith.constant 0 : index
    tpu.barrier barrier_id(%barrier3A_20)
    %mul3A_21 = arith.constant 10000 : i32
    %mul3A_22 = arith.muli %arg0, %mul3A_21 : i32
    %add3A_23 = arith.addi %mul3A_22, %mul3A_8 : i32
    "tpu.region"() ({
      %run_scoped3A = tpu.sem_alloc : memref<!tpu.dma_semaphore, #tpu.memory_space<semaphore_mem>>
      %dma_start3A = arith.constant 0 : i32
      %dma_start3A_29 = tpu.memref_slice %arg5[%add3A_23, %dma_start3A] : memref<20000x128xf32, #tpu.memory_space<hbm>> -> memref<624x128xf32, #tpu.memory_space<hbm>>
      %dma_start3A_30 = arith.constant 0 : i32
      %dma_start3A_31 = tpu.memref_slice %arg8[%mul3A_8, %dma_start3A_30] : memref<10000x128xf32, #tpu.memory_space<vmem_shared>> -> memref<624x128xf32, #tpu.memory_space<vmem_shared>>
      tpu.enqueue_dma source(%dma_start3A_31 : memref<624x128xf32, #tpu.memory_space<vmem_shared>>) target(%dma_start3A_29 : memref<624x128xf32, #tpu.memory_space<hbm>>) target_semaphore(%run_scoped3A : memref<!tpu.dma_semaphore, #tpu.memory_space<semaphore_mem>>)
      %dma_wait3A = arith.constant 0 : i32
      %dma_wait3A_32 = tpu.memref_slice %arg5[%add3A_23, %dma_wait3A] : memref<20000x128xf32, #tpu.memory_space<hbm>> -> memref<624x128xf32, #tpu.memory_space<hbm>>
      %dma_wait3A_33 = arith.constant 0 : i32
      %dma_wait3A_34 = tpu.memref_slice %arg8[%mul3A_8, %dma_wait3A_33] : memref<10000x128xf32, #tpu.memory_space<vmem_shared>> -> memref<624x128xf32, #tpu.memory_space<vmem_shared>>
      tpu.wait_dma2 semaphore(%run_scoped3A : memref<!tpu.dma_semaphore, #tpu.memory_space<semaphore_mem>>) src(%dma_wait3A_34 : memref<624x128xf32, #tpu.memory_space<vmem_shared>>) dst(%dma_wait3A_32 : memref<624x128xf32, #tpu.memory_space<hbm>>)
      tpu.yield
    }) : () -> ()
    %eq3A_24 = arith.constant 15 : i32
    %eq3A_25 = arith.cmpi eq, %arg1, %eq3A_24 : i32
    %convert_element_type3A_26 = arith.extui %eq3A_25 : i1 to i32
    %cond3A_27 = arith.constant 0 : i32
    %cond3A_28 = arith.cmpi ne, %convert_element_type3A_26, %cond3A_27 : i32
    scf.if %cond3A_28 {
      %mul3A_29 = arith.constant 10000 : i32
      %mul3A_30 = arith.muli %arg0, %mul3A_29 : i32
      %add3A_31 = arith.constant 9984 : i32
      %add3A_32 = arith.addi %mul3A_30, %add3A_31 : i32
      "tpu.region"() ({
        %run_scoped3A = tpu.sem_alloc : memref<!tpu.dma_semaphore, #tpu.memory_space<semaphore_mem>>
        %dma_start3A = arith.constant 0 : i32
        %dma_start3A_33 = tpu.memref_slice %arg5[%add3A_32, %dma_start3A] : memref<20000x128xf32, #tpu.memory_space<hbm>> -> memref<16x128xf32, #tpu.memory_space<hbm>>
        %dma_start3A_34 = arith.constant 9984 : i32
        %dma_start3A_35 = arith.constant 0 : i32
        %dma_start3A_36 = tpu.memref_slice %arg8[%dma_start3A_34, %dma_start3A_35] : memref<10000x128xf32, #tpu.memory_space<vmem_shared>> -> memref<16x128xf32, #tpu.memory_space<vmem_shared>>
        tpu.enqueue_dma source(%dma_start3A_36 : memref<16x128xf32, #tpu.memory_space<vmem_shared>>) target(%dma_start3A_33 : memref<16x128xf32, #tpu.memory_space<hbm>>) target_semaphore(%run_scoped3A : memref<!tpu.dma_semaphore, #tpu.memory_space<semaphore_mem>>)
        %dma_wait3A = arith.constant 0 : i32
        %dma_wait3A_37 = tpu.memref_slice %arg5[%add3A_32, %dma_wait3A] : memref<20000x128xf32, #tpu.memory_space<hbm>> -> memref<16x128xf32, #tpu.memory_space<hbm>>
        %dma_wait3A_38 = arith.constant 9984 : i32
        %dma_wait3A_39 = arith.constant 0 : i32
        %dma_wait3A_40 = tpu.memref_slice %arg8[%dma_wait3A_38, %dma_wait3A_39] : memref<10000x128xf32, #tpu.memory_space<vmem_shared>> -> memref<16x128xf32, #tpu.memory_space<vmem_shared>>
        tpu.wait_dma2 semaphore(%run_scoped3A : memref<!tpu.dma_semaphore, #tpu.memory_space<semaphore_mem>>) src(%dma_wait3A_40 : memref<16x128xf32, #tpu.memory_space<vmem_shared>>) dst(%dma_wait3A_37 : memref<16x128xf32, #tpu.memory_space<hbm>>)
        tpu.yield
      }) : () -> ()
    } else {
    }
    return
  }
}

module attributes {stable_mosaic.version = 14 : i64} {
  func.func @_embed_body(%arg0: i32, %arg1: memref<2000x1xi32, #tpu.memory_space<vmem>>, %arg2: memref<128x128xf32, #tpu.memory_space<vmem>>, %arg3: memref<128x128xf32, #tpu.memory_space<vmem>>, %arg4: memref<1x128xf32, #tpu.memory_space<vmem>>, %arg5: memref<2000x128xf32, #tpu.memory_space<vmem>>, %arg6: memref<2000x128xf32, #tpu.memory_space<vmem>>) attributes {dimension_semantics = [#tpu.dimension_semantics<arbitrary>], iteration_bounds = array<i64: 5>, scalar_prefetch = 0 : i64, scratch_operands = 0 : i64, tpu.core_type = #tpu.core_type<tc>, window_params = [{transform_indices = @transform_0, window_bounds = array<i64: 2000, 1>}, {pipeline_mode = #tpu.pipeline_mode<synchronous>, transform_indices = @transform_1, window_bounds = array<i64: 128, 128>}, {pipeline_mode = #tpu.pipeline_mode<synchronous>, transform_indices = @transform_2, window_bounds = array<i64: 128, 128>}, {pipeline_mode = #tpu.pipeline_mode<synchronous>, transform_indices = @transform_3, window_bounds = array<i64: 1, 128>}, {transform_indices = @transform_4, window_bounds = array<i64: 2000, 128>}, {transform_indices = @transform_5, window_bounds = array<i64: 2000, 128>}]} {
    %get3A = arith.constant 0 : index
    %get3A_0 = arith.constant 0 : index
    %get3A_1 = vector.load %arg1[%get3A, %get3A_0] : memref<2000x1xi32, #tpu.memory_space<vmem>>, vector<2000x1xi32>
    %iota3A = tpu.iota {dimensions = array<i32: 1>} : vector<2000x128xi32>
    %eq3A = vector.broadcast %get3A_1 : vector<2000x1xi32> to vector<2000x128xi32>
    %eq3A_2 = arith.cmpi eq, %eq3A, %iota3A : vector<2000x128xi32>
    %jit3A = arith.constant 1.000000e+00 : f32
    %jit3A_3 = arith.constant 0.000000e+00 : f32
    %broadcast_in_dim3A = vector.broadcast %jit3A : f32 to vector<2000x128xf32>
    %broadcast_in_dim3A_4 = vector.broadcast %jit3A_3 : f32 to vector<2000x128xf32>
    %select_n3A = arith.select %eq3A_2, %broadcast_in_dim3A, %broadcast_in_dim3A_4 : vector<2000x128xi1>, vector<2000x128xf32>
    %get3A_5 = arith.constant 0 : index
    %get3A_6 = arith.constant 0 : index
    %get3A_7 = vector.load %arg2[%get3A_5, %get3A_6] : memref<128x128xf32, #tpu.memory_space<vmem>>, vector<128x128xf32>
    %dot_general3A = arith.constant dense<0.000000e+00> : vector<2000x128xf32>
    %dot_general3A_8 = tpu.matmul %select_n3A, %get3A_7, %dot_general3A {dimension_numbers = #tpu.dot_dimension_numbers<[1], [0], [0], [1], [0, 0, 1, 1], [], []>, transpose_lhs_hint = false} : vector<2000x128xf32>, vector<128x128xf32>, vector<2000x128xf32> -> vector<2000x128xf32>
    %swap3A = arith.constant 0 : index
    %swap3A_9 = arith.constant 0 : index
    %swap3A_10 = vector.load %arg5[%swap3A, %swap3A_9] : memref<2000x128xf32, #tpu.memory_space<vmem>>, vector<2000x128xf32>
    tpu.vector_store %arg5[%swap3A, %swap3A_9], %dot_general3A_8 {strides = array<i32>} : memref<2000x128xf32, #tpu.memory_space<vmem>>, vector<2000x128xf32>,
    %get3A_11 = arith.constant 0 : index
    %get3A_12 = arith.constant 0 : index
    %get3A_13 = vector.load %arg3[%get3A_11, %get3A_12] : memref<128x128xf32, #tpu.memory_space<vmem>>, vector<128x128xf32>
    %dot_general3A_14 = arith.constant dense<0.000000e+00> : vector<2000x128xf32>
    %dot_general3A_15 = tpu.matmul %dot_general3A_8, %get3A_13, %dot_general3A_14 {dimension_numbers = #tpu.dot_dimension_numbers<[1], [0], [0], [1], [0, 0, 1, 1], [], []>, transpose_lhs_hint = false} : vector<2000x128xf32>, vector<128x128xf32>, vector<2000x128xf32> -> vector<2000x128xf32>
    %get3A_16 = arith.constant 0 : index
    %get3A_17 = arith.constant 0 : index
    %get3A_18 = vector.load %arg4[%get3A_16, %get3A_17] : memref<1x128xf32, #tpu.memory_space<vmem>>, vector<1x128xf32>
    %add3A = vector.broadcast %get3A_18 : vector<1x128xf32> to vector<2000x128xf32>
    %add3A_19 = arith.addf %dot_general3A_15, %add3A : vector<2000x128xf32>
    %swap3A_20 = arith.constant 0 : index
    %swap3A_21 = arith.constant 0 : index
    %swap3A_22 = vector.load %arg6[%swap3A_20, %swap3A_21] : memref<2000x128xf32, #tpu.memory_space<vmem>>, vector<2000x128xf32>
    tpu.vector_store %arg6[%swap3A_20, %swap3A_21], %add3A_19 {strides = array<i32>} : memref<2000x128xf32, #tpu.memory_space<vmem>>, vector<2000x128xf32>,
    return
  }
  func.func @transform_0(%arg0: i32) -> (i32, i32) {
    %c0_i32 = arith.constant 0 : i32
    %c0_i32_0 = arith.constant 0 : i32
    return %arg0, %c0_i32 : i32, i32
  }
  func.func @transform_1(%arg0: i32) -> (i32, i32) {
    %c0_i32 = arith.constant 0 : i32
    %c0_i32_0 = arith.constant 0 : i32
    %c0_i32_1 = arith.constant 0 : i32
    return %c0_i32, %c0_i32_0 : i32, i32
  }
  func.func @transform_2(%arg0: i32) -> (i32, i32) {
    %c0_i32 = arith.constant 0 : i32
    %c0_i32_0 = arith.constant 0 : i32
    %c0_i32_1 = arith.constant 0 : i32
    return %c0_i32, %c0_i32_0 : i32, i32
  }
  func.func @transform_3(%arg0: i32) -> (i32, i32) {
    %c0_i32 = arith.constant 0 : i32
    %c0_i32_0 = arith.constant 0 : i32
    %c0_i32_1 = arith.constant 0 : i32
    return %c0_i32, %c0_i32_0 : i32, i32
  }
  func.func @transform_4(%arg0: i32) -> (i32, i32) {
    %c0_i32 = arith.constant 0 : i32
    %c0_i32_0 = arith.constant 0 : i32
    return %arg0, %c0_i32 : i32, i32
  }
  func.func @transform_5(%arg0: i32) -> (i32, i32) {
    %c0_i32 = arith.constant 0 : i32
    %c0_i32_0 = arith.constant 0 : i32
    return %arg0, %c0_i32 : i32, i32
  }
}

module attributes {stable_mosaic.version = 14 : i64} {
  func.func @_msg_body(%arg0: i32, %arg1: memref<1280x128xf32, #tpu.memory_space<vmem>>, %arg2: memref<1280x128xf32, #tpu.memory_space<vmem>>, %arg3: memref<1280x1xf32, #tpu.memory_space<vmem>>, %arg4: memref<128x128xf32, #tpu.memory_space<vmem>>, %arg5: memref<128x128xf32, #tpu.memory_space<vmem>>, %arg6: memref<1x128xf32, #tpu.memory_space<vmem>>, %arg7: memref<128x128xf32, #tpu.memory_space<vmem>>, %arg8: memref<1x128xf32, #tpu.memory_space<vmem>>, %arg9: memref<1x128xf32, #tpu.memory_space<vmem>>, %arg10: memref<1x128xf32, #tpu.memory_space<vmem>>, %arg11: memref<1280x128xf32, #tpu.memory_space<vmem>>) attributes {dimension_semantics = [#tpu.dimension_semantics<arbitrary>], iteration_bounds = array<i64: 125>, scalar_prefetch = 0 : i64, scratch_operands = 0 : i64, tpu.core_type = #tpu.core_type<tc>, window_params = [{transform_indices = @transform_0, window_bounds = array<i64: 1280, 128>}, {transform_indices = @transform_1, window_bounds = array<i64: 1280, 128>}, {transform_indices = @transform_2, window_bounds = array<i64: 1280, 1>}, {pipeline_mode = #tpu.pipeline_mode<synchronous>, transform_indices = @transform_3, window_bounds = array<i64: 128, 128>}, {pipeline_mode = #tpu.pipeline_mode<synchronous>, transform_indices = @transform_4, window_bounds = array<i64: 128, 128>}, {pipeline_mode = #tpu.pipeline_mode<synchronous>, transform_indices = @transform_5, window_bounds = array<i64: 1, 128>}, {pipeline_mode = #tpu.pipeline_mode<synchronous>, transform_indices = @transform_6, window_bounds = array<i64: 128, 128>}, {pipeline_mode = #tpu.pipeline_mode<synchronous>, transform_indices = @transform_7, window_bounds = array<i64: 1, 128>}, {pipeline_mode = #tpu.pipeline_mode<synchronous>, transform_indices = @transform_8, window_bounds = array<i64: 1, 128>}, {pipeline_mode = #tpu.pipeline_mode<synchronous>, transform_indices = @transform_9, window_bounds = array<i64: 1, 128>}, {transform_indices = @transform_10, window_bounds = array<i64: 1280, 128>}]} {
    %get3A = arith.constant 0 : index
    %get3A_0 = arith.constant 0 : index
    %get3A_1 = vector.load %arg1[%get3A, %get3A_0] : memref<1280x128xf32, #tpu.memory_space<vmem>>, vector<1280x128xf32>
    %convert_element_type3A = arith.truncf %get3A_1 : vector<1280x128xf32> to vector<1280x128xbf16>
    %get3A_2 = arith.constant 0 : index
    %get3A_3 = arith.constant 0 : index
    %get3A_4 = vector.load %arg4[%get3A_2, %get3A_3] : memref<128x128xf32, #tpu.memory_space<vmem>>, vector<128x128xf32>
    %convert_element_type3A_5 = arith.truncf %get3A_4 : vector<128x128xf32> to vector<128x128xbf16>
    %dot_general3A = arith.constant dense<0.000000e+00> : vector<1280x128xf32>
    %dot_general3A_6 = tpu.matmul %convert_element_type3A, %convert_element_type3A_5, %dot_general3A {dimension_numbers = #tpu.dot_dimension_numbers<[1], [0], [0], [1], [0, 0, 1, 1], [], []>, transpose_lhs_hint = false} : vector<1280x128xbf16>, vector<128x128xbf16>, vector<1280x128xf32> -> vector<1280x128xf32>
    %get3A_7 = arith.constant 0 : index
    %get3A_8 = arith.constant 0 : index
    %get3A_9 = vector.load %arg2[%get3A_7, %get3A_8] : memref<1280x128xf32, #tpu.memory_space<vmem>>, vector<1280x128xf32>
    %convert_element_type3A_10 = arith.truncf %get3A_9 : vector<1280x128xf32> to vector<1280x128xbf16>
    %get3A_11 = arith.constant 0 : index
    %get3A_12 = arith.constant 0 : index
    %get3A_13 = vector.load %arg5[%get3A_11, %get3A_12] : memref<128x128xf32, #tpu.memory_space<vmem>>, vector<128x128xf32>
    %convert_element_type3A_14 = arith.truncf %get3A_13 : vector<128x128xf32> to vector<128x128xbf16>
    %dot_general3A_15 = arith.constant dense<0.000000e+00> : vector<1280x128xf32>
    %dot_general3A_16 = tpu.matmul %convert_element_type3A_10, %convert_element_type3A_14, %dot_general3A_15 {dimension_numbers = #tpu.dot_dimension_numbers<[1], [0], [0], [1], [0, 0, 1, 1], [], []>, transpose_lhs_hint = false} : vector<1280x128xbf16>, vector<128x128xbf16>, vector<1280x128xf32> -> vector<1280x128xf32>
    %add3A = arith.addf %dot_general3A_6, %dot_general3A_16 : vector<1280x128xf32>
    %get3A_17 = arith.constant 0 : index
    %get3A_18 = arith.constant 0 : index
    %get3A_19 = vector.load %arg6[%get3A_17, %get3A_18] : memref<1x128xf32, #tpu.memory_space<vmem>>, vector<1x128xf32>
    %add3A_20 = vector.broadcast %get3A_19 : vector<1x128xf32> to vector<1280x128xf32>
    %add3A_21 = arith.addf %add3A, %add3A_20 : vector<1280x128xf32>
    %max3A = arith.constant 0.000000e+00 : f32
    %max3A_22 = vector.broadcast %max3A : f32 to vector<1280x128xf32>
    %max3A_23 = arith.maximumf %add3A_21, %max3A_22 : vector<1280x128xf32>
    %convert_element_type3A_24 = arith.truncf %max3A_23 : vector<1280x128xf32> to vector<1280x128xbf16>
    %get3A_25 = arith.constant 0 : index
    %get3A_26 = arith.constant 0 : index
    %get3A_27 = vector.load %arg7[%get3A_25, %get3A_26] : memref<128x128xf32, #tpu.memory_space<vmem>>, vector<128x128xf32>
    %convert_element_type3A_28 = arith.truncf %get3A_27 : vector<128x128xf32> to vector<128x128xbf16>
    %dot_general3A_29 = arith.constant dense<0.000000e+00> : vector<1280x128xf32>
    %dot_general3A_30 = tpu.matmul %convert_element_type3A_24, %convert_element_type3A_28, %dot_general3A_29 {dimension_numbers = #tpu.dot_dimension_numbers<[1], [0], [0], [1], [0, 0, 1, 1], [], []>, transpose_lhs_hint = false} : vector<1280x128xbf16>, vector<128x128xbf16>, vector<1280x128xf32> -> vector<1280x128xf32>
    %get3A_31 = arith.constant 0 : index
    %get3A_32 = arith.constant 0 : index
    %get3A_33 = vector.load %arg8[%get3A_31, %get3A_32] : memref<1x128xf32, #tpu.memory_space<vmem>>, vector<1x128xf32>
    %add3A_34 = vector.broadcast %get3A_33 : vector<1x128xf32> to vector<1280x128xf32>
    %add3A_35 = arith.addf %dot_general3A_30, %add3A_34 : vector<1280x128xf32>
    %get3A_36 = arith.constant 0 : index
    %get3A_37 = arith.constant 0 : index
    %get3A_38 = vector.load %arg3[%get3A_36, %get3A_37] : memref<1280x1xf32, #tpu.memory_space<vmem>>, vector<1280x1xf32>
    %get3A_39 = arith.constant 0 : index
    %get3A_40 = arith.constant 0 : index
    %get3A_41 = vector.load %arg9[%get3A_39, %get3A_40] : memref<1x128xf32, #tpu.memory_space<vmem>>, vector<1x128xf32>
    %mul3A = vector.broadcast %get3A_38 : vector<1280x1xf32> to vector<1280x128xf32>
    %mul3A_42 = vector.broadcast %get3A_41 : vector<1x128xf32> to vector<1280x128xf32>
    %mul3A_43 = arith.mulf %mul3A, %mul3A_42 : vector<1280x128xf32>
    %get3A_44 = arith.constant 0 : index
    %get3A_45 = arith.constant 0 : index
    %get3A_46 = vector.load %arg10[%get3A_44, %get3A_45] : memref<1x128xf32, #tpu.memory_space<vmem>>, vector<1x128xf32>
    %add3A_47 = vector.broadcast %get3A_46 : vector<1x128xf32> to vector<1280x128xf32>
    %add3A_48 = arith.addf %mul3A_43, %add3A_47 : vector<1280x128xf32>
    %mul3A_49 = arith.mulf %add3A_35, %add3A_48 : vector<1280x128xf32>
    %swap3A = arith.constant 0 : index
    %swap3A_50 = arith.constant 0 : index
    %swap3A_51 = vector.load %arg11[%swap3A, %swap3A_50] : memref<1280x128xf32, #tpu.memory_space<vmem>>, vector<1280x128xf32>
    tpu.vector_store %arg11[%swap3A, %swap3A_50], %mul3A_49 {strides = array<i32>} : memref<1280x128xf32, #tpu.memory_space<vmem>>, vector<1280x128xf32>,
    return
  }
  func.func @transform_0(%arg0: i32) -> (i32, i32) {
    %c0_i32 = arith.constant 0 : i32
    %c0_i32_0 = arith.constant 0 : i32
    return %arg0, %c0_i32 : i32, i32
  }
  func.func @transform_1(%arg0: i32) -> (i32, i32) {
    %c0_i32 = arith.constant 0 : i32
    %c0_i32_0 = arith.constant 0 : i32
    return %arg0, %c0_i32 : i32, i32
  }
  func.func @transform_2(%arg0: i32) -> (i32, i32) {
    %c0_i32 = arith.constant 0 : i32
    %c0_i32_0 = arith.constant 0 : i32
    return %arg0, %c0_i32 : i32, i32
  }
  func.func @transform_3(%arg0: i32) -> (i32, i32) {
    %c0_i32 = arith.constant 0 : i32
    %c0_i32_0 = arith.constant 0 : i32
    %c0_i32_1 = arith.constant 0 : i32
    return %c0_i32, %c0_i32_0 : i32, i32
  }
  func.func @transform_4(%arg0: i32) -> (i32, i32) {
    %c0_i32 = arith.constant 0 : i32
    %c0_i32_0 = arith.constant 0 : i32
    %c0_i32_1 = arith.constant 0 : i32
    return %c0_i32, %c0_i32_0 : i32, i32
  }
  func.func @transform_5(%arg0: i32) -> (i32, i32) {
    %c0_i32 = arith.constant 0 : i32
    %c0_i32_0 = arith.constant 0 : i32
    %c0_i32_1 = arith.constant 0 : i32
    return %c0_i32, %c0_i32_0 : i32, i32
  }
  func.func @transform_6(%arg0: i32) -> (i32, i32) {
    %c0_i32 = arith.constant 0 : i32
    %c0_i32_0 = arith.constant 0 : i32
    %c0_i32_1 = arith.constant 0 : i32
    return %c0_i32, %c0_i32_0 : i32, i32
  }
  func.func @transform_7(%arg0: i32) -> (i32, i32) {
    %c0_i32 = arith.constant 0 : i32
    %c0_i32_0 = arith.constant 0 : i32
    %c0_i32_1 = arith.constant 0 : i32
    return %c0_i32, %c0_i32_0 : i32, i32
  }
  func.func @transform_8(%arg0: i32) -> (i32, i32) {
    %c0_i32 = arith.constant 0 : i32
    %c0_i32_0 = arith.constant 0 : i32
    %c0_i32_1 = arith.constant 0 : i32
    return %c0_i32, %c0_i32_0 : i32, i32
  }
  func.func @transform_9(%arg0: i32) -> (i32, i32) {
    %c0_i32 = arith.constant 0 : i32
    %c0_i32_0 = arith.constant 0 : i32
    %c0_i32_1 = arith.constant 0 : i32
    return %c0_i32, %c0_i32_0 : i32, i32
  }
  func.func @transform_10(%arg0: i32) -> (i32, i32) {
    %c0_i32 = arith.constant 0 : i32
    %c0_i32_0 = arith.constant 0 : i32
    return %arg0, %c0_i32 : i32, i32
  }
}

module attributes {stable_mosaic.version = 14 : i64} {
  func.func @_update_body(%arg0: i32, %arg1: memref<2000x128xf32, #tpu.memory_space<vmem>>, %arg2: memref<2000x128xf32, #tpu.memory_space<vmem>>, %arg3: memref<2000x128xf32, #tpu.memory_space<vmem>>, %arg4: memref<2000x128xf32, #tpu.memory_space<vmem>>, %arg5: memref<2000x128xf32, #tpu.memory_space<vmem>>, %arg6: memref<128x128xf32, #tpu.memory_space<vmem>>, %arg7: memref<128x128xf32, #tpu.memory_space<vmem>>, %arg8: memref<1x128xf32, #tpu.memory_space<vmem>>, %arg9: memref<128x128xf32, #tpu.memory_space<vmem>>, %arg10: memref<1x128xf32, #tpu.memory_space<vmem>>, %arg11: memref<1x128xf32, #tpu.memory_space<vmem>>, %arg12: memref<1x128xf32, #tpu.memory_space<vmem>>, %arg13: memref<128x128xf32, #tpu.memory_space<vmem>>, %arg14: memref<1x128xf32, #tpu.memory_space<vmem>>, %arg15: memref<2000x128xf32, #tpu.memory_space<vmem>>, %arg16: memref<2000x128xf32, #tpu.memory_space<vmem>>) attributes {dimension_semantics = [#tpu.dimension_semantics<arbitrary>], iteration_bounds = array<i64: 5>, scalar_prefetch = 0 : i64, scratch_operands = 0 : i64, tpu.core_type = #tpu.core_type<tc>, window_params = [{transform_indices = @transform_0, window_bounds = array<i64: 2000, 128>}, {transform_indices = @transform_1, window_bounds = array<i64: 2000, 128>}, {transform_indices = @transform_2, window_bounds = array<i64: 2000, 128>}, {transform_indices = @transform_3, window_bounds = array<i64: 2000, 128>}, {transform_indices = @transform_4, window_bounds = array<i64: 2000, 128>}, {pipeline_mode = #tpu.pipeline_mode<synchronous>, transform_indices = @transform_5, window_bounds = array<i64: 128, 128>}, {pipeline_mode = #tpu.pipeline_mode<synchronous>, transform_indices = @transform_6, window_bounds = array<i64: 128, 128>}, {pipeline_mode = #tpu.pipeline_mode<synchronous>, transform_indices = @transform_7, window_bounds = array<i64: 1, 128>}, {pipeline_mode = #tpu.pipeline_mode<synchronous>, transform_indices = @transform_8, window_bounds = array<i64: 128, 128>}, {pipeline_mode = #tpu.pipeline_mode<synchronous>, transform_indices = @transform_9, window_bounds = array<i64: 1, 128>}, {pipeline_mode = #tpu.pipeline_mode<synchronous>, transform_indices = @transform_10, window_bounds = array<i64: 1, 128>}, {pipeline_mode = #tpu.pipeline_mode<synchronous>, transform_indices = @transform_11, window_bounds = array<i64: 1, 128>}, {pipeline_mode = #tpu.pipeline_mode<synchronous>, transform_indices = @transform_12, window_bounds = array<i64: 128, 128>}, {pipeline_mode = #tpu.pipeline_mode<synchronous>, transform_indices = @transform_13, window_bounds = array<i64: 1, 128>}, {transform_indices = @transform_14, window_bounds = array<i64: 2000, 128>}, {transform_indices = @transform_15, window_bounds = array<i64: 2000, 128>}]} {
    %get3A = arith.constant 0 : index
    %get3A_0 = arith.constant 0 : index
    %get3A_1 = vector.load %arg1[%get3A, %get3A_0] : memref<2000x128xf32, #tpu.memory_space<vmem>>, vector<2000x128xf32>
    %get3A_2 = arith.constant 0 : index
    %get3A_3 = arith.constant 0 : index
    %get3A_4 = vector.load %arg2[%get3A_2, %get3A_3] : memref<2000x128xf32, #tpu.memory_space<vmem>>, vector<2000x128xf32>
    %add3A = arith.addf %get3A_1, %get3A_4 : vector<2000x128xf32>
    %get3A_5 = arith.constant 0 : index
    %get3A_6 = arith.constant 0 : index
    %get3A_7 = vector.load %arg3[%get3A_5, %get3A_6] : memref<2000x128xf32, #tpu.memory_space<vmem>>, vector<2000x128xf32>
    %get3A_8 = arith.constant 0 : index
    %get3A_9 = arith.constant 0 : index
    %get3A_10 = vector.load %arg4[%get3A_8, %get3A_9] : memref<2000x128xf32, #tpu.memory_space<vmem>>, vector<2000x128xf32>
    %add3A_11 = arith.addf %get3A_7, %get3A_10 : vector<2000x128xf32>
    %add3A_12 = arith.addf %add3A, %add3A_11 : vector<2000x128xf32>
    %get3A_13 = arith.constant 0 : index
    %get3A_14 = arith.constant 0 : index
    %get3A_15 = vector.load %arg5[%get3A_13, %get3A_14] : memref<2000x128xf32, #tpu.memory_space<vmem>>, vector<2000x128xf32>
    %get3A_16 = arith.constant 0 : index
    %get3A_17 = arith.constant 0 : index
    %get3A_18 = vector.load %arg6[%get3A_16, %get3A_17] : memref<128x128xf32, #tpu.memory_space<vmem>>, vector<128x128xf32>
    %dot_general3A = arith.constant dense<0.000000e+00> : vector<2000x128xf32>
    %dot_general3A_19 = tpu.matmul %add3A_12, %get3A_18, %dot_general3A {dimension_numbers = #tpu.dot_dimension_numbers<[1], [0], [0], [1], [0, 0, 1, 1], [], []>, transpose_lhs_hint = false} : vector<2000x128xf32>, vector<128x128xf32>, vector<2000x128xf32> -> vector<2000x128xf32>
    %get3A_20 = arith.constant 0 : index
    %get3A_21 = arith.constant 0 : index
    %get3A_22 = vector.load %arg7[%get3A_20, %get3A_21] : memref<128x128xf32, #tpu.memory_space<vmem>>, vector<128x128xf32>
    %dot_general3A_23 = arith.constant dense<0.000000e+00> : vector<2000x128xf32>
    %dot_general3A_24 = tpu.matmul %get3A_15, %get3A_22, %dot_general3A_23 {dimension_numbers = #tpu.dot_dimension_numbers<[1], [0], [0], [1], [0, 0, 1, 1], [], []>, transpose_lhs_hint = false} : vector<2000x128xf32>, vector<128x128xf32>, vector<2000x128xf32> -> vector<2000x128xf32>
    %add3A_25 = arith.addf %dot_general3A_19, %dot_general3A_24 : vector<2000x128xf32>
    %get3A_26 = arith.constant 0 : index
    %get3A_27 = arith.constant 0 : index
    %get3A_28 = vector.load %arg8[%get3A_26, %get3A_27] : memref<1x128xf32, #tpu.memory_space<vmem>>, vector<1x128xf32>
    %add3A_29 = vector.broadcast %get3A_28 : vector<1x128xf32> to vector<2000x128xf32>
    %add3A_30 = arith.addf %add3A_25, %add3A_29 : vector<2000x128xf32>
    %max3A = arith.constant 0.000000e+00 : f32
    %max3A_31 = vector.broadcast %max3A : f32 to vector<2000x128xf32>
    %max3A_32 = arith.maximumf %add3A_30, %max3A_31 : vector<2000x128xf32>
    %get3A_33 = arith.constant 0 : index
    %get3A_34 = arith.constant 0 : index
    %get3A_35 = vector.load %arg9[%get3A_33, %get3A_34] : memref<128x128xf32, #tpu.memory_space<vmem>>, vector<128x128xf32>
    %dot_general3A_36 = arith.constant dense<0.000000e+00> : vector<2000x128xf32>
    %dot_general3A_37 = tpu.matmul %max3A_32, %get3A_35, %dot_general3A_36 {dimension_numbers = #tpu.dot_dimension_numbers<[1], [0], [0], [1], [0, 0, 1, 1], [], []>, transpose_lhs_hint = false} : vector<2000x128xf32>, vector<128x128xf32>, vector<2000x128xf32> -> vector<2000x128xf32>
    %get3A_38 = arith.constant 0 : index
    %get3A_39 = arith.constant 0 : index
    %get3A_40 = vector.load %arg10[%get3A_38, %get3A_39] : memref<1x128xf32, #tpu.memory_space<vmem>>, vector<1x128xf32>
    %add3A_41 = vector.broadcast %get3A_40 : vector<1x128xf32> to vector<2000x128xf32>
    %add3A_42 = arith.addf %dot_general3A_37, %add3A_41 : vector<2000x128xf32>
    %max3A_43 = arith.constant 0.000000e+00 : f32
    %max3A_44 = vector.broadcast %max3A_43 : f32 to vector<2000x128xf32>
    %max3A_45 = arith.maximumf %add3A_42, %max3A_44 : vector<2000x128xf32>
    %abs3A = math.absf %add3A_42 : vector<2000x128xf32>
    %neg3A = arith.constant 0.000000e+00 : f32
    %neg3A_46 = vector.broadcast %neg3A : f32 to vector<2000x128xf32>
    %neg3A_47 = arith.subf %neg3A_46, %abs3A : vector<2000x128xf32>
    %exp3A = math.exp %neg3A_47 : vector<2000x128xf32>
    %add3A_48 = arith.constant 1.000000e+00 : f32
    %add3A_49 = vector.broadcast %add3A_48 : f32 to vector<2000x128xf32>
    %add3A_50 = arith.addf %add3A_49, %exp3A : vector<2000x128xf32>
    %log3A = math.log %add3A_50 : vector<2000x128xf32>
    %add3A_51 = arith.addf %max3A_45, %log3A : vector<2000x128xf32>
    %reduce_sum3A = arith.constant dense<0.000000e+00> : vector<2000xf32>
    %reduce_sum3A_52 = vector.multi_reduction <add>, %add3A_51, %reduce_sum3A [1] : vector<2000x128xf32> to vector<2000xf32>
    %broadcast_in_dim3A = vector.shape_cast %reduce_sum3A_52 : vector<2000xf32> to vector<2000x1xf32>
    %div3A = arith.constant 1.280000e+02 : f32
    %div3A_53 = vector.broadcast %div3A : f32 to vector<2000x1xf32>
    %div3A_54 = arith.divf %broadcast_in_dim3A, %div3A_53 : vector<2000x1xf32>
    %sub3A = vector.broadcast %div3A_54 : vector<2000x1xf32> to vector<2000x128xf32>
    %sub3A_55 = arith.subf %add3A_51, %sub3A : vector<2000x128xf32>
    %mul3A = arith.mulf %sub3A_55, %sub3A_55 : vector<2000x128xf32>
    %reduce_sum3A_56 = arith.constant dense<0.000000e+00> : vector<2000xf32>
    %reduce_sum3A_57 = vector.multi_reduction <add>, %mul3A, %reduce_sum3A_56 [1] : vector<2000x128xf32> to vector<2000xf32>
    %broadcast_in_dim3A_58 = vector.shape_cast %reduce_sum3A_57 : vector<2000xf32> to vector<2000x1xf32>
    %div3A_59 = arith.constant 1.280000e+02 : f32
    %div3A_60 = vector.broadcast %div3A_59 : f32 to vector<2000x1xf32>
    %div3A_61 = arith.divf %broadcast_in_dim3A_58, %div3A_60 : vector<2000x1xf32>
    %add3A_62 = arith.constant 9.99999974E-6 : f32
    %add3A_63 = vector.broadcast %add3A_62 : f32 to vector<2000x1xf32>
    %add3A_64 = arith.addf %div3A_61, %add3A_63 : vector<2000x1xf32>
    %rsqrt3A = math.rsqrt %add3A_64 : vector<2000x1xf32>
    %mul3A_65 = vector.broadcast %rsqrt3A : vector<2000x1xf32> to vector<2000x128xf32>
    %mul3A_66 = arith.mulf %sub3A_55, %mul3A_65 : vector<2000x128xf32>
    %get3A_67 = arith.constant 0 : index
    %get3A_68 = arith.constant 0 : index
    %get3A_69 = vector.load %arg11[%get3A_67, %get3A_68] : memref<1x128xf32, #tpu.memory_space<vmem>>, vector<1x128xf32>
    %mul3A_70 = vector.broadcast %get3A_69 : vector<1x128xf32> to vector<2000x128xf32>
    %mul3A_71 = arith.mulf %mul3A_66, %mul3A_70 : vector<2000x128xf32>
    %get3A_72 = arith.constant 0 : index
    %get3A_73 = arith.constant 0 : index
    %get3A_74 = vector.load %arg12[%get3A_72, %get3A_73] : memref<1x128xf32, #tpu.memory_space<vmem>>, vector<1x128xf32>
    %add3A_75 = vector.broadcast %get3A_74 : vector<1x128xf32> to vector<2000x128xf32>
    %add3A_76 = arith.addf %mul3A_71, %add3A_75 : vector<2000x128xf32>
    %swap3A = arith.constant 0 : index
    %swap3A_77 = arith.constant 0 : index
    %swap3A_78 = vector.load %arg15[%swap3A, %swap3A_77] : memref<2000x128xf32, #tpu.memory_space<vmem>>, vector<2000x128xf32>
    tpu.vector_store %arg15[%swap3A, %swap3A_77], %add3A_76 {strides = array<i32>} : memref<2000x128xf32, #tpu.memory_space<vmem>>, vector<2000x128xf32>,
    %get3A_79 = arith.constant 0 : index
    %get3A_80 = arith.constant 0 : index
    %get3A_81 = vector.load %arg13[%get3A_79, %get3A_80] : memref<128x128xf32, #tpu.memory_space<vmem>>, vector<128x128xf32>
    %dot_general3A_82 = arith.constant dense<0.000000e+00> : vector<2000x128xf32>
    %dot_general3A_83 = tpu.matmul %add3A_76, %get3A_81, %dot_general3A_82 {dimension_numbers = #tpu.dot_dimension_numbers<[1], [0], [0], [1], [0, 0, 1, 1], [], []>, transpose_lhs_hint = false} : vector<2000x128xf32>, vector<128x128xf32>, vector<2000x128xf32> -> vector<2000x128xf32>
    %get3A_84 = arith.constant 0 : index
    %get3A_85 = arith.constant 0 : index
    %get3A_86 = vector.load %arg14[%get3A_84, %get3A_85] : memref<1x128xf32, #tpu.memory_space<vmem>>, vector<1x128xf32>
    %add3A_87 = vector.broadcast %get3A_86 : vector<1x128xf32> to vector<2000x128xf32>
    %add3A_88 = arith.addf %dot_general3A_83, %add3A_87 : vector<2000x128xf32>
    %swap3A_89 = arith.constant 0 : index
    %swap3A_90 = arith.constant 0 : index
    %swap3A_91 = vector.load %arg16[%swap3A_89, %swap3A_90] : memref<2000x128xf32, #tpu.memory_space<vmem>>, vector<2000x128xf32>
    tpu.vector_store %arg16[%swap3A_89, %swap3A_90], %add3A_88 {strides = array<i32>} : memref<2000x128xf32, #tpu.memory_space<vmem>>, vector<2000x128xf32>,
    return
  }
  func.func @transform_0(%arg0: i32) -> (i32, i32) {
    %c0_i32 = arith.constant 0 : i32
    %c0_i32_0 = arith.constant 0 : i32
    return %arg0, %c0_i32 : i32, i32
  }
  func.func @transform_1(%arg0: i32) -> (i32, i32) {
    %add3A = arith.constant 5 : i32
    %add3A_0 = arith.addi %arg0, %add3A : i32
    %c0_i32 = arith.constant 0 : i32
    %c0_i32_1 = arith.constant 0 : i32
    return %add3A_0, %c0_i32 : i32, i32
  }
  func.func @transform_2(%arg0: i32) -> (i32, i32) {
    %c0_i32 = arith.constant 0 : i32
    %c0_i32_0 = arith.constant 0 : i32
    return %arg0, %c0_i32 : i32, i32
  }
  func.func @transform_3(%arg0: i32) -> (i32, i32) {
    %add3A = arith.constant 5 : i32
    %add3A_0 = arith.addi %arg0, %add3A : i32
    %c0_i32 = arith.constant 0 : i32
    %c0_i32_1 = arith.constant 0 : i32
    return %add3A_0, %c0_i32 : i32, i32
  }
  func.func @transform_4(%arg0: i32) -> (i32, i32) {
    %c0_i32 = arith.constant 0 : i32
    %c0_i32_0 = arith.constant 0 : i32
    return %arg0, %c0_i32 : i32, i32
  }
  func.func @transform_5(%arg0: i32) -> (i32, i32) {
    %c0_i32 = arith.constant 0 : i32
    %c0_i32_0 = arith.constant 0 : i32
    %c0_i32_1 = arith.constant 0 : i32
    return %c0_i32, %c0_i32_0 : i32, i32
  }
  func.func @transform_6(%arg0: i32) -> (i32, i32) {
    %c0_i32 = arith.constant 0 : i32
    %c0_i32_0 = arith.constant 0 : i32
    %c0_i32_1 = arith.constant 0 : i32
    return %c0_i32, %c0_i32_0 : i32, i32
  }
  func.func @transform_7(%arg0: i32) -> (i32, i32) {
    %c0_i32 = arith.constant 0 : i32
    %c0_i32_0 = arith.constant 0 : i32
    %c0_i32_1 = arith.constant 0 : i32
    return %c0_i32, %c0_i32_0 : i32, i32
  }
  func.func @transform_8(%arg0: i32) -> (i32, i32) {
    %c0_i32 = arith.constant 0 : i32
    %c0_i32_0 = arith.constant 0 : i32
    %c0_i32_1 = arith.constant 0 : i32
    return %c0_i32, %c0_i32_0 : i32, i32
  }
  func.func @transform_9(%arg0: i32) -> (i32, i32) {
    %c0_i32 = arith.constant 0 : i32
    %c0_i32_0 = arith.constant 0 : i32
    %c0_i32_1 = arith.constant 0 : i32
    return %c0_i32, %c0_i32_0 : i32, i32
  }
  func.func @transform_10(%arg0: i32) -> (i32, i32) {
    %c0_i32 = arith.constant 0 : i32
    %c0_i32_0 = arith.constant 0 : i32
    %c0_i32_1 = arith.constant 0 : i32
    return %c0_i32, %c0_i32_0 : i32, i32
  }
  func.func @transform_11(%arg0: i32) -> (i32, i32) {
    %c0_i32 = arith.constant 0 : i32
    %c0_i32_0 = arith.constant 0 : i32
    %c0_i32_1 = arith.constant 0 : i32
    return %c0_i32, %c0_i32_0 : i32, i32
  }
  func.func @transform_12(%arg0: i32) -> (i32, i32) {
    %c0_i32 = arith.constant 0 : i32
    %c0_i32_0 = arith.constant 0 : i32
    %c0_i32_1 = arith.constant 0 : i32
    return %c0_i32, %c0_i32_0 : i32, i32
  }
  func.func @transform_13(%arg0: i32) -> (i32, i32) {
    %c0_i32 = arith.constant 0 : i32
    %c0_i32_0 = arith.constant 0 : i32
    %c0_i32_1 = arith.constant 0 : i32
    return %c0_i32, %c0_i32_0 : i32, i32
  }
  func.func @transform_14(%arg0: i32) -> (i32, i32) {
    %c0_i32 = arith.constant 0 : i32
    %c0_i32_0 = arith.constant 0 : i32
    return %arg0, %c0_i32 : i32, i32
  }
  func.func @transform_15(%arg0: i32) -> (i32, i32) {
    %c0_i32 = arith.constant 0 : i32
    %c0_i32_0 = arith.constant 0 : i32
    return %arg0, %c0_i32 : i32, i32
  }
}

module attributes {stable_mosaic.version = 14 : i64} {
  func.func @_update_body(%arg0: i32, %arg1: memref<2000x128xf32, #tpu.memory_space<vmem>>, %arg2: memref<2000x128xf32, #tpu.memory_space<vmem>>, %arg3: memref<2000x128xf32, #tpu.memory_space<vmem>>, %arg4: memref<2000x128xf32, #tpu.memory_space<vmem>>, %arg5: memref<2000x128xf32, #tpu.memory_space<vmem>>, %arg6: memref<128x128xf32, #tpu.memory_space<vmem>>, %arg7: memref<128x128xf32, #tpu.memory_space<vmem>>, %arg8: memref<1x128xf32, #tpu.memory_space<vmem>>, %arg9: memref<128x128xf32, #tpu.memory_space<vmem>>, %arg10: memref<1x128xf32, #tpu.memory_space<vmem>>, %arg11: memref<1x128xf32, #tpu.memory_space<vmem>>, %arg12: memref<1x128xf32, #tpu.memory_space<vmem>>, %arg13: memref<128x128xf32, #tpu.memory_space<vmem>>, %arg14: memref<1x128xf32, #tpu.memory_space<vmem>>, %arg15: memref<2000x128xf32, #tpu.memory_space<vmem>>, %arg16: memref<2000x128xf32, #tpu.memory_space<vmem>>) attributes {dimension_semantics = [#tpu.dimension_semantics<arbitrary>], iteration_bounds = array<i64: 5>, scalar_prefetch = 0 : i64, scratch_operands = 0 : i64, tpu.core_type = #tpu.core_type<tc>, window_params = [{transform_indices = @transform_0, window_bounds = array<i64: 2000, 128>}, {transform_indices = @transform_1, window_bounds = array<i64: 2000, 128>}, {transform_indices = @transform_2, window_bounds = array<i64: 2000, 128>}, {transform_indices = @transform_3, window_bounds = array<i64: 2000, 128>}, {transform_indices = @transform_4, window_bounds = array<i64: 2000, 128>}, {pipeline_mode = #tpu.pipeline_mode<synchronous>, transform_indices = @transform_5, window_bounds = array<i64: 128, 128>}, {pipeline_mode = #tpu.pipeline_mode<synchronous>, transform_indices = @transform_6, window_bounds = array<i64: 128, 128>}, {pipeline_mode = #tpu.pipeline_mode<synchronous>, transform_indices = @transform_7, window_bounds = array<i64: 1, 128>}, {pipeline_mode = #tpu.pipeline_mode<synchronous>, transform_indices = @transform_8, window_bounds = array<i64: 128, 128>}, {pipeline_mode = #tpu.pipeline_mode<synchronous>, transform_indices = @transform_9, window_bounds = array<i64: 1, 128>}, {pipeline_mode = #tpu.pipeline_mode<synchronous>, transform_indices = @transform_10, window_bounds = array<i64: 1, 128>}, {pipeline_mode = #tpu.pipeline_mode<synchronous>, transform_indices = @transform_11, window_bounds = array<i64: 1, 128>}, {pipeline_mode = #tpu.pipeline_mode<synchronous>, transform_indices = @transform_12, window_bounds = array<i64: 128, 128>}, {pipeline_mode = #tpu.pipeline_mode<synchronous>, transform_indices = @transform_13, window_bounds = array<i64: 1, 128>}, {transform_indices = @transform_14, window_bounds = array<i64: 2000, 128>}, {transform_indices = @transform_15, window_bounds = array<i64: 2000, 128>}]} {
    %get3A = arith.constant 0 : index
    %get3A_0 = arith.constant 0 : index
    %get3A_1 = vector.load %arg1[%get3A, %get3A_0] : memref<2000x128xf32, #tpu.memory_space<vmem>>, vector<2000x128xf32>
    %get3A_2 = arith.constant 0 : index
    %get3A_3 = arith.constant 0 : index
    %get3A_4 = vector.load %arg2[%get3A_2, %get3A_3] : memref<2000x128xf32, #tpu.memory_space<vmem>>, vector<2000x128xf32>
    %add3A = arith.addf %get3A_1, %get3A_4 : vector<2000x128xf32>
    %get3A_5 = arith.constant 0 : index
    %get3A_6 = arith.constant 0 : index
    %get3A_7 = vector.load %arg3[%get3A_5, %get3A_6] : memref<2000x128xf32, #tpu.memory_space<vmem>>, vector<2000x128xf32>
    %get3A_8 = arith.constant 0 : index
    %get3A_9 = arith.constant 0 : index
    %get3A_10 = vector.load %arg4[%get3A_8, %get3A_9] : memref<2000x128xf32, #tpu.memory_space<vmem>>, vector<2000x128xf32>
    %add3A_11 = arith.addf %get3A_7, %get3A_10 : vector<2000x128xf32>
    %add3A_12 = arith.addf %add3A, %add3A_11 : vector<2000x128xf32>
    %get3A_13 = arith.constant 0 : index
    %get3A_14 = arith.constant 0 : index
    %get3A_15 = vector.load %arg5[%get3A_13, %get3A_14] : memref<2000x128xf32, #tpu.memory_space<vmem>>, vector<2000x128xf32>
    %get3A_16 = arith.constant 0 : index
    %get3A_17 = arith.constant 0 : index
    %get3A_18 = vector.load %arg6[%get3A_16, %get3A_17] : memref<128x128xf32, #tpu.memory_space<vmem>>, vector<128x128xf32>
    %dot_general3A = arith.constant dense<0.000000e+00> : vector<2000x128xf32>
    %dot_general3A_19 = tpu.matmul %add3A_12, %get3A_18, %dot_general3A {dimension_numbers = #tpu.dot_dimension_numbers<[1], [0], [0], [1], [0, 0, 1, 1], [], []>, transpose_lhs_hint = false} : vector<2000x128xf32>, vector<128x128xf32>, vector<2000x128xf32> -> vector<2000x128xf32>
    %get3A_20 = arith.constant 0 : index
    %get3A_21 = arith.constant 0 : index
    %get3A_22 = vector.load %arg7[%get3A_20, %get3A_21] : memref<128x128xf32, #tpu.memory_space<vmem>>, vector<128x128xf32>
    %dot_general3A_23 = arith.constant dense<0.000000e+00> : vector<2000x128xf32>
    %dot_general3A_24 = tpu.matmul %get3A_15, %get3A_22, %dot_general3A_23 {dimension_numbers = #tpu.dot_dimension_numbers<[1], [0], [0], [1], [0, 0, 1, 1], [], []>, transpose_lhs_hint = false} : vector<2000x128xf32>, vector<128x128xf32>, vector<2000x128xf32> -> vector<2000x128xf32>
    %add3A_25 = arith.addf %dot_general3A_19, %dot_general3A_24 : vector<2000x128xf32>
    %get3A_26 = arith.constant 0 : index
    %get3A_27 = arith.constant 0 : index
    %get3A_28 = vector.load %arg8[%get3A_26, %get3A_27] : memref<1x128xf32, #tpu.memory_space<vmem>>, vector<1x128xf32>
    %add3A_29 = vector.broadcast %get3A_28 : vector<1x128xf32> to vector<2000x128xf32>
    %add3A_30 = arith.addf %add3A_25, %add3A_29 : vector<2000x128xf32>
    %max3A = arith.constant 0.000000e+00 : f32
    %max3A_31 = vector.broadcast %max3A : f32 to vector<2000x128xf32>
    %max3A_32 = arith.maximumf %add3A_30, %max3A_31 : vector<2000x128xf32>
    %get3A_33 = arith.constant 0 : index
    %get3A_34 = arith.constant 0 : index
    %get3A_35 = vector.load %arg9[%get3A_33, %get3A_34] : memref<128x128xf32, #tpu.memory_space<vmem>>, vector<128x128xf32>
    %dot_general3A_36 = arith.constant dense<0.000000e+00> : vector<2000x128xf32>
    %dot_general3A_37 = tpu.matmul %max3A_32, %get3A_35, %dot_general3A_36 {dimension_numbers = #tpu.dot_dimension_numbers<[1], [0], [0], [1], [0, 0, 1, 1], [], []>, transpose_lhs_hint = false} : vector<2000x128xf32>, vector<128x128xf32>, vector<2000x128xf32> -> vector<2000x128xf32>
    %get3A_38 = arith.constant 0 : index
    %get3A_39 = arith.constant 0 : index
    %get3A_40 = vector.load %arg10[%get3A_38, %get3A_39] : memref<1x128xf32, #tpu.memory_space<vmem>>, vector<1x128xf32>
    %add3A_41 = vector.broadcast %get3A_40 : vector<1x128xf32> to vector<2000x128xf32>
    %add3A_42 = arith.addf %dot_general3A_37, %add3A_41 : vector<2000x128xf32>
    %max3A_43 = arith.constant 0.000000e+00 : f32
    %max3A_44 = vector.broadcast %max3A_43 : f32 to vector<2000x128xf32>
    %max3A_45 = arith.maximumf %add3A_42, %max3A_44 : vector<2000x128xf32>
    %abs3A = math.absf %add3A_42 : vector<2000x128xf32>
    %neg3A = arith.constant 0.000000e+00 : f32
    %neg3A_46 = vector.broadcast %neg3A : f32 to vector<2000x128xf32>
    %neg3A_47 = arith.subf %neg3A_46, %abs3A : vector<2000x128xf32>
    %exp3A = math.exp %neg3A_47 : vector<2000x128xf32>
    %add3A_48 = arith.constant 1.000000e+00 : f32
    %add3A_49 = vector.broadcast %add3A_48 : f32 to vector<2000x128xf32>
    %add3A_50 = arith.addf %add3A_49, %exp3A : vector<2000x128xf32>
    %log3A = math.log %add3A_50 : vector<2000x128xf32>
    %add3A_51 = arith.addf %max3A_45, %log3A : vector<2000x128xf32>
    %reduce_sum3A = arith.constant dense<0.000000e+00> : vector<2000xf32>
    %reduce_sum3A_52 = vector.multi_reduction <add>, %add3A_51, %reduce_sum3A [1] : vector<2000x128xf32> to vector<2000xf32>
    %broadcast_in_dim3A = vector.shape_cast %reduce_sum3A_52 : vector<2000xf32> to vector<2000x1xf32>
    %div3A = arith.constant 1.280000e+02 : f32
    %div3A_53 = vector.broadcast %div3A : f32 to vector<2000x1xf32>
    %div3A_54 = arith.divf %broadcast_in_dim3A, %div3A_53 : vector<2000x1xf32>
    %sub3A = vector.broadcast %div3A_54 : vector<2000x1xf32> to vector<2000x128xf32>
    %sub3A_55 = arith.subf %add3A_51, %sub3A : vector<2000x128xf32>
    %mul3A = arith.mulf %sub3A_55, %sub3A_55 : vector<2000x128xf32>
    %reduce_sum3A_56 = arith.constant dense<0.000000e+00> : vector<2000xf32>
    %reduce_sum3A_57 = vector.multi_reduction <add>, %mul3A, %reduce_sum3A_56 [1] : vector<2000x128xf32> to vector<2000xf32>
    %broadcast_in_dim3A_58 = vector.shape_cast %reduce_sum3A_57 : vector<2000xf32> to vector<2000x1xf32>
    %div3A_59 = arith.constant 1.280000e+02 : f32
    %div3A_60 = vector.broadcast %div3A_59 : f32 to vector<2000x1xf32>
    %div3A_61 = arith.divf %broadcast_in_dim3A_58, %div3A_60 : vector<2000x1xf32>
    %add3A_62 = arith.constant 9.99999974E-6 : f32
    %add3A_63 = vector.broadcast %add3A_62 : f32 to vector<2000x1xf32>
    %add3A_64 = arith.addf %div3A_61, %add3A_63 : vector<2000x1xf32>
    %rsqrt3A = math.rsqrt %add3A_64 : vector<2000x1xf32>
    %mul3A_65 = vector.broadcast %rsqrt3A : vector<2000x1xf32> to vector<2000x128xf32>
    %mul3A_66 = arith.mulf %sub3A_55, %mul3A_65 : vector<2000x128xf32>
    %get3A_67 = arith.constant 0 : index
    %get3A_68 = arith.constant 0 : index
    %get3A_69 = vector.load %arg11[%get3A_67, %get3A_68] : memref<1x128xf32, #tpu.memory_space<vmem>>, vector<1x128xf32>
    %mul3A_70 = vector.broadcast %get3A_69 : vector<1x128xf32> to vector<2000x128xf32>
    %mul3A_71 = arith.mulf %mul3A_66, %mul3A_70 : vector<2000x128xf32>
    %get3A_72 = arith.constant 0 : index
    %get3A_73 = arith.constant 0 : index
    %get3A_74 = vector.load %arg12[%get3A_72, %get3A_73] : memref<1x128xf32, #tpu.memory_space<vmem>>, vector<1x128xf32>
    %add3A_75 = vector.broadcast %get3A_74 : vector<1x128xf32> to vector<2000x128xf32>
    %add3A_76 = arith.addf %mul3A_71, %add3A_75 : vector<2000x128xf32>
    %add3A_77 = arith.addf %get3A_15, %add3A_76 : vector<2000x128xf32>
    %swap3A = arith.constant 0 : index
    %swap3A_78 = arith.constant 0 : index
    %swap3A_79 = vector.load %arg15[%swap3A, %swap3A_78] : memref<2000x128xf32, #tpu.memory_space<vmem>>, vector<2000x128xf32>
    tpu.vector_store %arg15[%swap3A, %swap3A_78], %add3A_77 {strides = array<i32>} : memref<2000x128xf32, #tpu.memory_space<vmem>>, vector<2000x128xf32>,
    %get3A_80 = arith.constant 0 : index
    %get3A_81 = arith.constant 0 : index
    %get3A_82 = vector.load %arg13[%get3A_80, %get3A_81] : memref<128x128xf32, #tpu.memory_space<vmem>>, vector<128x128xf32>
    %dot_general3A_83 = arith.constant dense<0.000000e+00> : vector<2000x128xf32>
    %dot_general3A_84 = tpu.matmul %add3A_77, %get3A_82, %dot_general3A_83 {dimension_numbers = #tpu.dot_dimension_numbers<[1], [0], [0], [1], [0, 0, 1, 1], [], []>, transpose_lhs_hint = false} : vector<2000x128xf32>, vector<128x128xf32>, vector<2000x128xf32> -> vector<2000x128xf32>
    %get3A_85 = arith.constant 0 : index
    %get3A_86 = arith.constant 0 : index
    %get3A_87 = vector.load %arg14[%get3A_85, %get3A_86] : memref<1x128xf32, #tpu.memory_space<vmem>>, vector<1x128xf32>
    %add3A_88 = vector.broadcast %get3A_87 : vector<1x128xf32> to vector<2000x128xf32>
    %add3A_89 = arith.addf %dot_general3A_84, %add3A_88 : vector<2000x128xf32>
    %swap3A_90 = arith.constant 0 : index
    %swap3A_91 = arith.constant 0 : index
    %swap3A_92 = vector.load %arg16[%swap3A_90, %swap3A_91] : memref<2000x128xf32, #tpu.memory_space<vmem>>, vector<2000x128xf32>
    tpu.vector_store %arg16[%swap3A_90, %swap3A_91], %add3A_89 {strides = array<i32>} : memref<2000x128xf32, #tpu.memory_space<vmem>>, vector<2000x128xf32>,
    return
  }
  func.func @transform_0(%arg0: i32) -> (i32, i32) {
    %c0_i32 = arith.constant 0 : i32
    %c0_i32_0 = arith.constant 0 : i32
    return %arg0, %c0_i32 : i32, i32
  }
  func.func @transform_1(%arg0: i32) -> (i32, i32) {
    %add3A = arith.constant 5 : i32
    %add3A_0 = arith.addi %arg0, %add3A : i32
    %c0_i32 = arith.constant 0 : i32
    %c0_i32_1 = arith.constant 0 : i32
    return %add3A_0, %c0_i32 : i32, i32
  }
  func.func @transform_2(%arg0: i32) -> (i32, i32) {
    %c0_i32 = arith.constant 0 : i32
    %c0_i32_0 = arith.constant 0 : i32
    return %arg0, %c0_i32 : i32, i32
  }
  func.func @transform_3(%arg0: i32) -> (i32, i32) {
    %add3A = arith.constant 5 : i32
    %add3A_0 = arith.addi %arg0, %add3A : i32
    %c0_i32 = arith.constant 0 : i32
    %c0_i32_1 = arith.constant 0 : i32
    return %add3A_0, %c0_i32 : i32, i32
  }
  func.func @transform_4(%arg0: i32) -> (i32, i32) {
    %c0_i32 = arith.constant 0 : i32
    %c0_i32_0 = arith.constant 0 : i32
    return %arg0, %c0_i32 : i32, i32
  }
  func.func @transform_5(%arg0: i32) -> (i32, i32) {
    %c0_i32 = arith.constant 0 : i32
    %c0_i32_0 = arith.constant 0 : i32
    %c0_i32_1 = arith.constant 0 : i32
    return %c0_i32, %c0_i32_0 : i32, i32
  }
  func.func @transform_6(%arg0: i32) -> (i32, i32) {
    %c0_i32 = arith.constant 0 : i32
    %c0_i32_0 = arith.constant 0 : i32
    %c0_i32_1 = arith.constant 0 : i32
    return %c0_i32, %c0_i32_0 : i32, i32
  }
  func.func @transform_7(%arg0: i32) -> (i32, i32) {
    %c0_i32 = arith.constant 0 : i32
    %c0_i32_0 = arith.constant 0 : i32
    %c0_i32_1 = arith.constant 0 : i32
    return %c0_i32, %c0_i32_0 : i32, i32
  }
  func.func @transform_8(%arg0: i32) -> (i32, i32) {
    %c0_i32 = arith.constant 0 : i32
    %c0_i32_0 = arith.constant 0 : i32
    %c0_i32_1 = arith.constant 0 : i32
    return %c0_i32, %c0_i32_0 : i32, i32
  }
  func.func @transform_9(%arg0: i32) -> (i32, i32) {
    %c0_i32 = arith.constant 0 : i32
    %c0_i32_0 = arith.constant 0 : i32
    %c0_i32_1 = arith.constant 0 : i32
    return %c0_i32, %c0_i32_0 : i32, i32
  }
  func.func @transform_10(%arg0: i32) -> (i32, i32) {
    %c0_i32 = arith.constant 0 : i32
    %c0_i32_0 = arith.constant 0 : i32
    %c0_i32_1 = arith.constant 0 : i32
    return %c0_i32, %c0_i32_0 : i32, i32
  }
  func.func @transform_11(%arg0: i32) -> (i32, i32) {
    %c0_i32 = arith.constant 0 : i32
    %c0_i32_0 = arith.constant 0 : i32
    %c0_i32_1 = arith.constant 0 : i32
    return %c0_i32, %c0_i32_0 : i32, i32
  }
  func.func @transform_12(%arg0: i32) -> (i32, i32) {
    %c0_i32 = arith.constant 0 : i32
    %c0_i32_0 = arith.constant 0 : i32
    %c0_i32_1 = arith.constant 0 : i32
    return %c0_i32, %c0_i32_0 : i32, i32
  }
  func.func @transform_13(%arg0: i32) -> (i32, i32) {
    %c0_i32 = arith.constant 0 : i32
    %c0_i32_0 = arith.constant 0 : i32
    %c0_i32_1 = arith.constant 0 : i32
    return %c0_i32, %c0_i32_0 : i32, i32
  }
  func.func @transform_14(%arg0: i32) -> (i32, i32) {
    %c0_i32 = arith.constant 0 : i32
    %c0_i32_0 = arith.constant 0 : i32
    return %arg0, %c0_i32 : i32, i32
  }
  func.func @transform_15(%arg0: i32) -> (i32, i32) {
    %c0_i32 = arith.constant 0 : i32
    %c0_i32_0 = arith.constant 0 : i32
    return %arg0, %c0_i32 : i32, i32
  }
}

module attributes {stable_mosaic.version = 14 : i64} {
  func.func @_pool_body(%arg0: memref<10000x128xf32, #tpu.memory_space<vmem>>, %arg1: memref<10000x1xi32, #tpu.memory_space<vmem>>, %arg2: memref<128x64xf32, #tpu.memory_space<vmem>>, %arg3: memref<1x64xf32, #tpu.memory_space<vmem>>, %arg4: memref<64x32xf32, #tpu.memory_space<vmem>>, %arg5: memref<1x32xf32, #tpu.memory_space<vmem>>, %arg6: memref<32x1xf32, #tpu.memory_space<vmem>>, %arg7: memref<1x1xf32, #tpu.memory_space<vmem>>, %arg8: memref<64x1xf32, #tpu.memory_space<vmem>>) attributes {dimension_semantics = [], scalar_prefetch = 0 : i64, scratch_operands = 0 : i64, tpu.core_type = #tpu.core_type<tc>} {
    %get3A = arith.constant 0 : index
    %get3A_0 = arith.constant 0 : index
    %get3A_1 = vector.load %arg1[%get3A, %get3A_0] : memref<10000x1xi32, #tpu.memory_space<vmem>>, vector<10000x1xi32>
    %iota3A = tpu.iota {dimensions = array<i32: 1>} : vector<10000x64xi32>
    %eq3A = vector.broadcast %get3A_1 : vector<10000x1xi32> to vector<10000x64xi32>
    %eq3A_2 = arith.cmpi eq, %eq3A, %iota3A : vector<10000x64xi32>
    %jit3A = arith.constant 1.000000e+00 : f32
    %jit3A_3 = arith.constant 0.000000e+00 : f32
    %broadcast_in_dim3A = vector.broadcast %jit3A : f32 to vector<10000x64xf32>
    %broadcast_in_dim3A_4 = vector.broadcast %jit3A_3 : f32 to vector<10000x64xf32>
    %select_n3A = arith.select %eq3A_2, %broadcast_in_dim3A, %broadcast_in_dim3A_4 : vector<10000x64xi1>, vector<10000x64xf32>
    %get3A_5 = arith.constant 0 : index
    %get3A_6 = arith.constant 0 : index
    %get3A_7 = vector.load %arg0[%get3A_5, %get3A_6] : memref<10000x128xf32, #tpu.memory_space<vmem>>, vector<10000x128xf32>
    %dot_general3A = arith.constant dense<0.000000e+00> : vector<64x128xf32>
    %dot_general3A_8 = tpu.matmul %select_n3A, %get3A_7, %dot_general3A {dimension_numbers = #tpu.dot_dimension_numbers<[0], [0], [1], [1], [0, 1, 1, 1], [], []>, transpose_lhs_hint = false} : vector<10000x64xf32>, vector<10000x128xf32>, vector<64x128xf32> -> vector<64x128xf32>
    %broadcast_in_dim3A_9 = arith.constant 1.000000e+00 : f32
    %broadcast_in_dim3A_10 = vector.broadcast %broadcast_in_dim3A_9 : f32 to vector<10000x1xf32>
    %dot_general3A_11 = arith.constant dense<0.000000e+00> : vector<64x1xf32>
    %dot_general3A_12 = tpu.matmul %select_n3A, %broadcast_in_dim3A_10, %dot_general3A_11 {dimension_numbers = #tpu.dot_dimension_numbers<[0], [0], [1], [1], [0, 1, 1, 1], [], []>, transpose_lhs_hint = false} : vector<10000x64xf32>, vector<10000x1xf32>, vector<64x1xf32> -> vector<64x1xf32>
    %max3A = arith.constant 1.000000e+00 : f32
    %max3A_13 = vector.broadcast %max3A : f32 to vector<64x1xf32>
    %max3A_14 = arith.maximumf %dot_general3A_12, %max3A_13 : vector<64x1xf32>
    %div3A = vector.broadcast %max3A_14 : vector<64x1xf32> to vector<64x128xf32>
    %div3A_15 = arith.divf %dot_general3A_8, %div3A : vector<64x128xf32>
    %get3A_16 = arith.constant 0 : index
    %get3A_17 = arith.constant 0 : index
    %get3A_18 = vector.load %arg2[%get3A_16, %get3A_17] : memref<128x64xf32, #tpu.memory_space<vmem>>, vector<128x64xf32>
    %dot_general3A_19 = arith.constant dense<0.000000e+00> : vector<64x64xf32>
    %dot_general3A_20 = tpu.matmul %div3A_15, %get3A_18, %dot_general3A_19 {dimension_numbers = #tpu.dot_dimension_numbers<[1], [0], [0], [1], [0, 0, 1, 1], [], []>, transpose_lhs_hint = false} : vector<64x128xf32>, vector<128x64xf32>, vector<64x64xf32> -> vector<64x64xf32>
    %get3A_21 = arith.constant 0 : index
    %get3A_22 = arith.constant 0 : index
    %get3A_23 = vector.load %arg3[%get3A_21, %get3A_22] : memref<1x64xf32, #tpu.memory_space<vmem>>, vector<1x64xf32>
    %add3A = vector.broadcast %get3A_23 : vector<1x64xf32> to vector<64x64xf32>
    %add3A_24 = arith.addf %dot_general3A_20, %add3A : vector<64x64xf32>
    %max3A_25 = arith.constant 0.000000e+00 : f32
    %max3A_26 = vector.broadcast %max3A_25 : f32 to vector<64x64xf32>
    %max3A_27 = arith.maximumf %add3A_24, %max3A_26 : vector<64x64xf32>
    %get3A_28 = arith.constant 0 : index
    %get3A_29 = arith.constant 0 : index
    %get3A_30 = vector.load %arg4[%get3A_28, %get3A_29] : memref<64x32xf32, #tpu.memory_space<vmem>>, vector<64x32xf32>
    %dot_general3A_31 = arith.constant dense<0.000000e+00> : vector<64x32xf32>
    %dot_general3A_32 = tpu.matmul %max3A_27, %get3A_30, %dot_general3A_31 {dimension_numbers = #tpu.dot_dimension_numbers<[1], [0], [0], [1], [0, 0, 1, 1], [], []>, transpose_lhs_hint = false} : vector<64x64xf32>, vector<64x32xf32>, vector<64x32xf32> -> vector<64x32xf32>
    %get3A_33 = arith.constant 0 : index
    %get3A_34 = arith.constant 0 : index
    %get3A_35 = vector.load %arg5[%get3A_33, %get3A_34] : memref<1x32xf32, #tpu.memory_space<vmem>>, vector<1x32xf32>
    %add3A_36 = vector.broadcast %get3A_35 : vector<1x32xf32> to vector<64x32xf32>
    %add3A_37 = arith.addf %dot_general3A_32, %add3A_36 : vector<64x32xf32>
    %max3A_38 = arith.constant 0.000000e+00 : f32
    %max3A_39 = vector.broadcast %max3A_38 : f32 to vector<64x32xf32>
    %max3A_40 = arith.maximumf %add3A_37, %max3A_39 : vector<64x32xf32>
    %get3A_41 = arith.constant 0 : index
    %get3A_42 = arith.constant 0 : index
    %get3A_43 = vector.load %arg6[%get3A_41, %get3A_42] : memref<32x1xf32, #tpu.memory_space<vmem>>, vector<32x1xf32>
    %dot_general3A_44 = arith.constant dense<0.000000e+00> : vector<64x1xf32>
    %dot_general3A_45 = tpu.matmul %max3A_40, %get3A_43, %dot_general3A_44 {dimension_numbers = #tpu.dot_dimension_numbers<[1], [0], [0], [1], [0, 0, 1, 1], [], []>, transpose_lhs_hint = false} : vector<64x32xf32>, vector<32x1xf32>, vector<64x1xf32> -> vector<64x1xf32>
    %get3A_46 = arith.constant 0 : index
    %get3A_47 = arith.constant 0 : index
    %get3A_48 = vector.load %arg7[%get3A_46, %get3A_47] : memref<1x1xf32, #tpu.memory_space<vmem>>, vector<1x1xf32>
    %add3A_49 = vector.broadcast %get3A_48 : vector<1x1xf32> to vector<64x1xf32>
    %add3A_50 = arith.addf %dot_general3A_45, %add3A_49 : vector<64x1xf32>
    %max3A_51 = arith.constant 0.000000e+00 : f32
    %max3A_52 = vector.broadcast %max3A_51 : f32 to vector<64x1xf32>
    %max3A_53 = arith.maximumf %add3A_50, %max3A_52 : vector<64x1xf32>
    %abs3A = math.absf %add3A_50 : vector<64x1xf32>
    %neg3A = arith.constant 0.000000e+00 : f32
    %neg3A_54 = vector.broadcast %neg3A : f32 to vector<64x1xf32>
    %neg3A_55 = arith.subf %neg3A_54, %abs3A : vector<64x1xf32>
    %exp3A = math.exp %neg3A_55 : vector<64x1xf32>
    %add3A_56 = arith.constant 1.000000e+00 : f32
    %add3A_57 = vector.broadcast %add3A_56 : f32 to vector<64x1xf32>
    %add3A_58 = arith.addf %add3A_57, %exp3A : vector<64x1xf32>
    %log3A = math.log %add3A_58 : vector<64x1xf32>
    %add3A_59 = arith.addf %max3A_53, %log3A : vector<64x1xf32>
    %swap3A = arith.constant 0 : index
    %swap3A_60 = arith.constant 0 : index
    %swap3A_61 = vector.load %arg8[%swap3A, %swap3A_60] : memref<64x1xf32, #tpu.memory_space<vmem>>, vector<64x1xf32>
    tpu.vector_store %arg8[%swap3A, %swap3A_60], %add3A_59 {strides = array<i32>} : memref<64x1xf32, #tpu.memory_space<vmem>>, vector<64x1xf32>,
    return
  }
}

</mosaic_0001>

<sc_bundles>
// kernel: kernel.18.cloned.1.call-start
scs
__scs_entry_jumppad:
0x0: {  	(pc) =	sbr.rel $0x88, $3  }
0x1: {  	(tag) =	ssettag $0x0;
	lr =	simm.s32 $0x1  }
0x2: {  	[smem:$0x3F88] =	sst lr;
	_ =	strace $0xD0000000  }
0x3: {  	_ = 	snop  }
0x4: {  	_ = 	snop  }
0x5: {  	_ = 	snop  }
0x6: {  	_ = 	snop  }
0x7: {  	_ = 	snop  }
__scs_overlays_trampoline_lowered:
0x8: {  	[smem:$0x3F97] =	sst s0  }
0x9: {  	[smem:$0x3F98] =	sst s1  }
0xa: {  	[smem:$0x3F99] =	sst s2  }
0xb: {  	[smem:$0x3F9A] =	sst s3  }
0xc: {  	[smem:$0x3F9B] =	sst s4  }
0xd: {  	[smem:$0x3F9C] =	sst s5  }
0xe: {  	[smem:$0x3F9D] =	sst s6  }
0xf: {  	[smem:$0x3F9E] =	sst s7  }
0x10: {  	[smem:$0x3F9F] =	sst s8  }
0x11: {  	[smem:$0x3FA0] =	sst s9;
	s0 =	simm.s32 @!p0 $0x0  }
0x12: {  	s1 =	sld [smem:$0x3F86];
	s0 =	simm.s32 @p0 $0x1  }
0x13: {  	[smem:$0x3FA1] =	sst s0;
	s0 =	simm.s32 @!p1 $0x0  }
0x14: {  	s2 =	sld [smem:$0x3F85];
	s0 =	simm.s32 @p1 $0x1  }
0x15: {  	[smem:$0x3FA2] =	sst s0;
	s0 =	simm.s32 @!p2 $0x0  }
0x16: {  	s3 =	sld [smem:$0x3FDB];
	s0 =	simm.s32 @p2 $0x1  }
0x17: {  	s4 =	simm.s32 $0x1BF5;
	[smem:$0x3FA4] =	sst s0  }
0x18: {  	s0 =	sld [smem:$0x3F87];
	_ =	swait.ge [sflag:s4], $0x0  }
0x19: {  	s7 =	sld [smem:$0x3F88]  }
0x1a: {  	s8 =	sadd.s32 $0xFFFFE003, lr  }
0x1b: {  	s9 =	sadd.s32 $0xFFFFFEF7, lr;
	s5 =	simm.s32 $0xFFFFFFFF;
	p2 =	slt.u32 s8, $0xFFFFF086  }
0x1c: {  	p1 =	slt.u32 s9, $0xF7A;
	s5 =	simm.s32 @!p2 $0x0  }
0x1d: {  	s5 =	simm.s32 @p1 $0x1;
	p0 =	seq.s32 s7, s2  }
0x1e: {  	s7 =	smul.u32 @!p0 $0xF7A, s2;
	p2 =	seq.s32 @!p0 s5, $0x0  }
0x1f: {  	s9 =	smul.u32 $0xF7A, s1;
	s8 =	simm.s32 @!p0 $0x1BF5;
	p2 =	por !p2, p0  }
0x20: {  	[sflag:s8] =	ssyncset.s32 @!p0 $0xFFFFF086;
	s6 =	sadd.s32 @!p0 s3, s7;
	s7 =	simm.s32 @!p0 $0x108  }
0x21: {  	s3 =	sadd.s32 s3, s9;
	s6 =	sadd.s32 @!p0 $0x88, s6;
	s7 =	simm.s32 @p2 $0x1082  }
0x22: {  	[simem:s7], [sflag:s8] =	dma.local @!p0 [hbm:s6], $0xF7A  }
0x23: {  	s9 =	sor.u32 $0xD0000000, s2;
	s6 =	simm.s32 $0x108;
	_ =	swait.ge @!p0 [sflag:s8], $0x0  }
0x24: {  	s3 =	sadd.s32 $0x88, s3;
	s6 =	simm.s32 @!p1 $0x1082;
	[sflag:s4] =	ssyncset.s32 $0xFFFFF086  }
0x25: {  	[simem:s6], [sflag:s4] =	dma.local [hbm:s3], $0xF7A  }
0x26: {  	[smem:$0x3F88] =	sst s1;
	(tag) =	ssettag s2;
	_ =	strace s9  }
0x27: {  	s1 =	sld [smem:$0x3F98]  }
0x28: {  	s2 =	sld [smem:$0x3F99]  }
0x29: {  	s4 =	sld [smem:$0x3F9B]  }
0x2a: {  	p0 =	seq.s32 s5, $0x0;
	s5 =	sld [smem:$0x3F9C]  }
0x2b: {  	s6 =	sld [smem:$0x3F9D]  }
0x2c: {  	s7 =	sld [smem:$0x3F9E]  }
0x2d: {  	s3 =	simm.s32 $0x108;
	s8 =	sld [smem:$0x3F9F]  }
0x2e: {  	s3 =	simm.s32 @!p0 $0x1082;
	s9 =	sld [smem:$0x3FA0]  }
0x2f: {  	lr =	sadd.s32 s0, s3;
	s0 =	sld [smem:$0x3F97]  }
0x30: {  	s3 =	sld [smem:$0x3F9A]  }
0x31: {  	[smem:$0x3FA3] =	sst s10  }
0x32: {  	s10 =	sld [smem:$0x3FA1];
	_ =	sdelay $0x3  }
0x33: {  	p0 =	seq.s32 s10, $0x1;
	s10 =	sld [smem:$0x3FA3];
	_ =	sdelay $0x3  }
0x34: {  	[smem:$0x3FA3] =	sst s10  }
0x35: {  	s10 =	sld [smem:$0x3FA2];
	_ =	sdelay $0x3  }
0x36: {  	p1 =	seq.s32 s10, $0x1;
	s10 =	sld [smem:$0x3FA3];
	_ =	sdelay $0x3  }
0x37: {  	[smem:$0x3FA3] =	sst s10  }
0x38: {  	s10 =	sld [smem:$0x3FA4]  }
0x39: {  	_ = 	snop;
	(pc) =	sbr.ind lr, $3  }
0x3a: {  	_ = 	snop  }
0x3b: {  	_ = 	snop  }
0x3c: {  	p2 =	seq.s32 s10, $0x1;
	s10 =	sld [smem:$0x3FA3]  }
0x3d: {  	_ =	shalt  }
0x3e: {  	_ =	shalt  }
0x3f: {  	_ =	shalt  }
0x40: {  	_ =	shalt  }
0x41: {  	_ =	shalt  }
0x42: {  	_ =	shalt  }
0x43: {  	_ =	shalt  }
0x44: {  	_ =	shalt  }
0x45: {  	_ =	shalt  }
0x46: {  	_ =	shalt  }
0x47: {  	_ =	shalt  }
0x48: {  	_ =	shalt  }
0x49: {  	_ =	shalt  }
0x4a: {  	_ =	shalt  }
0x4b: {  	_ =	shalt  }
0x4c: {  	_ =	shalt  }
0x4d: {  	_ =	shalt  }
0x4e: {  	_ =	shalt  }
0x4f: {  	_ =	shalt  }
0x50: {  	_ =	shalt  }
0x51: {  	_ =	shalt  }
0x52: {  	_ =	shalt  }
0x53: {  	_ =	shalt  }
0x54: {  	_ =	shalt  }
0x55: {  	_ =	shalt  }
0x56: {  	_ =	shalt  }
0x57: {  	_ =	shalt  }
0x58: {  	_ =	shalt  }
0x59: {  	_ =	shalt  }
0x5a: {  	_ =	shalt  }
0x5b: {  	_ =	shalt  }
0x5c: {  	_ =	shalt  }
0x5d: {  	_ =	shalt  }
0x5e: {  	_ =	shalt  }
0x5f: {  	_ =	shalt  }
0x60: {  	_ =	shalt  }
0x61: {  	_ =	shalt  }
0x62: {  	_ =	shalt  }
0x63: {  	_ =	shalt  }
0x64: {  	_ =	shalt  }
0x65: {  	_ =	shalt  }
0x66: {  	_ =	shalt  }
0x67: {  	_ =	shalt  }
0x68: {  	_ =	shalt  }
0x69: {  	_ =	shalt  }
0x6a: {  	_ =	shalt  }
0x6b: {  	_ =	shalt  }
0x6c: {  	_ =	shalt  }
0x6d: {  	_ =	shalt  }
0x6e: {  	_ =	shalt  }
0x6f: {  	_ =	shalt  }
0x70: {  	_ =	shalt  }
0x71: {  	_ =	shalt  }
0x72: {  	_ =	shalt  }
0x73: {  	_ =	shalt  }
0x74: {  	_ =	shalt  }
0x75: {  	_ =	shalt  }
0x76: {  	_ =	shalt  }
0x77: {  	_ =	shalt  }
0x78: {  	_ =	shalt  }
0x79: {  	_ =	shalt  }
0x7a: {  	_ =	shalt  }
0x7b: {  	_ =	shalt  }
0x7c: {  	_ =	shalt  }
0x7d: {  	_ =	shalt  }
0x7e: {  	_ =	shalt  }
0x7f: {  	_ =	shalt  }
0x80: {  	_ =	shalt  }
0x81: {  	_ =	shalt  }
0x82: {  	_ =	shalt  }
0x83: {  	_ =	shalt  }
0x84: {  	_ =	shalt  }
0x85: {  	_ =	shalt  }
0x86: {  	_ =	shalt  }
0x87: {  	_ =	shalt  }
.Lfunc_end0:
.L_simem_size_0:
called_computation_lowered:
.L_overlay_start_0:
0x88: {  	s2 =	sld [smem:$0x3FD9]  }
0x89: {  	s3 =	sld [smem:$0x3FFE];
	_ =	sdelay $0x1  }
0x8a: {  	s1 =	srdreg.scid  }
0x8b: {  	s0 =	sand.u32 $0x1, s1  }
0x8c: {  	s17 =	sshll.u32 s0, $0xA;
	s2 =	sadd.s32 s3, s2  }
0x8d: {  	s2 =	sadd.s32 s2, s17  }
0x8e: {  	[smem:$0x3FAF] =	sst s2  }
0x8f: {  	_ = 	snop  }
0x90: {  	(tm) =	ssettm $0x1  }
0x91: {  	s18 =	sld [smem:$0x3FFB];
	_ =	sdelay $0x3  }
0x92: {  	_ =	strace s18  }
0x93: {  	s2 =	sld [smem:$0x3FFC];
	_ =	sdelay $0x3  }
0x94: {  	_ =	strace s2  }
0x95: {  	s2 =	sld [smem:$0x3FFD];
	_ =	sdelay $0x3  }
0x96: {  	_ =	strace s2  }
0x97: {  	_ =	strace $0x8FFFFFFF  }
0x98: {  	s19 =	sld [smem:$0x3FDB];
	_ =	sdelay $0x1  }
0x99: {  	s20 =	simm.s32 $_scs_section_size  }
0x9a: {  	s4 =	simm.s32 $_size__tile_overlayer_lowered;
	s5 =	simm.s32 $_tile_overlayer_lowered  }
0x9b: {  	s6 =	simm.s32 $0x1BFF;
	s21 =	sshll.u32 s5, $0x1;
	s3 =	sadd.s32 s20, s19  }
0x9c: {  	s22 =	simm.s32 $0x0;
	s4 =	sshll.u32 s4, $0x1;
	s5 =	sadd.s32 s21, s3  }
0x9d: {  	[timem:s22], [sflag:s6] =	dma.local [hbm:s5], s4  }
0x9e: {  	_ =	swait.ge [sflag:s6], s4  }
0x9f: {  	s4 =	ssub.s32 $0x0, s4;
	[sflag:s6] =	ssyncset.done $0x0  }
0xa0: {  	[sflag:s6] =	ssyncadd.s32 s4;
	_ =	sdelay $0x1  }
0xa1: {  	s23 =	simm.s32 $0x1B8B  }
0xa2: {  	_ =	swait.ge [sflag:s23], $0x1  }
0xa3: {  	[sflag:s23] =	ssyncset.done $0x0  }
0xa4: {  	[sflag:s23] =	ssyncadd.s32 $0xFFFFFFFF  }
0xa5: {  	s4 =	sld [smem:$0x0]  }
0xa6: {  	s5 =	sand.u32 $0xFFFFFFFE, s1  }
0xa7: {  	p0 =	sne.s32 s1, s5  }
0xa8: {  	s5 =	sshll.u32 @p0 s5, $0xE  }
0xa9: {  	s5 =	sadd.s32 @p0 $0x11B8D, s5;
	s6 =	sshll.u32 @p0 s4, $0x11  }
0xaa: {  	s5 =	sor.u32 @p0 s6, s5  }
0xab: {  	[sflag:s5] =	ssyncadd.remote.s32 @p0 $0x1;
	_ =	sdelay $0x1  }
0xac: {  	s5 =	simm.s32 @p0 $0x1B8D  }
0xad: {  	_ =	swait.eq @p0 [sflag:s5], $0x1  }
0xae: {  	[sflag:s5] =	ssyncadd.s32 @p0 $0xFFFFFFFF  }
0xaf: {  	s6 =	sshll.u32 @!p0 s1, $0xE  }
0xb0: {  	s6 =	sor.u32 @!p0 $0x4000, s6;
	s5 =	simm.s32 @!p0 $0x1B8D  }
0xb1: {  	s4 =	sshll.u32 @!p0 s4, $0x11;
	s6 =	sadd.s32 @!p0 $0x11B8D, s6;
	_ =	swait.eq @!p0 [sflag:s5], $0x1  }
0xb2: {  	s4 =	sor.u32 @!p0 s4, s6;
	[sflag:s5] =	ssyncadd.s32 @!p0 $0xFFFFFFFF  }
0xb3: {  	s25 =	simm.s32 $0x1B8E;
	s24 =	sld [smem:$0x3FFE];
	[sflag:s4] =	ssyncadd.remote.s32 @!p0 $0x1  }
0xb4: {  	s26 =	simm.s32 $execute0_lowered;
	[smem:$0x3FD2] =	sst s25  }
0xb5: {  	s5 =	sshll.u32 s26, $0x1;
	_ =	strace $0x80000049;
	[dreg:$0x1] =	wrdreg $0xFFFFFFFF  }
0xb6: {  	s28 =	simm.s32 $_size_execute0_lowered;
	s3 =	sadd.s32 s3, s5;
	[dreg:$0x0] =	wrdreg $0x0  }
0xb7: {  	s5 =	sshll.u32 s28, $0x1;
	[dreg:$0x2] =	wrdreg s3  }
0xb8: {  	[dreg:$0x3] =	wrdreg s5  }
0xb9: {  	[dreg:$0x4] =	wrdreg $0xC0  }
0xba: {  	_ =	task [dreg:s22], $0x5FFFF  }
0xbb: {  	[dreg:$0x1] =	wrdreg $0xFFFFFFFF  }
0xbc: {  	[dreg:$0x0] =	wrdreg $0x60  }
0xbd: {  	[dreg:$0x2] =	wrdreg s24  }
0xbe: {  	[dreg:$0x3] =	wrdreg $0x9  }
0xbf: {  	_ =	task.clear_ibuf [dreg:s22], $0x4FFFF;
	_ =	strace $0x90000049  }
0xc0: {  	s29 =	simm.s32 $0x9;
	_ =	strace $0x8000004B  }
0xc1: {  	_ =	swait.ge [sflag:s29], $0x1  }
0xc2: {  	[sflag:s29] =	ssyncadd.s32 $0xFFFFFFFF  }
0xc3: {  	_ =	strace $0x9000004B  }
0xc4: {  	_ =	sfence  }
0xc5: {  	s30 =	sld [smem:$0x0];
	_ =	sdelay $0x2  }
0xc6: {  	s31 =	sshll.u32 s1, $0xD;
	s1 =	sshrl.u32 s1, $0x2  }
0xc7: {  	s4 =	sand.u32 $0x4000, s31;
	s1 =	sadd.s32 s1, s30  }
0xc8: {  	s0 =	sor.u32 s4, s0;
	s1 =	sshll.u32 s1, $0x11  }
0xc9: {  	s0 =	sor.u32 s1, s0  }
0xca: {  	s0 =	sadd.s32 $0x8F2B, s0  }
0xcb: {  	[sflag:s0] =	ssyncadd.remote.s32 $0x1  }
0xcc: {  	_ =	sfence.sel $0xFFFF  }
0xcd: {  	[dreg:$0x0] =	wrdreg $0xFFFFFFFF;
	(pc) =	sbr.abs _section_cstart, $3  }
0xce: {  	[dreg:$0x1] =	wrdreg $0xFFFFFFFF  }
0xcf: {  	_ =	task.clear_ibuf [dreg:s22], $0x2FFFF;
	_ =	strace $0x9FFFFFFF  }
0xd0: {  	(tm) =	ssettm $0x7FFFFFFF  }
0xd1: {  	_ =	shalt  }
tec
execute0_lowered:
.L_overlay_start_1:
0x0: {  	(tag) =	ssettag $0x1  }
0x1: {  	s4 =	rddreg [dreg:$0x0]  }
0x2: {  	s0 =	rddreg [dreg:$0x1]  }
0x3: {  	s1 =	simm.s32 $0x0;
	s5 =	srdreg.scid;
	s2 =	stileid.u32  }
0x4: {  	s17 =	simm.s32 $0x200;
	s18 =	simm.s32 $0x8200;
	s19 =	simm.s32 $0x4200  }
0x5: {  	s20 =	simm.s32 $0x180;
	s21 =	simm.s32 $0xC200;
	s22 =	simm.s32 $0x2  }
0x6: {  	s23 =	simm.s32 $0x3;
	s24 =	simm.s32 $0x0;
	[smem:$0x7FF] =	sst s1  }
0x7: {  	s3 =	sadd.s32 $0x14000, s4;
	s10 =	sadd.s32 $0x549400, s4;
	s5 =	sand.u32 $0x1, s5  }
0x8: {  	s6 =	sshll.u32 s2, $0x1;
	s11 =	sadd.s32 $0x544400, s4;
	s12 =	sadd.s32 $0x54E400, s4  }
0x9: {  	s13 =	sadd.s32 $0x7BF400, s4;
	s14 =	smul.u32 $0x26, s2;
	s4 =	simm.s32 $0x13  }
0xa: {  	s6 =	sor.u32 s5, s6;
	s7 =	ssub.s32 $0x2, s5;
	s25 =	smul.u32 $0x13, s5  }
0xb: {  	_ =	strace $0x8000004A;
	s8 =	smul.u32 $0x13, s6;
	s9 =	sshrl.u32 s7, $0x1  }
0xc: {  	p0 =	slt.u32 s6, $0x11;
	s15 =	smin.u32 s6, $0x11;
	s26 =	ssub.s32 s7, s9  }
0xd: {  	s4 =	simm.s32 @!p0 $0x12;
	s29 =	sadd.s32 s25, s14;
	s14 =	simm.s32 $0x100  }
0xe: {  	s28 =	sadd.s32 s15, s8;
	s5 =	smax.u32 s26, $0x1;
	s15 =	sadd.s32 s15, s29  }
0xf: {  	s8 =	sshll.u32 s28, $0x5;
	s30 =	sshll.u32 s28, $0xC;
	s16 =	sshll.u32 s15, $0x5  }
0x10: {  	s31 =	sshll.u32 s15, $0xC;
	s15 =	simm.s32 $0x1;
	s6 =	sadd.s32 s10, s8  }
0x11: {  	s7 =	sadd.s32 s11, s8;
	s8 =	sadd.s32 s12, s30;
	s9 =	sadd.s32 s13, s30  }
0x12: {  	s10 =	sadd.s32 s16, s10;
	s11 =	sadd.s32 s16, s11;
	s12 =	sadd.s32 s31, s12  }
0x13: {  	s13 =	sadd.s32 s31, s13;
	s16 =	simm.s32 $0x80;
	s10 =	sadd.s32 $0x20, s10  }
0x14: {  	s11 =	sadd.s32 $0x20, s11;
	s12 =	sadd.s32 $0x1000, s12;
	s13 =	sadd.s32 $0x1000, s13  }
.LBB2_1:
0x15: {  	[tilespmem:s1], [sflag:$0x1] =	stream.linear.gather [hbm4b:s6+s1], $0x100, $0x38;
	[tilespmem:$0x10200] =	vst v63  }
0x16: {  	_ = 	snop  }
0x17: {  	[tilespmem:s14], [sflag:$0x1] =	stream.linear.gather [hbm4b:s7+s1], $0x100, $0x38;
	[tilespmem:$0x10200] =	vst v63  }
0x18: {  	_ =	swait.ge [sflag:s15], $0x100  }
0x19: {  	[sflag:s15] =	ssyncset.done $0x0  }
0x1a: {  	[sflag:s15] =	ssyncadd.s32 $0xFFFFFF00  }
0x1b: {  	_ =	swait.ge [sflag:s15], $0x100  }
0x1c: {  	[sflag:s15] =	ssyncset.done $0x0  }
0x1d: {  	[sflag:s15] =	ssyncadd.s32 $0xFFFFFF00  }
0x1e: {  	[tilespmem:s17], [sflag:$0x2] =	stream.indirect.gather [hbm4b:s3+s16], $0x80, s1, s16, $0xb8;
	[tilespmem:$0x10200] =	vst v63  }
0x1f: {  	_ = 	snop  }
0x20: {  	[tilespmem:s18], [sflag:$0x2] =	stream.indirect.gather [hbm4b:s3+s16], $0x80, s14, s16, $0xb8;
	[tilespmem:$0x10200] =	vst v63  }
0x21: {  	_ = 	snop  }
0x22: {  	[tilespmem:s19], [sflag:$0x2] =	stream.indirect.gather [hbm4b:s3+s16], $0x80, s16, s16, $0xb8;
	[tilespmem:$0x10200] =	vst v63  }
0x23: {  	_ = 	snop  }
0x24: {  	[tilespmem:s21], [sflag:$0x2] =	stream.indirect.gather [hbm4b:s3+s16], $0x80, s20, s16, $0xb8;
	[tilespmem:$0x10200] =	vst v63  }
0x25: {  	_ =	swait.ge [sflag:s22], $0x4000  }
0x26: {  	[sflag:s22] =	ssyncset.done $0x0  }
0x27: {  	[sflag:s22] =	ssyncadd.s32 $0xFFFFC000  }
0x28: {  	_ =	swait.ge [sflag:s22], $0x4000  }
0x29: {  	[sflag:s22] =	ssyncset.done $0x0  }
0x2a: {  	[sflag:s22] =	ssyncadd.s32 $0xFFFFC000  }
0x2b: {  	_ =	swait.ge [sflag:s22], $0x4000  }
0x2c: {  	[sflag:s22] =	ssyncset.done $0x0  }
0x2d: {  	[sflag:s22] =	ssyncadd.s32 $0xFFFFC000  }
0x2e: {  	_ =	swait.ge [sflag:s22], $0x4000  }
0x2f: {  	[sflag:s22] =	ssyncset.done $0x0  }
0x30: {  	[sflag:s22] =	ssyncadd.s32 $0xFFFFC000  }
0x31: {  	[hbm4b:s8+s1] =	stream.linear.scatter [tilespmem:s17], [sflag:$0x3], $0x8000, $0x38;
	[tilespmem:$0x10200] =	vst v63  }
0x32: {  	_ = 	snop  }
0x33: {  	[hbm4b:s9+s1] =	stream.linear.scatter [tilespmem:s18], [sflag:$0x3], $0x8000, $0x38;
	[tilespmem:$0x10200] =	vst v63  }
0x34: {  	_ =	swait.ge [sflag:s23], $0x8000  }
0x35: {  	[sflag:s23] =	ssyncset.done $0x0  }
0x36: {  	[sflag:s23] =	ssyncadd.s32 $0xFFFF8000  }
0x37: {  	_ =	swait.ge [sflag:s23], $0x8000  }
0x38: {  	[sflag:s23] =	ssyncset.done $0x0  }
0x39: {  	[sflag:s23] =	ssyncadd.s32 $0xFFFF8000  }
0x3a: {  	[tilespmem:s1], [sflag:$0x1] =	stream.linear.gather [hbm4b:s10+s1], $0x100, $0x38;
	[tilespmem:$0x10200] =	vst v63  }
0x3b: {  	_ = 	snop  }
0x3c: {  	[tilespmem:s14], [sflag:$0x1] =	stream.linear.gather [hbm4b:s11+s1], $0x100, $0x38;
	[tilespmem:$0x10200] =	vst v63  }
0x3d: {  	_ =	swait.ge [sflag:s15], $0x100  }
0x3e: {  	[sflag:s15] =	ssyncset.done $0x0  }
0x3f: {  	[sflag:s15] =	ssyncadd.s32 $0xFFFFFF00  }
0x40: {  	_ =	swait.ge [sflag:s15], $0x100  }
0x41: {  	[sflag:s15] =	ssyncset.done $0x0  }
0x42: {  	[sflag:s15] =	ssyncadd.s32 $0xFFFFFF00  }
0x43: {  	[tilespmem:s17], [sflag:$0x2] =	stream.indirect.gather [hbm4b:s3+s16], $0x80, s1, s16, $0xb8;
	[tilespmem:$0x10200] =	vst v63  }
0x44: {  	_ = 	snop  }
0x45: {  	[tilespmem:s18], [sflag:$0x2] =	stream.indirect.gather [hbm4b:s3+s16], $0x80, s14, s16, $0xb8;
	[tilespmem:$0x10200] =	vst v63  }
0x46: {  	_ = 	snop  }
0x47: {  	[tilespmem:s19], [sflag:$0x2] =	stream.indirect.gather [hbm4b:s3+s16], $0x80, s16, s16, $0xb8;
	[tilespmem:$0x10200] =	vst v63  }
0x48: {  	_ = 	snop  }
0x49: {  	[tilespmem:s21], [sflag:$0x2] =	stream.indirect.gather [hbm4b:s3+s16], $0x80, s20, s16, $0xb8;
	[tilespmem:$0x10200] =	vst v63  }
0x4a: {  	_ =	swait.ge [sflag:s22], $0x4000  }
0x4b: {  	[sflag:s22] =	ssyncset.done $0x0  }
0x4c: {  	[sflag:s22] =	ssyncadd.s32 $0xFFFFC000  }
0x4d: {  	_ =	swait.ge [sflag:s22], $0x4000  }
0x4e: {  	[sflag:s22] =	ssyncset.done $0x0  }
0x4f: {  	[sflag:s22] =	ssyncadd.s32 $0xFFFFC000  }
0x50: {  	_ =	swait.ge [sflag:s22], $0x4000  }
0x51: {  	p0 =	sne.s32 s4, $0x1;
	[sflag:s22] =	ssyncset.done $0x0  }
.Ltmp0:
0x52: {  	[sflag:s22] =	ssyncadd.s32 $0xFFFFC000;
	(pc) =	sbr.rel @!p0 .LBB2_3-.Ltmp0, $4  }
0x53: {  	s25 =	sadd.s32 $0xFFFFFFFF, s4;
	s26 =	sadd.s32 $0x1000, s13;
	_ =	swait.ge [sflag:s22], $0x4000  }
0x54: {  	s28 =	sadd.s32 $0x20, s10;
	s29 =	sadd.s32 $0x20, s11;
	[sflag:s22] =	ssyncset.done $0x0  }
0x55: {  	s30 =	sadd.s32 $0x1000, s12;
	s31 =	smov.u32 s13;
	[sflag:s22] =	ssyncadd.s32 $0xFFFFC000  }
0x56: {  	[hbm4b:s12+s1] =	stream.linear.scatter [tilespmem:s17], [sflag:$0x3], $0x8000, $0x38;
	[tilespmem:$0x10200] =	vst v63  }
.LBB2_2:
0x57: {  	[hbm4b:s31+s1] =	stream.linear.scatter [tilespmem:s18], [sflag:$0x3], $0x8000, $0x38;
	[tilespmem:$0x10200] =	vst v63  }
0x58: {  	p0 =	sne.s32 s25, $0x1;
	s25 =	sadd.s32 $0xFFFFFFFF, s25;
	_ =	swait.ge [sflag:s23], $0x8000  }
0x59: {  	s31 =	smov.u32 s26;
	[sflag:s23] =	ssyncset.done $0x0  }
0x5a: {  	[sflag:s23] =	ssyncadd.s32 $0xFFFF8000  }
0x5b: {  	_ =	swait.ge [sflag:s23], $0x8000  }
0x5c: {  	[sflag:s23] =	ssyncset.done $0x0  }
0x5d: {  	[sflag:s23] =	ssyncadd.s32 $0xFFFF8000  }
0x5e: {  	[tilespmem:s1], [sflag:$0x1] =	stream.linear.gather [hbm4b:s28+s1], $0x100, $0x38;
	[tilespmem:$0x10200] =	vst v63  }
0x5f: {  	_ = 	snop  }
0x60: {  	[tilespmem:s14], [sflag:$0x1] =	stream.linear.gather [hbm4b:s29+s1], $0x100, $0x38;
	[tilespmem:$0x10200] =	vst v63  }
0x61: {  	_ =	swait.ge [sflag:s15], $0x100  }
0x62: {  	[sflag:s15] =	ssyncset.done $0x0  }
0x63: {  	[sflag:s15] =	ssyncadd.s32 $0xFFFFFF00  }
0x64: {  	_ =	swait.ge [sflag:s15], $0x100  }
0x65: {  	[sflag:s15] =	ssyncset.done $0x0  }
0x66: {  	[sflag:s15] =	ssyncadd.s32 $0xFFFFFF00  }
0x67: {  	[tilespmem:s17], [sflag:$0x2] =	stream.indirect.gather [hbm4b:s3+s16], $0x80, s1, s16, $0xb8;
	[tilespmem:$0x10200] =	vst v63  }
0x68: {  	_ = 	snop  }
0x69: {  	[tilespmem:s18], [sflag:$0x2] =	stream.indirect.gather [hbm4b:s3+s16], $0x80, s14, s16, $0xb8;
	[tilespmem:$0x10200] =	vst v63  }
0x6a: {  	_ = 	snop  }
0x6b: {  	[tilespmem:s19], [sflag:$0x2] =	stream.indirect.gather [hbm4b:s3+s16], $0x80, s16, s16, $0xb8;
	[tilespmem:$0x10200] =	vst v63  }
0x6c: {  	_ = 	snop  }
0x6d: {  	[tilespmem:s21], [sflag:$0x2] =	stream.indirect.gather [hbm4b:s3+s16], $0x80, s20, s16, $0xb8;
	[tilespmem:$0x10200] =	vst v63  }
0x6e: {  	_ =	swait.ge [sflag:s22], $0x4000  }
0x6f: {  	[sflag:s22] =	ssyncset.done $0x0  }
0x70: {  	[sflag:s22] =	ssyncadd.s32 $0xFFFFC000  }
0x71: {  	_ =	swait.ge [sflag:s22], $0x4000  }
0x72: {  	[sflag:s22] =	ssyncset.done $0x0  }
0x73: {  	[sflag:s22] =	ssyncadd.s32 $0xFFFFC000  }
0x74: {  	_ =	swait.ge [sflag:s22], $0x4000  }
0x75: {  	[sflag:s22] =	ssyncset.done $0x0  }
0x76: {  	[sflag:s22] =	ssyncadd.s32 $0xFFFFC000  }
.Ltmp1:
0x77: {  	_ =	swait.ge [sflag:s22], $0x4000;
	(pc) =	sbr.rel @p0 .LBB2_2-.Ltmp1, $4  }
0x78: {  	[sflag:s22] =	ssyncset.done $0x0  }
0x79: {  	s26 =	sadd.s32 $0x1000, s26;
	[sflag:s22] =	ssyncadd.s32 $0xFFFFC000  }
0x7a: {  	[hbm4b:s30+s1] =	stream.linear.scatter [tilespmem:s17], [sflag:$0x3], $0x8000, $0x38;
	[tilespmem:$0x10200] =	vst v63  }
0x7b: {  	s28 =	sadd.s32 $0x20, s28;
	s29 =	sadd.s32 $0x20, s29;
	s30 =	sadd.s32 $0x1000, s30  }
.LBB2_3:
0x7c: {  	[hbm4b:s31+s1] =	stream.linear.scatter [tilespmem:s18], [sflag:$0x3], $0x8000, $0x38;
	[tilespmem:$0x10200] =	vst v63  }
0x7d: {  	s24 =	sadd.s32 $0x1, s24  }
0x7e: {  	_ =	swait.ge [sflag:s23], $0x8000;
	p0 =	sne.s32 s24, s5  }
.Ltmp2:
0x7f: {  	[sflag:s23] =	ssyncset.done $0x0;
	(pc) =	sbr.rel @p0 .LBB2_1-.Ltmp2, $4  }
0x80: {  	[sflag:s23] =	ssyncadd.s32 $0xFFFF8000  }
0x81: {  	_ =	swait.ge [sflag:s23], $0x8000  }
0x82: {  	[sflag:s23] =	ssyncset.done $0x0  }
0x83: {  	[sflag:s23] =	ssyncadd.s32 $0xFFFF8000  }
0x84: {  	_ =	sfence.sel $0x180000  }
0x85: {  	[bflag:$0x0] =	sbarrier.arrive $0xFFFF  }
0x86: {  	p0 =	sne.s32 s2, $0x0;
	_ =	strace $0x9000004A  }
0x87: {  	s0 =	sadd.s32 @!p0 $0x100000, s0;
	[bflag:$0x2] =	sbarrier.arrive $0xFFFF  }
0x88: {  	[sflag:s0] =	ssyncadd.tile.s32 @!p0 $0x1;
	_ =	shalt  }
.Lfunc_end2:
_tile_overlayer_lowered:
.L_overlay_start_2:
0x89: {  	(tag) =	ssettag $0x2  }
0x8a: {  	s0 =	rddreg [dreg:$0x0];
	s2 =	stileid.u32  }
0x8b: {  	s1 =	rddreg [dreg:$0x1];
	p0 =	sne.s32 s2, $0x0  }
0x8c: {  	s3 =	rddreg [dreg:$0x2];
	[bflag:$0x3] =	sbarrier.arrive $0xFFFF;
	s2 =	simm.s32 @!p0 $0x1C04  }
0x8d: {  	[timem:s3], [sflag:s2] =	dma.local @!p0 [hbm:s0], s1  }
0x8e: {  	s0 =	simm.s32 @!p0 $0x4  }
0x8f: {  	_ =	swait.ge @!p0 [sflag:s0], s1  }
0x90: {  	s1 =	ssub.s32 @!p0 $0x0, s1;
	[sflag:s0] =	ssyncset.done @!p0 $0x0  }
0x91: {  	[sflag:s0] =	ssyncadd.s32 @!p0 s1  }
0x92: {  	[bflag:$0x3] =	sbarrier.arrive $0xFFFF  }
0x93: {  	_ =	shalt  }

// kernel: kernel.21.cloned.1.call-start
scs
__scs_entry_jumppad:
0x0: {  	(pc) =	sbr.rel $0x88, $3  }
0x1: {  	(tag) =	ssettag $0x0;
	lr =	simm.s32 $0x1  }
0x2: {  	[smem:$0x3F88] =	sst lr;
	_ =	strace $0xD0000000  }
0x3: {  	_ = 	snop  }
0x4: {  	_ = 	snop  }
0x5: {  	_ = 	snop  }
0x6: {  	_ = 	snop  }
0x7: {  	_ = 	snop  }
__scs_overlays_trampoline_lowered:
0x8: {  	[smem:$0x3F97] =	sst s0  }
0x9: {  	[smem:$0x3F98] =	sst s1  }
0xa: {  	[smem:$0x3F99] =	sst s2  }
0xb: {  	[smem:$0x3F9A] =	sst s3  }
0xc: {  	[smem:$0x3F9B] =	sst s4  }
0xd: {  	[smem:$0x3F9C] =	sst s5  }
0xe: {  	[smem:$0x3F9D] =	sst s6  }
0xf: {  	[smem:$0x3F9E] =	sst s7  }
0x10: {  	[smem:$0x3F9F] =	sst s8  }
0x11: {  	[smem:$0x3FA0] =	sst s9;
	s0 =	simm.s32 @!p0 $0x0  }
0x12: {  	s1 =	sld [smem:$0x3F86];
	s0 =	simm.s32 @p0 $0x1  }
0x13: {  	[smem:$0x3FA1] =	sst s0;
	s0 =	simm.s32 @!p1 $0x0  }
0x14: {  	s2 =	sld [smem:$0x3F85];
	s0 =	simm.s32 @p1 $0x1  }
0x15: {  	[smem:$0x3FA2] =	sst s0;
	s0 =	simm.s32 @!p2 $0x0  }
0x16: {  	s3 =	sld [smem:$0x3FDB];
	s0 =	simm.s32 @p2 $0x1  }
0x17: {  	s4 =	simm.s32 $0x1BF5;
	[smem:$0x3FA4] =	sst s0  }
0x18: {  	s0 =	sld [smem:$0x3F87];
	_ =	swait.ge [sflag:s4], $0x0  }
0x19: {  	s7 =	sld [smem:$0x3F88]  }
0x1a: {  	s8 =	sadd.s32 $0xFFFFE003, lr  }
0x1b: {  	s9 =	sadd.s32 $0xFFFFFEF7, lr;
	s5 =	simm.s32 $0xFFFFFFFF;
	p2 =	slt.u32 s8, $0xFFFFF086  }
0x1c: {  	p1 =	slt.u32 s9, $0xF7A;
	s5 =	simm.s32 @!p2 $0x0  }
0x1d: {  	s5 =	simm.s32 @p1 $0x1;
	p0 =	seq.s32 s7, s2  }
0x1e: {  	s7 =	smul.u32 @!p0 $0xF7A, s2;
	p2 =	seq.s32 @!p0 s5, $0x0  }
0x1f: {  	s9 =	smul.u32 $0xF7A, s1;
	s8 =	simm.s32 @!p0 $0x1BF5;
	p2 =	por !p2, p0  }
0x20: {  	[sflag:s8] =	ssyncset.s32 @!p0 $0xFFFFF086;
	s6 =	sadd.s32 @!p0 s3, s7;
	s7 =	simm.s32 @!p0 $0x108  }
0x21: {  	s3 =	sadd.s32 s3, s9;
	s6 =	sadd.s32 @!p0 $0x88, s6;
	s7 =	simm.s32 @p2 $0x1082  }
0x22: {  	[simem:s7], [sflag:s8] =	dma.local @!p0 [hbm:s6], $0xF7A  }
0x23: {  	s9 =	sor.u32 $0xD0000000, s2;
	s6 =	simm.s32 $0x108;
	_ =	swait.ge @!p0 [sflag:s8], $0x0  }
0x24: {  	s3 =	sadd.s32 $0x88, s3;
	s6 =	simm.s32 @!p1 $0x1082;
	[sflag:s4] =	ssyncset.s32 $0xFFFFF086  }
0x25: {  	[simem:s6], [sflag:s4] =	dma.local [hbm:s3], $0xF7A  }
0x26: {  	[smem:$0x3F88] =	sst s1;
	(tag) =	ssettag s2;
	_ =	strace s9  }
0x27: {  	s1 =	sld [smem:$0x3F98]  }
0x28: {  	s2 =	sld [smem:$0x3F99]  }
0x29: {  	s4 =	sld [smem:$0x3F9B]  }
0x2a: {  	p0 =	seq.s32 s5, $0x0;
	s5 =	sld [smem:$0x3F9C]  }
0x2b: {  	s6 =	sld [smem:$0x3F9D]  }
0x2c: {  	s7 =	sld [smem:$0x3F9E]  }
0x2d: {  	s3 =	simm.s32 $0x108;
	s8 =	sld [smem:$0x3F9F]  }
0x2e: {  	s3 =	simm.s32 @!p0 $0x1082;
	s9 =	sld [smem:$0x3FA0]  }
0x2f: {  	lr =	sadd.s32 s0, s3;
	s0 =	sld [smem:$0x3F97]  }
0x30: {  	s3 =	sld [smem:$0x3F9A]  }
0x31: {  	[smem:$0x3FA3] =	sst s10  }
0x32: {  	s10 =	sld [smem:$0x3FA1];
	_ =	sdelay $0x3  }
0x33: {  	p0 =	seq.s32 s10, $0x1;
	s10 =	sld [smem:$0x3FA3];
	_ =	sdelay $0x3  }
0x34: {  	[smem:$0x3FA3] =	sst s10  }
0x35: {  	s10 =	sld [smem:$0x3FA2];
	_ =	sdelay $0x3  }
0x36: {  	p1 =	seq.s32 s10, $0x1;
	s10 =	sld [smem:$0x3FA3];
	_ =	sdelay $0x3  }
0x37: {  	[smem:$0x3FA3] =	sst s10  }
0x38: {  	s10 =	sld [smem:$0x3FA4]  }
0x39: {  	_ = 	snop;
	(pc) =	sbr.ind lr, $3  }
0x3a: {  	_ = 	snop  }
0x3b: {  	_ = 	snop  }
0x3c: {  	p2 =	seq.s32 s10, $0x1;
	s10 =	sld [smem:$0x3FA3]  }
0x3d: {  	_ =	shalt  }
0x3e: {  	_ =	shalt  }
0x3f: {  	_ =	shalt  }
0x40: {  	_ =	shalt  }
0x41: {  	_ =	shalt  }
0x42: {  	_ =	shalt  }
0x43: {  	_ =	shalt  }
0x44: {  	_ =	shalt  }
0x45: {  	_ =	shalt  }
0x46: {  	_ =	shalt  }
0x47: {  	_ =	shalt  }
0x48: {  	_ =	shalt  }
0x49: {  	_ =	shalt  }
0x4a: {  	_ =	shalt  }
0x4b: {  	_ =	shalt  }
0x4c: {  	_ =	shalt  }
0x4d: {  	_ =	shalt  }
0x4e: {  	_ =	shalt  }
0x4f: {  	_ =	shalt  }
0x50: {  	_ =	shalt  }
0x51: {  	_ =	shalt  }
0x52: {  	_ =	shalt  }
0x53: {  	_ =	shalt  }
0x54: {  	_ =	shalt  }
0x55: {  	_ =	shalt  }
0x56: {  	_ =	shalt  }
0x57: {  	_ =	shalt  }
0x58: {  	_ =	shalt  }
0x59: {  	_ =	shalt  }
0x5a: {  	_ =	shalt  }
0x5b: {  	_ =	shalt  }
0x5c: {  	_ =	shalt  }
0x5d: {  	_ =	shalt  }
0x5e: {  	_ =	shalt  }
0x5f: {  	_ =	shalt  }
0x60: {  	_ =	shalt  }
0x61: {  	_ =	shalt  }
0x62: {  	_ =	shalt  }
0x63: {  	_ =	shalt  }
0x64: {  	_ =	shalt  }
0x65: {  	_ =	shalt  }
0x66: {  	_ =	shalt  }
0x67: {  	_ =	shalt  }
0x68: {  	_ =	shalt  }
0x69: {  	_ =	shalt  }
0x6a: {  	_ =	shalt  }
0x6b: {  	_ =	shalt  }
0x6c: {  	_ =	shalt  }
0x6d: {  	_ =	shalt  }
0x6e: {  	_ =	shalt  }
0x6f: {  	_ =	shalt  }
0x70: {  	_ =	shalt  }
0x71: {  	_ =	shalt  }
0x72: {  	_ =	shalt  }
0x73: {  	_ =	shalt  }
0x74: {  	_ =	shalt  }
0x75: {  	_ =	shalt  }
0x76: {  	_ =	shalt  }
0x77: {  	_ =	shalt  }
0x78: {  	_ =	shalt  }
0x79: {  	_ =	shalt  }
0x7a: {  	_ =	shalt  }
0x7b: {  	_ =	shalt  }
0x7c: {  	_ =	shalt  }
0x7d: {  	_ =	shalt  }
0x7e: {  	_ =	shalt  }
0x7f: {  	_ =	shalt  }
0x80: {  	_ =	shalt  }
0x81: {  	_ =	shalt  }
0x82: {  	_ =	shalt  }
0x83: {  	_ =	shalt  }
0x84: {  	_ =	shalt  }
0x85: {  	_ =	shalt  }
0x86: {  	_ =	shalt  }
0x87: {  	_ =	shalt  }
.Lfunc_end0:
.L_simem_size_0:
called_computation.1_lowered:
.L_overlay_start_0:
0x88: {  	s2 =	sld [smem:$0x3FD9]  }
0x89: {  	s3 =	sld [smem:$0x3FFE];
	_ =	sdelay $0x1  }
0x8a: {  	s1 =	srdreg.scid  }
0x8b: {  	s0 =	sand.u32 $0x1, s1  }
0x8c: {  	s17 =	sshll.u32 s0, $0xA;
	s2 =	sadd.s32 s3, s2  }
0x8d: {  	s2 =	sadd.s32 s2, s17  }
0x8e: {  	[smem:$0x3FAF] =	sst s2  }
0x8f: {  	_ = 	snop  }
0x90: {  	(tm) =	ssettm $0x1  }
0x91: {  	s18 =	sld [smem:$0x3FFB];
	_ =	sdelay $0x3  }
0x92: {  	_ =	strace s18  }
0x93: {  	s2 =	sld [smem:$0x3FFC];
	_ =	sdelay $0x3  }
0x94: {  	_ =	strace s2  }
0x95: {  	s2 =	sld [smem:$0x3FFD];
	_ =	sdelay $0x3  }
0x96: {  	_ =	strace s2  }
0x97: {  	_ =	strace $0x8FFFFFFF  }
0x98: {  	s19 =	sld [smem:$0x3FDB];
	_ =	sdelay $0x1  }
0x99: {  	s20 =	simm.s32 $_scs_section_size  }
0x9a: {  	s4 =	simm.s32 $_size__tile_overlayer_lowered;
	s5 =	simm.s32 $_tile_overlayer_lowered  }
0x9b: {  	s6 =	simm.s32 $0x1BFF;
	s21 =	sshll.u32 s5, $0x1;
	s3 =	sadd.s32 s20, s19  }
0x9c: {  	s22 =	simm.s32 $0x0;
	s4 =	sshll.u32 s4, $0x1;
	s5 =	sadd.s32 s21, s3  }
0x9d: {  	[timem:s22], [sflag:s6] =	dma.local [hbm:s5], s4  }
0x9e: {  	_ =	swait.ge [sflag:s6], s4  }
0x9f: {  	s4 =	ssub.s32 $0x0, s4;
	[sflag:s6] =	ssyncset.done $0x0  }
0xa0: {  	[sflag:s6] =	ssyncadd.s32 s4;
	_ =	sdelay $0x1  }
0xa1: {  	s23 =	simm.s32 $0x1B8B  }
0xa2: {  	_ =	swait.ge [sflag:s23], $0x1  }
0xa3: {  	[sflag:s23] =	ssyncset.done $0x0  }
0xa4: {  	[sflag:s23] =	ssyncadd.s32 $0xFFFFFFFF  }
0xa5: {  	s4 =	sld [smem:$0x0]  }
0xa6: {  	s5 =	sand.u32 $0xFFFFFFFE, s1  }
0xa7: {  	p0 =	sne.s32 s1, s5  }
0xa8: {  	s5 =	sshll.u32 @p0 s5, $0xE  }
0xa9: {  	s5 =	sadd.s32 @p0 $0x11B8D, s5;
	s6 =	sshll.u32 @p0 s4, $0x11  }
0xaa: {  	s5 =	sor.u32 @p0 s6, s5  }
0xab: {  	[sflag:s5] =	ssyncadd.remote.s32 @p0 $0x1;
	_ =	sdelay $0x1  }
0xac: {  	s5 =	simm.s32 @p0 $0x1B8D  }
0xad: {  	_ =	swait.eq @p0 [sflag:s5], $0x1  }
0xae: {  	[sflag:s5] =	ssyncadd.s32 @p0 $0xFFFFFFFF  }
0xaf: {  	s6 =	sshll.u32 @!p0 s1, $0xE  }
0xb0: {  	s6 =	sor.u32 @!p0 $0x4000, s6;
	s5 =	simm.s32 @!p0 $0x1B8D  }
0xb1: {  	s4 =	sshll.u32 @!p0 s4, $0x11;
	s6 =	sadd.s32 @!p0 $0x11B8D, s6;
	_ =	swait.eq @!p0 [sflag:s5], $0x1  }
0xb2: {  	s4 =	sor.u32 @!p0 s4, s6;
	[sflag:s5] =	ssyncadd.s32 @!p0 $0xFFFFFFFF  }
0xb3: {  	s25 =	simm.s32 $0x1B8E;
	s24 =	sld [smem:$0x3FFE];
	[sflag:s4] =	ssyncadd.remote.s32 @!p0 $0x1  }
0xb4: {  	s26 =	simm.s32 $execute0_lowered;
	[smem:$0x3FD2] =	sst s25  }
0xb5: {  	s5 =	sshll.u32 s26, $0x1;
	_ =	strace $0x8000004F;
	[dreg:$0x1] =	wrdreg $0xFFFFFFFF  }
0xb6: {  	s28 =	simm.s32 $_size_execute0_lowered;
	s3 =	sadd.s32 s3, s5;
	[dreg:$0x0] =	wrdreg $0x0  }
0xb7: {  	s5 =	sshll.u32 s28, $0x1;
	[dreg:$0x2] =	wrdreg s3  }
0xb8: {  	[dreg:$0x3] =	wrdreg s5  }
0xb9: {  	[dreg:$0x4] =	wrdreg $0xC0  }
0xba: {  	_ =	task [dreg:s22], $0x5FFFF  }
0xbb: {  	[dreg:$0x1] =	wrdreg $0xFFFFFFFF  }
0xbc: {  	[dreg:$0x0] =	wrdreg $0x60  }
0xbd: {  	[dreg:$0x2] =	wrdreg s24  }
0xbe: {  	[dreg:$0x3] =	wrdreg $0x81000  }
0xbf: {  	[dreg:$0x4] =	wrdreg $0x9  }
0xc0: {  	_ =	task.clear_ibuf [dreg:s22], $0x5FFFF;
	_ =	strace $0x9000004F  }
0xc1: {  	s29 =	simm.s32 $0x9;
	_ =	strace $0x80000051  }
0xc2: {  	_ =	swait.ge [sflag:s29], $0x1  }
0xc3: {  	[sflag:s29] =	ssyncadd.s32 $0xFFFFFFFF  }
0xc4: {  	_ =	strace $0x90000051  }
0xc5: {  	_ =	sfence  }
0xc6: {  	s30 =	sld [smem:$0x0];
	_ =	sdelay $0x2  }
0xc7: {  	s31 =	sshll.u32 s1, $0xD;
	s1 =	sshrl.u32 s1, $0x2  }
0xc8: {  	s4 =	sand.u32 $0x4000, s31;
	s1 =	sadd.s32 s1, s30  }
0xc9: {  	s0 =	sor.u32 s4, s0;
	s1 =	sshll.u32 s1, $0x11  }
0xca: {  	s0 =	sor.u32 s1, s0  }
0xcb: {  	s0 =	sadd.s32 $0x8F2B, s0  }
0xcc: {  	[sflag:s0] =	ssyncadd.remote.s32 $0x1  }
0xcd: {  	_ =	sfence.sel $0xFFFF  }
0xce: {  	[dreg:$0x0] =	wrdreg $0xFFFFFFFF;
	(pc) =	sbr.abs _section_cstart, $3  }
0xcf: {  	[dreg:$0x1] =	wrdreg $0xFFFFFFFF  }
0xd0: {  	_ =	task.clear_ibuf [dreg:s22], $0x2FFFF;
	_ =	strace $0x9FFFFFFF  }
0xd1: {  	(tm) =	ssettm $0x7FFFFFFF  }
tec
execute0_lowered:
.L_overlay_start_1:
0x0: {  	(tag) =	ssettag $0x1  }
0x1: {  	s1 =	srdreg.scid  }
0x2: {  	s0 =	stileid.u32;
	s7 =	rddreg [dreg:$0x0]  }
0x3: {  	s18 =	simm.s32 $0x80;
	s19 =	simm.s32 $0x4100;
	s24 =	smul.u32 $0x26, s0  }
0x4: {  	s20 =	simm.s32 $0x2;
	s21 =	simm.s32 $0x0;
	s25 =	smul.u32 $0x2700, s0  }
0x5: {  	s6 =	sand.u32 $0x1, s1;
	s2 =	sshll.u32 s0, $0x1;
	s11 =	smul.u32 $0x4E000, s0  }
0x6: {  	s1 =	rddreg [dreg:$0x2];
	s14 =	sadd.s32 $0xD19000, s7;
	s3 =	smul.u32 $0x13, s6  }
0x7: {  	s30 =	sshll.u32 s0, $0x6;
	s4 =	sor.u32 s6, s2;
	s29 =	smul.u32 $0x138800, s6  }
0x8: {  	s2 =	rddreg [dreg:$0x1];
	s9 =	ssub.s32 $0x2, s6;
	s31 =	smul.u32 $0x27100, s6  }
0x9: {  	s6 =	sor.u32 $0x1C03, s30;
	s5 =	smin.u32 s4, $0x11;
	s26 =	sshrl.u32 s9, $0x1  }
0xa: {  	s13 =	sadd.s32 s25, s7;
	p0 =	slt.u32 s4, $0x11;
	s4 =	simm.s32 $0x14  }
0xb: {  	s28 =	sshrl.u32 s11, $0x2;
	s17 =	sadd.s32 $0x138000, s2;
	s8 =	sadd.s32 s3, s24  }
0xc: {  	s3 =	simm.s32 $0x0;
	s15 =	ssub.s32 s9, s26;
	s4 =	simm.s32 @!p0 $0x13  }
0xd: {  	s16 =	sadd.s32 s28, s2;
	s9 =	sshrl.u32 s29, $0x3;
	p0 =	sne.s32 s0, $0xF  }
0xe: {  	s5 =	sadd.s32 s5, s8;
	[smem:$0x7FF] =	sst s3;
	s9 =	sadd.s32 s14, s9  }
0xf: {  	s11 =	smax.u32 s15, $0x1;
	s15 =	sshrl.u32 @!p0 s17, $0x3;
	s17 =	simm.s32 $0x1  }
0x10: {  	s8 =	sshll.u32 s5, $0xC;
	_ =	strace $0x80000050;
	s5 =	sshll.u32 s5, $0x5  }
0x11: {  	s9 =	sadd.s32 $0x27000, s9;
	s12 =	sadd.s32 s8, s7;
	s10 =	sadd.s32 s5, s7  }
0x12: {  	s5 =	sadd.s32 $0xCA3C00, s13;
	s7 =	sadd.s32 $0xCCAC00, s7;
	s8 =	sadd.s32 s25, s31  }
0x13: {  	s13 =	sshrl.u32 s16, $0x3;
	s16 =	simm.s32 $0x100;
	s8 =	sadd.s32 s14, s8  }
0x14: {  	s10 =	sadd.s32 $0x549400, s10;
	s12 =	sadd.s32 $0x2D3400, s12;
	s14 =	simm.s32 $0x3  }
.LBB2_1:
0x15: {  	[spmem:s13], [sflag:s6] =	dma.local [hbm:s5], $0x2700  }
0x16: {  	_ =	swait.ge [sflag:s14], $0x2700  }
0x17: {  	[sflag:s14] =	ssyncset.done $0x0  }
0x18: {  	s22 =	simm.s32 @!p0 $0x3;
	[sflag:s14] =	ssyncadd.s32 $0xFFFFD900  }
0x19: {  	[spmem:s15], [sflag:s6] =	dma.local @!p0 [hbm:s7], $0x100  }
0x1a: {  	_ =	swait.ge @!p0 [sflag:s22], $0x100  }
0x1b: {  	[sflag:s22] =	ssyncset.done @!p0 $0x0  }
0x1c: {  	[sflag:s22] =	ssyncadd.s32 @!p0 $0xFFFFFF00  }
0x1d: {  	[bflag:$0x0] =	sbarrier.arrive $0xFFFF  }
0x1e: {  	[tilespmem:s3], [sflag:$0x1] =	stream.linear.gather [hbm4b:s10+s3], $0x100, $0x38;
	[tilespmem:$0x1B980] =	vst v63  }
0x1f: {  	_ = 	snop  }
0x20: {  	[tilespmem:s16], [sflag:$0x1] =	stream.linear.gather [hbm4b:s12+s3], $0x8000, $0x38;
	[tilespmem:$0x1B980] =	vst v63  }
0x21: {  	_ =	swait.ge [sflag:s17], $0x100  }
0x22: {  	[sflag:s17] =	ssyncset.done $0x0  }
0x23: {  	[sflag:s17] =	ssyncadd.s32 $0xFFFFFF00  }
0x24: {  	_ =	swait.ge [sflag:s17], $0x8000  }
0x25: {  	[sflag:s17] =	ssyncset.done $0x0  }
0x26: {  	[sflag:s17] =	ssyncadd.s32 $0xFFFF8000  }
0x27: {  	[spmem:s2] =	stream.indirect.scatter.add.f32 [tilespmem:s16], [sflag:$0x2], $0x80, s3, s18, $0xb8;
	[tilespmem:$0x1B980] =	vst v63  }
0x28: {  	p1 =	sne.s32 s4, $0x1  }
0x29: {  	[spmem:s2] =	stream.indirect.scatter.add.f32 [tilespmem:s19], [sflag:$0x2], $0x80, s18, s18, $0xb8;
	[tilespmem:$0x1B980] =	vst v63  }
.Ltmp0:
0x2a: {  	_ =	swait.ge [sflag:s20], $0x4000;
	(pc) =	sbr.rel @!p1 .LBB2_3-.Ltmp0, $4  }
0x2b: {  	[sflag:s20] =	ssyncset.done $0x0  }
0x2c: {  	[sflag:s20] =	ssyncadd.s32 $0xFFFFC000  }
0x2d: {  	s23 =	sadd.s32 $0xFFFFFFFF, s4;
	_ =	swait.ge [sflag:s20], $0x4000  }
0x2e: {  	s24 =	smov.u32 s10;
	s25 =	smov.u32 s12;
	[sflag:s20] =	ssyncset.done $0x0  }
.LBB2_2:
0x2f: {  	[sflag:s20] =	ssyncadd.s32 $0xFFFFC000;
	s24 =	sadd.s32 $0x20, s24;
	s25 =	sadd.s32 $0x1000, s25  }
0x30: {  	[tilespmem:s3], [sflag:$0x1] =	stream.linear.gather [hbm4b:s24+s3], $0x100, $0x38;
	[tilespmem:$0x1B980] =	vst v63  }
0x31: {  	p1 =	sne.s32 s23, $0x1;
	s23 =	sadd.s32 $0xFFFFFFFF, s23  }
0x32: {  	[tilespmem:s16], [sflag:$0x1] =	stream.linear.gather [hbm4b:s25+s3], $0x8000, $0x38;
	[tilespmem:$0x1B980] =	vst v63  }
0x33: {  	_ =	swait.ge [sflag:s17], $0x100  }
0x34: {  	[sflag:s17] =	ssyncset.done $0x0  }
0x35: {  	[sflag:s17] =	ssyncadd.s32 $0xFFFFFF00  }
0x36: {  	_ =	swait.ge [sflag:s17], $0x8000  }
0x37: {  	[sflag:s17] =	ssyncset.done $0x0  }
0x38: {  	[sflag:s17] =	ssyncadd.s32 $0xFFFF8000  }
0x39: {  	[spmem:s2] =	stream.indirect.scatter.add.f32 [tilespmem:s16], [sflag:$0x2], $0x80, s3, s18, $0xb8;
	[tilespmem:$0x1B980] =	vst v63  }
0x3a: {  	_ = 	snop  }
0x3b: {  	[spmem:s2] =	stream.indirect.scatter.add.f32 [tilespmem:s19], [sflag:$0x2], $0x80, s18, s18, $0xb8;
	[tilespmem:$0x1B980] =	vst v63  }
.Ltmp1:
0x3c: {  	_ =	swait.ge [sflag:s20], $0x4000;
	(pc) =	sbr.rel @p1 .LBB2_2-.Ltmp1, $4  }
0x3d: {  	[sflag:s20] =	ssyncset.done $0x0  }
0x3e: {  	[sflag:s20] =	ssyncadd.s32 $0xFFFFC000  }
0x3f: {  	_ =	swait.ge [sflag:s20], $0x4000  }
0x40: {  	[sflag:s20] =	ssyncset.done $0x0  }
.LBB2_3:
0x41: {  	[sflag:s20] =	ssyncadd.s32 $0xFFFFC000  }
0x42: {  	[bflag:$0x0] =	sbarrier.arrive $0xFFFF  }
0x43: {  	[hbm:s8], [sflag:s6] =	dma.local [spmem:s13], $0x2700  }
0x44: {  	s21 =	sadd.s32 $0x1, s21;
	_ =	swait.ge [sflag:s14], $0x2700  }
0x45: {  	p1 =	sne.s32 s21, s11;
	[sflag:s14] =	ssyncset.done $0x0  }
.Ltmp2:
0x46: {  	[sflag:s14] =	ssyncadd.s32 $0xFFFFD900;
	(pc) =	sbr.rel @p1 .LBB2_1-.Ltmp2, $4  }
0x47: {  	[hbm:s9], [sflag:s6] =	dma.local @!p0 [spmem:s15], $0x100  }
0x48: {  	_ =	swait.ge @!p0 [sflag:s22], $0x100  }
0x49: {  	[sflag:s22] =	ssyncset.done @!p0 $0x0  }
0x4a: {  	[sflag:s22] =	ssyncadd.s32 @!p0 $0xFFFFFF00  }
0x4b: {  	_ =	sfence.sel $0x180000  }
0x4c: {  	[bflag:$0x0] =	sbarrier.arrive $0xFFFF  }
0x4d: {  	p0 =	sne.s32 s0, $0x0;
	_ =	strace $0x90000050  }
0x4e: {  	s0 =	sadd.s32 @!p0 $0x100000, s1;
	[bflag:$0x2] =	sbarrier.arrive $0xFFFF  }
0x4f: {  	[sflag:s0] =	ssyncadd.tile.s32 @!p0 $0x1;
	_ =	shalt  }
.Lfunc_end2:
_tile_overlayer_lowered:
.L_overlay_start_2:
0x50: {  	(tag) =	ssettag $0x2  }
0x51: {  	s0 =	rddreg [dreg:$0x0];
	s2 =	stileid.u32  }
0x52: {  	s1 =	rddreg [dreg:$0x1];
	p0 =	sne.s32 s2, $0x0  }
0x53: {  	s3 =	rddreg [dreg:$0x2];
	[bflag:$0x3] =	sbarrier.arrive $0xFFFF;
	s2 =	simm.s32 @!p0 $0x1C03  }
0x54: {  	[timem:s3], [sflag:s2] =	dma.local @!p0 [hbm:s0], s1  }
0x55: {  	s0 =	simm.s32 @!p0 $0x3  }
0x56: {  	_ =	swait.ge @!p0 [sflag:s0], s1  }
0x57: {  	s1 =	ssub.s32 @!p0 $0x0, s1;
	[sflag:s0] =	ssyncset.done @!p0 $0x0  }
0x58: {  	[sflag:s0] =	ssyncadd.s32 @!p0 s1  }
0x59: {  	[bflag:$0x3] =	sbarrier.arrive $0xFFFF  }
0x5a: {  	_ =	shalt  }

// kernel: kernel.24.cloned.1.call-start
scs
__scs_entry_jumppad:
0x0: {  	(pc) =	sbr.rel $0x88, $3  }
0x1: {  	(tag) =	ssettag $0x0;
	lr =	simm.s32 $0x1  }
0x2: {  	[smem:$0x3F88] =	sst lr;
	_ =	strace $0xD0000000  }
0x3: {  	_ = 	snop  }
0x4: {  	_ = 	snop  }
0x5: {  	_ = 	snop  }
0x6: {  	_ = 	snop  }
0x7: {  	_ = 	snop  }
__scs_overlays_trampoline_lowered:
0x8: {  	[smem:$0x3F97] =	sst s0  }
0x9: {  	[smem:$0x3F98] =	sst s1  }
0xa: {  	[smem:$0x3F99] =	sst s2  }
0xb: {  	[smem:$0x3F9A] =	sst s3  }
0xc: {  	[smem:$0x3F9B] =	sst s4  }
0xd: {  	[smem:$0x3F9C] =	sst s5  }
0xe: {  	[smem:$0x3F9D] =	sst s6  }
0xf: {  	[smem:$0x3F9E] =	sst s7  }
0x10: {  	[smem:$0x3F9F] =	sst s8  }
0x11: {  	[smem:$0x3FA0] =	sst s9;
	s0 =	simm.s32 @!p0 $0x0  }
0x12: {  	s1 =	sld [smem:$0x3F86];
	s0 =	simm.s32 @p0 $0x1  }
0x13: {  	[smem:$0x3FA1] =	sst s0;
	s0 =	simm.s32 @!p1 $0x0  }
0x14: {  	s2 =	sld [smem:$0x3F85];
	s0 =	simm.s32 @p1 $0x1  }
0x15: {  	[smem:$0x3FA2] =	sst s0;
	s0 =	simm.s32 @!p2 $0x0  }
0x16: {  	s3 =	sld [smem:$0x3FDB];
	s0 =	simm.s32 @p2 $0x1  }
0x17: {  	s4 =	simm.s32 $0x1BF5;
	[smem:$0x3FA4] =	sst s0  }
0x18: {  	s0 =	sld [smem:$0x3F87];
	_ =	swait.ge [sflag:s4], $0x0  }
0x19: {  	s7 =	sld [smem:$0x3F88]  }
0x1a: {  	s8 =	sadd.s32 $0xFFFFE003, lr  }
0x1b: {  	s9 =	sadd.s32 $0xFFFFFEF7, lr;
	s5 =	simm.s32 $0xFFFFFFFF;
	p2 =	slt.u32 s8, $0xFFFFF086  }
0x1c: {  	p1 =	slt.u32 s9, $0xF7A;
	s5 =	simm.s32 @!p2 $0x0  }
0x1d: {  	s5 =	simm.s32 @p1 $0x1;
	p0 =	seq.s32 s7, s2  }
0x1e: {  	s7 =	smul.u32 @!p0 $0xF7A, s2;
	p2 =	seq.s32 @!p0 s5, $0x0  }
0x1f: {  	s9 =	smul.u32 $0xF7A, s1;
	s8 =	simm.s32 @!p0 $0x1BF5;
	p2 =	por !p2, p0  }
0x20: {  	[sflag:s8] =	ssyncset.s32 @!p0 $0xFFFFF086;
	s6 =	sadd.s32 @!p0 s3, s7;
	s7 =	simm.s32 @!p0 $0x108  }
0x21: {  	s3 =	sadd.s32 s3, s9;
	s6 =	sadd.s32 @!p0 $0x88, s6;
	s7 =	simm.s32 @p2 $0x1082  }
0x22: {  	[simem:s7], [sflag:s8] =	dma.local @!p0 [hbm:s6], $0xF7A  }
0x23: {  	s9 =	sor.u32 $0xD0000000, s2;
	s6 =	simm.s32 $0x108;
	_ =	swait.ge @!p0 [sflag:s8], $0x0  }
0x24: {  	s3 =	sadd.s32 $0x88, s3;
	s6 =	simm.s32 @!p1 $0x1082;
	[sflag:s4] =	ssyncset.s32 $0xFFFFF086  }
0x25: {  	[simem:s6], [sflag:s4] =	dma.local [hbm:s3], $0xF7A  }
0x26: {  	[smem:$0x3F88] =	sst s1;
	(tag) =	ssettag s2;
	_ =	strace s9  }
0x27: {  	s1 =	sld [smem:$0x3F98]  }
0x28: {  	s2 =	sld [smem:$0x3F99]  }
0x29: {  	s4 =	sld [smem:$0x3F9B]  }
0x2a: {  	p0 =	seq.s32 s5, $0x0;
	s5 =	sld [smem:$0x3F9C]  }
0x2b: {  	s6 =	sld [smem:$0x3F9D]  }
0x2c: {  	s7 =	sld [smem:$0x3F9E]  }
0x2d: {  	s3 =	simm.s32 $0x108;
	s8 =	sld [smem:$0x3F9F]  }
0x2e: {  	s3 =	simm.s32 @!p0 $0x1082;
	s9 =	sld [smem:$0x3FA0]  }
0x2f: {  	lr =	sadd.s32 s0, s3;
	s0 =	sld [smem:$0x3F97]  }
0x30: {  	s3 =	sld [smem:$0x3F9A]  }
0x31: {  	[smem:$0x3FA3] =	sst s10  }
0x32: {  	s10 =	sld [smem:$0x3FA1];
	_ =	sdelay $0x3  }
0x33: {  	p0 =	seq.s32 s10, $0x1;
	s10 =	sld [smem:$0x3FA3];
	_ =	sdelay $0x3  }
0x34: {  	[smem:$0x3FA3] =	sst s10  }
0x35: {  	s10 =	sld [smem:$0x3FA2];
	_ =	sdelay $0x3  }
0x36: {  	p1 =	seq.s32 s10, $0x1;
	s10 =	sld [smem:$0x3FA3];
	_ =	sdelay $0x3  }
0x37: {  	[smem:$0x3FA3] =	sst s10  }
0x38: {  	s10 =	sld [smem:$0x3FA4]  }
0x39: {  	_ = 	snop;
	(pc) =	sbr.ind lr, $3  }
0x3a: {  	_ = 	snop  }
0x3b: {  	_ = 	snop  }
0x3c: {  	p2 =	seq.s32 s10, $0x1;
	s10 =	sld [smem:$0x3FA3]  }
0x3d: {  	_ =	shalt  }
0x3e: {  	_ =	shalt  }
0x3f: {  	_ =	shalt  }
0x40: {  	_ =	shalt  }
0x41: {  	_ =	shalt  }
0x42: {  	_ =	shalt  }
0x43: {  	_ =	shalt  }
0x44: {  	_ =	shalt  }
0x45: {  	_ =	shalt  }
0x46: {  	_ =	shalt  }
0x47: {  	_ =	shalt  }
0x48: {  	_ =	shalt  }
0x49: {  	_ =	shalt  }
0x4a: {  	_ =	shalt  }
0x4b: {  	_ =	shalt  }
0x4c: {  	_ =	shalt  }
0x4d: {  	_ =	shalt  }
0x4e: {  	_ =	shalt  }
0x4f: {  	_ =	shalt  }
0x50: {  	_ =	shalt  }
0x51: {  	_ =	shalt  }
0x52: {  	_ =	shalt  }
0x53: {  	_ =	shalt  }
0x54: {  	_ =	shalt  }
0x55: {  	_ =	shalt  }
0x56: {  	_ =	shalt  }
0x57: {  	_ =	shalt  }
0x58: {  	_ =	shalt  }
0x59: {  	_ =	shalt  }
0x5a: {  	_ =	shalt  }
0x5b: {  	_ =	shalt  }
0x5c: {  	_ =	shalt  }
0x5d: {  	_ =	shalt  }
0x5e: {  	_ =	shalt  }
0x5f: {  	_ =	shalt  }
0x60: {  	_ =	shalt  }
0x61: {  	_ =	shalt  }
0x62: {  	_ =	shalt  }
0x63: {  	_ =	shalt  }
0x64: {  	_ =	shalt  }
0x65: {  	_ =	shalt  }
0x66: {  	_ =	shalt  }
0x67: {  	_ =	shalt  }
0x68: {  	_ =	shalt  }
0x69: {  	_ =	shalt  }
0x6a: {  	_ =	shalt  }
0x6b: {  	_ =	shalt  }
0x6c: {  	_ =	shalt  }
0x6d: {  	_ =	shalt  }
0x6e: {  	_ =	shalt  }
0x6f: {  	_ =	shalt  }
0x70: {  	_ =	shalt  }
0x71: {  	_ =	shalt  }
0x72: {  	_ =	shalt  }
0x73: {  	_ =	shalt  }
0x74: {  	_ =	shalt  }
0x75: {  	_ =	shalt  }
0x76: {  	_ =	shalt  }
0x77: {  	_ =	shalt  }
0x78: {  	_ =	shalt  }
0x79: {  	_ =	shalt  }
0x7a: {  	_ =	shalt  }
0x7b: {  	_ =	shalt  }
0x7c: {  	_ =	shalt  }
0x7d: {  	_ =	shalt  }
0x7e: {  	_ =	shalt  }
0x7f: {  	_ =	shalt  }
0x80: {  	_ =	shalt  }
0x81: {  	_ =	shalt  }
0x82: {  	_ =	shalt  }
0x83: {  	_ =	shalt  }
0x84: {  	_ =	shalt  }
0x85: {  	_ =	shalt  }
0x86: {  	_ =	shalt  }
0x87: {  	_ =	shalt  }
.Lfunc_end0:
.L_simem_size_0:
called_computation.2_lowered:
.L_overlay_start_0:
0x88: {  	s2 =	sld [smem:$0x3FD9]  }
0x89: {  	s3 =	sld [smem:$0x3FFE];
	_ =	sdelay $0x1  }
0x8a: {  	s1 =	srdreg.scid  }
0x8b: {  	s0 =	sand.u32 $0x1, s1  }
0x8c: {  	s16 =	sshll.u32 s0, $0xA;
	s2 =	sadd.s32 s3, s2  }
0x8d: {  	s2 =	sadd.s32 s2, s16  }
0x8e: {  	[smem:$0x3FAF] =	sst s2  }
0x8f: {  	_ = 	snop  }
0x90: {  	(tm) =	ssettm $0x1  }
0x91: {  	s17 =	sld [smem:$0x3FFB];
	_ =	sdelay $0x3  }
0x92: {  	_ =	strace s17  }
0x93: {  	s2 =	sld [smem:$0x3FFC];
	_ =	sdelay $0x3  }
0x94: {  	_ =	strace s2  }
0x95: {  	s2 =	sld [smem:$0x3FFD];
	_ =	sdelay $0x3  }
0x96: {  	_ =	strace s2  }
0x97: {  	_ =	strace $0x8FFFFFFF  }
0x98: {  	s18 =	sld [smem:$0x3FDB];
	_ =	sdelay $0x1  }
0x99: {  	s19 =	simm.s32 $_scs_section_size  }
0x9a: {  	s4 =	simm.s32 $_size__tile_overlayer_lowered;
	s5 =	simm.s32 $_tile_overlayer_lowered  }
0x9b: {  	s22 =	simm.s32 $0x1BFF;
	s21 =	sshll.u32 s5, $0x1;
	s2 =	sadd.s32 s19, s18  }
0x9c: {  	s6 =	simm.s32 $0x0;
	s20 =	sshll.u32 s4, $0x1;
	s4 =	sadd.s32 s21, s2  }
0x9d: {  	[timem:s6], [sflag:s22] =	dma.local [hbm:s4], s20  }
0x9e: {  	_ =	swait.ge [sflag:s22], s20  }
0x9f: {  	s3 =	ssub.s32 $0x0, s20;
	[sflag:s22] =	ssyncset.done $0x0  }
0xa0: {  	[sflag:s22] =	ssyncadd.s32 s3;
	_ =	sdelay $0x1  }
0xa1: {  	s23 =	simm.s32 $0x1B8B  }
0xa2: {  	_ =	swait.ge [sflag:s23], $0x1  }
0xa3: {  	[sflag:s23] =	ssyncset.done $0x0  }
0xa4: {  	s25 =	simm.s32 $0x1B8E;
	s24 =	sld [smem:$0x3FFE];
	[sflag:s23] =	ssyncadd.s32 $0xFFFFFFFF  }
0xa5: {  	s26 =	simm.s32 $execute0_lowered;
	[smem:$0x3FD2] =	sst s25  }
0xa6: {  	s4 =	sshll.u32 s26, $0x1;
	_ =	strace $0x80000046;
	[dreg:$0x1] =	wrdreg $0xFFFFFFFF  }
0xa7: {  	s28 =	simm.s32 $_size_execute0_lowered;
	s2 =	sadd.s32 s2, s4;
	[dreg:$0x0] =	wrdreg $0x0  }
0xa8: {  	s4 =	sshll.u32 s28, $0x1;
	[dreg:$0x2] =	wrdreg s2  }
0xa9: {  	[dreg:$0x3] =	wrdreg s4  }
0xaa: {  	[dreg:$0x4] =	wrdreg $0xC0  }
0xab: {  	_ =	task [dreg:s6], $0x5FFFF  }
0xac: {  	[dreg:$0x1] =	wrdreg $0xFFFFFFFF  }
0xad: {  	[dreg:$0x0] =	wrdreg $0x60  }
0xae: {  	[dreg:$0x2] =	wrdreg s24  }
0xaf: {  	[dreg:$0x3] =	wrdreg $0xA  }
0xb0: {  	_ =	task.clear_ibuf [dreg:s6], $0x4FFFF;
	_ =	strace $0x90000046  }
0xb1: {  	s29 =	simm.s32 $0xA;
	_ =	strace $0x80000048  }
0xb2: {  	_ =	swait.ge [sflag:s29], $0x1  }
0xb3: {  	[sflag:s29] =	ssyncadd.s32 $0xFFFFFFFF  }
0xb4: {  	_ =	strace $0x90000048  }
0xb5: {  	_ =	sfence  }
0xb6: {  	s30 =	sld [smem:$0x0];
	_ =	sdelay $0x2  }
0xb7: {  	s31 =	sshll.u32 s1, $0xD;
	s1 =	sshrl.u32 s1, $0x2  }
0xb8: {  	s3 =	sand.u32 $0x4000, s31;
	s1 =	sadd.s32 s1, s30  }
0xb9: {  	s0 =	sor.u32 s3, s0;
	s1 =	sshll.u32 s1, $0x11  }
0xba: {  	s0 =	sor.u32 s1, s0  }
0xbb: {  	s0 =	sadd.s32 $0x8F2B, s0  }
0xbc: {  	[sflag:s0] =	ssyncadd.remote.s32 $0x1  }
0xbd: {  	_ =	sfence.sel $0xFFFF  }
0xbe: {  	[dreg:$0x0] =	wrdreg $0xFFFFFFFF;
	(pc) =	sbr.abs _section_cstart, $3  }
0xbf: {  	[dreg:$0x1] =	wrdreg $0xFFFFFFFF  }
0xc0: {  	_ =	task.clear_ibuf [dreg:s6], $0x2FFFF;
	_ =	strace $0x9FFFFFFF  }
0xc1: {  	(tm) =	ssettm $0x7FFFFFFF  }
tec
execute0_lowered:
.L_overlay_start_1:
0x0: {  	(tag) =	ssettag $0x1  }
0x1: {  	s4 =	rddreg [dreg:$0x0]  }
0x2: {  	s0 =	rddreg [dreg:$0x1]  }
0x3: {  	s1 =	simm.s32 $0x0;
	s5 =	srdreg.scid;
	s2 =	stileid.u32  }
0x4: {  	s17 =	simm.s32 $0x200;
	s18 =	simm.s32 $0x8200;
	s19 =	simm.s32 $0x4200  }
0x5: {  	s20 =	simm.s32 $0x180;
	s21 =	simm.s32 $0xC200;
	s22 =	simm.s32 $0x2  }
0x6: {  	s23 =	simm.s32 $0x3;
	s24 =	simm.s32 $0x0;
	[smem:$0x7FF] =	sst s1  }
0x7: {  	s3 =	sadd.s32 $0x14000, s4;
	s10 =	sadd.s32 $0xA000, s4;
	s5 =	sand.u32 $0x1, s5  }
0x8: {  	s6 =	sshll.u32 s2, $0x1;
	s11 =	sadd.s32 $0xF000, s4;
	s12 =	sadd.s32 $0x62400, s4  }
0x9: {  	s13 =	sadd.s32 $0x2D3400, s4;
	s14 =	smul.u32 $0x26, s2;
	s4 =	simm.s32 $0x13  }
0xa: {  	s6 =	sor.u32 s5, s6;
	s7 =	ssub.s32 $0x2, s5;
	s25 =	smul.u32 $0x13, s5  }
0xb: {  	_ =	strace $0x80000047;
	s8 =	smul.u32 $0x13, s6;
	s9 =	sshrl.u32 s7, $0x1  }
0xc: {  	p0 =	slt.u32 s6, $0x11;
	s15 =	smin.u32 s6, $0x11;
	s26 =	ssub.s32 s7, s9  }
0xd: {  	s4 =	simm.s32 @!p0 $0x12;
	s29 =	sadd.s32 s25, s14;
	s14 =	simm.s32 $0x100  }
0xe: {  	s28 =	sadd.s32 s15, s8;
	s5 =	smax.u32 s26, $0x1;
	s15 =	sadd.s32 s15, s29  }
0xf: {  	s8 =	sshll.u32 s28, $0x5;
	s30 =	sshll.u32 s28, $0xC;
	s16 =	sshll.u32 s15, $0x5  }
0x10: {  	s31 =	sshll.u32 s15, $0xC;
	s15 =	simm.s32 $0x1;
	s6 =	sadd.s32 s10, s8  }
0x11: {  	s7 =	sadd.s32 s11, s8;
	s8 =	sadd.s32 s12, s30;
	s9 =	sadd.s32 s13, s30  }
0x12: {  	s10 =	sadd.s32 s16, s10;
	s11 =	sadd.s32 s16, s11;
	s12 =	sadd.s32 s31, s12  }
0x13: {  	s13 =	sadd.s32 s31, s13;
	s16 =	simm.s32 $0x80;
	s10 =	sadd.s32 $0x20, s10  }
0x14: {  	s11 =	sadd.s32 $0x20, s11;
	s12 =	sadd.s32 $0x1000, s12;
	s13 =	sadd.s32 $0x1000, s13  }
.LBB2_1:
0x15: {  	[tilespmem:s1], [sflag:$0x1] =	stream.linear.gather [hbm4b:s6+s1], $0x100, $0x38;
	[tilespmem:$0x10200] =	vst v63  }
0x16: {  	_ = 	snop  }
0x17: {  	[tilespmem:s14], [sflag:$0x1] =	stream.linear.gather [hbm4b:s7+s1], $0x100, $0x38;
	[tilespmem:$0x10200] =	vst v63  }
0x18: {  	_ =	swait.ge [sflag:s15], $0x100  }
0x19: {  	[sflag:s15] =	ssyncset.done $0x0  }
0x1a: {  	[sflag:s15] =	ssyncadd.s32 $0xFFFFFF00  }
0x1b: {  	_ =	swait.ge [sflag:s15], $0x100  }
0x1c: {  	[sflag:s15] =	ssyncset.done $0x0  }
0x1d: {  	[sflag:s15] =	ssyncadd.s32 $0xFFFFFF00  }
0x1e: {  	[tilespmem:s17], [sflag:$0x2] =	stream.indirect.gather [hbm4b:s3+s16], $0x80, s1, s16, $0xb8;
	[tilespmem:$0x10200] =	vst v63  }
0x1f: {  	_ = 	snop  }
0x20: {  	[tilespmem:s18], [sflag:$0x2] =	stream.indirect.gather [hbm4b:s3+s16], $0x80, s14, s16, $0xb8;
	[tilespmem:$0x10200] =	vst v63  }
0x21: {  	_ = 	snop  }
0x22: {  	[tilespmem:s19], [sflag:$0x2] =	stream.indirect.gather [hbm4b:s3+s16], $0x80, s16, s16, $0xb8;
	[tilespmem:$0x10200] =	vst v63  }
0x23: {  	_ = 	snop  }
0x24: {  	[tilespmem:s21], [sflag:$0x2] =	stream.indirect.gather [hbm4b:s3+s16], $0x80, s20, s16, $0xb8;
	[tilespmem:$0x10200] =	vst v63  }
0x25: {  	_ =	swait.ge [sflag:s22], $0x4000  }
0x26: {  	[sflag:s22] =	ssyncset.done $0x0  }
0x27: {  	[sflag:s22] =	ssyncadd.s32 $0xFFFFC000  }
0x28: {  	_ =	swait.ge [sflag:s22], $0x4000  }
0x29: {  	[sflag:s22] =	ssyncset.done $0x0  }
0x2a: {  	[sflag:s22] =	ssyncadd.s32 $0xFFFFC000  }
0x2b: {  	_ =	swait.ge [sflag:s22], $0x4000  }
0x2c: {  	[sflag:s22] =	ssyncset.done $0x0  }
0x2d: {  	[sflag:s22] =	ssyncadd.s32 $0xFFFFC000  }
0x2e: {  	_ =	swait.ge [sflag:s22], $0x4000  }
0x2f: {  	[sflag:s22] =	ssyncset.done $0x0  }
0x30: {  	[sflag:s22] =	ssyncadd.s32 $0xFFFFC000  }
0x31: {  	[hbm4b:s8+s1] =	stream.linear.scatter [tilespmem:s17], [sflag:$0x3], $0x8000, $0x38;
	[tilespmem:$0x10200] =	vst v63  }
0x32: {  	_ = 	snop  }
0x33: {  	[hbm4b:s9+s1] =	stream.linear.scatter [tilespmem:s18], [sflag:$0x3], $0x8000, $0x38;
	[tilespmem:$0x10200] =	vst v63  }
0x34: {  	_ =	swait.ge [sflag:s23], $0x8000  }
0x35: {  	[sflag:s23] =	ssyncset.done $0x0  }
0x36: {  	[sflag:s23] =	ssyncadd.s32 $0xFFFF8000  }
0x37: {  	_ =	swait.ge [sflag:s23], $0x8000  }
0x38: {  	[sflag:s23] =	ssyncset.done $0x0  }
0x39: {  	[sflag:s23] =	ssyncadd.s32 $0xFFFF8000  }
0x3a: {  	[tilespmem:s1], [sflag:$0x1] =	stream.linear.gather [hbm4b:s10+s1], $0x100, $0x38;
	[tilespmem:$0x10200] =	vst v63  }
0x3b: {  	_ = 	snop  }
0x3c: {  	[tilespmem:s14], [sflag:$0x1] =	stream.linear.gather [hbm4b:s11+s1], $0x100, $0x38;
	[tilespmem:$0x10200] =	vst v63  }
0x3d: {  	_ =	swait.ge [sflag:s15], $0x100  }
0x3e: {  	[sflag:s15] =	ssyncset.done $0x0  }
0x3f: {  	[sflag:s15] =	ssyncadd.s32 $0xFFFFFF00  }
0x40: {  	_ =	swait.ge [sflag:s15], $0x100  }
0x41: {  	[sflag:s15] =	ssyncset.done $0x0  }
0x42: {  	[sflag:s15] =	ssyncadd.s32 $0xFFFFFF00  }
0x43: {  	[tilespmem:s17], [sflag:$0x2] =	stream.indirect.gather [hbm4b:s3+s16], $0x80, s1, s16, $0xb8;
	[tilespmem:$0x10200] =	vst v63  }
0x44: {  	_ = 	snop  }
0x45: {  	[tilespmem:s18], [sflag:$0x2] =	stream.indirect.gather [hbm4b:s3+s16], $0x80, s14, s16, $0xb8;
	[tilespmem:$0x10200] =	vst v63  }
0x46: {  	_ = 	snop  }
0x47: {  	[tilespmem:s19], [sflag:$0x2] =	stream.indirect.gather [hbm4b:s3+s16], $0x80, s16, s16, $0xb8;
	[tilespmem:$0x10200] =	vst v63  }
0x48: {  	_ = 	snop  }
0x49: {  	[tilespmem:s21], [sflag:$0x2] =	stream.indirect.gather [hbm4b:s3+s16], $0x80, s20, s16, $0xb8;
	[tilespmem:$0x10200] =	vst v63  }
0x4a: {  	_ =	swait.ge [sflag:s22], $0x4000  }
0x4b: {  	[sflag:s22] =	ssyncset.done $0x0  }
0x4c: {  	[sflag:s22] =	ssyncadd.s32 $0xFFFFC000  }
0x4d: {  	_ =	swait.ge [sflag:s22], $0x4000  }
0x4e: {  	[sflag:s22] =	ssyncset.done $0x0  }
0x4f: {  	[sflag:s22] =	ssyncadd.s32 $0xFFFFC000  }
0x50: {  	_ =	swait.ge [sflag:s22], $0x4000  }
0x51: {  	p0 =	sne.s32 s4, $0x1;
	[sflag:s22] =	ssyncset.done $0x0  }
.Ltmp0:
0x52: {  	[sflag:s22] =	ssyncadd.s32 $0xFFFFC000;
	(pc) =	sbr.rel @!p0 .LBB2_3-.Ltmp0, $4  }
0x53: {  	s25 =	sadd.s32 $0xFFFFFFFF, s4;
	s26 =	sadd.s32 $0x1000, s13;
	_ =	swait.ge [sflag:s22], $0x4000  }
0x54: {  	s28 =	sadd.s32 $0x20, s10;
	s29 =	sadd.s32 $0x20, s11;
	[sflag:s22] =	ssyncset.done $0x0  }
0x55: {  	s30 =	sadd.s32 $0x1000, s12;
	s31 =	smov.u32 s13;
	[sflag:s22] =	ssyncadd.s32 $0xFFFFC000  }
0x56: {  	[hbm4b:s12+s1] =	stream.linear.scatter [tilespmem:s17], [sflag:$0x3], $0x8000, $0x38;
	[tilespmem:$0x10200] =	vst v63  }
.LBB2_2:
0x57: {  	[hbm4b:s31+s1] =	stream.linear.scatter [tilespmem:s18], [sflag:$0x3], $0x8000, $0x38;
	[tilespmem:$0x10200] =	vst v63  }
0x58: {  	p0 =	sne.s32 s25, $0x1;
	s25 =	sadd.s32 $0xFFFFFFFF, s25;
	_ =	swait.ge [sflag:s23], $0x8000  }
0x59: {  	s31 =	smov.u32 s26;
	[sflag:s23] =	ssyncset.done $0x0  }
0x5a: {  	[sflag:s23] =	ssyncadd.s32 $0xFFFF8000  }
0x5b: {  	_ =	swait.ge [sflag:s23], $0x8000  }
0x5c: {  	[sflag:s23] =	ssyncset.done $0x0  }
0x5d: {  	[sflag:s23] =	ssyncadd.s32 $0xFFFF8000  }
0x5e: {  	[tilespmem:s1], [sflag:$0x1] =	stream.linear.gather [hbm4b:s28+s1], $0x100, $0x38;
	[tilespmem:$0x10200] =	vst v63  }
0x5f: {  	_ = 	snop  }
0x60: {  	[tilespmem:s14], [sflag:$0x1] =	stream.linear.gather [hbm4b:s29+s1], $0x100, $0x38;
	[tilespmem:$0x10200] =	vst v63  }
0x61: {  	_ =	swait.ge [sflag:s15], $0x100  }
0x62: {  	[sflag:s15] =	ssyncset.done $0x0  }
0x63: {  	[sflag:s15] =	ssyncadd.s32 $0xFFFFFF00  }
0x64: {  	_ =	swait.ge [sflag:s15], $0x100  }
0x65: {  	[sflag:s15] =	ssyncset.done $0x0  }
0x66: {  	[sflag:s15] =	ssyncadd.s32 $0xFFFFFF00  }
0x67: {  	[tilespmem:s17], [sflag:$0x2] =	stream.indirect.gather [hbm4b:s3+s16], $0x80, s1, s16, $0xb8;
	[tilespmem:$0x10200] =	vst v63  }
0x68: {  	_ = 	snop  }
0x69: {  	[tilespmem:s18], [sflag:$0x2] =	stream.indirect.gather [hbm4b:s3+s16], $0x80, s14, s16, $0xb8;
	[tilespmem:$0x10200] =	vst v63  }
0x6a: {  	_ = 	snop  }
0x6b: {  	[tilespmem:s19], [sflag:$0x2] =	stream.indirect.gather [hbm4b:s3+s16], $0x80, s16, s16, $0xb8;
	[tilespmem:$0x10200] =	vst v63  }
0x6c: {  	_ = 	snop  }
0x6d: {  	[tilespmem:s21], [sflag:$0x2] =	stream.indirect.gather [hbm4b:s3+s16], $0x80, s20, s16, $0xb8;
	[tilespmem:$0x10200] =	vst v63  }
0x6e: {  	_ =	swait.ge [sflag:s22], $0x4000  }
0x6f: {  	[sflag:s22] =	ssyncset.done $0x0  }
0x70: {  	[sflag:s22] =	ssyncadd.s32 $0xFFFFC000  }
0x71: {  	_ =	swait.ge [sflag:s22], $0x4000  }
0x72: {  	[sflag:s22] =	ssyncset.done $0x0  }
0x73: {  	[sflag:s22] =	ssyncadd.s32 $0xFFFFC000  }
0x74: {  	_ =	swait.ge [sflag:s22], $0x4000  }
0x75: {  	[sflag:s22] =	ssyncset.done $0x0  }
0x76: {  	[sflag:s22] =	ssyncadd.s32 $0xFFFFC000  }
.Ltmp1:
0x77: {  	_ =	swait.ge [sflag:s22], $0x4000;
	(pc) =	sbr.rel @p0 .LBB2_2-.Ltmp1, $4  }
0x78: {  	[sflag:s22] =	ssyncset.done $0x0  }
0x79: {  	s26 =	sadd.s32 $0x1000, s26;
	[sflag:s22] =	ssyncadd.s32 $0xFFFFC000  }
0x7a: {  	[hbm4b:s30+s1] =	stream.linear.scatter [tilespmem:s17], [sflag:$0x3], $0x8000, $0x38;
	[tilespmem:$0x10200] =	vst v63  }
0x7b: {  	s28 =	sadd.s32 $0x20, s28;
	s29 =	sadd.s32 $0x20, s29;
	s30 =	sadd.s32 $0x1000, s30  }
.LBB2_3:
0x7c: {  	[hbm4b:s31+s1] =	stream.linear.scatter [tilespmem:s18], [sflag:$0x3], $0x8000, $0x38;
	[tilespmem:$0x10200] =	vst v63  }
0x7d: {  	s24 =	sadd.s32 $0x1, s24  }
0x7e: {  	_ =	swait.ge [sflag:s23], $0x8000;
	p0 =	sne.s32 s24, s5  }
.Ltmp2:
0x7f: {  	[sflag:s23] =	ssyncset.done $0x0;
	(pc) =	sbr.rel @p0 .LBB2_1-.Ltmp2, $4  }
0x80: {  	[sflag:s23] =	ssyncadd.s32 $0xFFFF8000  }
0x81: {  	_ =	swait.ge [sflag:s23], $0x8000  }
0x82: {  	[sflag:s23] =	ssyncset.done $0x0  }
0x83: {  	[sflag:s23] =	ssyncadd.s32 $0xFFFF8000  }
0x84: {  	_ =	sfence.sel $0x180000  }
0x85: {  	[bflag:$0x0] =	sbarrier.arrive $0xFFFF  }
0x86: {  	p0 =	sne.s32 s2, $0x0;
	_ =	strace $0x90000047  }
0x87: {  	s0 =	sadd.s32 @!p0 $0x100000, s0;
	[bflag:$0x2] =	sbarrier.arrive $0xFFFF  }
0x88: {  	[sflag:s0] =	ssyncadd.tile.s32 @!p0 $0x1;
	_ =	shalt  }
.Lfunc_end2:
_tile_overlayer_lowered:
.L_overlay_start_2:
0x89: {  	(tag) =	ssettag $0x2  }
0x8a: {  	s0 =	rddreg [dreg:$0x0];
	s2 =	stileid.u32  }
0x8b: {  	s1 =	rddreg [dreg:$0x1];
	p0 =	sne.s32 s2, $0x0  }
0x8c: {  	s3 =	rddreg [dreg:$0x2];
	[bflag:$0x3] =	sbarrier.arrive $0xFFFF;
	s2 =	simm.s32 @!p0 $0x1C04  }
0x8d: {  	[timem:s3], [sflag:s2] =	dma.local @!p0 [hbm:s0], s1  }
0x8e: {  	s0 =	simm.s32 @!p0 $0x4  }
0x8f: {  	_ =	swait.ge @!p0 [sflag:s0], s1  }
0x90: {  	s1 =	ssub.s32 @!p0 $0x0, s1;
	[sflag:s0] =	ssyncset.done @!p0 $0x0  }
0x91: {  	[sflag:s0] =	ssyncadd.s32 @!p0 s1  }
0x92: {  	[bflag:$0x3] =	sbarrier.arrive $0xFFFF  }
0x93: {  	_ =	shalt  }

// kernel: kernel.27.cloned.1.call-start
scs
__scs_entry_jumppad:
0x0: {  	(pc) =	sbr.rel $0x88, $3  }
0x1: {  	(tag) =	ssettag $0x0;
	lr =	simm.s32 $0x1  }
0x2: {  	[smem:$0x3F88] =	sst lr;
	_ =	strace $0xD0000000  }
0x3: {  	_ = 	snop  }
0x4: {  	_ = 	snop  }
0x5: {  	_ = 	snop  }
0x6: {  	_ = 	snop  }
0x7: {  	_ = 	snop  }
__scs_overlays_trampoline_lowered:
0x8: {  	[smem:$0x3F97] =	sst s0  }
0x9: {  	[smem:$0x3F98] =	sst s1  }
0xa: {  	[smem:$0x3F99] =	sst s2  }
0xb: {  	[smem:$0x3F9A] =	sst s3  }
0xc: {  	[smem:$0x3F9B] =	sst s4  }
0xd: {  	[smem:$0x3F9C] =	sst s5  }
0xe: {  	[smem:$0x3F9D] =	sst s6  }
0xf: {  	[smem:$0x3F9E] =	sst s7  }
0x10: {  	[smem:$0x3F9F] =	sst s8  }
0x11: {  	[smem:$0x3FA0] =	sst s9;
	s0 =	simm.s32 @!p0 $0x0  }
0x12: {  	s1 =	sld [smem:$0x3F86];
	s0 =	simm.s32 @p0 $0x1  }
0x13: {  	[smem:$0x3FA1] =	sst s0;
	s0 =	simm.s32 @!p1 $0x0  }
0x14: {  	s2 =	sld [smem:$0x3F85];
	s0 =	simm.s32 @p1 $0x1  }
0x15: {  	[smem:$0x3FA2] =	sst s0;
	s0 =	simm.s32 @!p2 $0x0  }
0x16: {  	s3 =	sld [smem:$0x3FDB];
	s0 =	simm.s32 @p2 $0x1  }
0x17: {  	s4 =	simm.s32 $0x1BF5;
	[smem:$0x3FA4] =	sst s0  }
0x18: {  	s0 =	sld [smem:$0x3F87];
	_ =	swait.ge [sflag:s4], $0x0  }
0x19: {  	s7 =	sld [smem:$0x3F88]  }
0x1a: {  	s8 =	sadd.s32 $0xFFFFE003, lr  }
0x1b: {  	s9 =	sadd.s32 $0xFFFFFEF7, lr;
	s5 =	simm.s32 $0xFFFFFFFF;
	p2 =	slt.u32 s8, $0xFFFFF086  }
0x1c: {  	p1 =	slt.u32 s9, $0xF7A;
	s5 =	simm.s32 @!p2 $0x0  }
0x1d: {  	s5 =	simm.s32 @p1 $0x1;
	p0 =	seq.s32 s7, s2  }
0x1e: {  	s7 =	smul.u32 @!p0 $0xF7A, s2;
	p2 =	seq.s32 @!p0 s5, $0x0  }
0x1f: {  	s9 =	smul.u32 $0xF7A, s1;
	s8 =	simm.s32 @!p0 $0x1BF5;
	p2 =	por !p2, p0  }
0x20: {  	[sflag:s8] =	ssyncset.s32 @!p0 $0xFFFFF086;
	s6 =	sadd.s32 @!p0 s3, s7;
	s7 =	simm.s32 @!p0 $0x108  }
0x21: {  	s3 =	sadd.s32 s3, s9;
	s6 =	sadd.s32 @!p0 $0x88, s6;
	s7 =	simm.s32 @p2 $0x1082  }
0x22: {  	[simem:s7], [sflag:s8] =	dma.local @!p0 [hbm:s6], $0xF7A  }
0x23: {  	s9 =	sor.u32 $0xD0000000, s2;
	s6 =	simm.s32 $0x108;
	_ =	swait.ge @!p0 [sflag:s8], $0x0  }
0x24: {  	s3 =	sadd.s32 $0x88, s3;
	s6 =	simm.s32 @!p1 $0x1082;
	[sflag:s4] =	ssyncset.s32 $0xFFFFF086  }
0x25: {  	[simem:s6], [sflag:s4] =	dma.local [hbm:s3], $0xF7A  }
0x26: {  	[smem:$0x3F88] =	sst s1;
	(tag) =	ssettag s2;
	_ =	strace s9  }
0x27: {  	s1 =	sld [smem:$0x3F98]  }
0x28: {  	s2 =	sld [smem:$0x3F99]  }
0x29: {  	s4 =	sld [smem:$0x3F9B]  }
0x2a: {  	p0 =	seq.s32 s5, $0x0;
	s5 =	sld [smem:$0x3F9C]  }
0x2b: {  	s6 =	sld [smem:$0x3F9D]  }
0x2c: {  	s7 =	sld [smem:$0x3F9E]  }
0x2d: {  	s3 =	simm.s32 $0x108;
	s8 =	sld [smem:$0x3F9F]  }
0x2e: {  	s3 =	simm.s32 @!p0 $0x1082;
	s9 =	sld [smem:$0x3FA0]  }
0x2f: {  	lr =	sadd.s32 s0, s3;
	s0 =	sld [smem:$0x3F97]  }
0x30: {  	s3 =	sld [smem:$0x3F9A]  }
0x31: {  	[smem:$0x3FA3] =	sst s10  }
0x32: {  	s10 =	sld [smem:$0x3FA1];
	_ =	sdelay $0x3  }
0x33: {  	p0 =	seq.s32 s10, $0x1;
	s10 =	sld [smem:$0x3FA3];
	_ =	sdelay $0x3  }
0x34: {  	[smem:$0x3FA3] =	sst s10  }
0x35: {  	s10 =	sld [smem:$0x3FA2];
	_ =	sdelay $0x3  }
0x36: {  	p1 =	seq.s32 s10, $0x1;
	s10 =	sld [smem:$0x3FA3];
	_ =	sdelay $0x3  }
0x37: {  	[smem:$0x3FA3] =	sst s10  }
0x38: {  	s10 =	sld [smem:$0x3FA4]  }
0x39: {  	_ = 	snop;
	(pc) =	sbr.ind lr, $3  }
0x3a: {  	_ = 	snop  }
0x3b: {  	_ = 	snop  }
0x3c: {  	p2 =	seq.s32 s10, $0x1;
	s10 =	sld [smem:$0x3FA3]  }
0x3d: {  	_ =	shalt  }
0x3e: {  	_ =	shalt  }
0x3f: {  	_ =	shalt  }
0x40: {  	_ =	shalt  }
0x41: {  	_ =	shalt  }
0x42: {  	_ =	shalt  }
0x43: {  	_ =	shalt  }
0x44: {  	_ =	shalt  }
0x45: {  	_ =	shalt  }
0x46: {  	_ =	shalt  }
0x47: {  	_ =	shalt  }
0x48: {  	_ =	shalt  }
0x49: {  	_ =	shalt  }
0x4a: {  	_ =	shalt  }
0x4b: {  	_ =	shalt  }
0x4c: {  	_ =	shalt  }
0x4d: {  	_ =	shalt  }
0x4e: {  	_ =	shalt  }
0x4f: {  	_ =	shalt  }
0x50: {  	_ =	shalt  }
0x51: {  	_ =	shalt  }
0x52: {  	_ =	shalt  }
0x53: {  	_ =	shalt  }
0x54: {  	_ =	shalt  }
0x55: {  	_ =	shalt  }
0x56: {  	_ =	shalt  }
0x57: {  	_ =	shalt  }
0x58: {  	_ =	shalt  }
0x59: {  	_ =	shalt  }
0x5a: {  	_ =	shalt  }
0x5b: {  	_ =	shalt  }
0x5c: {  	_ =	shalt  }
0x5d: {  	_ =	shalt  }
0x5e: {  	_ =	shalt  }
0x5f: {  	_ =	shalt  }
0x60: {  	_ =	shalt  }
0x61: {  	_ =	shalt  }
0x62: {  	_ =	shalt  }
0x63: {  	_ =	shalt  }
0x64: {  	_ =	shalt  }
0x65: {  	_ =	shalt  }
0x66: {  	_ =	shalt  }
0x67: {  	_ =	shalt  }
0x68: {  	_ =	shalt  }
0x69: {  	_ =	shalt  }
0x6a: {  	_ =	shalt  }
0x6b: {  	_ =	shalt  }
0x6c: {  	_ =	shalt  }
0x6d: {  	_ =	shalt  }
0x6e: {  	_ =	shalt  }
0x6f: {  	_ =	shalt  }
0x70: {  	_ =	shalt  }
0x71: {  	_ =	shalt  }
0x72: {  	_ =	shalt  }
0x73: {  	_ =	shalt  }
0x74: {  	_ =	shalt  }
0x75: {  	_ =	shalt  }
0x76: {  	_ =	shalt  }
0x77: {  	_ =	shalt  }
0x78: {  	_ =	shalt  }
0x79: {  	_ =	shalt  }
0x7a: {  	_ =	shalt  }
0x7b: {  	_ =	shalt  }
0x7c: {  	_ =	shalt  }
0x7d: {  	_ =	shalt  }
0x7e: {  	_ =	shalt  }
0x7f: {  	_ =	shalt  }
0x80: {  	_ =	shalt  }
0x81: {  	_ =	shalt  }
0x82: {  	_ =	shalt  }
0x83: {  	_ =	shalt  }
0x84: {  	_ =	shalt  }
0x85: {  	_ =	shalt  }
0x86: {  	_ =	shalt  }
0x87: {  	_ =	shalt  }
.Lfunc_end0:
.L_simem_size_0:
called_computation.3_lowered:
.L_overlay_start_0:
0x88: {  	s2 =	sld [smem:$0x3FD9]  }
0x89: {  	s3 =	sld [smem:$0x3FFE];
	_ =	sdelay $0x1  }
0x8a: {  	s1 =	srdreg.scid  }
0x8b: {  	s0 =	sand.u32 $0x1, s1  }
0x8c: {  	s17 =	sshll.u32 s0, $0xA;
	s2 =	sadd.s32 s3, s2  }
0x8d: {  	s2 =	sadd.s32 s2, s17  }
0x8e: {  	[smem:$0x3FAF] =	sst s2  }
0x8f: {  	_ = 	snop  }
0x90: {  	(tm) =	ssettm $0x1  }
0x91: {  	s18 =	sld [smem:$0x3FFB];
	_ =	sdelay $0x3  }
0x92: {  	_ =	strace s18  }
0x93: {  	s2 =	sld [smem:$0x3FFC];
	_ =	sdelay $0x3  }
0x94: {  	_ =	strace s2  }
0x95: {  	s2 =	sld [smem:$0x3FFD];
	_ =	sdelay $0x3  }
0x96: {  	_ =	strace s2  }
0x97: {  	_ =	strace $0x8FFFFFFF  }
0x98: {  	s19 =	sld [smem:$0x3FDB];
	_ =	sdelay $0x1  }
0x99: {  	s20 =	simm.s32 $_scs_section_size  }
0x9a: {  	s4 =	simm.s32 $_size__tile_overlayer_lowered;
	s5 =	simm.s32 $_tile_overlayer_lowered  }
0x9b: {  	s6 =	simm.s32 $0x1BFF;
	s21 =	sshll.u32 s5, $0x1;
	s3 =	sadd.s32 s20, s19  }
0x9c: {  	s22 =	simm.s32 $0x0;
	s4 =	sshll.u32 s4, $0x1;
	s5 =	sadd.s32 s21, s3  }
0x9d: {  	[timem:s22], [sflag:s6] =	dma.local [hbm:s5], s4  }
0x9e: {  	_ =	swait.ge [sflag:s6], s4  }
0x9f: {  	s4 =	ssub.s32 $0x0, s4;
	[sflag:s6] =	ssyncset.done $0x0  }
0xa0: {  	[sflag:s6] =	ssyncadd.s32 s4;
	_ =	sdelay $0x1  }
0xa1: {  	s23 =	simm.s32 $0x1B8B  }
0xa2: {  	_ =	swait.ge [sflag:s23], $0x1  }
0xa3: {  	[sflag:s23] =	ssyncset.done $0x0  }
0xa4: {  	[sflag:s23] =	ssyncadd.s32 $0xFFFFFFFF  }
0xa5: {  	s4 =	sld [smem:$0x0]  }
0xa6: {  	s5 =	sand.u32 $0xFFFFFFFE, s1  }
0xa7: {  	p0 =	sne.s32 s1, s5  }
0xa8: {  	s5 =	sshll.u32 @p0 s5, $0xE  }
0xa9: {  	s5 =	sadd.s32 @p0 $0x11B8D, s5;
	s6 =	sshll.u32 @p0 s4, $0x11  }
0xaa: {  	s5 =	sor.u32 @p0 s6, s5  }
0xab: {  	[sflag:s5] =	ssyncadd.remote.s32 @p0 $0x1;
	_ =	sdelay $0x1  }
0xac: {  	s5 =	simm.s32 @p0 $0x1B8D  }
0xad: {  	_ =	swait.eq @p0 [sflag:s5], $0x1  }
0xae: {  	[sflag:s5] =	ssyncadd.s32 @p0 $0xFFFFFFFF  }
0xaf: {  	s6 =	sshll.u32 @!p0 s1, $0xE  }
0xb0: {  	s6 =	sor.u32 @!p0 $0x4000, s6;
	s5 =	simm.s32 @!p0 $0x1B8D  }
0xb1: {  	s4 =	sshll.u32 @!p0 s4, $0x11;
	s6 =	sadd.s32 @!p0 $0x11B8D, s6;
	_ =	swait.eq @!p0 [sflag:s5], $0x1  }
0xb2: {  	s4 =	sor.u32 @!p0 s4, s6;
	[sflag:s5] =	ssyncadd.s32 @!p0 $0xFFFFFFFF  }
0xb3: {  	s25 =	simm.s32 $0x1B8E;
	s24 =	sld [smem:$0x3FFE];
	[sflag:s4] =	ssyncadd.remote.s32 @!p0 $0x1  }
0xb4: {  	s26 =	simm.s32 $execute0_lowered;
	[smem:$0x3FD2] =	sst s25  }
0xb5: {  	s5 =	sshll.u32 s26, $0x1;
	_ =	strace $0x8000004C;
	[dreg:$0x1] =	wrdreg $0xFFFFFFFF  }
0xb6: {  	s28 =	simm.s32 $_size_execute0_lowered;
	s3 =	sadd.s32 s3, s5;
	[dreg:$0x0] =	wrdreg $0x0  }
0xb7: {  	s5 =	sshll.u32 s28, $0x1;
	[dreg:$0x2] =	wrdreg s3  }
0xb8: {  	[dreg:$0x3] =	wrdreg s5  }
0xb9: {  	[dreg:$0x4] =	wrdreg $0xC0  }
0xba: {  	_ =	task [dreg:s22], $0x5FFFF  }
0xbb: {  	[dreg:$0x1] =	wrdreg $0xFFFFFFFF  }
0xbc: {  	[dreg:$0x0] =	wrdreg $0x60  }
0xbd: {  	[dreg:$0x2] =	wrdreg s24  }
0xbe: {  	[dreg:$0x3] =	wrdreg $0x81000  }
0xbf: {  	[dreg:$0x4] =	wrdreg $0xA  }
0xc0: {  	_ =	task.clear_ibuf [dreg:s22], $0x5FFFF;
	_ =	strace $0x9000004C  }
0xc1: {  	s29 =	simm.s32 $0xA;
	_ =	strace $0x8000004E  }
0xc2: {  	_ =	swait.ge [sflag:s29], $0x1  }
0xc3: {  	[sflag:s29] =	ssyncadd.s32 $0xFFFFFFFF  }
0xc4: {  	_ =	strace $0x9000004E  }
0xc5: {  	_ =	sfence  }
0xc6: {  	s30 =	sld [smem:$0x0];
	_ =	sdelay $0x2  }
0xc7: {  	s31 =	sshll.u32 s1, $0xD;
	s1 =	sshrl.u32 s1, $0x2  }
0xc8: {  	s4 =	sand.u32 $0x4000, s31;
	s1 =	sadd.s32 s1, s30  }
0xc9: {  	s0 =	sor.u32 s4, s0;
	s1 =	sshll.u32 s1, $0x11  }
0xca: {  	s0 =	sor.u32 s1, s0  }
0xcb: {  	s0 =	sadd.s32 $0x8F2B, s0  }
0xcc: {  	[sflag:s0] =	ssyncadd.remote.s32 $0x1  }
0xcd: {  	_ =	sfence.sel $0xFFFF  }
0xce: {  	[dreg:$0x0] =	wrdreg $0xFFFFFFFF;
	(pc) =	sbr.abs _section_cstart, $3  }
0xcf: {  	[dreg:$0x1] =	wrdreg $0xFFFFFFFF  }
0xd0: {  	_ =	task.clear_ibuf [dreg:s22], $0x2FFFF;
	_ =	strace $0x9FFFFFFF  }
0xd1: {  	(tm) =	ssettm $0x7FFFFFFF  }
tec
execute0_lowered:
.L_overlay_start_1:
0x0: {  	(tag) =	ssettag $0x1  }
0x1: {  	s1 =	srdreg.scid  }
0x2: {  	s0 =	stileid.u32;
	s7 =	rddreg [dreg:$0x0]  }
0x3: {  	s18 =	simm.s32 $0x80;
	s19 =	simm.s32 $0x4100;
	s24 =	smul.u32 $0x26, s0  }
0x4: {  	s20 =	simm.s32 $0x2;
	s21 =	simm.s32 $0x0;
	s25 =	smul.u32 $0x2700, s0  }
0x5: {  	s6 =	sand.u32 $0x1, s1;
	s2 =	sshll.u32 s0, $0x1;
	s10 =	smul.u32 $0x4E000, s0  }
0x6: {  	s1 =	rddreg [dreg:$0x2];
	s14 =	sadd.s32 $0xCCAE00, s7;
	s3 =	smul.u32 $0x13, s6  }
0x7: {  	s30 =	sshll.u32 s0, $0x6;
	s4 =	sor.u32 s6, s2;
	s29 =	smul.u32 $0x138800, s6  }
0x8: {  	s2 =	rddreg [dreg:$0x1];
	s9 =	ssub.s32 $0x2, s6;
	s31 =	smul.u32 $0x27100, s6  }
0x9: {  	s6 =	sor.u32 $0x1C03, s30;
	s5 =	smin.u32 s4, $0x11;
	s26 =	sshrl.u32 s9, $0x1  }
0xa: {  	s13 =	sadd.s32 s25, s7;
	p0 =	slt.u32 s4, $0x11;
	s4 =	simm.s32 $0x14  }
0xb: {  	s28 =	sshrl.u32 s10, $0x2;
	s17 =	sadd.s32 $0x138000, s2;
	s8 =	sadd.s32 s3, s24  }
0xc: {  	s3 =	simm.s32 $0x0;
	s15 =	ssub.s32 s9, s26;
	s4 =	simm.s32 @!p0 $0x13  }
0xd: {  	s16 =	sadd.s32 s28, s2;
	s9 =	sshrl.u32 s29, $0x3;
	p0 =	sne.s32 s0, $0xF  }
0xe: {  	s5 =	sadd.s32 s5, s8;
	[smem:$0x7FF] =	sst s3;
	s9 =	sadd.s32 s14, s9  }
0xf: {  	s10 =	smax.u32 s15, $0x1;
	s15 =	sshrl.u32 @!p0 s17, $0x3;
	s17 =	simm.s32 $0x1  }
0x10: {  	s8 =	sshll.u32 s5, $0xC;
	_ =	strace $0x8000004D;
	s5 =	sshll.u32 s5, $0x5  }
0x11: {  	s9 =	sadd.s32 $0x27000, s9;
	s12 =	sadd.s32 s8, s7;
	s11 =	sadd.s32 s5, s7  }
0x12: {  	s5 =	sadd.s32 $0xCA3C00, s13;
	s7 =	sadd.s32 $0xCCAC00, s7;
	s8 =	sadd.s32 s25, s31  }
0x13: {  	s13 =	sshrl.u32 s16, $0x3;
	s16 =	simm.s32 $0x100;
	s8 =	sadd.s32 s14, s8  }
0x14: {  	s11 =	sadd.s32 $0xA000, s11;
	s12 =	sadd.s32 $0xA32C00, s12;
	s14 =	simm.s32 $0x3  }
.LBB2_1:
0x15: {  	[spmem:s13], [sflag:s6] =	dma.local [hbm:s5], $0x2700  }
0x16: {  	_ =	swait.ge [sflag:s14], $0x2700  }
0x17: {  	[sflag:s14] =	ssyncset.done $0x0  }
0x18: {  	s22 =	simm.s32 @!p0 $0x3;
	[sflag:s14] =	ssyncadd.s32 $0xFFFFD900  }
0x19: {  	[spmem:s15], [sflag:s6] =	dma.local @!p0 [hbm:s7], $0x100  }
0x1a: {  	_ =	swait.ge @!p0 [sflag:s22], $0x100  }
0x1b: {  	[sflag:s22] =	ssyncset.done @!p0 $0x0  }
0x1c: {  	[sflag:s22] =	ssyncadd.s32 @!p0 $0xFFFFFF00  }
0x1d: {  	[bflag:$0x0] =	sbarrier.arrive $0xFFFF  }
0x1e: {  	[tilespmem:s3], [sflag:$0x1] =	stream.linear.gather [hbm4b:s11+s3], $0x100, $0x38;
	[tilespmem:$0x1B980] =	vst v63  }
0x1f: {  	_ = 	snop  }
0x20: {  	[tilespmem:s16], [sflag:$0x1] =	stream.linear.gather [hbm4b:s12+s3], $0x8000, $0x38;
	[tilespmem:$0x1B980] =	vst v63  }
0x21: {  	_ =	swait.ge [sflag:s17], $0x100  }
0x22: {  	[sflag:s17] =	ssyncset.done $0x0  }
0x23: {  	[sflag:s17] =	ssyncadd.s32 $0xFFFFFF00  }
0x24: {  	_ =	swait.ge [sflag:s17], $0x8000  }
0x25: {  	[sflag:s17] =	ssyncset.done $0x0  }
0x26: {  	[sflag:s17] =	ssyncadd.s32 $0xFFFF8000  }
0x27: {  	[spmem:s2] =	stream.indirect.scatter.add.f32 [tilespmem:s16], [sflag:$0x2], $0x80, s3, s18, $0xb8;
	[tilespmem:$0x1B980] =	vst v63  }
0x28: {  	p1 =	sne.s32 s4, $0x1  }
0x29: {  	[spmem:s2] =	stream.indirect.scatter.add.f32 [tilespmem:s19], [sflag:$0x2], $0x80, s18, s18, $0xb8;
	[tilespmem:$0x1B980] =	vst v63  }
.Ltmp0:
0x2a: {  	_ =	swait.ge [sflag:s20], $0x4000;
	(pc) =	sbr.rel @!p1 .LBB2_3-.Ltmp0, $4  }
0x2b: {  	[sflag:s20] =	ssyncset.done $0x0  }
0x2c: {  	[sflag:s20] =	ssyncadd.s32 $0xFFFFC000  }
0x2d: {  	s23 =	sadd.s32 $0xFFFFFFFF, s4;
	_ =	swait.ge [sflag:s20], $0x4000  }
0x2e: {  	s24 =	smov.u32 s11;
	s25 =	smov.u32 s12;
	[sflag:s20] =	ssyncset.done $0x0  }
.LBB2_2:
0x2f: {  	[sflag:s20] =	ssyncadd.s32 $0xFFFFC000;
	s24 =	sadd.s32 $0x20, s24;
	s25 =	sadd.s32 $0x1000, s25  }
0x30: {  	[tilespmem:s3], [sflag:$0x1] =	stream.linear.gather [hbm4b:s24+s3], $0x100, $0x38;
	[tilespmem:$0x1B980] =	vst v63  }
0x31: {  	p1 =	sne.s32 s23, $0x1;
	s23 =	sadd.s32 $0xFFFFFFFF, s23  }
0x32: {  	[tilespmem:s16], [sflag:$0x1] =	stream.linear.gather [hbm4b:s25+s3], $0x8000, $0x38;
	[tilespmem:$0x1B980] =	vst v63  }
0x33: {  	_ =	swait.ge [sflag:s17], $0x100  }
0x34: {  	[sflag:s17] =	ssyncset.done $0x0  }
0x35: {  	[sflag:s17] =	ssyncadd.s32 $0xFFFFFF00  }
0x36: {  	_ =	swait.ge [sflag:s17], $0x8000  }
0x37: {  	[sflag:s17] =	ssyncset.done $0x0  }
0x38: {  	[sflag:s17] =	ssyncadd.s32 $0xFFFF8000  }
0x39: {  	[spmem:s2] =	stream.indirect.scatter.add.f32 [tilespmem:s16], [sflag:$0x2], $0x80, s3, s18, $0xb8;
	[tilespmem:$0x1B980] =	vst v63  }
0x3a: {  	_ = 	snop  }
0x3b: {  	[spmem:s2] =	stream.indirect.scatter.add.f32 [tilespmem:s19], [sflag:$0x2], $0x80, s18, s18, $0xb8;
	[tilespmem:$0x1B980] =	vst v63  }
.Ltmp1:
0x3c: {  	_ =	swait.ge [sflag:s20], $0x4000;
	(pc) =	sbr.rel @p1 .LBB2_2-.Ltmp1, $4  }
0x3d: {  	[sflag:s20] =	ssyncset.done $0x0  }
0x3e: {  	[sflag:s20] =	ssyncadd.s32 $0xFFFFC000  }
0x3f: {  	_ =	swait.ge [sflag:s20], $0x4000  }
0x40: {  	[sflag:s20] =	ssyncset.done $0x0  }
.LBB2_3:
0x41: {  	[sflag:s20] =	ssyncadd.s32 $0xFFFFC000  }
0x42: {  	[bflag:$0x0] =	sbarrier.arrive $0xFFFF  }
0x43: {  	[hbm:s8], [sflag:s6] =	dma.local [spmem:s13], $0x2700  }
0x44: {  	s21 =	sadd.s32 $0x1, s21;
	_ =	swait.ge [sflag:s14], $0x2700  }
0x45: {  	p1 =	sne.s32 s21, s10;
	[sflag:s14] =	ssyncset.done $0x0  }
.Ltmp2:
0x46: {  	[sflag:s14] =	ssyncadd.s32 $0xFFFFD900;
	(pc) =	sbr.rel @p1 .LBB2_1-.Ltmp2, $4  }
0x47: {  	[hbm:s9], [sflag:s6] =	dma.local @!p0 [spmem:s15], $0x100  }
0x48: {  	_ =	swait.ge @!p0 [sflag:s22], $0x100  }
0x49: {  	[sflag:s22] =	ssyncset.done @!p0 $0x0  }
0x4a: {  	[sflag:s22] =	ssyncadd.s32 @!p0 $0xFFFFFF00  }
0x4b: {  	_ =	sfence.sel $0x180000  }
0x4c: {  	[bflag:$0x0] =	sbarrier.arrive $0xFFFF  }
0x4d: {  	p0 =	sne.s32 s0, $0x0;
	_ =	strace $0x9000004D  }
0x4e: {  	s0 =	sadd.s32 @!p0 $0x100000, s1;
	[bflag:$0x2] =	sbarrier.arrive $0xFFFF  }
0x4f: {  	[sflag:s0] =	ssyncadd.tile.s32 @!p0 $0x1;
	_ =	shalt  }
.Lfunc_end2:
_tile_overlayer_lowered:
.L_overlay_start_2:
0x50: {  	(tag) =	ssettag $0x2  }
0x51: {  	s0 =	rddreg [dreg:$0x0];
	s2 =	stileid.u32  }
0x52: {  	s1 =	rddreg [dreg:$0x1];
	p0 =	sne.s32 s2, $0x0  }
0x53: {  	s3 =	rddreg [dreg:$0x2];
	[bflag:$0x3] =	sbarrier.arrive $0xFFFF;
	s2 =	simm.s32 @!p0 $0x1C03  }
0x54: {  	[timem:s3], [sflag:s2] =	dma.local @!p0 [hbm:s0], s1  }
0x55: {  	s0 =	simm.s32 @!p0 $0x3  }
0x56: {  	_ =	swait.ge @!p0 [sflag:s0], s1  }
0x57: {  	s1 =	ssub.s32 @!p0 $0x0, s1;
	[sflag:s0] =	ssyncset.done @!p0 $0x0  }
0x58: {  	[sflag:s0] =	ssyncadd.s32 @!p0 s1  }
0x59: {  	[bflag:$0x3] =	sbarrier.arrive $0xFFFF  }
0x5a: {  	_ =	shalt  }

// kernel: kernel.30.cloned.1.call-start
scs
__scs_entry_jumppad:
0x0: {  	(pc) =	sbr.rel $0x88, $3  }
0x1: {  	(tag) =	ssettag $0x0;
	lr =	simm.s32 $0x1  }
0x2: {  	[smem:$0x3F88] =	sst lr;
	_ =	strace $0xD0000000  }
0x3: {  	_ = 	snop  }
0x4: {  	_ = 	snop  }
0x5: {  	_ = 	snop  }
0x6: {  	_ = 	snop  }
0x7: {  	_ = 	snop  }
__scs_overlays_trampoline_lowered:
0x8: {  	[smem:$0x3F97] =	sst s0  }
0x9: {  	[smem:$0x3F98] =	sst s1  }
0xa: {  	[smem:$0x3F99] =	sst s2  }
0xb: {  	[smem:$0x3F9A] =	sst s3  }
0xc: {  	[smem:$0x3F9B] =	sst s4  }
0xd: {  	[smem:$0x3F9C] =	sst s5  }
0xe: {  	[smem:$0x3F9D] =	sst s6  }
0xf: {  	[smem:$0x3F9E] =	sst s7  }
0x10: {  	[smem:$0x3F9F] =	sst s8  }
0x11: {  	[smem:$0x3FA0] =	sst s9;
	s0 =	simm.s32 @!p0 $0x0  }
0x12: {  	s1 =	sld [smem:$0x3F86];
	s0 =	simm.s32 @p0 $0x1  }
0x13: {  	[smem:$0x3FA1] =	sst s0;
	s0 =	simm.s32 @!p1 $0x0  }
0x14: {  	s2 =	sld [smem:$0x3F85];
	s0 =	simm.s32 @p1 $0x1  }
0x15: {  	[smem:$0x3FA2] =	sst s0;
	s0 =	simm.s32 @!p2 $0x0  }
0x16: {  	s3 =	sld [smem:$0x3FDB];
	s0 =	simm.s32 @p2 $0x1  }
0x17: {  	s4 =	simm.s32 $0x1BF5;
	[smem:$0x3FA4] =	sst s0  }
0x18: {  	s0 =	sld [smem:$0x3F87];
	_ =	swait.ge [sflag:s4], $0x0  }
0x19: {  	s7 =	sld [smem:$0x3F88]  }
0x1a: {  	s8 =	sadd.s32 $0xFFFFE003, lr  }
0x1b: {  	s9 =	sadd.s32 $0xFFFFFEF7, lr;
	s5 =	simm.s32 $0xFFFFFFFF;
	p2 =	slt.u32 s8, $0xFFFFF086  }
0x1c: {  	p1 =	slt.u32 s9, $0xF7A;
	s5 =	simm.s32 @!p2 $0x0  }
0x1d: {  	s5 =	simm.s32 @p1 $0x1;
	p0 =	seq.s32 s7, s2  }
0x1e: {  	s7 =	smul.u32 @!p0 $0xF7A, s2;
	p2 =	seq.s32 @!p0 s5, $0x0  }
0x1f: {  	s9 =	smul.u32 $0xF7A, s1;
	s8 =	simm.s32 @!p0 $0x1BF5;
	p2 =	por !p2, p0  }
0x20: {  	[sflag:s8] =	ssyncset.s32 @!p0 $0xFFFFF086;
	s6 =	sadd.s32 @!p0 s3, s7;
	s7 =	simm.s32 @!p0 $0x108  }
0x21: {  	s3 =	sadd.s32 s3, s9;
	s6 =	sadd.s32 @!p0 $0x88, s6;
	s7 =	simm.s32 @p2 $0x1082  }
0x22: {  	[simem:s7], [sflag:s8] =	dma.local @!p0 [hbm:s6], $0xF7A  }
0x23: {  	s9 =	sor.u32 $0xD0000000, s2;
	s6 =	simm.s32 $0x108;
	_ =	swait.ge @!p0 [sflag:s8], $0x0  }
0x24: {  	s3 =	sadd.s32 $0x88, s3;
	s6 =	simm.s32 @!p1 $0x1082;
	[sflag:s4] =	ssyncset.s32 $0xFFFFF086  }
0x25: {  	[simem:s6], [sflag:s4] =	dma.local [hbm:s3], $0xF7A  }
0x26: {  	[smem:$0x3F88] =	sst s1;
	(tag) =	ssettag s2;
	_ =	strace s9  }
0x27: {  	s1 =	sld [smem:$0x3F98]  }
0x28: {  	s2 =	sld [smem:$0x3F99]  }
0x29: {  	s4 =	sld [smem:$0x3F9B]  }
0x2a: {  	p0 =	seq.s32 s5, $0x0;
	s5 =	sld [smem:$0x3F9C]  }
0x2b: {  	s6 =	sld [smem:$0x3F9D]  }
0x2c: {  	s7 =	sld [smem:$0x3F9E]  }
0x2d: {  	s3 =	simm.s32 $0x108;
	s8 =	sld [smem:$0x3F9F]  }
0x2e: {  	s3 =	simm.s32 @!p0 $0x1082;
	s9 =	sld [smem:$0x3FA0]  }
0x2f: {  	lr =	sadd.s32 s0, s3;
	s0 =	sld [smem:$0x3F97]  }
0x30: {  	s3 =	sld [smem:$0x3F9A]  }
0x31: {  	[smem:$0x3FA3] =	sst s10  }
0x32: {  	s10 =	sld [smem:$0x3FA1];
	_ =	sdelay $0x3  }
0x33: {  	p0 =	seq.s32 s10, $0x1;
	s10 =	sld [smem:$0x3FA3];
	_ =	sdelay $0x3  }
0x34: {  	[smem:$0x3FA3] =	sst s10  }
0x35: {  	s10 =	sld [smem:$0x3FA2];
	_ =	sdelay $0x3  }
0x36: {  	p1 =	seq.s32 s10, $0x1;
	s10 =	sld [smem:$0x3FA3];
	_ =	sdelay $0x3  }
0x37: {  	[smem:$0x3FA3] =	sst s10  }
0x38: {  	s10 =	sld [smem:$0x3FA4]  }
0x39: {  	_ = 	snop;
	(pc) =	sbr.ind lr, $3  }
0x3a: {  	_ = 	snop  }
0x3b: {  	_ = 	snop  }
0x3c: {  	p2 =	seq.s32 s10, $0x1;
	s10 =	sld [smem:$0x3FA3]  }
0x3d: {  	_ =	shalt  }
0x3e: {  	_ =	shalt  }
0x3f: {  	_ =	shalt  }
0x40: {  	_ =	shalt  }
0x41: {  	_ =	shalt  }
0x42: {  	_ =	shalt  }
0x43: {  	_ =	shalt  }
0x44: {  	_ =	shalt  }
0x45: {  	_ =	shalt  }
0x46: {  	_ =	shalt  }
0x47: {  	_ =	shalt  }
0x48: {  	_ =	shalt  }
0x49: {  	_ =	shalt  }
0x4a: {  	_ =	shalt  }
0x4b: {  	_ =	shalt  }
0x4c: {  	_ =	shalt  }
0x4d: {  	_ =	shalt  }
0x4e: {  	_ =	shalt  }
0x4f: {  	_ =	shalt  }
0x50: {  	_ =	shalt  }
0x51: {  	_ =	shalt  }
0x52: {  	_ =	shalt  }
0x53: {  	_ =	shalt  }
0x54: {  	_ =	shalt  }
0x55: {  	_ =	shalt  }
0x56: {  	_ =	shalt  }
0x57: {  	_ =	shalt  }
0x58: {  	_ =	shalt  }
0x59: {  	_ =	shalt  }
0x5a: {  	_ =	shalt  }
0x5b: {  	_ =	shalt  }
0x5c: {  	_ =	shalt  }
0x5d: {  	_ =	shalt  }
0x5e: {  	_ =	shalt  }
0x5f: {  	_ =	shalt  }
0x60: {  	_ =	shalt  }
0x61: {  	_ =	shalt  }
0x62: {  	_ =	shalt  }
0x63: {  	_ =	shalt  }
0x64: {  	_ =	shalt  }
0x65: {  	_ =	shalt  }
0x66: {  	_ =	shalt  }
0x67: {  	_ =	shalt  }
0x68: {  	_ =	shalt  }
0x69: {  	_ =	shalt  }
0x6a: {  	_ =	shalt  }
0x6b: {  	_ =	shalt  }
0x6c: {  	_ =	shalt  }
0x6d: {  	_ =	shalt  }
0x6e: {  	_ =	shalt  }
0x6f: {  	_ =	shalt  }
0x70: {  	_ =	shalt  }
0x71: {  	_ =	shalt  }
0x72: {  	_ =	shalt  }
0x73: {  	_ =	shalt  }
0x74: {  	_ =	shalt  }
0x75: {  	_ =	shalt  }
0x76: {  	_ =	shalt  }
0x77: {  	_ =	shalt  }
0x78: {  	_ =	shalt  }
0x79: {  	_ =	shalt  }
0x7a: {  	_ =	shalt  }
0x7b: {  	_ =	shalt  }
0x7c: {  	_ =	shalt  }
0x7d: {  	_ =	shalt  }
0x7e: {  	_ =	shalt  }
0x7f: {  	_ =	shalt  }
0x80: {  	_ =	shalt  }
0x81: {  	_ =	shalt  }
0x82: {  	_ =	shalt  }
0x83: {  	_ =	shalt  }
0x84: {  	_ =	shalt  }
0x85: {  	_ =	shalt  }
0x86: {  	_ =	shalt  }
0x87: {  	_ =	shalt  }
.Lfunc_end0:
.L_simem_size_0:
called_computation.4_lowered:
.L_overlay_start_0:
0x88: {  	s2 =	sld [smem:$0x3FD9]  }
0x89: {  	s3 =	sld [smem:$0x3FFE];
	_ =	sdelay $0x1  }
0x8a: {  	s1 =	srdreg.scid  }
0x8b: {  	s0 =	sand.u32 $0x1, s1  }
0x8c: {  	s17 =	sshll.u32 s0, $0xA;
	s2 =	sadd.s32 s3, s2  }
0x8d: {  	s2 =	sadd.s32 s2, s17  }
0x8e: {  	[smem:$0x3FAF] =	sst s2  }
0x8f: {  	_ = 	snop  }
0x90: {  	(tm) =	ssettm $0x1  }
0x91: {  	s18 =	sld [smem:$0x3FFB];
	_ =	sdelay $0x3  }
0x92: {  	_ =	strace s18  }
0x93: {  	s2 =	sld [smem:$0x3FFC];
	_ =	sdelay $0x3  }
0x94: {  	_ =	strace s2  }
0x95: {  	s2 =	sld [smem:$0x3FFD];
	_ =	sdelay $0x3  }
0x96: {  	_ =	strace s2  }
0x97: {  	_ =	strace $0x8FFFFFFF  }
0x98: {  	s19 =	sld [smem:$0x3FDB];
	_ =	sdelay $0x1  }
0x99: {  	s20 =	simm.s32 $_scs_section_size  }
0x9a: {  	s4 =	simm.s32 $_size__tile_overlayer_lowered;
	s5 =	simm.s32 $_tile_overlayer_lowered  }
0x9b: {  	s6 =	simm.s32 $0x1BFF;
	s21 =	sshll.u32 s5, $0x1;
	s3 =	sadd.s32 s20, s19  }
0x9c: {  	s22 =	simm.s32 $0x0;
	s4 =	sshll.u32 s4, $0x1;
	s5 =	sadd.s32 s21, s3  }
0x9d: {  	[timem:s22], [sflag:s6] =	dma.local [hbm:s5], s4  }
0x9e: {  	_ =	swait.ge [sflag:s6], s4  }
0x9f: {  	s4 =	ssub.s32 $0x0, s4;
	[sflag:s6] =	ssyncset.done $0x0  }
0xa0: {  	[sflag:s6] =	ssyncadd.s32 s4;
	_ =	sdelay $0x1  }
0xa1: {  	s23 =	simm.s32 $0x1B8B  }
0xa2: {  	_ =	swait.ge [sflag:s23], $0x1  }
0xa3: {  	[sflag:s23] =	ssyncset.done $0x0  }
0xa4: {  	[sflag:s23] =	ssyncadd.s32 $0xFFFFFFFF  }
0xa5: {  	s4 =	sld [smem:$0x0]  }
0xa6: {  	s5 =	sand.u32 $0xFFFFFFFE, s1  }
0xa7: {  	p0 =	sne.s32 s1, s5  }
0xa8: {  	s5 =	sshll.u32 @p0 s5, $0xE  }
0xa9: {  	s5 =	sadd.s32 @p0 $0x11B8D, s5;
	s6 =	sshll.u32 @p0 s4, $0x11  }
0xaa: {  	s5 =	sor.u32 @p0 s6, s5  }
0xab: {  	[sflag:s5] =	ssyncadd.remote.s32 @p0 $0x1;
	_ =	sdelay $0x1  }
0xac: {  	s5 =	simm.s32 @p0 $0x1B8D  }
0xad: {  	_ =	swait.eq @p0 [sflag:s5], $0x1  }
0xae: {  	[sflag:s5] =	ssyncadd.s32 @p0 $0xFFFFFFFF  }
0xaf: {  	s6 =	sshll.u32 @!p0 s1, $0xE  }
0xb0: {  	s6 =	sor.u32 @!p0 $0x4000, s6;
	s5 =	simm.s32 @!p0 $0x1B8D  }
0xb1: {  	s4 =	sshll.u32 @!p0 s4, $0x11;
	s6 =	sadd.s32 @!p0 $0x11B8D, s6;
	_ =	swait.eq @!p0 [sflag:s5], $0x1  }
0xb2: {  	s4 =	sor.u32 @!p0 s4, s6;
	[sflag:s5] =	ssyncadd.s32 @!p0 $0xFFFFFFFF  }
0xb3: {  	s25 =	simm.s32 $0x1B8E;
	s24 =	sld [smem:$0x3FFE];
	[sflag:s4] =	ssyncadd.remote.s32 @!p0 $0x1  }
0xb4: {  	s26 =	simm.s32 $execute0_lowered;
	[smem:$0x3FD2] =	sst s25  }
0xb5: {  	s5 =	sshll.u32 s26, $0x1;
	_ =	strace $0x80000055;
	[dreg:$0x1] =	wrdreg $0xFFFFFFFF  }
0xb6: {  	s28 =	simm.s32 $_size_execute0_lowered;
	s3 =	sadd.s32 s3, s5;
	[dreg:$0x0] =	wrdreg $0x0  }
0xb7: {  	s5 =	sshll.u32 s28, $0x1;
	[dreg:$0x2] =	wrdreg s3  }
0xb8: {  	[dreg:$0x3] =	wrdreg s5  }
0xb9: {  	[dreg:$0x4] =	wrdreg $0xC0  }
0xba: {  	_ =	task [dreg:s22], $0x5FFFF  }
0xbb: {  	[dreg:$0x1] =	wrdreg $0xFFFFFFFF  }
0xbc: {  	[dreg:$0x0] =	wrdreg $0x60  }
0xbd: {  	[dreg:$0x2] =	wrdreg s24  }
0xbe: {  	[dreg:$0x3] =	wrdreg $0x9  }
0xbf: {  	_ =	task.clear_ibuf [dreg:s22], $0x4FFFF;
	_ =	strace $0x90000055  }
0xc0: {  	s29 =	simm.s32 $0x9;
	_ =	strace $0x80000057  }
0xc1: {  	_ =	swait.ge [sflag:s29], $0x1  }
0xc2: {  	[sflag:s29] =	ssyncadd.s32 $0xFFFFFFFF  }
0xc3: {  	_ =	strace $0x90000057  }
0xc4: {  	_ =	sfence  }
0xc5: {  	s30 =	sld [smem:$0x0];
	_ =	sdelay $0x2  }
0xc6: {  	s31 =	sshll.u32 s1, $0xD;
	s1 =	sshrl.u32 s1, $0x2  }
0xc7: {  	s4 =	sand.u32 $0x4000, s31;
	s1 =	sadd.s32 s1, s30  }
0xc8: {  	s0 =	sor.u32 s4, s0;
	s1 =	sshll.u32 s1, $0x11  }
0xc9: {  	s0 =	sor.u32 s1, s0  }
0xca: {  	s0 =	sadd.s32 $0x8F2B, s0  }
0xcb: {  	[sflag:s0] =	ssyncadd.remote.s32 $0x1  }
0xcc: {  	_ =	sfence.sel $0xFFFF  }
0xcd: {  	[dreg:$0x0] =	wrdreg $0xFFFFFFFF;
	(pc) =	sbr.abs _section_cstart, $3  }
0xce: {  	[dreg:$0x1] =	wrdreg $0xFFFFFFFF  }
0xcf: {  	_ =	task.clear_ibuf [dreg:s22], $0x2FFFF;
	_ =	strace $0x9FFFFFFF  }
0xd0: {  	(tm) =	ssettm $0x7FFFFFFF  }
0xd1: {  	_ =	shalt  }
tec
execute0_lowered:
.L_overlay_start_1:
0x0: {  	(tag) =	ssettag $0x1  }
0x1: {  	s4 =	rddreg [dreg:$0x0]  }
0x2: {  	s0 =	rddreg [dreg:$0x1]  }
0x3: {  	s1 =	simm.s32 $0x0;
	s5 =	srdreg.scid;
	s2 =	stileid.u32  }
0x4: {  	s17 =	simm.s32 $0x200;
	s18 =	simm.s32 $0x8200;
	s19 =	simm.s32 $0x4200  }
0x5: {  	s20 =	simm.s32 $0x180;
	s21 =	simm.s32 $0xC200;
	s22 =	simm.s32 $0x2  }
0x6: {  	s23 =	simm.s32 $0x3;
	s24 =	simm.s32 $0x0;
	[smem:$0x7FF] =	sst s1  }
0x7: {  	s3 =	sadd.s32 $0x16800, s4;
	s10 =	sadd.s32 $0x549400, s4;
	s5 =	sand.u32 $0x1, s5  }
0x8: {  	s6 =	sshll.u32 s2, $0x1;
	s11 =	sadd.s32 $0x544400, s4;
	s12 =	sadd.s32 $0x54E400, s4  }
0x9: {  	s13 =	sadd.s32 $0x7BF400, s4;
	s14 =	smul.u32 $0x26, s2;
	s4 =	simm.s32 $0x13  }
0xa: {  	s6 =	sor.u32 s5, s6;
	s7 =	ssub.s32 $0x2, s5;
	s25 =	smul.u32 $0x13, s5  }
0xb: {  	_ =	strace $0x80000056;
	s8 =	smul.u32 $0x13, s6;
	s9 =	sshrl.u32 s7, $0x1  }
0xc: {  	p0 =	slt.u32 s6, $0x11;
	s15 =	smin.u32 s6, $0x11;
	s26 =	ssub.s32 s7, s9  }
0xd: {  	s4 =	simm.s32 @!p0 $0x12;
	s29 =	sadd.s32 s25, s14;
	s14 =	simm.s32 $0x100  }
0xe: {  	s28 =	sadd.s32 s15, s8;
	s5 =	smax.u32 s26, $0x1;
	s15 =	sadd.s32 s15, s29  }
0xf: {  	s8 =	sshll.u32 s28, $0x5;
	s30 =	sshll.u32 s28, $0xC;
	s16 =	sshll.u32 s15, $0x5  }
0x10: {  	s31 =	sshll.u32 s15, $0xC;
	s15 =	simm.s32 $0x1;
	s6 =	sadd.s32 s10, s8  }
0x11: {  	s7 =	sadd.s32 s11, s8;
	s8 =	sadd.s32 s12, s30;
	s9 =	sadd.s32 s13, s30  }
0x12: {  	s10 =	sadd.s32 s16, s10;
	s11 =	sadd.s32 s16, s11;
	s12 =	sadd.s32 s31, s12  }
0x13: {  	s13 =	sadd.s32 s31, s13;
	s16 =	simm.s32 $0x80;
	s10 =	sadd.s32 $0x20, s10  }
0x14: {  	s11 =	sadd.s32 $0x20, s11;
	s12 =	sadd.s32 $0x1000, s12;
	s13 =	sadd.s32 $0x1000, s13  }
.LBB2_1:
0x15: {  	[tilespmem:s1], [sflag:$0x1] =	stream.linear.gather [hbm4b:s6+s1], $0x100, $0x38;
	[tilespmem:$0x10200] =	vst v63  }
0x16: {  	_ = 	snop  }
0x17: {  	[tilespmem:s14], [sflag:$0x1] =	stream.linear.gather [hbm4b:s7+s1], $0x100, $0x38;
	[tilespmem:$0x10200] =	vst v63  }
0x18: {  	_ =	swait.ge [sflag:s15], $0x100  }
0x19: {  	[sflag:s15] =	ssyncset.done $0x0  }
0x1a: {  	[sflag:s15] =	ssyncadd.s32 $0xFFFFFF00  }
0x1b: {  	_ =	swait.ge [sflag:s15], $0x100  }
0x1c: {  	[sflag:s15] =	ssyncset.done $0x0  }
0x1d: {  	[sflag:s15] =	ssyncadd.s32 $0xFFFFFF00  }
0x1e: {  	[tilespmem:s17], [sflag:$0x2] =	stream.indirect.gather [hbm4b:s3+s16], $0x80, s1, s16, $0xb8;
	[tilespmem:$0x10200] =	vst v63  }
0x1f: {  	_ = 	snop  }
0x20: {  	[tilespmem:s18], [sflag:$0x2] =	stream.indirect.gather [hbm4b:s3+s16], $0x80, s14, s16, $0xb8;
	[tilespmem:$0x10200] =	vst v63  }
0x21: {  	_ = 	snop  }
0x22: {  	[tilespmem:s19], [sflag:$0x2] =	stream.indirect.gather [hbm4b:s3+s16], $0x80, s16, s16, $0xb8;
	[tilespmem:$0x10200] =	vst v63  }
0x23: {  	_ = 	snop  }
0x24: {  	[tilespmem:s21], [sflag:$0x2] =	stream.indirect.gather [hbm4b:s3+s16], $0x80, s20, s16, $0xb8;
	[tilespmem:$0x10200] =	vst v63  }
0x25: {  	_ =	swait.ge [sflag:s22], $0x4000  }
0x26: {  	[sflag:s22] =	ssyncset.done $0x0  }
0x27: {  	[sflag:s22] =	ssyncadd.s32 $0xFFFFC000  }
0x28: {  	_ =	swait.ge [sflag:s22], $0x4000  }
0x29: {  	[sflag:s22] =	ssyncset.done $0x0  }
0x2a: {  	[sflag:s22] =	ssyncadd.s32 $0xFFFFC000  }
0x2b: {  	_ =	swait.ge [sflag:s22], $0x4000  }
0x2c: {  	[sflag:s22] =	ssyncset.done $0x0  }
0x2d: {  	[sflag:s22] =	ssyncadd.s32 $0xFFFFC000  }
0x2e: {  	_ =	swait.ge [sflag:s22], $0x4000  }
0x2f: {  	[sflag:s22] =	ssyncset.done $0x0  }
0x30: {  	[sflag:s22] =	ssyncadd.s32 $0xFFFFC000  }
0x31: {  	[hbm4b:s8+s1] =	stream.linear.scatter [tilespmem:s17], [sflag:$0x3], $0x8000, $0x38;
	[tilespmem:$0x10200] =	vst v63  }
0x32: {  	_ = 	snop  }
0x33: {  	[hbm4b:s9+s1] =	stream.linear.scatter [tilespmem:s18], [sflag:$0x3], $0x8000, $0x38;
	[tilespmem:$0x10200] =	vst v63  }
0x34: {  	_ =	swait.ge [sflag:s23], $0x8000  }
0x35: {  	[sflag:s23] =	ssyncset.done $0x0  }
0x36: {  	[sflag:s23] =	ssyncadd.s32 $0xFFFF8000  }
0x37: {  	_ =	swait.ge [sflag:s23], $0x8000  }
0x38: {  	[sflag:s23] =	ssyncset.done $0x0  }
0x39: {  	[sflag:s23] =	ssyncadd.s32 $0xFFFF8000  }
0x3a: {  	[tilespmem:s1], [sflag:$0x1] =	stream.linear.gather [hbm4b:s10+s1], $0x100, $0x38;
	[tilespmem:$0x10200] =	vst v63  }
0x3b: {  	_ = 	snop  }
0x3c: {  	[tilespmem:s14], [sflag:$0x1] =	stream.linear.gather [hbm4b:s11+s1], $0x100, $0x38;
	[tilespmem:$0x10200] =	vst v63  }
0x3d: {  	_ =	swait.ge [sflag:s15], $0x100  }
0x3e: {  	[sflag:s15] =	ssyncset.done $0x0  }
0x3f: {  	[sflag:s15] =	ssyncadd.s32 $0xFFFFFF00  }
0x40: {  	_ =	swait.ge [sflag:s15], $0x100  }
0x41: {  	[sflag:s15] =	ssyncset.done $0x0  }
0x42: {  	[sflag:s15] =	ssyncadd.s32 $0xFFFFFF00  }
0x43: {  	[tilespmem:s17], [sflag:$0x2] =	stream.indirect.gather [hbm4b:s3+s16], $0x80, s1, s16, $0xb8;
	[tilespmem:$0x10200] =	vst v63  }
0x44: {  	_ = 	snop  }
0x45: {  	[tilespmem:s18], [sflag:$0x2] =	stream.indirect.gather [hbm4b:s3+s16], $0x80, s14, s16, $0xb8;
	[tilespmem:$0x10200] =	vst v63  }
0x46: {  	_ = 	snop  }
0x47: {  	[tilespmem:s19], [sflag:$0x2] =	stream.indirect.gather [hbm4b:s3+s16], $0x80, s16, s16, $0xb8;
	[tilespmem:$0x10200] =	vst v63  }
0x48: {  	_ = 	snop  }
0x49: {  	[tilespmem:s21], [sflag:$0x2] =	stream.indirect.gather [hbm4b:s3+s16], $0x80, s20, s16, $0xb8;
	[tilespmem:$0x10200] =	vst v63  }
0x4a: {  	_ =	swait.ge [sflag:s22], $0x4000  }
0x4b: {  	[sflag:s22] =	ssyncset.done $0x0  }
0x4c: {  	[sflag:s22] =	ssyncadd.s32 $0xFFFFC000  }
0x4d: {  	_ =	swait.ge [sflag:s22], $0x4000  }
0x4e: {  	[sflag:s22] =	ssyncset.done $0x0  }
0x4f: {  	[sflag:s22] =	ssyncadd.s32 $0xFFFFC000  }
0x50: {  	_ =	swait.ge [sflag:s22], $0x4000  }
0x51: {  	p0 =	sne.s32 s4, $0x1;
	[sflag:s22] =	ssyncset.done $0x0  }
.Ltmp0:
0x52: {  	[sflag:s22] =	ssyncadd.s32 $0xFFFFC000;
	(pc) =	sbr.rel @!p0 .LBB2_3-.Ltmp0, $4  }
0x53: {  	s25 =	sadd.s32 $0xFFFFFFFF, s4;
	s26 =	sadd.s32 $0x1000, s13;
	_ =	swait.ge [sflag:s22], $0x4000  }
0x54: {  	s28 =	sadd.s32 $0x20, s10;
	s29 =	sadd.s32 $0x20, s11;
	[sflag:s22] =	ssyncset.done $0x0  }
0x55: {  	s30 =	sadd.s32 $0x1000, s12;
	s31 =	smov.u32 s13;
	[sflag:s22] =	ssyncadd.s32 $0xFFFFC000  }
0x56: {  	[hbm4b:s12+s1] =	stream.linear.scatter [tilespmem:s17], [sflag:$0x3], $0x8000, $0x38;
	[tilespmem:$0x10200] =	vst v63  }
.LBB2_2:
0x57: {  	[hbm4b:s31+s1] =	stream.linear.scatter [tilespmem:s18], [sflag:$0x3], $0x8000, $0x38;
	[tilespmem:$0x10200] =	vst v63  }
0x58: {  	p0 =	sne.s32 s25, $0x1;
	s25 =	sadd.s32 $0xFFFFFFFF, s25;
	_ =	swait.ge [sflag:s23], $0x8000  }
0x59: {  	s31 =	smov.u32 s26;
	[sflag:s23] =	ssyncset.done $0x0  }
0x5a: {  	[sflag:s23] =	ssyncadd.s32 $0xFFFF8000  }
0x5b: {  	_ =	swait.ge [sflag:s23], $0x8000  }
0x5c: {  	[sflag:s23] =	ssyncset.done $0x0  }
0x5d: {  	[sflag:s23] =	ssyncadd.s32 $0xFFFF8000  }
0x5e: {  	[tilespmem:s1], [sflag:$0x1] =	stream.linear.gather [hbm4b:s28+s1], $0x100, $0x38;
	[tilespmem:$0x10200] =	vst v63  }
0x5f: {  	_ = 	snop  }
0x60: {  	[tilespmem:s14], [sflag:$0x1] =	stream.linear.gather [hbm4b:s29+s1], $0x100, $0x38;
	[tilespmem:$0x10200] =	vst v63  }
0x61: {  	_ =	swait.ge [sflag:s15], $0x100  }
0x62: {  	[sflag:s15] =	ssyncset.done $0x0  }
0x63: {  	[sflag:s15] =	ssyncadd.s32 $0xFFFFFF00  }
0x64: {  	_ =	swait.ge [sflag:s15], $0x100  }
0x65: {  	[sflag:s15] =	ssyncset.done $0x0  }
0x66: {  	[sflag:s15] =	ssyncadd.s32 $0xFFFFFF00  }
0x67: {  	[tilespmem:s17], [sflag:$0x2] =	stream.indirect.gather [hbm4b:s3+s16], $0x80, s1, s16, $0xb8;
	[tilespmem:$0x10200] =	vst v63  }
0x68: {  	_ = 	snop  }
0x69: {  	[tilespmem:s18], [sflag:$0x2] =	stream.indirect.gather [hbm4b:s3+s16], $0x80, s14, s16, $0xb8;
	[tilespmem:$0x10200] =	vst v63  }
0x6a: {  	_ = 	snop  }
0x6b: {  	[tilespmem:s19], [sflag:$0x2] =	stream.indirect.gather [hbm4b:s3+s16], $0x80, s16, s16, $0xb8;
	[tilespmem:$0x10200] =	vst v63  }
0x6c: {  	_ = 	snop  }
0x6d: {  	[tilespmem:s21], [sflag:$0x2] =	stream.indirect.gather [hbm4b:s3+s16], $0x80, s20, s16, $0xb8;
	[tilespmem:$0x10200] =	vst v63  }
0x6e: {  	_ =	swait.ge [sflag:s22], $0x4000  }
0x6f: {  	[sflag:s22] =	ssyncset.done $0x0  }
0x70: {  	[sflag:s22] =	ssyncadd.s32 $0xFFFFC000  }
0x71: {  	_ =	swait.ge [sflag:s22], $0x4000  }
0x72: {  	[sflag:s22] =	ssyncset.done $0x0  }
0x73: {  	[sflag:s22] =	ssyncadd.s32 $0xFFFFC000  }
0x74: {  	_ =	swait.ge [sflag:s22], $0x4000  }
0x75: {  	[sflag:s22] =	ssyncset.done $0x0  }
0x76: {  	[sflag:s22] =	ssyncadd.s32 $0xFFFFC000  }
.Ltmp1:
0x77: {  	_ =	swait.ge [sflag:s22], $0x4000;
	(pc) =	sbr.rel @p0 .LBB2_2-.Ltmp1, $4  }
0x78: {  	[sflag:s22] =	ssyncset.done $0x0  }
0x79: {  	s26 =	sadd.s32 $0x1000, s26;
	[sflag:s22] =	ssyncadd.s32 $0xFFFFC000  }
0x7a: {  	[hbm4b:s30+s1] =	stream.linear.scatter [tilespmem:s17], [sflag:$0x3], $0x8000, $0x38;
	[tilespmem:$0x10200] =	vst v63  }
0x7b: {  	s28 =	sadd.s32 $0x20, s28;
	s29 =	sadd.s32 $0x20, s29;
	s30 =	sadd.s32 $0x1000, s30  }
.LBB2_3:
0x7c: {  	[hbm4b:s31+s1] =	stream.linear.scatter [tilespmem:s18], [sflag:$0x3], $0x8000, $0x38;
	[tilespmem:$0x10200] =	vst v63  }
0x7d: {  	s24 =	sadd.s32 $0x1, s24  }
0x7e: {  	_ =	swait.ge [sflag:s23], $0x8000;
	p0 =	sne.s32 s24, s5  }
.Ltmp2:
0x7f: {  	[sflag:s23] =	ssyncset.done $0x0;
	(pc) =	sbr.rel @p0 .LBB2_1-.Ltmp2, $4  }
0x80: {  	[sflag:s23] =	ssyncadd.s32 $0xFFFF8000  }
0x81: {  	_ =	swait.ge [sflag:s23], $0x8000  }
0x82: {  	[sflag:s23] =	ssyncset.done $0x0  }
0x83: {  	[sflag:s23] =	ssyncadd.s32 $0xFFFF8000  }
0x84: {  	_ =	sfence.sel $0x180000  }
0x85: {  	[bflag:$0x0] =	sbarrier.arrive $0xFFFF  }
0x86: {  	p0 =	sne.s32 s2, $0x0;
	_ =	strace $0x90000056  }
0x87: {  	s0 =	sadd.s32 @!p0 $0x100000, s0;
	[bflag:$0x2] =	sbarrier.arrive $0xFFFF  }
0x88: {  	[sflag:s0] =	ssyncadd.tile.s32 @!p0 $0x1;
	_ =	shalt  }
.Lfunc_end2:
_tile_overlayer_lowered:
.L_overlay_start_2:
0x89: {  	(tag) =	ssettag $0x2  }
0x8a: {  	s0 =	rddreg [dreg:$0x0];
	s2 =	stileid.u32  }
0x8b: {  	s1 =	rddreg [dreg:$0x1];
	p0 =	sne.s32 s2, $0x0  }
0x8c: {  	s3 =	rddreg [dreg:$0x2];
	[bflag:$0x3] =	sbarrier.arrive $0xFFFF;
	s2 =	simm.s32 @!p0 $0x1C04  }
0x8d: {  	[timem:s3], [sflag:s2] =	dma.local @!p0 [hbm:s0], s1  }
0x8e: {  	s0 =	simm.s32 @!p0 $0x4  }
0x8f: {  	_ =	swait.ge @!p0 [sflag:s0], s1  }
0x90: {  	s1 =	ssub.s32 @!p0 $0x0, s1;
	[sflag:s0] =	ssyncset.done @!p0 $0x0  }
0x91: {  	[sflag:s0] =	ssyncadd.s32 @!p0 s1  }
0x92: {  	[bflag:$0x3] =	sbarrier.arrive $0xFFFF  }
0x93: {  	_ =	shalt  }

// kernel: kernel.33.cloned.1.call-start
scs
__scs_entry_jumppad:
0x0: {  	(pc) =	sbr.rel $0x88, $3  }
0x1: {  	(tag) =	ssettag $0x0;
	lr =	simm.s32 $0x1  }
0x2: {  	[smem:$0x3F88] =	sst lr;
	_ =	strace $0xD0000000  }
0x3: {  	_ = 	snop  }
0x4: {  	_ = 	snop  }
0x5: {  	_ = 	snop  }
0x6: {  	_ = 	snop  }
0x7: {  	_ = 	snop  }
__scs_overlays_trampoline_lowered:
0x8: {  	[smem:$0x3F97] =	sst s0  }
0x9: {  	[smem:$0x3F98] =	sst s1  }
0xa: {  	[smem:$0x3F99] =	sst s2  }
0xb: {  	[smem:$0x3F9A] =	sst s3  }
0xc: {  	[smem:$0x3F9B] =	sst s4  }
0xd: {  	[smem:$0x3F9C] =	sst s5  }
0xe: {  	[smem:$0x3F9D] =	sst s6  }
0xf: {  	[smem:$0x3F9E] =	sst s7  }
0x10: {  	[smem:$0x3F9F] =	sst s8  }
0x11: {  	[smem:$0x3FA0] =	sst s9;
	s0 =	simm.s32 @!p0 $0x0  }
0x12: {  	s1 =	sld [smem:$0x3F86];
	s0 =	simm.s32 @p0 $0x1  }
0x13: {  	[smem:$0x3FA1] =	sst s0;
	s0 =	simm.s32 @!p1 $0x0  }
0x14: {  	s2 =	sld [smem:$0x3F85];
	s0 =	simm.s32 @p1 $0x1  }
0x15: {  	[smem:$0x3FA2] =	sst s0;
	s0 =	simm.s32 @!p2 $0x0  }
0x16: {  	s3 =	sld [smem:$0x3FDB];
	s0 =	simm.s32 @p2 $0x1  }
0x17: {  	s4 =	simm.s32 $0x1BF5;
	[smem:$0x3FA4] =	sst s0  }
0x18: {  	s0 =	sld [smem:$0x3F87];
	_ =	swait.ge [sflag:s4], $0x0  }
0x19: {  	s7 =	sld [smem:$0x3F88]  }
0x1a: {  	s8 =	sadd.s32 $0xFFFFE003, lr  }
0x1b: {  	s9 =	sadd.s32 $0xFFFFFEF7, lr;
	s5 =	simm.s32 $0xFFFFFFFF;
	p2 =	slt.u32 s8, $0xFFFFF086  }
0x1c: {  	p1 =	slt.u32 s9, $0xF7A;
	s5 =	simm.s32 @!p2 $0x0  }
0x1d: {  	s5 =	simm.s32 @p1 $0x1;
	p0 =	seq.s32 s7, s2  }
0x1e: {  	s7 =	smul.u32 @!p0 $0xF7A, s2;
	p2 =	seq.s32 @!p0 s5, $0x0  }
0x1f: {  	s9 =	smul.u32 $0xF7A, s1;
	s8 =	simm.s32 @!p0 $0x1BF5;
	p2 =	por !p2, p0  }
0x20: {  	[sflag:s8] =	ssyncset.s32 @!p0 $0xFFFFF086;
	s6 =	sadd.s32 @!p0 s3, s7;
	s7 =	simm.s32 @!p0 $0x108  }
0x21: {  	s3 =	sadd.s32 s3, s9;
	s6 =	sadd.s32 @!p0 $0x88, s6;
	s7 =	simm.s32 @p2 $0x1082  }
0x22: {  	[simem:s7], [sflag:s8] =	dma.local @!p0 [hbm:s6], $0xF7A  }
0x23: {  	s9 =	sor.u32 $0xD0000000, s2;
	s6 =	simm.s32 $0x108;
	_ =	swait.ge @!p0 [sflag:s8], $0x0  }
0x24: {  	s3 =	sadd.s32 $0x88, s3;
	s6 =	simm.s32 @!p1 $0x1082;
	[sflag:s4] =	ssyncset.s32 $0xFFFFF086  }
0x25: {  	[simem:s6], [sflag:s4] =	dma.local [hbm:s3], $0xF7A  }
0x26: {  	[smem:$0x3F88] =	sst s1;
	(tag) =	ssettag s2;
	_ =	strace s9  }
0x27: {  	s1 =	sld [smem:$0x3F98]  }
0x28: {  	s2 =	sld [smem:$0x3F99]  }
0x29: {  	s4 =	sld [smem:$0x3F9B]  }
0x2a: {  	p0 =	seq.s32 s5, $0x0;
	s5 =	sld [smem:$0x3F9C]  }
0x2b: {  	s6 =	sld [smem:$0x3F9D]  }
0x2c: {  	s7 =	sld [smem:$0x3F9E]  }
0x2d: {  	s3 =	simm.s32 $0x108;
	s8 =	sld [smem:$0x3F9F]  }
0x2e: {  	s3 =	simm.s32 @!p0 $0x1082;
	s9 =	sld [smem:$0x3FA0]  }
0x2f: {  	lr =	sadd.s32 s0, s3;
	s0 =	sld [smem:$0x3F97]  }
0x30: {  	s3 =	sld [smem:$0x3F9A]  }
0x31: {  	[smem:$0x3FA3] =	sst s10  }
0x32: {  	s10 =	sld [smem:$0x3FA1];
	_ =	sdelay $0x3  }
0x33: {  	p0 =	seq.s32 s10, $0x1;
	s10 =	sld [smem:$0x3FA3];
	_ =	sdelay $0x3  }
0x34: {  	[smem:$0x3FA3] =	sst s10  }
0x35: {  	s10 =	sld [smem:$0x3FA2];
	_ =	sdelay $0x3  }
0x36: {  	p1 =	seq.s32 s10, $0x1;
	s10 =	sld [smem:$0x3FA3];
	_ =	sdelay $0x3  }
0x37: {  	[smem:$0x3FA3] =	sst s10  }
0x38: {  	s10 =	sld [smem:$0x3FA4]  }
0x39: {  	_ = 	snop;
	(pc) =	sbr.ind lr, $3  }
0x3a: {  	_ = 	snop  }
0x3b: {  	_ = 	snop  }
0x3c: {  	p2 =	seq.s32 s10, $0x1;
	s10 =	sld [smem:$0x3FA3]  }
0x3d: {  	_ =	shalt  }
0x3e: {  	_ =	shalt  }
0x3f: {  	_ =	shalt  }
0x40: {  	_ =	shalt  }
0x41: {  	_ =	shalt  }
0x42: {  	_ =	shalt  }
0x43: {  	_ =	shalt  }
0x44: {  	_ =	shalt  }
0x45: {  	_ =	shalt  }
0x46: {  	_ =	shalt  }
0x47: {  	_ =	shalt  }
0x48: {  	_ =	shalt  }
0x49: {  	_ =	shalt  }
0x4a: {  	_ =	shalt  }
0x4b: {  	_ =	shalt  }
0x4c: {  	_ =	shalt  }
0x4d: {  	_ =	shalt  }
0x4e: {  	_ =	shalt  }
0x4f: {  	_ =	shalt  }
0x50: {  	_ =	shalt  }
0x51: {  	_ =	shalt  }
0x52: {  	_ =	shalt  }
0x53: {  	_ =	shalt  }
0x54: {  	_ =	shalt  }
0x55: {  	_ =	shalt  }
0x56: {  	_ =	shalt  }
0x57: {  	_ =	shalt  }
0x58: {  	_ =	shalt  }
0x59: {  	_ =	shalt  }
0x5a: {  	_ =	shalt  }
0x5b: {  	_ =	shalt  }
0x5c: {  	_ =	shalt  }
0x5d: {  	_ =	shalt  }
0x5e: {  	_ =	shalt  }
0x5f: {  	_ =	shalt  }
0x60: {  	_ =	shalt  }
0x61: {  	_ =	shalt  }
0x62: {  	_ =	shalt  }
0x63: {  	_ =	shalt  }
0x64: {  	_ =	shalt  }
0x65: {  	_ =	shalt  }
0x66: {  	_ =	shalt  }
0x67: {  	_ =	shalt  }
0x68: {  	_ =	shalt  }
0x69: {  	_ =	shalt  }
0x6a: {  	_ =	shalt  }
0x6b: {  	_ =	shalt  }
0x6c: {  	_ =	shalt  }
0x6d: {  	_ =	shalt  }
0x6e: {  	_ =	shalt  }
0x6f: {  	_ =	shalt  }
0x70: {  	_ =	shalt  }
0x71: {  	_ =	shalt  }
0x72: {  	_ =	shalt  }
0x73: {  	_ =	shalt  }
0x74: {  	_ =	shalt  }
0x75: {  	_ =	shalt  }
0x76: {  	_ =	shalt  }
0x77: {  	_ =	shalt  }
0x78: {  	_ =	shalt  }
0x79: {  	_ =	shalt  }
0x7a: {  	_ =	shalt  }
0x7b: {  	_ =	shalt  }
0x7c: {  	_ =	shalt  }
0x7d: {  	_ =	shalt  }
0x7e: {  	_ =	shalt  }
0x7f: {  	_ =	shalt  }
0x80: {  	_ =	shalt  }
0x81: {  	_ =	shalt  }
0x82: {  	_ =	shalt  }
0x83: {  	_ =	shalt  }
0x84: {  	_ =	shalt  }
0x85: {  	_ =	shalt  }
0x86: {  	_ =	shalt  }
0x87: {  	_ =	shalt  }
.Lfunc_end0:
.L_simem_size_0:
called_computation.5_lowered:
.L_overlay_start_0:
0x88: {  	s2 =	sld [smem:$0x3FD9]  }
0x89: {  	s3 =	sld [smem:$0x3FFE];
	_ =	sdelay $0x1  }
0x8a: {  	s1 =	srdreg.scid  }
0x8b: {  	s0 =	sand.u32 $0x1, s1  }
0x8c: {  	s17 =	sshll.u32 s0, $0xA;
	s2 =	sadd.s32 s3, s2  }
0x8d: {  	s2 =	sadd.s32 s2, s17  }
0x8e: {  	[smem:$0x3FAF] =	sst s2  }
0x8f: {  	_ = 	snop  }
0x90: {  	(tm) =	ssettm $0x1  }
0x91: {  	s18 =	sld [smem:$0x3FFB];
	_ =	sdelay $0x3  }
0x92: {  	_ =	strace s18  }
0x93: {  	s2 =	sld [smem:$0x3FFC];
	_ =	sdelay $0x3  }
0x94: {  	_ =	strace s2  }
0x95: {  	s2 =	sld [smem:$0x3FFD];
	_ =	sdelay $0x3  }
0x96: {  	_ =	strace s2  }
0x97: {  	_ =	strace $0x8FFFFFFF  }
0x98: {  	s19 =	sld [smem:$0x3FDB];
	_ =	sdelay $0x1  }
0x99: {  	s20 =	simm.s32 $_scs_section_size  }
0x9a: {  	s4 =	simm.s32 $_size__tile_overlayer_lowered;
	s5 =	simm.s32 $_tile_overlayer_lowered  }
0x9b: {  	s6 =	simm.s32 $0x1BFF;
	s21 =	sshll.u32 s5, $0x1;
	s3 =	sadd.s32 s20, s19  }
0x9c: {  	s22 =	simm.s32 $0x0;
	s4 =	sshll.u32 s4, $0x1;
	s5 =	sadd.s32 s21, s3  }
0x9d: {  	[timem:s22], [sflag:s6] =	dma.local [hbm:s5], s4  }
0x9e: {  	_ =	swait.ge [sflag:s6], s4  }
0x9f: {  	s4 =	ssub.s32 $0x0, s4;
	[sflag:s6] =	ssyncset.done $0x0  }
0xa0: {  	[sflag:s6] =	ssyncadd.s32 s4;
	_ =	sdelay $0x1  }
0xa1: {  	s23 =	simm.s32 $0x1B8B  }
0xa2: {  	_ =	swait.ge [sflag:s23], $0x1  }
0xa3: {  	[sflag:s23] =	ssyncset.done $0x0  }
0xa4: {  	[sflag:s23] =	ssyncadd.s32 $0xFFFFFFFF  }
0xa5: {  	s4 =	sld [smem:$0x0]  }
0xa6: {  	s5 =	sand.u32 $0xFFFFFFFE, s1  }
0xa7: {  	p0 =	sne.s32 s1, s5  }
0xa8: {  	s5 =	sshll.u32 @p0 s5, $0xE  }
0xa9: {  	s5 =	sadd.s32 @p0 $0x11B8D, s5;
	s6 =	sshll.u32 @p0 s4, $0x11  }
0xaa: {  	s5 =	sor.u32 @p0 s6, s5  }
0xab: {  	[sflag:s5] =	ssyncadd.remote.s32 @p0 $0x1;
	_ =	sdelay $0x1  }
0xac: {  	s5 =	simm.s32 @p0 $0x1B8D  }
0xad: {  	_ =	swait.eq @p0 [sflag:s5], $0x1  }
0xae: {  	[sflag:s5] =	ssyncadd.s32 @p0 $0xFFFFFFFF  }
0xaf: {  	s6 =	sshll.u32 @!p0 s1, $0xE  }
0xb0: {  	s6 =	sor.u32 @!p0 $0x4000, s6;
	s5 =	simm.s32 @!p0 $0x1B8D  }
0xb1: {  	s4 =	sshll.u32 @!p0 s4, $0x11;
	s6 =	sadd.s32 @!p0 $0x11B8D, s6;
	_ =	swait.eq @!p0 [sflag:s5], $0x1  }
0xb2: {  	s4 =	sor.u32 @!p0 s4, s6;
	[sflag:s5] =	ssyncadd.s32 @!p0 $0xFFFFFFFF  }
0xb3: {  	s25 =	simm.s32 $0x1B8E;
	s24 =	sld [smem:$0x3FFE];
	[sflag:s4] =	ssyncadd.remote.s32 @!p0 $0x1  }
0xb4: {  	s26 =	simm.s32 $execute0_lowered;
	[smem:$0x3FD2] =	sst s25  }
0xb5: {  	s5 =	sshll.u32 s26, $0x1;
	_ =	strace $0x8000005B;
	[dreg:$0x1] =	wrdreg $0xFFFFFFFF  }
0xb6: {  	s28 =	simm.s32 $_size_execute0_lowered;
	s3 =	sadd.s32 s3, s5;
	[dreg:$0x0] =	wrdreg $0x0  }
0xb7: {  	s5 =	sshll.u32 s28, $0x1;
	[dreg:$0x2] =	wrdreg s3  }
0xb8: {  	[dreg:$0x3] =	wrdreg s5  }
0xb9: {  	[dreg:$0x4] =	wrdreg $0xC0  }
0xba: {  	_ =	task [dreg:s22], $0x5FFFF  }
0xbb: {  	[dreg:$0x1] =	wrdreg $0xFFFFFFFF  }
0xbc: {  	[dreg:$0x0] =	wrdreg $0x60  }
0xbd: {  	[dreg:$0x2] =	wrdreg s24  }
0xbe: {  	[dreg:$0x3] =	wrdreg $0x81000  }
0xbf: {  	[dreg:$0x4] =	wrdreg $0x9  }
0xc0: {  	_ =	task.clear_ibuf [dreg:s22], $0x5FFFF;
	_ =	strace $0x9000005B  }
0xc1: {  	s29 =	simm.s32 $0x9;
	_ =	strace $0x8000005D  }
0xc2: {  	_ =	swait.ge [sflag:s29], $0x1  }
0xc3: {  	[sflag:s29] =	ssyncadd.s32 $0xFFFFFFFF  }
0xc4: {  	_ =	strace $0x9000005D  }
0xc5: {  	_ =	sfence  }
0xc6: {  	s30 =	sld [smem:$0x0];
	_ =	sdelay $0x2  }
0xc7: {  	s31 =	sshll.u32 s1, $0xD;
	s1 =	sshrl.u32 s1, $0x2  }
0xc8: {  	s4 =	sand.u32 $0x4000, s31;
	s1 =	sadd.s32 s1, s30  }
0xc9: {  	s0 =	sor.u32 s4, s0;
	s1 =	sshll.u32 s1, $0x11  }
0xca: {  	s0 =	sor.u32 s1, s0  }
0xcb: {  	s0 =	sadd.s32 $0x8F2B, s0  }
0xcc: {  	[sflag:s0] =	ssyncadd.remote.s32 $0x1  }
0xcd: {  	_ =	sfence.sel $0xFFFF  }
0xce: {  	[dreg:$0x0] =	wrdreg $0xFFFFFFFF;
	(pc) =	sbr.abs _section_cstart, $3  }
0xcf: {  	[dreg:$0x1] =	wrdreg $0xFFFFFFFF  }
0xd0: {  	_ =	task.clear_ibuf [dreg:s22], $0x2FFFF;
	_ =	strace $0x9FFFFFFF  }
0xd1: {  	(tm) =	ssettm $0x7FFFFFFF  }
tec
execute0_lowered:
.L_overlay_start_1:
0x0: {  	(tag) =	ssettag $0x1  }
0x1: {  	s1 =	srdreg.scid  }
0x2: {  	s0 =	stileid.u32;
	s7 =	rddreg [dreg:$0x0]  }
0x3: {  	s18 =	simm.s32 $0x80;
	s19 =	simm.s32 $0x4100;
	s24 =	smul.u32 $0x26, s0  }
0x4: {  	s20 =	simm.s32 $0x2;
	s21 =	simm.s32 $0x0;
	s25 =	smul.u32 $0x2700, s0  }
0x5: {  	s6 =	sand.u32 $0x1, s1;
	s2 =	sshll.u32 s0, $0x1;
	s11 =	smul.u32 $0x4E000, s0  }
0x6: {  	s1 =	rddreg [dreg:$0x2];
	s14 =	sadd.s32 $0x321600, s7;
	s3 =	smul.u32 $0x13, s6  }
0x7: {  	s30 =	sshll.u32 s0, $0x6;
	s4 =	sor.u32 s6, s2;
	s29 =	smul.u32 $0x138800, s6  }
0x8: {  	s2 =	rddreg [dreg:$0x1];
	s9 =	ssub.s32 $0x2, s6;
	s31 =	smul.u32 $0x27100, s6  }
0x9: {  	s6 =	sor.u32 $0x1C03, s30;
	s5 =	smin.u32 s4, $0x11;
	s26 =	sshrl.u32 s9, $0x1  }
0xa: {  	s13 =	sadd.s32 s25, s7;
	p0 =	slt.u32 s4, $0x11;
	s4 =	simm.s32 $0x14  }
0xb: {  	s28 =	sshrl.u32 s11, $0x2;
	s17 =	sadd.s32 $0x138000, s2;
	s8 =	sadd.s32 s3, s24  }
0xc: {  	s3 =	simm.s32 $0x0;
	s15 =	ssub.s32 s9, s26;
	s4 =	simm.s32 @!p0 $0x13  }
0xd: {  	s16 =	sadd.s32 s28, s2;
	s9 =	sshrl.u32 s29, $0x3;
	p0 =	sne.s32 s0, $0xF  }
0xe: {  	s5 =	sadd.s32 s5, s8;
	[smem:$0x7FF] =	sst s3;
	s9 =	sadd.s32 s14, s9  }
0xf: {  	s11 =	smax.u32 s15, $0x1;
	s15 =	sshrl.u32 @!p0 s17, $0x3;
	s17 =	simm.s32 $0x1  }
0x10: {  	s8 =	sshll.u32 s5, $0xC;
	_ =	strace $0x8000005C;
	s5 =	sshll.u32 s5, $0x5  }
0x11: {  	s9 =	sadd.s32 $0x27000, s9;
	s12 =	sadd.s32 s8, s7;
	s10 =	sadd.s32 s5, s7  }
0x12: {  	s5 =	sadd.s32 $0xCA3C00, s13;
	s7 =	sadd.s32 $0xCCAC00, s7;
	s8 =	sadd.s32 s25, s31  }
0x13: {  	s13 =	sshrl.u32 s16, $0x3;
	s16 =	simm.s32 $0x100;
	s8 =	sadd.s32 s14, s8  }
0x14: {  	s10 =	sadd.s32 $0x549400, s10;
	s12 =	sadd.s32 $0xA30400, s12;
	s14 =	simm.s32 $0x3  }
.LBB2_1:
0x15: {  	[spmem:s13], [sflag:s6] =	dma.local [hbm:s5], $0x2700  }
0x16: {  	_ =	swait.ge [sflag:s14], $0x2700  }
0x17: {  	[sflag:s14] =	ssyncset.done $0x0  }
0x18: {  	s22 =	simm.s32 @!p0 $0x3;
	[sflag:s14] =	ssyncadd.s32 $0xFFFFD900  }
0x19: {  	[spmem:s15], [sflag:s6] =	dma.local @!p0 [hbm:s7], $0x100  }
0x1a: {  	_ =	swait.ge @!p0 [sflag:s22], $0x100  }
0x1b: {  	[sflag:s22] =	ssyncset.done @!p0 $0x0  }
0x1c: {  	[sflag:s22] =	ssyncadd.s32 @!p0 $0xFFFFFF00  }
0x1d: {  	[bflag:$0x0] =	sbarrier.arrive $0xFFFF  }
0x1e: {  	[tilespmem:s3], [sflag:$0x1] =	stream.linear.gather [hbm4b:s10+s3], $0x100, $0x38;
	[tilespmem:$0x1B980] =	vst v63  }
0x1f: {  	_ = 	snop  }
0x20: {  	[tilespmem:s16], [sflag:$0x1] =	stream.linear.gather [hbm4b:s12+s3], $0x8000, $0x38;
	[tilespmem:$0x1B980] =	vst v63  }
0x21: {  	_ =	swait.ge [sflag:s17], $0x100  }
0x22: {  	[sflag:s17] =	ssyncset.done $0x0  }
0x23: {  	[sflag:s17] =	ssyncadd.s32 $0xFFFFFF00  }
0x24: {  	_ =	swait.ge [sflag:s17], $0x8000  }
0x25: {  	[sflag:s17] =	ssyncset.done $0x0  }
0x26: {  	[sflag:s17] =	ssyncadd.s32 $0xFFFF8000  }
0x27: {  	[spmem:s2] =	stream.indirect.scatter.add.f32 [tilespmem:s16], [sflag:$0x2], $0x80, s3, s18, $0xb8;
	[tilespmem:$0x1B980] =	vst v63  }
0x28: {  	p1 =	sne.s32 s4, $0x1  }
0x29: {  	[spmem:s2] =	stream.indirect.scatter.add.f32 [tilespmem:s19], [sflag:$0x2], $0x80, s18, s18, $0xb8;
	[tilespmem:$0x1B980] =	vst v63  }
.Ltmp0:
0x2a: {  	_ =	swait.ge [sflag:s20], $0x4000;
	(pc) =	sbr.rel @!p1 .LBB2_3-.Ltmp0, $4  }
0x2b: {  	[sflag:s20] =	ssyncset.done $0x0  }
0x2c: {  	[sflag:s20] =	ssyncadd.s32 $0xFFFFC000  }
0x2d: {  	s23 =	sadd.s32 $0xFFFFFFFF, s4;
	_ =	swait.ge [sflag:s20], $0x4000  }
0x2e: {  	s24 =	smov.u32 s10;
	s25 =	smov.u32 s12;
	[sflag:s20] =	ssyncset.done $0x0  }
.LBB2_2:
0x2f: {  	[sflag:s20] =	ssyncadd.s32 $0xFFFFC000;
	s24 =	sadd.s32 $0x20, s24;
	s25 =	sadd.s32 $0x1000, s25  }
0x30: {  	[tilespmem:s3], [sflag:$0x1] =	stream.linear.gather [hbm4b:s24+s3], $0x100, $0x38;
	[tilespmem:$0x1B980] =	vst v63  }
0x31: {  	p1 =	sne.s32 s23, $0x1;
	s23 =	sadd.s32 $0xFFFFFFFF, s23  }
0x32: {  	[tilespmem:s16], [sflag:$0x1] =	stream.linear.gather [hbm4b:s25+s3], $0x8000, $0x38;
	[tilespmem:$0x1B980] =	vst v63  }
0x33: {  	_ =	swait.ge [sflag:s17], $0x100  }
0x34: {  	[sflag:s17] =	ssyncset.done $0x0  }
0x35: {  	[sflag:s17] =	ssyncadd.s32 $0xFFFFFF00  }
0x36: {  	_ =	swait.ge [sflag:s17], $0x8000  }
0x37: {  	[sflag:s17] =	ssyncset.done $0x0  }
0x38: {  	[sflag:s17] =	ssyncadd.s32 $0xFFFF8000  }
0x39: {  	[spmem:s2] =	stream.indirect.scatter.add.f32 [tilespmem:s16], [sflag:$0x2], $0x80, s3, s18, $0xb8;
	[tilespmem:$0x1B980] =	vst v63  }
0x3a: {  	_ = 	snop  }
0x3b: {  	[spmem:s2] =	stream.indirect.scatter.add.f32 [tilespmem:s19], [sflag:$0x2], $0x80, s18, s18, $0xb8;
	[tilespmem:$0x1B980] =	vst v63  }
.Ltmp1:
0x3c: {  	_ =	swait.ge [sflag:s20], $0x4000;
	(pc) =	sbr.rel @p1 .LBB2_2-.Ltmp1, $4  }
0x3d: {  	[sflag:s20] =	ssyncset.done $0x0  }
0x3e: {  	[sflag:s20] =	ssyncadd.s32 $0xFFFFC000  }
0x3f: {  	_ =	swait.ge [sflag:s20], $0x4000  }
0x40: {  	[sflag:s20] =	ssyncset.done $0x0  }
.LBB2_3:
0x41: {  	[sflag:s20] =	ssyncadd.s32 $0xFFFFC000  }
0x42: {  	[bflag:$0x0] =	sbarrier.arrive $0xFFFF  }
0x43: {  	[hbm:s8], [sflag:s6] =	dma.local [spmem:s13], $0x2700  }
0x44: {  	s21 =	sadd.s32 $0x1, s21;
	_ =	swait.ge [sflag:s14], $0x2700  }
0x45: {  	p1 =	sne.s32 s21, s11;
	[sflag:s14] =	ssyncset.done $0x0  }
.Ltmp2:
0x46: {  	[sflag:s14] =	ssyncadd.s32 $0xFFFFD900;
	(pc) =	sbr.rel @p1 .LBB2_1-.Ltmp2, $4  }
0x47: {  	[hbm:s9], [sflag:s6] =	dma.local @!p0 [spmem:s15], $0x100  }
0x48: {  	_ =	swait.ge @!p0 [sflag:s22], $0x100  }
0x49: {  	[sflag:s22] =	ssyncset.done @!p0 $0x0  }
0x4a: {  	[sflag:s22] =	ssyncadd.s32 @!p0 $0xFFFFFF00  }
0x4b: {  	_ =	sfence.sel $0x180000  }
0x4c: {  	[bflag:$0x0] =	sbarrier.arrive $0xFFFF  }
0x4d: {  	p0 =	sne.s32 s0, $0x0;
	_ =	strace $0x9000005C  }
0x4e: {  	s0 =	sadd.s32 @!p0 $0x100000, s1;
	[bflag:$0x2] =	sbarrier.arrive $0xFFFF  }
0x4f: {  	[sflag:s0] =	ssyncadd.tile.s32 @!p0 $0x1;
	_ =	shalt  }
.Lfunc_end2:
_tile_overlayer_lowered:
.L_overlay_start_2:
0x50: {  	(tag) =	ssettag $0x2  }
0x51: {  	s0 =	rddreg [dreg:$0x0];
	s2 =	stileid.u32  }
0x52: {  	s1 =	rddreg [dreg:$0x1];
	p0 =	sne.s32 s2, $0x0  }
0x53: {  	s3 =	rddreg [dreg:$0x2];
	[bflag:$0x3] =	sbarrier.arrive $0xFFFF;
	s2 =	simm.s32 @!p0 $0x1C03  }
0x54: {  	[timem:s3], [sflag:s2] =	dma.local @!p0 [hbm:s0], s1  }
0x55: {  	s0 =	simm.s32 @!p0 $0x3  }
0x56: {  	_ =	swait.ge @!p0 [sflag:s0], s1  }
0x57: {  	s1 =	ssub.s32 @!p0 $0x0, s1;
	[sflag:s0] =	ssyncset.done @!p0 $0x0  }
0x58: {  	[sflag:s0] =	ssyncadd.s32 @!p0 s1  }
0x59: {  	[bflag:$0x3] =	sbarrier.arrive $0xFFFF  }
0x5a: {  	_ =	shalt  }

// kernel: kernel.36.cloned.1.call-start
scs
__scs_entry_jumppad:
0x0: {  	(pc) =	sbr.rel $0x88, $3  }
0x1: {  	(tag) =	ssettag $0x0;
	lr =	simm.s32 $0x1  }
0x2: {  	[smem:$0x3F88] =	sst lr;
	_ =	strace $0xD0000000  }
0x3: {  	_ = 	snop  }
0x4: {  	_ = 	snop  }
0x5: {  	_ = 	snop  }
0x6: {  	_ = 	snop  }
0x7: {  	_ = 	snop  }
__scs_overlays_trampoline_lowered:
0x8: {  	[smem:$0x3F97] =	sst s0  }
0x9: {  	[smem:$0x3F98] =	sst s1  }
0xa: {  	[smem:$0x3F99] =	sst s2  }
0xb: {  	[smem:$0x3F9A] =	sst s3  }
0xc: {  	[smem:$0x3F9B] =	sst s4  }
0xd: {  	[smem:$0x3F9C] =	sst s5  }
0xe: {  	[smem:$0x3F9D] =	sst s6  }
0xf: {  	[smem:$0x3F9E] =	sst s7  }
0x10: {  	[smem:$0x3F9F] =	sst s8  }
0x11: {  	[smem:$0x3FA0] =	sst s9;
	s0 =	simm.s32 @!p0 $0x0  }
0x12: {  	s1 =	sld [smem:$0x3F86];
	s0 =	simm.s32 @p0 $0x1  }
0x13: {  	[smem:$0x3FA1] =	sst s0;
	s0 =	simm.s32 @!p1 $0x0  }
0x14: {  	s2 =	sld [smem:$0x3F85];
	s0 =	simm.s32 @p1 $0x1  }
0x15: {  	[smem:$0x3FA2] =	sst s0;
	s0 =	simm.s32 @!p2 $0x0  }
0x16: {  	s3 =	sld [smem:$0x3FDB];
	s0 =	simm.s32 @p2 $0x1  }
0x17: {  	s4 =	simm.s32 $0x1BF5;
	[smem:$0x3FA4] =	sst s0  }
0x18: {  	s0 =	sld [smem:$0x3F87];
	_ =	swait.ge [sflag:s4], $0x0  }
0x19: {  	s7 =	sld [smem:$0x3F88]  }
0x1a: {  	s8 =	sadd.s32 $0xFFFFE003, lr  }
0x1b: {  	s9 =	sadd.s32 $0xFFFFFEF7, lr;
	s5 =	simm.s32 $0xFFFFFFFF;
	p2 =	slt.u32 s8, $0xFFFFF086  }
0x1c: {  	p1 =	slt.u32 s9, $0xF7A;
	s5 =	simm.s32 @!p2 $0x0  }
0x1d: {  	s5 =	simm.s32 @p1 $0x1;
	p0 =	seq.s32 s7, s2  }
0x1e: {  	s7 =	smul.u32 @!p0 $0xF7A, s2;
	p2 =	seq.s32 @!p0 s5, $0x0  }
0x1f: {  	s9 =	smul.u32 $0xF7A, s1;
	s8 =	simm.s32 @!p0 $0x1BF5;
	p2 =	por !p2, p0  }
0x20: {  	[sflag:s8] =	ssyncset.s32 @!p0 $0xFFFFF086;
	s6 =	sadd.s32 @!p0 s3, s7;
	s7 =	simm.s32 @!p0 $0x108  }
0x21: {  	s3 =	sadd.s32 s3, s9;
	s6 =	sadd.s32 @!p0 $0x88, s6;
	s7 =	simm.s32 @p2 $0x1082  }
0x22: {  	[simem:s7], [sflag:s8] =	dma.local @!p0 [hbm:s6], $0xF7A  }
0x23: {  	s9 =	sor.u32 $0xD0000000, s2;
	s6 =	simm.s32 $0x108;
	_ =	swait.ge @!p0 [sflag:s8], $0x0  }
0x24: {  	s3 =	sadd.s32 $0x88, s3;
	s6 =	simm.s32 @!p1 $0x1082;
	[sflag:s4] =	ssyncset.s32 $0xFFFFF086  }
0x25: {  	[simem:s6], [sflag:s4] =	dma.local [hbm:s3], $0xF7A  }
0x26: {  	[smem:$0x3F88] =	sst s1;
	(tag) =	ssettag s2;
	_ =	strace s9  }
0x27: {  	s1 =	sld [smem:$0x3F98]  }
0x28: {  	s2 =	sld [smem:$0x3F99]  }
0x29: {  	s4 =	sld [smem:$0x3F9B]  }
0x2a: {  	p0 =	seq.s32 s5, $0x0;
	s5 =	sld [smem:$0x3F9C]  }
0x2b: {  	s6 =	sld [smem:$0x3F9D]  }
0x2c: {  	s7 =	sld [smem:$0x3F9E]  }
0x2d: {  	s3 =	simm.s32 $0x108;
	s8 =	sld [smem:$0x3F9F]  }
0x2e: {  	s3 =	simm.s32 @!p0 $0x1082;
	s9 =	sld [smem:$0x3FA0]  }
0x2f: {  	lr =	sadd.s32 s0, s3;
	s0 =	sld [smem:$0x3F97]  }
0x30: {  	s3 =	sld [smem:$0x3F9A]  }
0x31: {  	[smem:$0x3FA3] =	sst s10  }
0x32: {  	s10 =	sld [smem:$0x3FA1];
	_ =	sdelay $0x3  }
0x33: {  	p0 =	seq.s32 s10, $0x1;
	s10 =	sld [smem:$0x3FA3];
	_ =	sdelay $0x3  }
0x34: {  	[smem:$0x3FA3] =	sst s10  }
0x35: {  	s10 =	sld [smem:$0x3FA2];
	_ =	sdelay $0x3  }
0x36: {  	p1 =	seq.s32 s10, $0x1;
	s10 =	sld [smem:$0x3FA3];
	_ =	sdelay $0x3  }
0x37: {  	[smem:$0x3FA3] =	sst s10  }
0x38: {  	s10 =	sld [smem:$0x3FA4]  }
0x39: {  	_ = 	snop;
	(pc) =	sbr.ind lr, $3  }
0x3a: {  	_ = 	snop  }
0x3b: {  	_ = 	snop  }
0x3c: {  	p2 =	seq.s32 s10, $0x1;
	s10 =	sld [smem:$0x3FA3]  }
0x3d: {  	_ =	shalt  }
0x3e: {  	_ =	shalt  }
0x3f: {  	_ =	shalt  }
0x40: {  	_ =	shalt  }
0x41: {  	_ =	shalt  }
0x42: {  	_ =	shalt  }
0x43: {  	_ =	shalt  }
0x44: {  	_ =	shalt  }
0x45: {  	_ =	shalt  }
0x46: {  	_ =	shalt  }
0x47: {  	_ =	shalt  }
0x48: {  	_ =	shalt  }
0x49: {  	_ =	shalt  }
0x4a: {  	_ =	shalt  }
0x4b: {  	_ =	shalt  }
0x4c: {  	_ =	shalt  }
0x4d: {  	_ =	shalt  }
0x4e: {  	_ =	shalt  }
0x4f: {  	_ =	shalt  }
0x50: {  	_ =	shalt  }
0x51: {  	_ =	shalt  }
0x52: {  	_ =	shalt  }
0x53: {  	_ =	shalt  }
0x54: {  	_ =	shalt  }
0x55: {  	_ =	shalt  }
0x56: {  	_ =	shalt  }
0x57: {  	_ =	shalt  }
0x58: {  	_ =	shalt  }
0x59: {  	_ =	shalt  }
0x5a: {  	_ =	shalt  }
0x5b: {  	_ =	shalt  }
0x5c: {  	_ =	shalt  }
0x5d: {  	_ =	shalt  }
0x5e: {  	_ =	shalt  }
0x5f: {  	_ =	shalt  }
0x60: {  	_ =	shalt  }
0x61: {  	_ =	shalt  }
0x62: {  	_ =	shalt  }
0x63: {  	_ =	shalt  }
0x64: {  	_ =	shalt  }
0x65: {  	_ =	shalt  }
0x66: {  	_ =	shalt  }
0x67: {  	_ =	shalt  }
0x68: {  	_ =	shalt  }
0x69: {  	_ =	shalt  }
0x6a: {  	_ =	shalt  }
0x6b: {  	_ =	shalt  }
0x6c: {  	_ =	shalt  }
0x6d: {  	_ =	shalt  }
0x6e: {  	_ =	shalt  }
0x6f: {  	_ =	shalt  }
0x70: {  	_ =	shalt  }
0x71: {  	_ =	shalt  }
0x72: {  	_ =	shalt  }
0x73: {  	_ =	shalt  }
0x74: {  	_ =	shalt  }
0x75: {  	_ =	shalt  }
0x76: {  	_ =	shalt  }
0x77: {  	_ =	shalt  }
0x78: {  	_ =	shalt  }
0x79: {  	_ =	shalt  }
0x7a: {  	_ =	shalt  }
0x7b: {  	_ =	shalt  }
0x7c: {  	_ =	shalt  }
0x7d: {  	_ =	shalt  }
0x7e: {  	_ =	shalt  }
0x7f: {  	_ =	shalt  }
0x80: {  	_ =	shalt  }
0x81: {  	_ =	shalt  }
0x82: {  	_ =	shalt  }
0x83: {  	_ =	shalt  }
0x84: {  	_ =	shalt  }
0x85: {  	_ =	shalt  }
0x86: {  	_ =	shalt  }
0x87: {  	_ =	shalt  }
.Lfunc_end0:
.L_simem_size_0:
called_computation.6_lowered:
.L_overlay_start_0:
0x88: {  	s2 =	sld [smem:$0x3FD9]  }
0x89: {  	s3 =	sld [smem:$0x3FFE];
	_ =	sdelay $0x1  }
0x8a: {  	s1 =	srdreg.scid  }
0x8b: {  	s0 =	sand.u32 $0x1, s1  }
0x8c: {  	s16 =	sshll.u32 s0, $0xA;
	s2 =	sadd.s32 s3, s2  }
0x8d: {  	s2 =	sadd.s32 s2, s16  }
0x8e: {  	[smem:$0x3FAF] =	sst s2  }
0x8f: {  	_ = 	snop  }
0x90: {  	(tm) =	ssettm $0x1  }
0x91: {  	s17 =	sld [smem:$0x3FFB];
	_ =	sdelay $0x3  }
0x92: {  	_ =	strace s17  }
0x93: {  	s2 =	sld [smem:$0x3FFC];
	_ =	sdelay $0x3  }
0x94: {  	_ =	strace s2  }
0x95: {  	s2 =	sld [smem:$0x3FFD];
	_ =	sdelay $0x3  }
0x96: {  	_ =	strace s2  }
0x97: {  	_ =	strace $0x8FFFFFFF  }
0x98: {  	s18 =	sld [smem:$0x3FDB];
	_ =	sdelay $0x1  }
0x99: {  	s19 =	simm.s32 $_scs_section_size  }
0x9a: {  	s4 =	simm.s32 $_size__tile_overlayer_lowered;
	s5 =	simm.s32 $_tile_overlayer_lowered  }
0x9b: {  	s22 =	simm.s32 $0x1BFF;
	s21 =	sshll.u32 s5, $0x1;
	s2 =	sadd.s32 s19, s18  }
0x9c: {  	s6 =	simm.s32 $0x0;
	s20 =	sshll.u32 s4, $0x1;
	s4 =	sadd.s32 s21, s2  }
0x9d: {  	[timem:s6], [sflag:s22] =	dma.local [hbm:s4], s20  }
0x9e: {  	_ =	swait.ge [sflag:s22], s20  }
0x9f: {  	s3 =	ssub.s32 $0x0, s20;
	[sflag:s22] =	ssyncset.done $0x0  }
0xa0: {  	[sflag:s22] =	ssyncadd.s32 s3;
	_ =	sdelay $0x1  }
0xa1: {  	s23 =	simm.s32 $0x1B8B  }
0xa2: {  	_ =	swait.ge [sflag:s23], $0x1  }
0xa3: {  	[sflag:s23] =	ssyncset.done $0x0  }
0xa4: {  	s25 =	simm.s32 $0x1B8E;
	s24 =	sld [smem:$0x3FFE];
	[sflag:s23] =	ssyncadd.s32 $0xFFFFFFFF  }
0xa5: {  	s26 =	simm.s32 $execute0_lowered;
	[smem:$0x3FD2] =	sst s25  }
0xa6: {  	s4 =	sshll.u32 s26, $0x1;
	_ =	strace $0x80000052;
	[dreg:$0x1] =	wrdreg $0xFFFFFFFF  }
0xa7: {  	s28 =	simm.s32 $_size_execute0_lowered;
	s2 =	sadd.s32 s2, s4;
	[dreg:$0x0] =	wrdreg $0x0  }
0xa8: {  	s4 =	sshll.u32 s28, $0x1;
	[dreg:$0x2] =	wrdreg s2  }
0xa9: {  	[dreg:$0x3] =	wrdreg s4  }
0xaa: {  	[dreg:$0x4] =	wrdreg $0xC0  }
0xab: {  	_ =	task [dreg:s6], $0x5FFFF  }
0xac: {  	[dreg:$0x1] =	wrdreg $0xFFFFFFFF  }
0xad: {  	[dreg:$0x0] =	wrdreg $0x60  }
0xae: {  	[dreg:$0x2] =	wrdreg s24  }
0xaf: {  	[dreg:$0x3] =	wrdreg $0xA  }
0xb0: {  	_ =	task.clear_ibuf [dreg:s6], $0x4FFFF;
	_ =	strace $0x90000052  }
0xb1: {  	s29 =	simm.s32 $0xA;
	_ =	strace $0x80000054  }
0xb2: {  	_ =	swait.ge [sflag:s29], $0x1  }
0xb3: {  	[sflag:s29] =	ssyncadd.s32 $0xFFFFFFFF  }
0xb4: {  	_ =	strace $0x90000054  }
0xb5: {  	_ =	sfence  }
0xb6: {  	s30 =	sld [smem:$0x0];
	_ =	sdelay $0x2  }
0xb7: {  	s31 =	sshll.u32 s1, $0xD;
	s1 =	sshrl.u32 s1, $0x2  }
0xb8: {  	s3 =	sand.u32 $0x4000, s31;
	s1 =	sadd.s32 s1, s30  }
0xb9: {  	s0 =	sor.u32 s3, s0;
	s1 =	sshll.u32 s1, $0x11  }
0xba: {  	s0 =	sor.u32 s1, s0  }
0xbb: {  	s0 =	sadd.s32 $0x8F2B, s0  }
0xbc: {  	[sflag:s0] =	ssyncadd.remote.s32 $0x1  }
0xbd: {  	_ =	sfence.sel $0xFFFF  }
0xbe: {  	[dreg:$0x0] =	wrdreg $0xFFFFFFFF;
	(pc) =	sbr.abs _section_cstart, $3  }
0xbf: {  	[dreg:$0x1] =	wrdreg $0xFFFFFFFF  }
0xc0: {  	_ =	task.clear_ibuf [dreg:s6], $0x2FFFF;
	_ =	strace $0x9FFFFFFF  }
0xc1: {  	(tm) =	ssettm $0x7FFFFFFF  }
tec
execute0_lowered:
.L_overlay_start_1:
0x0: {  	(tag) =	ssettag $0x1  }
0x1: {  	s4 =	rddreg [dreg:$0x0]  }
0x2: {  	s0 =	rddreg [dreg:$0x1]  }
0x3: {  	s1 =	simm.s32 $0x0;
	s5 =	srdreg.scid;
	s2 =	stileid.u32  }
0x4: {  	s17 =	simm.s32 $0x200;
	s18 =	simm.s32 $0x8200;
	s19 =	simm.s32 $0x4200  }
0x5: {  	s20 =	simm.s32 $0x180;
	s21 =	simm.s32 $0xC200;
	s22 =	simm.s32 $0x2  }
0x6: {  	s23 =	simm.s32 $0x3;
	s24 =	simm.s32 $0x0;
	[smem:$0x7FF] =	sst s1  }
0x7: {  	s3 =	sadd.s32 $0x16800, s4;
	s10 =	sadd.s32 $0xA000, s4;
	s5 =	sand.u32 $0x1, s5  }
0x8: {  	s6 =	sshll.u32 s2, $0x1;
	s11 =	sadd.s32 $0xF000, s4;
	s12 =	sadd.s32 $0x2D3400, s4  }
0x9: {  	s13 =	sadd.s32 $0xA32C00, s4;
	s14 =	smul.u32 $0x26, s2;
	s4 =	simm.s32 $0x13  }
0xa: {  	s6 =	sor.u32 s5, s6;
	s7 =	ssub.s32 $0x2, s5;
	s25 =	smul.u32 $0x13, s5  }
0xb: {  	_ =	strace $0x80000053;
	s8 =	smul.u32 $0x13, s6;
	s9 =	sshrl.u32 s7, $0x1  }
0xc: {  	p0 =	slt.u32 s6, $0x11;
	s15 =	smin.u32 s6, $0x11;
	s26 =	ssub.s32 s7, s9  }
0xd: {  	s4 =	simm.s32 @!p0 $0x12;
	s29 =	sadd.s32 s25, s14;
	s14 =	simm.s32 $0x100  }
0xe: {  	s28 =	sadd.s32 s15, s8;
	s5 =	smax.u32 s26, $0x1;
	s15 =	sadd.s32 s15, s29  }
0xf: {  	s8 =	sshll.u32 s28, $0x5;
	s30 =	sshll.u32 s28, $0xC;
	s16 =	sshll.u32 s15, $0x5  }
0x10: {  	s31 =	sshll.u32 s15, $0xC;
	s15 =	simm.s32 $0x1;
	s6 =	sadd.s32 s10, s8  }
0x11: {  	s7 =	sadd.s32 s11, s8;
	s8 =	sadd.s32 s12, s30;
	s9 =	sadd.s32 s13, s30  }
0x12: {  	s10 =	sadd.s32 s16, s10;
	s11 =	sadd.s32 s16, s11;
	s12 =	sadd.s32 s31, s12  }
0x13: {  	s13 =	sadd.s32 s31, s13;
	s16 =	simm.s32 $0x80;
	s10 =	sadd.s32 $0x20, s10  }
0x14: {  	s11 =	sadd.s32 $0x20, s11;
	s12 =	sadd.s32 $0x1000, s12;
	s13 =	sadd.s32 $0x1000, s13  }
.LBB2_1:
0x15: {  	[tilespmem:s1], [sflag:$0x1] =	stream.linear.gather [hbm4b:s6+s1], $0x100, $0x38;
	[tilespmem:$0x10200] =	vst v63  }
0x16: {  	_ = 	snop  }
0x17: {  	[tilespmem:s14], [sflag:$0x1] =	stream.linear.gather [hbm4b:s7+s1], $0x100, $0x38;
	[tilespmem:$0x10200] =	vst v63  }
0x18: {  	_ =	swait.ge [sflag:s15], $0x100  }
0x19: {  	[sflag:s15] =	ssyncset.done $0x0  }
0x1a: {  	[sflag:s15] =	ssyncadd.s32 $0xFFFFFF00  }
0x1b: {  	_ =	swait.ge [sflag:s15], $0x100  }
0x1c: {  	[sflag:s15] =	ssyncset.done $0x0  }
0x1d: {  	[sflag:s15] =	ssyncadd.s32 $0xFFFFFF00  }
0x1e: {  	[tilespmem:s17], [sflag:$0x2] =	stream.indirect.gather [hbm4b:s3+s16], $0x80, s1, s16, $0xb8;
	[tilespmem:$0x10200] =	vst v63  }
0x1f: {  	_ = 	snop  }
0x20: {  	[tilespmem:s18], [sflag:$0x2] =	stream.indirect.gather [hbm4b:s3+s16], $0x80, s14, s16, $0xb8;
	[tilespmem:$0x10200] =	vst v63  }
0x21: {  	_ = 	snop  }
0x22: {  	[tilespmem:s19], [sflag:$0x2] =	stream.indirect.gather [hbm4b:s3+s16], $0x80, s16, s16, $0xb8;
	[tilespmem:$0x10200] =	vst v63  }
0x23: {  	_ = 	snop  }
0x24: {  	[tilespmem:s21], [sflag:$0x2] =	stream.indirect.gather [hbm4b:s3+s16], $0x80, s20, s16, $0xb8;
	[tilespmem:$0x10200] =	vst v63  }
0x25: {  	_ =	swait.ge [sflag:s22], $0x4000  }
0x26: {  	[sflag:s22] =	ssyncset.done $0x0  }
0x27: {  	[sflag:s22] =	ssyncadd.s32 $0xFFFFC000  }
0x28: {  	_ =	swait.ge [sflag:s22], $0x4000  }
0x29: {  	[sflag:s22] =	ssyncset.done $0x0  }
0x2a: {  	[sflag:s22] =	ssyncadd.s32 $0xFFFFC000  }
0x2b: {  	_ =	swait.ge [sflag:s22], $0x4000  }
0x2c: {  	[sflag:s22] =	ssyncset.done $0x0  }
0x2d: {  	[sflag:s22] =	ssyncadd.s32 $0xFFFFC000  }
0x2e: {  	_ =	swait.ge [sflag:s22], $0x4000  }
0x2f: {  	[sflag:s22] =	ssyncset.done $0x0  }
0x30: {  	[sflag:s22] =	ssyncadd.s32 $0xFFFFC000  }
0x31: {  	[hbm4b:s8+s1] =	stream.linear.scatter [tilespmem:s17], [sflag:$0x3], $0x8000, $0x38;
	[tilespmem:$0x10200] =	vst v63  }
0x32: {  	_ = 	snop  }
0x33: {  	[hbm4b:s9+s1] =	stream.linear.scatter [tilespmem:s18], [sflag:$0x3], $0x8000, $0x38;
	[tilespmem:$0x10200] =	vst v63  }
0x34: {  	_ =	swait.ge [sflag:s23], $0x8000  }
0x35: {  	[sflag:s23] =	ssyncset.done $0x0  }
0x36: {  	[sflag:s23] =	ssyncadd.s32 $0xFFFF8000  }
0x37: {  	_ =	swait.ge [sflag:s23], $0x8000  }
0x38: {  	[sflag:s23] =	ssyncset.done $0x0  }
0x39: {  	[sflag:s23] =	ssyncadd.s32 $0xFFFF8000  }
0x3a: {  	[tilespmem:s1], [sflag:$0x1] =	stream.linear.gather [hbm4b:s10+s1], $0x100, $0x38;
	[tilespmem:$0x10200] =	vst v63  }
0x3b: {  	_ = 	snop  }
0x3c: {  	[tilespmem:s14], [sflag:$0x1] =	stream.linear.gather [hbm4b:s11+s1], $0x100, $0x38;
	[tilespmem:$0x10200] =	vst v63  }
0x3d: {  	_ =	swait.ge [sflag:s15], $0x100  }
0x3e: {  	[sflag:s15] =	ssyncset.done $0x0  }
0x3f: {  	[sflag:s15] =	ssyncadd.s32 $0xFFFFFF00  }
0x40: {  	_ =	swait.ge [sflag:s15], $0x100  }
0x41: {  	[sflag:s15] =	ssyncset.done $0x0  }
0x42: {  	[sflag:s15] =	ssyncadd.s32 $0xFFFFFF00  }
0x43: {  	[tilespmem:s17], [sflag:$0x2] =	stream.indirect.gather [hbm4b:s3+s16], $0x80, s1, s16, $0xb8;
	[tilespmem:$0x10200] =	vst v63  }
0x44: {  	_ = 	snop  }
0x45: {  	[tilespmem:s18], [sflag:$0x2] =	stream.indirect.gather [hbm4b:s3+s16], $0x80, s14, s16, $0xb8;
	[tilespmem:$0x10200] =	vst v63  }
0x46: {  	_ = 	snop  }
0x47: {  	[tilespmem:s19], [sflag:$0x2] =	stream.indirect.gather [hbm4b:s3+s16], $0x80, s16, s16, $0xb8;
	[tilespmem:$0x10200] =	vst v63  }
0x48: {  	_ = 	snop  }
0x49: {  	[tilespmem:s21], [sflag:$0x2] =	stream.indirect.gather [hbm4b:s3+s16], $0x80, s20, s16, $0xb8;
	[tilespmem:$0x10200] =	vst v63  }
0x4a: {  	_ =	swait.ge [sflag:s22], $0x4000  }
0x4b: {  	[sflag:s22] =	ssyncset.done $0x0  }
0x4c: {  	[sflag:s22] =	ssyncadd.s32 $0xFFFFC000  }
0x4d: {  	_ =	swait.ge [sflag:s22], $0x4000  }
0x4e: {  	[sflag:s22] =	ssyncset.done $0x0  }
0x4f: {  	[sflag:s22] =	ssyncadd.s32 $0xFFFFC000  }
0x50: {  	_ =	swait.ge [sflag:s22], $0x4000  }
0x51: {  	p0 =	sne.s32 s4, $0x1;
	[sflag:s22] =	ssyncset.done $0x0  }
.Ltmp0:
0x52: {  	[sflag:s22] =	ssyncadd.s32 $0xFFFFC000;
	(pc) =	sbr.rel @!p0 .LBB2_3-.Ltmp0, $4  }
0x53: {  	s25 =	sadd.s32 $0xFFFFFFFF, s4;
	s26 =	sadd.s32 $0x1000, s13;
	_ =	swait.ge [sflag:s22], $0x4000  }
0x54: {  	s28 =	sadd.s32 $0x20, s10;
	s29 =	sadd.s32 $0x20, s11;
	[sflag:s22] =	ssyncset.done $0x0  }
0x55: {  	s30 =	sadd.s32 $0x1000, s12;
	s31 =	smov.u32 s13;
	[sflag:s22] =	ssyncadd.s32 $0xFFFFC000  }
0x56: {  	[hbm4b:s12+s1] =	stream.linear.scatter [tilespmem:s17], [sflag:$0x3], $0x8000, $0x38;
	[tilespmem:$0x10200] =	vst v63  }
.LBB2_2:
0x57: {  	[hbm4b:s31+s1] =	stream.linear.scatter [tilespmem:s18], [sflag:$0x3], $0x8000, $0x38;
	[tilespmem:$0x10200] =	vst v63  }
0x58: {  	p0 =	sne.s32 s25, $0x1;
	s25 =	sadd.s32 $0xFFFFFFFF, s25;
	_ =	swait.ge [sflag:s23], $0x8000  }
0x59: {  	s31 =	smov.u32 s26;
	[sflag:s23] =	ssyncset.done $0x0  }
0x5a: {  	[sflag:s23] =	ssyncadd.s32 $0xFFFF8000  }
0x5b: {  	_ =	swait.ge [sflag:s23], $0x8000  }
0x5c: {  	[sflag:s23] =	ssyncset.done $0x0  }
0x5d: {  	[sflag:s23] =	ssyncadd.s32 $0xFFFF8000  }
0x5e: {  	[tilespmem:s1], [sflag:$0x1] =	stream.linear.gather [hbm4b:s28+s1], $0x100, $0x38;
	[tilespmem:$0x10200] =	vst v63  }
0x5f: {  	_ = 	snop  }
0x60: {  	[tilespmem:s14], [sflag:$0x1] =	stream.linear.gather [hbm4b:s29+s1], $0x100, $0x38;
	[tilespmem:$0x10200] =	vst v63  }
0x61: {  	_ =	swait.ge [sflag:s15], $0x100  }
0x62: {  	[sflag:s15] =	ssyncset.done $0x0  }
0x63: {  	[sflag:s15] =	ssyncadd.s32 $0xFFFFFF00  }
0x64: {  	_ =	swait.ge [sflag:s15], $0x100  }
0x65: {  	[sflag:s15] =	ssyncset.done $0x0  }
0x66: {  	[sflag:s15] =	ssyncadd.s32 $0xFFFFFF00  }
0x67: {  	[tilespmem:s17], [sflag:$0x2] =	stream.indirect.gather [hbm4b:s3+s16], $0x80, s1, s16, $0xb8;
	[tilespmem:$0x10200] =	vst v63  }
0x68: {  	_ = 	snop  }
0x69: {  	[tilespmem:s18], [sflag:$0x2] =	stream.indirect.gather [hbm4b:s3+s16], $0x80, s14, s16, $0xb8;
	[tilespmem:$0x10200] =	vst v63  }
0x6a: {  	_ = 	snop  }
0x6b: {  	[tilespmem:s19], [sflag:$0x2] =	stream.indirect.gather [hbm4b:s3+s16], $0x80, s16, s16, $0xb8;
	[tilespmem:$0x10200] =	vst v63  }
0x6c: {  	_ = 	snop  }
0x6d: {  	[tilespmem:s21], [sflag:$0x2] =	stream.indirect.gather [hbm4b:s3+s16], $0x80, s20, s16, $0xb8;
	[tilespmem:$0x10200] =	vst v63  }
0x6e: {  	_ =	swait.ge [sflag:s22], $0x4000  }
0x6f: {  	[sflag:s22] =	ssyncset.done $0x0  }
0x70: {  	[sflag:s22] =	ssyncadd.s32 $0xFFFFC000  }
0x71: {  	_ =	swait.ge [sflag:s22], $0x4000  }
0x72: {  	[sflag:s22] =	ssyncset.done $0x0  }
0x73: {  	[sflag:s22] =	ssyncadd.s32 $0xFFFFC000  }
0x74: {  	_ =	swait.ge [sflag:s22], $0x4000  }
0x75: {  	[sflag:s22] =	ssyncset.done $0x0  }
0x76: {  	[sflag:s22] =	ssyncadd.s32 $0xFFFFC000  }
.Ltmp1:
0x77: {  	_ =	swait.ge [sflag:s22], $0x4000;
	(pc) =	sbr.rel @p0 .LBB2_2-.Ltmp1, $4  }
0x78: {  	[sflag:s22] =	ssyncset.done $0x0  }
0x79: {  	s26 =	sadd.s32 $0x1000, s26;
	[sflag:s22] =	ssyncadd.s32 $0xFFFFC000  }
0x7a: {  	[hbm4b:s30+s1] =	stream.linear.scatter [tilespmem:s17], [sflag:$0x3], $0x8000, $0x38;
	[tilespmem:$0x10200] =	vst v63  }
0x7b: {  	s28 =	sadd.s32 $0x20, s28;
	s29 =	sadd.s32 $0x20, s29;
	s30 =	sadd.s32 $0x1000, s30  }
.LBB2_3:
0x7c: {  	[hbm4b:s31+s1] =	stream.linear.scatter [tilespmem:s18], [sflag:$0x3], $0x8000, $0x38;
	[tilespmem:$0x10200] =	vst v63  }
0x7d: {  	s24 =	sadd.s32 $0x1, s24  }
0x7e: {  	_ =	swait.ge [sflag:s23], $0x8000;
	p0 =	sne.s32 s24, s5  }
.Ltmp2:
0x7f: {  	[sflag:s23] =	ssyncset.done $0x0;
	(pc) =	sbr.rel @p0 .LBB2_1-.Ltmp2, $4  }
0x80: {  	[sflag:s23] =	ssyncadd.s32 $0xFFFF8000  }
0x81: {  	_ =	swait.ge [sflag:s23], $0x8000  }
0x82: {  	[sflag:s23] =	ssyncset.done $0x0  }
0x83: {  	[sflag:s23] =	ssyncadd.s32 $0xFFFF8000  }
0x84: {  	_ =	sfence.sel $0x180000  }
0x85: {  	[bflag:$0x0] =	sbarrier.arrive $0xFFFF  }
0x86: {  	p0 =	sne.s32 s2, $0x0;
	_ =	strace $0x90000053  }
0x87: {  	s0 =	sadd.s32 @!p0 $0x100000, s0;
	[bflag:$0x2] =	sbarrier.arrive $0xFFFF  }
0x88: {  	[sflag:s0] =	ssyncadd.tile.s32 @!p0 $0x1;
	_ =	shalt  }
.Lfunc_end2:
_tile_overlayer_lowered:
.L_overlay_start_2:
0x89: {  	(tag) =	ssettag $0x2  }
0x8a: {  	s0 =	rddreg [dreg:$0x0];
	s2 =	stileid.u32  }
0x8b: {  	s1 =	rddreg [dreg:$0x1];
	p0 =	sne.s32 s2, $0x0  }
0x8c: {  	s3 =	rddreg [dreg:$0x2];
	[bflag:$0x3] =	sbarrier.arrive $0xFFFF;
	s2 =	simm.s32 @!p0 $0x1C04  }
0x8d: {  	[timem:s3], [sflag:s2] =	dma.local @!p0 [hbm:s0], s1  }
0x8e: {  	s0 =	simm.s32 @!p0 $0x4  }
0x8f: {  	_ =	swait.ge @!p0 [sflag:s0], s1  }
0x90: {  	s1 =	ssub.s32 @!p0 $0x0, s1;
	[sflag:s0] =	ssyncset.done @!p0 $0x0  }
0x91: {  	[sflag:s0] =	ssyncadd.s32 @!p0 s1  }
0x92: {  	[bflag:$0x3] =	sbarrier.arrive $0xFFFF  }
0x93: {  	_ =	shalt  }

// kernel: kernel.39.cloned.1.call-start
scs
__scs_entry_jumppad:
0x0: {  	(pc) =	sbr.rel $0x88, $3  }
0x1: {  	(tag) =	ssettag $0x0;
	lr =	simm.s32 $0x1  }
0x2: {  	[smem:$0x3F88] =	sst lr;
	_ =	strace $0xD0000000  }
0x3: {  	_ = 	snop  }
0x4: {  	_ = 	snop  }
0x5: {  	_ = 	snop  }
0x6: {  	_ = 	snop  }
0x7: {  	_ = 	snop  }
__scs_overlays_trampoline_lowered:
0x8: {  	[smem:$0x3F97] =	sst s0  }
0x9: {  	[smem:$0x3F98] =	sst s1  }
0xa: {  	[smem:$0x3F99] =	sst s2  }
0xb: {  	[smem:$0x3F9A] =	sst s3  }
0xc: {  	[smem:$0x3F9B] =	sst s4  }
0xd: {  	[smem:$0x3F9C] =	sst s5  }
0xe: {  	[smem:$0x3F9D] =	sst s6  }
0xf: {  	[smem:$0x3F9E] =	sst s7  }
0x10: {  	[smem:$0x3F9F] =	sst s8  }
0x11: {  	[smem:$0x3FA0] =	sst s9;
	s0 =	simm.s32 @!p0 $0x0  }
0x12: {  	s1 =	sld [smem:$0x3F86];
	s0 =	simm.s32 @p0 $0x1  }
0x13: {  	[smem:$0x3FA1] =	sst s0;
	s0 =	simm.s32 @!p1 $0x0  }
0x14: {  	s2 =	sld [smem:$0x3F85];
	s0 =	simm.s32 @p1 $0x1  }
0x15: {  	[smem:$0x3FA2] =	sst s0;
	s0 =	simm.s32 @!p2 $0x0  }
0x16: {  	s3 =	sld [smem:$0x3FDB];
	s0 =	simm.s32 @p2 $0x1  }
0x17: {  	s4 =	simm.s32 $0x1BF5;
	[smem:$0x3FA4] =	sst s0  }
0x18: {  	s0 =	sld [smem:$0x3F87];
	_ =	swait.ge [sflag:s4], $0x0  }
0x19: {  	s7 =	sld [smem:$0x3F88]  }
0x1a: {  	s8 =	sadd.s32 $0xFFFFE003, lr  }
0x1b: {  	s9 =	sadd.s32 $0xFFFFFEF7, lr;
	s5 =	simm.s32 $0xFFFFFFFF;
	p2 =	slt.u32 s8, $0xFFFFF086  }
0x1c: {  	p1 =	slt.u32 s9, $0xF7A;
	s5 =	simm.s32 @!p2 $0x0  }
0x1d: {  	s5 =	simm.s32 @p1 $0x1;
	p0 =	seq.s32 s7, s2  }
0x1e: {  	s7 =	smul.u32 @!p0 $0xF7A, s2;
	p2 =	seq.s32 @!p0 s5, $0x0  }
0x1f: {  	s9 =	smul.u32 $0xF7A, s1;
	s8 =	simm.s32 @!p0 $0x1BF5;
	p2 =	por !p2, p0  }
0x20: {  	[sflag:s8] =	ssyncset.s32 @!p0 $0xFFFFF086;
	s6 =	sadd.s32 @!p0 s3, s7;
	s7 =	simm.s32 @!p0 $0x108  }
0x21: {  	s3 =	sadd.s32 s3, s9;
	s6 =	sadd.s32 @!p0 $0x88, s6;
	s7 =	simm.s32 @p2 $0x1082  }
0x22: {  	[simem:s7], [sflag:s8] =	dma.local @!p0 [hbm:s6], $0xF7A  }
0x23: {  	s9 =	sor.u32 $0xD0000000, s2;
	s6 =	simm.s32 $0x108;
	_ =	swait.ge @!p0 [sflag:s8], $0x0  }
0x24: {  	s3 =	sadd.s32 $0x88, s3;
	s6 =	simm.s32 @!p1 $0x1082;
	[sflag:s4] =	ssyncset.s32 $0xFFFFF086  }
0x25: {  	[simem:s6], [sflag:s4] =	dma.local [hbm:s3], $0xF7A  }
0x26: {  	[smem:$0x3F88] =	sst s1;
	(tag) =	ssettag s2;
	_ =	strace s9  }
0x27: {  	s1 =	sld [smem:$0x3F98]  }
0x28: {  	s2 =	sld [smem:$0x3F99]  }
0x29: {  	s4 =	sld [smem:$0x3F9B]  }
0x2a: {  	p0 =	seq.s32 s5, $0x0;
	s5 =	sld [smem:$0x3F9C]  }
0x2b: {  	s6 =	sld [smem:$0x3F9D]  }
0x2c: {  	s7 =	sld [smem:$0x3F9E]  }
0x2d: {  	s3 =	simm.s32 $0x108;
	s8 =	sld [smem:$0x3F9F]  }
0x2e: {  	s3 =	simm.s32 @!p0 $0x1082;
	s9 =	sld [smem:$0x3FA0]  }
0x2f: {  	lr =	sadd.s32 s0, s3;
	s0 =	sld [smem:$0x3F97]  }
0x30: {  	s3 =	sld [smem:$0x3F9A]  }
0x31: {  	[smem:$0x3FA3] =	sst s10  }
0x32: {  	s10 =	sld [smem:$0x3FA1];
	_ =	sdelay $0x3  }
0x33: {  	p0 =	seq.s32 s10, $0x1;
	s10 =	sld [smem:$0x3FA3];
	_ =	sdelay $0x3  }
0x34: {  	[smem:$0x3FA3] =	sst s10  }
0x35: {  	s10 =	sld [smem:$0x3FA2];
	_ =	sdelay $0x3  }
0x36: {  	p1 =	seq.s32 s10, $0x1;
	s10 =	sld [smem:$0x3FA3];
	_ =	sdelay $0x3  }
0x37: {  	[smem:$0x3FA3] =	sst s10  }
0x38: {  	s10 =	sld [smem:$0x3FA4]  }
0x39: {  	_ = 	snop;
	(pc) =	sbr.ind lr, $3  }
0x3a: {  	_ = 	snop  }
0x3b: {  	_ = 	snop  }
0x3c: {  	p2 =	seq.s32 s10, $0x1;
	s10 =	sld [smem:$0x3FA3]  }
0x3d: {  	_ =	shalt  }
0x3e: {  	_ =	shalt  }
0x3f: {  	_ =	shalt  }
0x40: {  	_ =	shalt  }
0x41: {  	_ =	shalt  }
0x42: {  	_ =	shalt  }
0x43: {  	_ =	shalt  }
0x44: {  	_ =	shalt  }
0x45: {  	_ =	shalt  }
0x46: {  	_ =	shalt  }
0x47: {  	_ =	shalt  }
0x48: {  	_ =	shalt  }
0x49: {  	_ =	shalt  }
0x4a: {  	_ =	shalt  }
0x4b: {  	_ =	shalt  }
0x4c: {  	_ =	shalt  }
0x4d: {  	_ =	shalt  }
0x4e: {  	_ =	shalt  }
0x4f: {  	_ =	shalt  }
0x50: {  	_ =	shalt  }
0x51: {  	_ =	shalt  }
0x52: {  	_ =	shalt  }
0x53: {  	_ =	shalt  }
0x54: {  	_ =	shalt  }
0x55: {  	_ =	shalt  }
0x56: {  	_ =	shalt  }
0x57: {  	_ =	shalt  }
0x58: {  	_ =	shalt  }
0x59: {  	_ =	shalt  }
0x5a: {  	_ =	shalt  }
0x5b: {  	_ =	shalt  }
0x5c: {  	_ =	shalt  }
0x5d: {  	_ =	shalt  }
0x5e: {  	_ =	shalt  }
0x5f: {  	_ =	shalt  }
0x60: {  	_ =	shalt  }
0x61: {  	_ =	shalt  }
0x62: {  	_ =	shalt  }
0x63: {  	_ =	shalt  }
0x64: {  	_ =	shalt  }
0x65: {  	_ =	shalt  }
0x66: {  	_ =	shalt  }
0x67: {  	_ =	shalt  }
0x68: {  	_ =	shalt  }
0x69: {  	_ =	shalt  }
0x6a: {  	_ =	shalt  }
0x6b: {  	_ =	shalt  }
0x6c: {  	_ =	shalt  }
0x6d: {  	_ =	shalt  }
0x6e: {  	_ =	shalt  }
0x6f: {  	_ =	shalt  }
0x70: {  	_ =	shalt  }
0x71: {  	_ =	shalt  }
0x72: {  	_ =	shalt  }
0x73: {  	_ =	shalt  }
0x74: {  	_ =	shalt  }
0x75: {  	_ =	shalt  }
0x76: {  	_ =	shalt  }
0x77: {  	_ =	shalt  }
0x78: {  	_ =	shalt  }
0x79: {  	_ =	shalt  }
0x7a: {  	_ =	shalt  }
0x7b: {  	_ =	shalt  }
0x7c: {  	_ =	shalt  }
0x7d: {  	_ =	shalt  }
0x7e: {  	_ =	shalt  }
0x7f: {  	_ =	shalt  }
0x80: {  	_ =	shalt  }
0x81: {  	_ =	shalt  }
0x82: {  	_ =	shalt  }
0x83: {  	_ =	shalt  }
0x84: {  	_ =	shalt  }
0x85: {  	_ =	shalt  }
0x86: {  	_ =	shalt  }
0x87: {  	_ =	shalt  }
.Lfunc_end0:
.L_simem_size_0:
called_computation.7_lowered:
.L_overlay_start_0:
0x88: {  	s2 =	sld [smem:$0x3FD9]  }
0x89: {  	s3 =	sld [smem:$0x3FFE];
	_ =	sdelay $0x1  }
0x8a: {  	s1 =	srdreg.scid  }
0x8b: {  	s0 =	sand.u32 $0x1, s1  }
0x8c: {  	s17 =	sshll.u32 s0, $0xA;
	s2 =	sadd.s32 s3, s2  }
0x8d: {  	s2 =	sadd.s32 s2, s17  }
0x8e: {  	[smem:$0x3FAF] =	sst s2  }
0x8f: {  	_ = 	snop  }
0x90: {  	(tm) =	ssettm $0x1  }
0x91: {  	s18 =	sld [smem:$0x3FFB];
	_ =	sdelay $0x3  }
0x92: {  	_ =	strace s18  }
0x93: {  	s2 =	sld [smem:$0x3FFC];
	_ =	sdelay $0x3  }
0x94: {  	_ =	strace s2  }
0x95: {  	s2 =	sld [smem:$0x3FFD];
	_ =	sdelay $0x3  }
0x96: {  	_ =	strace s2  }
0x97: {  	_ =	strace $0x8FFFFFFF  }
0x98: {  	s19 =	sld [smem:$0x3FDB];
	_ =	sdelay $0x1  }
0x99: {  	s20 =	simm.s32 $_scs_section_size  }
0x9a: {  	s4 =	simm.s32 $_size__tile_overlayer_lowered;
	s5 =	simm.s32 $_tile_overlayer_lowered  }
0x9b: {  	s6 =	simm.s32 $0x1BFF;
	s21 =	sshll.u32 s5, $0x1;
	s3 =	sadd.s32 s20, s19  }
0x9c: {  	s22 =	simm.s32 $0x0;
	s4 =	sshll.u32 s4, $0x1;
	s5 =	sadd.s32 s21, s3  }
0x9d: {  	[timem:s22], [sflag:s6] =	dma.local [hbm:s5], s4  }
0x9e: {  	_ =	swait.ge [sflag:s6], s4  }
0x9f: {  	s4 =	ssub.s32 $0x0, s4;
	[sflag:s6] =	ssyncset.done $0x0  }
0xa0: {  	[sflag:s6] =	ssyncadd.s32 s4;
	_ =	sdelay $0x1  }
0xa1: {  	s23 =	simm.s32 $0x1B8B  }
0xa2: {  	_ =	swait.ge [sflag:s23], $0x1  }
0xa3: {  	[sflag:s23] =	ssyncset.done $0x0  }
0xa4: {  	[sflag:s23] =	ssyncadd.s32 $0xFFFFFFFF  }
0xa5: {  	s4 =	sld [smem:$0x0]  }
0xa6: {  	s5 =	sand.u32 $0xFFFFFFFE, s1  }
0xa7: {  	p0 =	sne.s32 s1, s5  }
0xa8: {  	s5 =	sshll.u32 @p0 s5, $0xE  }
0xa9: {  	s5 =	sadd.s32 @p0 $0x11B8D, s5;
	s6 =	sshll.u32 @p0 s4, $0x11  }
0xaa: {  	s5 =	sor.u32 @p0 s6, s5  }
0xab: {  	[sflag:s5] =	ssyncadd.remote.s32 @p0 $0x1;
	_ =	sdelay $0x1  }
0xac: {  	s5 =	simm.s32 @p0 $0x1B8D  }
0xad: {  	_ =	swait.eq @p0 [sflag:s5], $0x1  }
0xae: {  	[sflag:s5] =	ssyncadd.s32 @p0 $0xFFFFFFFF  }
0xaf: {  	s6 =	sshll.u32 @!p0 s1, $0xE  }
0xb0: {  	s6 =	sor.u32 @!p0 $0x4000, s6;
	s5 =	simm.s32 @!p0 $0x1B8D  }
0xb1: {  	s4 =	sshll.u32 @!p0 s4, $0x11;
	s6 =	sadd.s32 @!p0 $0x11B8D, s6;
	_ =	swait.eq @!p0 [sflag:s5], $0x1  }
0xb2: {  	s4 =	sor.u32 @!p0 s4, s6;
	[sflag:s5] =	ssyncadd.s32 @!p0 $0xFFFFFFFF  }
0xb3: {  	s25 =	simm.s32 $0x1B8E;
	s24 =	sld [smem:$0x3FFE];
	[sflag:s4] =	ssyncadd.remote.s32 @!p0 $0x1  }
0xb4: {  	s26 =	simm.s32 $execute0_lowered;
	[smem:$0x3FD2] =	sst s25  }
0xb5: {  	s5 =	sshll.u32 s26, $0x1;
	_ =	strace $0x80000058;
	[dreg:$0x1] =	wrdreg $0xFFFFFFFF  }
0xb6: {  	s28 =	simm.s32 $_size_execute0_lowered;
	s3 =	sadd.s32 s3, s5;
	[dreg:$0x0] =	wrdreg $0x0  }
0xb7: {  	s5 =	sshll.u32 s28, $0x1;
	[dreg:$0x2] =	wrdreg s3  }
0xb8: {  	[dreg:$0x3] =	wrdreg s5  }
0xb9: {  	[dreg:$0x4] =	wrdreg $0xC0  }
0xba: {  	_ =	task [dreg:s22], $0x5FFFF  }
0xbb: {  	[dreg:$0x1] =	wrdreg $0xFFFFFFFF  }
0xbc: {  	[dreg:$0x0] =	wrdreg $0x60  }
0xbd: {  	[dreg:$0x2] =	wrdreg s24  }
0xbe: {  	[dreg:$0x3] =	wrdreg $0x81000  }
0xbf: {  	[dreg:$0x4] =	wrdreg $0xA  }
0xc0: {  	_ =	task.clear_ibuf [dreg:s22], $0x5FFFF;
	_ =	strace $0x90000058  }
0xc1: {  	s29 =	simm.s32 $0xA;
	_ =	strace $0x8000005A  }
0xc2: {  	_ =	swait.ge [sflag:s29], $0x1  }
0xc3: {  	[sflag:s29] =	ssyncadd.s32 $0xFFFFFFFF  }
0xc4: {  	_ =	strace $0x9000005A  }
0xc5: {  	_ =	sfence  }
0xc6: {  	s30 =	sld [smem:$0x0];
	_ =	sdelay $0x2  }
0xc7: {  	s31 =	sshll.u32 s1, $0xD;
	s1 =	sshrl.u32 s1, $0x2  }
0xc8: {  	s4 =	sand.u32 $0x4000, s31;
	s1 =	sadd.s32 s1, s30  }
0xc9: {  	s0 =	sor.u32 s4, s0;
	s1 =	sshll.u32 s1, $0x11  }
0xca: {  	s0 =	sor.u32 s1, s0  }
0xcb: {  	s0 =	sadd.s32 $0x8F2B, s0  }
0xcc: {  	[sflag:s0] =	ssyncadd.remote.s32 $0x1  }
0xcd: {  	_ =	sfence.sel $0xFFFF  }
0xce: {  	[dreg:$0x0] =	wrdreg $0xFFFFFFFF;
	(pc) =	sbr.abs _section_cstart, $3  }
0xcf: {  	[dreg:$0x1] =	wrdreg $0xFFFFFFFF  }
0xd0: {  	_ =	task.clear_ibuf [dreg:s22], $0x2FFFF;
	_ =	strace $0x9FFFFFFF  }
0xd1: {  	(tm) =	ssettm $0x7FFFFFFF  }
tec
execute0_lowered:
.L_overlay_start_1:
0x0: {  	(tag) =	ssettag $0x1  }
0x1: {  	s1 =	srdreg.scid  }
0x2: {  	s0 =	stileid.u32;
	s7 =	rddreg [dreg:$0x0]  }
0x3: {  	s18 =	simm.s32 $0x80;
	s19 =	simm.s32 $0x4100;
	s24 =	smul.u32 $0x26, s0  }
0x4: {  	s20 =	simm.s32 $0x2;
	s21 =	simm.s32 $0x0;
	s25 =	smul.u32 $0x2700, s0  }
0x5: {  	s6 =	sand.u32 $0x1, s1;
	s2 =	sshll.u32 s0, $0x1;
	s10 =	smul.u32 $0x4E000, s0  }
0x6: {  	s1 =	rddreg [dreg:$0x2];
	s14 =	sadd.s32 $0x2D3400, s7;
	s3 =	smul.u32 $0x13, s6  }
0x7: {  	s30 =	sshll.u32 s0, $0x6;
	s4 =	sor.u32 s6, s2;
	s29 =	smul.u32 $0x138800, s6  }
0x8: {  	s2 =	rddreg [dreg:$0x1];
	s9 =	ssub.s32 $0x2, s6;
	s31 =	smul.u32 $0x27100, s6  }
0x9: {  	s6 =	sor.u32 $0x1C03, s30;
	s5 =	smin.u32 s4, $0x11;
	s26 =	sshrl.u32 s9, $0x1  }
0xa: {  	s13 =	sadd.s32 s25, s7;
	p0 =	slt.u32 s4, $0x11;
	s4 =	simm.s32 $0x14  }
0xb: {  	s28 =	sshrl.u32 s10, $0x2;
	s17 =	sadd.s32 $0x138000, s2;
	s8 =	sadd.s32 s3, s24  }
0xc: {  	s3 =	simm.s32 $0x0;
	s15 =	ssub.s32 s9, s26;
	s4 =	simm.s32 @!p0 $0x13  }
0xd: {  	s16 =	sadd.s32 s28, s2;
	s9 =	sshrl.u32 s29, $0x3;
	p0 =	sne.s32 s0, $0xF  }
0xe: {  	s5 =	sadd.s32 s5, s8;
	[smem:$0x7FF] =	sst s3;
	s9 =	sadd.s32 s14, s9  }
0xf: {  	s10 =	smax.u32 s15, $0x1;
	s15 =	sshrl.u32 @!p0 s17, $0x3;
	s17 =	simm.s32 $0x1  }
0x10: {  	s8 =	sshll.u32 s5, $0xC;
	_ =	strace $0x80000059;
	s5 =	sshll.u32 s5, $0x5  }
0x11: {  	s9 =	sadd.s32 $0x27000, s9;
	s12 =	sadd.s32 s8, s7;
	s11 =	sadd.s32 s5, s7  }
0x12: {  	s5 =	sadd.s32 $0xCA3C00, s13;
	s7 =	sadd.s32 $0xCCAC00, s7;
	s8 =	sadd.s32 s25, s31  }
0x13: {  	s13 =	sshrl.u32 s16, $0x3;
	s16 =	simm.s32 $0x100;
	s8 =	sadd.s32 s14, s8  }
0x14: {  	s11 =	sadd.s32 $0xA000, s11;
	s12 =	sadd.s32 $0x1184400, s12;
	s14 =	simm.s32 $0x3  }
.LBB2_1:
0x15: {  	[spmem:s13], [sflag:s6] =	dma.local [hbm:s5], $0x2700  }
0x16: {  	_ =	swait.ge [sflag:s14], $0x2700  }
0x17: {  	[sflag:s14] =	ssyncset.done $0x0  }
0x18: {  	s22 =	simm.s32 @!p0 $0x3;
	[sflag:s14] =	ssyncadd.s32 $0xFFFFD900  }
0x19: {  	[spmem:s15], [sflag:s6] =	dma.local @!p0 [hbm:s7], $0x100  }
0x1a: {  	_ =	swait.ge @!p0 [sflag:s22], $0x100  }
0x1b: {  	[sflag:s22] =	ssyncset.done @!p0 $0x0  }
0x1c: {  	[sflag:s22] =	ssyncadd.s32 @!p0 $0xFFFFFF00  }
0x1d: {  	[bflag:$0x0] =	sbarrier.arrive $0xFFFF  }
0x1e: {  	[tilespmem:s3], [sflag:$0x1] =	stream.linear.gather [hbm4b:s11+s3], $0x100, $0x38;
	[tilespmem:$0x1B980] =	vst v63  }
0x1f: {  	_ = 	snop  }
0x20: {  	[tilespmem:s16], [sflag:$0x1] =	stream.linear.gather [hbm4b:s12+s3], $0x8000, $0x38;
	[tilespmem:$0x1B980] =	vst v63  }
0x21: {  	_ =	swait.ge [sflag:s17], $0x100  }
0x22: {  	[sflag:s17] =	ssyncset.done $0x0  }
0x23: {  	[sflag:s17] =	ssyncadd.s32 $0xFFFFFF00  }
0x24: {  	_ =	swait.ge [sflag:s17], $0x8000  }
0x25: {  	[sflag:s17] =	ssyncset.done $0x0  }
0x26: {  	[sflag:s17] =	ssyncadd.s32 $0xFFFF8000  }
0x27: {  	[spmem:s2] =	stream.indirect.scatter.add.f32 [tilespmem:s16], [sflag:$0x2], $0x80, s3, s18, $0xb8;
	[tilespmem:$0x1B980] =	vst v63  }
0x28: {  	p1 =	sne.s32 s4, $0x1  }
0x29: {  	[spmem:s2] =	stream.indirect.scatter.add.f32 [tilespmem:s19], [sflag:$0x2], $0x80, s18, s18, $0xb8;
	[tilespmem:$0x1B980] =	vst v63  }
.Ltmp0:
0x2a: {  	_ =	swait.ge [sflag:s20], $0x4000;
	(pc) =	sbr.rel @!p1 .LBB2_3-.Ltmp0, $4  }
0x2b: {  	[sflag:s20] =	ssyncset.done $0x0  }
0x2c: {  	[sflag:s20] =	ssyncadd.s32 $0xFFFFC000  }
0x2d: {  	s23 =	sadd.s32 $0xFFFFFFFF, s4;
	_ =	swait.ge [sflag:s20], $0x4000  }
0x2e: {  	s24 =	smov.u32 s11;
	s25 =	smov.u32 s12;
	[sflag:s20] =	ssyncset.done $0x0  }
.LBB2_2:
0x2f: {  	[sflag:s20] =	ssyncadd.s32 $0xFFFFC000;
	s24 =	sadd.s32 $0x20, s24;
	s25 =	sadd.s32 $0x1000, s25  }
0x30: {  	[tilespmem:s3], [sflag:$0x1] =	stream.linear.gather [hbm4b:s24+s3], $0x100, $0x38;
	[tilespmem:$0x1B980] =	vst v63  }
0x31: {  	p1 =	sne.s32 s23, $0x1;
	s23 =	sadd.s32 $0xFFFFFFFF, s23  }
0x32: {  	[tilespmem:s16], [sflag:$0x1] =	stream.linear.gather [hbm4b:s25+s3], $0x8000, $0x38;
	[tilespmem:$0x1B980] =	vst v63  }
0x33: {  	_ =	swait.ge [sflag:s17], $0x100  }
0x34: {  	[sflag:s17] =	ssyncset.done $0x0  }
0x35: {  	[sflag:s17] =	ssyncadd.s32 $0xFFFFFF00  }
0x36: {  	_ =	swait.ge [sflag:s17], $0x8000  }
0x37: {  	[sflag:s17] =	ssyncset.done $0x0  }
0x38: {  	[sflag:s17] =	ssyncadd.s32 $0xFFFF8000  }
0x39: {  	[spmem:s2] =	stream.indirect.scatter.add.f32 [tilespmem:s16], [sflag:$0x2], $0x80, s3, s18, $0xb8;
	[tilespmem:$0x1B980] =	vst v63  }
0x3a: {  	_ = 	snop  }
0x3b: {  	[spmem:s2] =	stream.indirect.scatter.add.f32 [tilespmem:s19], [sflag:$0x2], $0x80, s18, s18, $0xb8;
	[tilespmem:$0x1B980] =	vst v63  }
.Ltmp1:
0x3c: {  	_ =	swait.ge [sflag:s20], $0x4000;
	(pc) =	sbr.rel @p1 .LBB2_2-.Ltmp1, $4  }
0x3d: {  	[sflag:s20] =	ssyncset.done $0x0  }
0x3e: {  	[sflag:s20] =	ssyncadd.s32 $0xFFFFC000  }
0x3f: {  	_ =	swait.ge [sflag:s20], $0x4000  }
0x40: {  	[sflag:s20] =	ssyncset.done $0x0  }
.LBB2_3:
0x41: {  	[sflag:s20] =	ssyncadd.s32 $0xFFFFC000  }
0x42: {  	[bflag:$0x0] =	sbarrier.arrive $0xFFFF  }
0x43: {  	[hbm:s8], [sflag:s6] =	dma.local [spmem:s13], $0x2700  }
0x44: {  	s21 =	sadd.s32 $0x1, s21;
	_ =	swait.ge [sflag:s14], $0x2700  }
0x45: {  	p1 =	sne.s32 s21, s10;
	[sflag:s14] =	ssyncset.done $0x0  }
.Ltmp2:
0x46: {  	[sflag:s14] =	ssyncadd.s32 $0xFFFFD900;
	(pc) =	sbr.rel @p1 .LBB2_1-.Ltmp2, $4  }
0x47: {  	[hbm:s9], [sflag:s6] =	dma.local @!p0 [spmem:s15], $0x100  }
0x48: {  	_ =	swait.ge @!p0 [sflag:s22], $0x100  }
0x49: {  	[sflag:s22] =	ssyncset.done @!p0 $0x0  }
0x4a: {  	[sflag:s22] =	ssyncadd.s32 @!p0 $0xFFFFFF00  }
0x4b: {  	_ =	sfence.sel $0x180000  }
0x4c: {  	[bflag:$0x0] =	sbarrier.arrive $0xFFFF  }
0x4d: {  	p0 =	sne.s32 s0, $0x0;
	_ =	strace $0x90000059  }
0x4e: {  	s0 =	sadd.s32 @!p0 $0x100000, s1;
	[bflag:$0x2] =	sbarrier.arrive $0xFFFF  }
0x4f: {  	[sflag:s0] =	ssyncadd.tile.s32 @!p0 $0x1;
	_ =	shalt  }
.Lfunc_end2:
_tile_overlayer_lowered:
.L_overlay_start_2:
0x50: {  	(tag) =	ssettag $0x2  }
0x51: {  	s0 =	rddreg [dreg:$0x0];
	s2 =	stileid.u32  }
0x52: {  	s1 =	rddreg [dreg:$0x1];
	p0 =	sne.s32 s2, $0x0  }
0x53: {  	s3 =	rddreg [dreg:$0x2];
	[bflag:$0x3] =	sbarrier.arrive $0xFFFF;
	s2 =	simm.s32 @!p0 $0x1C03  }
0x54: {  	[timem:s3], [sflag:s2] =	dma.local @!p0 [hbm:s0], s1  }
0x55: {  	s0 =	simm.s32 @!p0 $0x3  }
0x56: {  	_ =	swait.ge @!p0 [sflag:s0], s1  }
0x57: {  	s1 =	ssub.s32 @!p0 $0x0, s1;
	[sflag:s0] =	ssyncset.done @!p0 $0x0  }
0x58: {  	[sflag:s0] =	ssyncadd.s32 @!p0 s1  }
0x59: {  	[bflag:$0x3] =	sbarrier.arrive $0xFFFF  }
0x5a: {  	_ =	shalt  }

</sc_bundles>
